<compile_context>
chip_gen: v7x
topology: tpu7x:2x2x1
jax: 0.10.2.dev20260603
libtpu: 0.0.44.dev20260713+nightly
codegen_flags: <defaults>
</compile_context>

<pallas_src>
import functools

import jax
import jax.numpy as jnp
from jax import lax
from jax.experimental import pallas as pl
from jax.experimental.pallas import tpu as pltpu
from jax.experimental.pallas import tpu_sc as plsc

N = 10000
E = 320000
D = 128
DE = 16

NC, NS = 2, 16
NW = NC * NS
K = 80
CHUNKS = 125
EPW = CHUNKS * K

ROWS_HI = 632
ROWS_LO = N - 15 * ROWS_HI



def _node_mm_body(h_ref, w1_ref, wu1_ref, a_ref, hu_ref):
    h = h_ref[...]
    a_ref[...] = jnp.dot(h, w1_ref[...], preferred_element_type=jnp.float32)
    hu_ref[...] = jnp.dot(h, wu1_ref[...], preferred_element_type=jnp.float32)


def _node_mm(H, W1, WU1):
    return pl.pallas_call(
        _node_mm_body,
        out_shape=[
            jax.ShapeDtypeStruct((N, D), jnp.float32),
            jax.ShapeDtypeStruct((N, D), jnp.float32),
        ],
    )(H, W1, WU1)



_EBLK = 16000


def _edge_mm_body(xe_ref, w2_ref, bm_ref, b_ref):
    b_ref[...] = (
        jnp.dot(xe_ref[...], w2_ref[...], preferred_element_type=jnp.float32)
        + bm_ref[...]
    )


def _edge_mm(Xe, W2, bM):
    return pl.pallas_call(
        _edge_mm_body,
        grid=(E // _EBLK,),
        in_specs=[
            pl.BlockSpec((_EBLK, DE), lambda i: (i, 0)),
            pl.BlockSpec((DE, D), lambda i: (0, 0)),
            pl.BlockSpec((1, D), lambda i: (0, 0)),
        ],
        out_specs=pl.BlockSpec((_EBLK, D), lambda i: (i, 0)),
        out_shape=jax.ShapeDtypeStruct((E, D), jnp.float32),
    )(Xe, W2, bM)



_mesh = plsc.VectorSubcoreMesh(core_axis_name="c", subcore_axis_name="s")


@functools.partial(
    pl.kernel,
    out_type=jax.ShapeDtypeStruct((NC, N, D), jnp.float32),
    mesh=_mesh,
    scratch_types=[
        pltpu.VMEM_SHARED((N, D), jnp.float32),
        pltpu.VMEM((2, K), jnp.int32),
        pltpu.VMEM((2, K), jnp.int32),
        pltpu.VMEM((2, K), jnp.int32),
        pltpu.VMEM((2, K), jnp.int32),
        pltpu.VMEM((K, D), jnp.float32),
        pltpu.VMEM((K, D), jnp.float32),
        pltpu.VMEM((K, D), jnp.float32),
        pltpu.VMEM((K, D), jnp.float32),
        pltpu.SemaphoreType.DMA,
        pltpu.SemaphoreType.DMA,
        pltpu.SemaphoreType.DMA,
        pltpu.SemaphoreType.DMA,
        pltpu.SemaphoreType.DMA,
        pltpu.SemaphoreType.DMA,
        pltpu.SemaphoreType.DMA,
        pltpu.SemaphoreType.DMA,
        pltpu.SemaphoreType.DMA,
        pltpu.SemaphoreType.DMA,
    ],
)
def _sc_edge_agg(a_hbm, b_hbm, i2_hbm, z_out,
                 z_sh, ix0, ix1, ix2, ix3, rw0, rw1, bq0, bq1,
                 si0, si1, si2, si3, sg0, sg1, sb0, sb1, ss0, ss1):
    c = lax.axis_index("c")
    s = lax.axis_index("s")
    wid = s * NC + c

    idxb = [ix0, ix1, ix2, ix3]
    rows = [rw0, rw1]
    bvs = [bq0, bq1]
    si = [si0, si1, si2, si3]
    sg = [sg0, sg1]
    sb = [sb0, sb1]
    ss = [ss0, ss1]

    @plsc.parallel_loop(0, K, unroll=4)
    def _zrow(r):
        for j in range(8):
            sl = pl.ds(j * 16, 16)
            rw0[r, sl] = jnp.zeros((16,), jnp.float32)

    for j in range(7):
        pltpu.sync_copy(rw0, z_sh.at[pl.ds(s * 625 + j * K, K)])
    pltpu.sync_copy(rw0.at[pl.ds(0, 65)], z_sh.at[pl.ds(s * 625 + 560, 65)])
    plsc.subcore_barrier()

    def _issue_idx(ci, q):
        pltpu.async_copy(i2_hbm.at[wid, ci], idxb[q], si[q])

    def _drain_idx(q):
        pltpu.make_async_copy(i2_hbm.at[wid, 0], idxb[q], si[q]).wait()

    def _issue_gb(ci, p, q):
        g = pltpu.async_copy(a_hbm.at[idxb[q].at[0]], rows[p], sg[p])
        b = pltpu.async_copy(
            b_hbm.at[pl.ds(wid * EPW + ci * K, K)], bvs[p], sb[p])
        return g, b

    def _compute(p):
        @plsc.parallel_loop(0, K, unroll=8)
        def _crow(r):
            for j in range(8):
                sl = pl.ds(j * 16, 16)
                rows[p][r, sl] = jnp.maximum(
                    rows[p][r, sl] + bvs[p][r, sl], 0.0)

    def _group(c0, c1, q0, q1):
        g0, b0 = _issue_gb(c0, 0, q0)
        g1, b1 = _issue_gb(c1, 1, q1)
        g0.wait()
        b0.wait()
        _compute(0)
        sc0 = pltpu.async_copy(rw0, z_sh.at[idxb[q0].at[1]], ss0, add=True)
        g1.wait()
        b1.wait()
        _compute(1)
        sc1 = pltpu.async_copy(rw1, z_sh.at[idxb[q1].at[1]], ss1, add=True)
        sc0.wait()
        sc1.wait()

    _issue_idx(0, 0)
    _issue_idx(1, 1)

    def _super(u, _):
        c = 4 * u
        _drain_idx(0)
        _drain_idx(1)
        _issue_idx(c + 2, 2)
        _issue_idx(c + 3, 3)
        g0, b0 = _issue_gb(c, 0, 0)
        g1, b1 = _issue_gb(c + 1, 1, 1)
        g0.wait()
        b0.wait()
        _compute(0)
        sc0 = pltpu.async_copy(rw0, z_sh.at[idxb[0].at[1]], ss0, add=True)
        g1.wait()
        b1.wait()
        _compute(1)
        sc1 = pltpu.async_copy(rw1, z_sh.at[idxb[1].at[1]], ss1, add=True)
        sc0.wait()
        _drain_idx(2)
        g2, b2 = _issue_gb(c + 2, 0, 2)
        _issue_idx(c + 4, 0)
        sc1.wait()
        _drain_idx(3)
        g3, b3 = _issue_gb(c + 3, 1, 3)
        _issue_idx(jnp.minimum(c + 5, CHUNKS - 1), 1)
        g2.wait()
        b2.wait()
        _compute(0)
        sc2 = pltpu.async_copy(rw0, z_sh.at[idxb[2].at[1]], ss0, add=True)
        g3.wait()
        b3.wait()
        _compute(1)
        sc3 = pltpu.async_copy(rw1, z_sh.at[idxb[3].at[1]], ss1, add=True)
        sc2.wait()
        sc3.wait()
        return 0

    lax.fori_loop(0, (CHUNKS - 1) // 4, _super, 0)

    _drain_idx(0)
    _drain_idx(1)
    g0, b0 = _issue_gb(CHUNKS - 1, 0, 0)
    g0.wait()
    b0.wait()
    _compute(0)
    pltpu.sync_copy(rw0, z_sh.at[ix0.at[1]], add=True)
    plsc.subcore_barrier()

    @pl.when(s < NS - 1)
    def _():
        pltpu.sync_copy(
            z_sh.at[pl.ds(s * ROWS_HI, ROWS_HI)],
            z_out.at[c, pl.ds(s * ROWS_HI, ROWS_HI)],
        )

    @pl.when(s == NS - 1)
    def _():
        pltpu.sync_copy(
            z_sh.at[pl.ds(15 * ROWS_HI, ROWS_LO)],
            z_out.at[c, pl.ds(15 * ROWS_HI, ROWS_LO)],
        )



def _final_body(hu_ref, zp_ref, wu2_ref, bu_ref, o_ref):
    z = zp_ref[0] + zp_ref[1]
    o_ref[...] = jnp.maximum(
        jnp.dot(z, wu2_ref[...], preferred_element_type=jnp.float32)
        + hu_ref[...]
        + bu_ref[...],
        0.0,
    )


def _final(HU, Zp, WU2, bU):
    return pl.pallas_call(
        _final_body,
        out_shape=jax.ShapeDtypeStruct((N, D), jnp.float32),
    )(HU, Zp, WU2, bU)



@jax.jit
def kernel(H, Xe, id_Xe, W_M, b_M, W_U, b_U):
    W1, W2 = W_M[:D], W_M[D:]
    WU1, WU2 = W_U[:D], W_U[D:]

    A, HU = _node_mm(H, W1, WU1)
    B = _edge_mm(Xe, W2, b_M.reshape(1, D))
    ids = id_Xe.astype(jnp.int32).reshape(2, NW, CHUNKS, K)
    i2 = jnp.stack([ids[0], ids[1]], axis=2)
    Zp = _sc_edge_agg(A, B, i2)
    return _final(HU, Zp, WU2, b_U.reshape(1, D))

# --- scband reference (transcript-rebuilt; emitter-appended) ---
"""Pipeline reference for scband-sparse-gnnlayer-5128190951731 (READ-ONLY COPY).

The authoritative reference and input builder live on the scoring server;
editing this copy changes nothing except your own understanding.
"""

import jax, jax.numpy as jnp
import numpy as np

N_NODES = 10000
N_EDGES = 320000
D_FEAT = 128
D_EDGE = 16
M_DIM_IN = D_FEAT + D_EDGE
M_DIM_OUT = 128
U_DIM_IN = D_FEAT + M_DIM_OUT
U_DIM_OUT = 128


def setup_inputs(seed: int = 0) -> dict:
    key = jax.random.key(seed)
    k_h, k_xe, k_idx, k_wm, k_bm, k_wu, k_bu = jax.random.split(key, 7)
    H = jax.random.normal(k_h, (N_NODES, D_FEAT), dtype=jnp.float32)
    Xe = jax.random.normal(k_xe, (N_EDGES, D_EDGE), dtype=jnp.float32)
    id_Xe = jax.random.randint(k_idx, (2, N_EDGES), 0, N_NODES, dtype=jnp.int64 if jax.config.jax_enable_x64 else jnp.int32)
    # Linear layer params (Kaiming-uniform-ish init, stored as [in, out] for x @ W)
    lim_m = 1.0 / np.sqrt(M_DIM_IN)
    W_M = jax.random.uniform(k_wm, (M_DIM_IN, M_DIM_OUT), dtype=jnp.float32, minval=-lim_m, maxval=lim_m)
    b_M = jax.random.uniform(k_bm, (M_DIM_OUT,), dtype=jnp.float32, minval=-lim_m, maxval=lim_m)
    lim_u = 1.0 / np.sqrt(U_DIM_IN)
    W_U = jax.random.uniform(k_wu, (U_DIM_IN, U_DIM_OUT), dtype=jnp.float32, minval=-lim_u, maxval=lim_u)
    b_U = jax.random.uniform(k_bu, (U_DIM_OUT,), dtype=jnp.float32, minval=-lim_u, maxval=lim_u)
    return {"H": H, "Xe": Xe, "id_Xe": id_Xe, "W_M": W_M, "b_M": b_M, "W_U": W_U, "b_U": b_U}


def reference(H, Xe, id_Xe, W_M, b_M, W_U, b_U):
    # features = index_select(H, 0, id_Xe[0])  -> gather
    features = jnp.take(H, id_Xe[0], axis=0)
    M_con_cat = jnp.concatenate([features, Xe], axis=1)
    # M = Linear + ReLU
    Y = jax.nn.relu(M_con_cat @ W_M + b_M)
    # aggregation == 'SUM': scatter_add over destination nodes
    Z = jax.ops.segment_sum(Y, id_Xe[1], num_segments=H.shape[0])
    U_con_cat = jnp.concatenate([H, Z], axis=1)
    H_next = jax.nn.relu(U_con_cat @ W_U + b_U)
    # dropout with p=0.0 (and eval semantics) is identity
    return H_next

if __name__ == "__main__":
    import jax
    _d = setup_inputs()
    print(jax.jit(kernel)(*tuple(_d.values())))

</pallas_src>

<mosaic_0001>
#map = affine_map<(d0, d1) -> (0, 0)>
#map1 = affine_map<(d0, d1) -> (0, 0, 0, 0)>
#map2 = affine_map<(d0, d1) -> (0, 0, 0)>
module attributes {stable_mosaic.version = 14 : i64} {
  func.func @_sc_edge_agg(%arg0: i32, %arg1: i32, %arg2: memref<10000x128xf32, #tpu.memory_space<hbm>>, %arg3: memref<320000x128xf32, #tpu.memory_space<hbm>>, %arg4: memref<32x125x2x80xi32, #tpu.memory_space<hbm>>, %arg5: memref<2x10000x128xf32, #tpu.memory_space<hbm>>, %arg6: memref<10000x128xf32, #tpu.memory_space<vmem_shared>>, %arg7: memref<2x80xi32, #tpu.memory_space<vmem>>, %arg8: memref<2x80xi32, #tpu.memory_space<vmem>>, %arg9: memref<2x80xi32, #tpu.memory_space<vmem>>, %arg10: memref<2x80xi32, #tpu.memory_space<vmem>>, %arg11: memref<80x128xf32, #tpu.memory_space<vmem>>, %arg12: memref<80x128xf32, #tpu.memory_space<vmem>>, %arg13: memref<80x128xf32, #tpu.memory_space<vmem>>, %arg14: memref<80x128xf32, #tpu.memory_space<vmem>>, %arg15: memref<!tpu.dma_semaphore, #tpu.memory_space<semaphore_mem>>, %arg16: memref<!tpu.dma_semaphore, #tpu.memory_space<semaphore_mem>>, %arg17: memref<!tpu.dma_semaphore, #tpu.memory_space<semaphore_mem>>, %arg18: memref<!tpu.dma_semaphore, #tpu.memory_space<semaphore_mem>>, %arg19: memref<!tpu.dma_semaphore, #tpu.memory_space<semaphore_mem>>, %arg20: memref<!tpu.dma_semaphore, #tpu.memory_space<semaphore_mem>>, %arg21: memref<!tpu.dma_semaphore, #tpu.memory_space<semaphore_mem>>, %arg22: memref<!tpu.dma_semaphore, #tpu.memory_space<semaphore_mem>>, %arg23: memref<!tpu.dma_semaphore, #tpu.memory_space<semaphore_mem>>, %arg24: memref<!tpu.dma_semaphore, #tpu.memory_space<semaphore_mem>>) attributes {dimension_semantics = [#tpu.dimension_semantics<core_parallel>, #tpu.dimension_semantics<subcore_parallel>], iteration_bounds = array<i64: 2, 16>, scalar_prefetch = 0 : i64, scratch_operands = 19 : i64, tpu.core_type = #tpu.core_type<sc_vector_subcore>, window_params = [{transform_indices = #map}, {transform_indices = #map}, {transform_indices = #map1}, {transform_indices = #map2}]} {
    %mul3A = arith.constant 2 : i32
    %mul3A_0 = arith.muli %arg1, %mul3A : i32
    %add3A = arith.addi %mul3A_0, %arg0 : i32
    %parallel_loop3A = arith.constant 0 : i32
    %parallel_loop3A_1 = arith.constant 80 : i32
    %parallel_loop3A_2 = arith.constant 1 : i32
    scf.for %parallel_loop3A_111 = %parallel_loop3A to %parallel_loop3A_1 step %parallel_loop3A_2  : i32 {
      %parallel_loop3A_112 = arith.constant 0.000000e+00 : f32
      %parallel_loop3A_113 = vector.broadcast %parallel_loop3A_112 : f32 to vector<16xf32>
      %parallel_loop3A_114 = arith.index_cast %parallel_loop3A_111 : i32 to index
      %parallel_loop3A_115 = arith.constant 0 : index
      %parallel_loop3A_116 = tpu.vector_load %arg11[%parallel_loop3A_114, %parallel_loop3A_115] {strides = array<i32>} : memref<80x128xf32, #tpu.memory_space<vmem>>, vector<1x16xf32>,
      %parallel_loop3A_117 = vector.shape_cast %parallel_loop3A_116 : vector<1x16xf32> to vector<16xf32>
      %parallel_loop3A_118 = vector.shape_cast %parallel_loop3A_113 : vector<16xf32> to vector<1x16xf32>
      tpu.vector_store %arg11[%parallel_loop3A_114, %parallel_loop3A_115], %parallel_loop3A_118 {strides = array<i32>} : memref<80x128xf32, #tpu.memory_space<vmem>>, vector<1x16xf32>,
      %parallel_loop3A_119 = arith.constant 0.000000e+00 : f32
      %parallel_loop3A_120 = vector.broadcast %parallel_loop3A_119 : f32 to vector<16xf32>
      %parallel_loop3A_121 = arith.index_cast %parallel_loop3A_111 : i32 to index
      %parallel_loop3A_122 = arith.constant 16 : index
      %parallel_loop3A_123 = tpu.vector_load %arg11[%parallel_loop3A_121, %parallel_loop3A_122] {strides = array<i32>} : memref<80x128xf32, #tpu.memory_space<vmem>>, vector<1x16xf32>,
      %parallel_loop3A_124 = vector.shape_cast %parallel_loop3A_123 : vector<1x16xf32> to vector<16xf32>
      %parallel_loop3A_125 = vector.shape_cast %parallel_loop3A_120 : vector<16xf32> to vector<1x16xf32>
      tpu.vector_store %arg11[%parallel_loop3A_121, %parallel_loop3A_122], %parallel_loop3A_125 {strides = array<i32>} : memref<80x128xf32, #tpu.memory_space<vmem>>, vector<1x16xf32>,
      %parallel_loop3A_126 = arith.constant 0.000000e+00 : f32
      %parallel_loop3A_127 = vector.broadcast %parallel_loop3A_126 : f32 to vector<16xf32>
      %parallel_loop3A_128 = arith.index_cast %parallel_loop3A_111 : i32 to index
      %parallel_loop3A_129 = arith.constant 32 : index
      %parallel_loop3A_130 = tpu.vector_load %arg11[%parallel_loop3A_128, %parallel_loop3A_129] {strides = array<i32>} : memref<80x128xf32, #tpu.memory_space<vmem>>, vector<1x16xf32>,
      %parallel_loop3A_131 = vector.shape_cast %parallel_loop3A_130 : vector<1x16xf32> to vector<16xf32>
      %parallel_loop3A_132 = vector.shape_cast %parallel_loop3A_127 : vector<16xf32> to vector<1x16xf32>
      tpu.vector_store %arg11[%parallel_loop3A_128, %parallel_loop3A_129], %parallel_loop3A_132 {strides = array<i32>} : memref<80x128xf32, #tpu.memory_space<vmem>>, vector<1x16xf32>,
      %parallel_loop3A_133 = arith.constant 0.000000e+00 : f32
      %parallel_loop3A_134 = vector.broadcast %parallel_loop3A_133 : f32 to vector<16xf32>
      %parallel_loop3A_135 = arith.index_cast %parallel_loop3A_111 : i32 to index
      %parallel_loop3A_136 = arith.constant 48 : index
      %parallel_loop3A_137 = tpu.vector_load %arg11[%parallel_loop3A_135, %parallel_loop3A_136] {strides = array<i32>} : memref<80x128xf32, #tpu.memory_space<vmem>>, vector<1x16xf32>,
      %parallel_loop3A_138 = vector.shape_cast %parallel_loop3A_137 : vector<1x16xf32> to vector<16xf32>
      %parallel_loop3A_139 = vector.shape_cast %parallel_loop3A_134 : vector<16xf32> to vector<1x16xf32>
      tpu.vector_store %arg11[%parallel_loop3A_135, %parallel_loop3A_136], %parallel_loop3A_139 {strides = array<i32>} : memref<80x128xf32, #tpu.memory_space<vmem>>, vector<1x16xf32>,
      %parallel_loop3A_140 = arith.constant 0.000000e+00 : f32
      %parallel_loop3A_141 = vector.broadcast %parallel_loop3A_140 : f32 to vector<16xf32>
      %parallel_loop3A_142 = arith.index_cast %parallel_loop3A_111 : i32 to index
      %parallel_loop3A_143 = arith.constant 64 : index
      %parallel_loop3A_144 = tpu.vector_load %arg11[%parallel_loop3A_142, %parallel_loop3A_143] {strides = array<i32>} : memref<80x128xf32, #tpu.memory_space<vmem>>, vector<1x16xf32>,
      %parallel_loop3A_145 = vector.shape_cast %parallel_loop3A_144 : vector<1x16xf32> to vector<16xf32>
      %parallel_loop3A_146 = vector.shape_cast %parallel_loop3A_141 : vector<16xf32> to vector<1x16xf32>
      tpu.vector_store %arg11[%parallel_loop3A_142, %parallel_loop3A_143], %parallel_loop3A_146 {strides = array<i32>} : memref<80x128xf32, #tpu.memory_space<vmem>>, vector<1x16xf32>,
      %parallel_loop3A_147 = arith.constant 0.000000e+00 : f32
      %parallel_loop3A_148 = vector.broadcast %parallel_loop3A_147 : f32 to vector<16xf32>
      %parallel_loop3A_149 = arith.index_cast %parallel_loop3A_111 : i32 to index
      %parallel_loop3A_150 = arith.constant 80 : index
      %parallel_loop3A_151 = tpu.vector_load %arg11[%parallel_loop3A_149, %parallel_loop3A_150] {strides = array<i32>} : memref<80x128xf32, #tpu.memory_space<vmem>>, vector<1x16xf32>,
      %parallel_loop3A_152 = vector.shape_cast %parallel_loop3A_151 : vector<1x16xf32> to vector<16xf32>
      %parallel_loop3A_153 = vector.shape_cast %parallel_loop3A_148 : vector<16xf32> to vector<1x16xf32>
      tpu.vector_store %arg11[%parallel_loop3A_149, %parallel_loop3A_150], %parallel_loop3A_153 {strides = array<i32>} : memref<80x128xf32, #tpu.memory_space<vmem>>, vector<1x16xf32>,
      %parallel_loop3A_154 = arith.constant 0.000000e+00 : f32
      %parallel_loop3A_155 = vector.broadcast %parallel_loop3A_154 : f32 to vector<16xf32>
      %parallel_loop3A_156 = arith.index_cast %parallel_loop3A_111 : i32 to index
      %parallel_loop3A_157 = arith.constant 96 : index
      %parallel_loop3A_158 = tpu.vector_load %arg11[%parallel_loop3A_156, %parallel_loop3A_157] {strides = array<i32>} : memref<80x128xf32, #tpu.memory_space<vmem>>, vector<1x16xf32>,
      %parallel_loop3A_159 = vector.shape_cast %parallel_loop3A_158 : vector<1x16xf32> to vector<16xf32>
      %parallel_loop3A_160 = vector.shape_cast %parallel_loop3A_155 : vector<16xf32> to vector<1x16xf32>
      tpu.vector_store %arg11[%parallel_loop3A_156, %parallel_loop3A_157], %parallel_loop3A_160 {strides = array<i32>} : memref<80x128xf32, #tpu.memory_space<vmem>>, vector<1x16xf32>,
      %parallel_loop3A_161 = arith.constant 0.000000e+00 : f32
      %parallel_loop3A_162 = vector.broadcast %parallel_loop3A_161 : f32 to vector<16xf32>
      %parallel_loop3A_163 = arith.index_cast %parallel_loop3A_111 : i32 to index
      %parallel_loop3A_164 = arith.constant 112 : index
      %parallel_loop3A_165 = tpu.vector_load %arg11[%parallel_loop3A_163, %parallel_loop3A_164] {strides = array<i32>} : memref<80x128xf32, #tpu.memory_space<vmem>>, vector<1x16xf32>,
      %parallel_loop3A_166 = vector.shape_cast %parallel_loop3A_165 : vector<1x16xf32> to vector<16xf32>
      %parallel_loop3A_167 = vector.shape_cast %parallel_loop3A_162 : vector<16xf32> to vector<1x16xf32>
      tpu.vector_store %arg11[%parallel_loop3A_163, %parallel_loop3A_164], %parallel_loop3A_167 {strides = array<i32>} : memref<80x128xf32, #tpu.memory_space<vmem>>, vector<1x16xf32>,
    } {sc.loop_unroll_factor = 4 : i64, sc.parallel_access}
    %mul3A_3 = arith.constant 625 : i32
    %mul3A_4 = arith.muli %arg1, %mul3A_3 : i32
    %add3A_5 = arith.constant 0 : i32
    %add3A_6 = arith.addi %mul3A_4, %add3A_5 : i32
    "tpu.region"() ({
      %run_scoped3A_111 = tpu.sem_alloc : memref<!tpu.dma_semaphore, #tpu.memory_space<semaphore_mem>>
      %dma_start3A_112 = arith.constant 0 : i32
      %dma_start3A_113 = tpu.memref_slice %arg6[%add3A_6, %dma_start3A_112] : memref<10000x128xf32, #tpu.memory_space<vmem_shared>> -> memref<80x128xf32, #tpu.memory_space<vmem_shared>>
      %dma_start3A_114 = arith.constant 0 : i32
      %dma_start3A_115 = tpu.memref_slice %arg6[%add3A_6, %dma_start3A_114] : memref<10000x128xf32, #tpu.memory_space<vmem_shared>> -> memref<80x128xf32, #tpu.memory_space<vmem_shared>>
      tpu.enqueue_dma source(%arg11 : memref<80x128xf32, #tpu.memory_space<vmem>>) target(%dma_start3A_115 : memref<80x128xf32, #tpu.memory_space<vmem_shared>>) target_semaphore(%run_scoped3A_111 : memref<!tpu.dma_semaphore, #tpu.memory_space<semaphore_mem>>)
      %dma_wait3A_116 = arith.constant 0 : i32
      %dma_wait3A_117 = tpu.memref_slice %arg6[%add3A_6, %dma_wait3A_116] : memref<10000x128xf32, #tpu.memory_space<vmem_shared>> -> memref<80x128xf32, #tpu.memory_space<vmem_shared>>
      %dma_wait3A_118 = arith.constant 0 : i32
      %dma_wait3A_119 = tpu.memref_slice %arg6[%add3A_6, %dma_wait3A_118] : memref<10000x128xf32, #tpu.memory_space<vmem_shared>> -> memref<80x128xf32, #tpu.memory_space<vmem_shared>>
      tpu.wait_dma2 semaphore(%run_scoped3A_111 : memref<!tpu.dma_semaphore, #tpu.memory_space<semaphore_mem>>) src(%arg11 : memref<80x128xf32, #tpu.memory_space<vmem>>) dst(%dma_wait3A_119 : memref<80x128xf32, #tpu.memory_space<vmem_shared>>)
      tpu.yield
    }) : () -> ()
    %mul3A_7 = arith.constant 625 : i32
    %mul3A_8 = arith.muli %arg1, %mul3A_7 : i32
    %add3A_9 = arith.constant 80 : i32
    %add3A_10 = arith.addi %mul3A_8, %add3A_9 : i32
    "tpu.region"() ({
      %run_scoped3A_111 = tpu.sem_alloc : memref<!tpu.dma_semaphore, #tpu.memory_space<semaphore_mem>>
      %dma_start3A_112 = arith.constant 0 : i32
      %dma_start3A_113 = tpu.memref_slice %arg6[%add3A_10, %dma_start3A_112] : memref<10000x128xf32, #tpu.memory_space<vmem_shared>> -> memref<80x128xf32, #tpu.memory_space<vmem_shared>>
      %dma_start3A_114 = arith.constant 0 : i32
      %dma_start3A_115 = tpu.memref_slice %arg6[%add3A_10, %dma_start3A_114] : memref<10000x128xf32, #tpu.memory_space<vmem_shared>> -> memref<80x128xf32, #tpu.memory_space<vmem_shared>>
      tpu.enqueue_dma source(%arg11 : memref<80x128xf32, #tpu.memory_space<vmem>>) target(%dma_start3A_115 : memref<80x128xf32, #tpu.memory_space<vmem_shared>>) target_semaphore(%run_scoped3A_111 : memref<!tpu.dma_semaphore, #tpu.memory_space<semaphore_mem>>)
      %dma_wait3A_116 = arith.constant 0 : i32
      %dma_wait3A_117 = tpu.memref_slice %arg6[%add3A_10, %dma_wait3A_116] : memref<10000x128xf32, #tpu.memory_space<vmem_shared>> -> memref<80x128xf32, #tpu.memory_space<vmem_shared>>
      %dma_wait3A_118 = arith.constant 0 : i32
      %dma_wait3A_119 = tpu.memref_slice %arg6[%add3A_10, %dma_wait3A_118] : memref<10000x128xf32, #tpu.memory_space<vmem_shared>> -> memref<80x128xf32, #tpu.memory_space<vmem_shared>>
      tpu.wait_dma2 semaphore(%run_scoped3A_111 : memref<!tpu.dma_semaphore, #tpu.memory_space<semaphore_mem>>) src(%arg11 : memref<80x128xf32, #tpu.memory_space<vmem>>) dst(%dma_wait3A_119 : memref<80x128xf32, #tpu.memory_space<vmem_shared>>)
      tpu.yield
    }) : () -> ()
    %mul3A_11 = arith.constant 625 : i32
    %mul3A_12 = arith.muli %arg1, %mul3A_11 : i32
    %add3A_13 = arith.constant 160 : i32
    %add3A_14 = arith.addi %mul3A_12, %add3A_13 : i32
    "tpu.region"() ({
      %run_scoped3A_111 = tpu.sem_alloc : memref<!tpu.dma_semaphore, #tpu.memory_space<semaphore_mem>>
      %dma_start3A_112 = arith.constant 0 : i32
      %dma_start3A_113 = tpu.memref_slice %arg6[%add3A_14, %dma_start3A_112] : memref<10000x128xf32, #tpu.memory_space<vmem_shared>> -> memref<80x128xf32, #tpu.memory_space<vmem_shared>>
      %dma_start3A_114 = arith.constant 0 : i32
      %dma_start3A_115 = tpu.memref_slice %arg6[%add3A_14, %dma_start3A_114] : memref<10000x128xf32, #tpu.memory_space<vmem_shared>> -> memref<80x128xf32, #tpu.memory_space<vmem_shared>>
      tpu.enqueue_dma source(%arg11 : memref<80x128xf32, #tpu.memory_space<vmem>>) target(%dma_start3A_115 : memref<80x128xf32, #tpu.memory_space<vmem_shared>>) target_semaphore(%run_scoped3A_111 : memref<!tpu.dma_semaphore, #tpu.memory_space<semaphore_mem>>)
      %dma_wait3A_116 = arith.constant 0 : i32
      %dma_wait3A_117 = tpu.memref_slice %arg6[%add3A_14, %dma_wait3A_116] : memref<10000x128xf32, #tpu.memory_space<vmem_shared>> -> memref<80x128xf32, #tpu.memory_space<vmem_shared>>
      %dma_wait3A_118 = arith.constant 0 : i32
      %dma_wait3A_119 = tpu.memref_slice %arg6[%add3A_14, %dma_wait3A_118] : memref<10000x128xf32, #tpu.memory_space<vmem_shared>> -> memref<80x128xf32, #tpu.memory_space<vmem_shared>>
      tpu.wait_dma2 semaphore(%run_scoped3A_111 : memref<!tpu.dma_semaphore, #tpu.memory_space<semaphore_mem>>) src(%arg11 : memref<80x128xf32, #tpu.memory_space<vmem>>) dst(%dma_wait3A_119 : memref<80x128xf32, #tpu.memory_space<vmem_shared>>)
      tpu.yield
    }) : () -> ()
    %mul3A_15 = arith.constant 625 : i32
    %mul3A_16 = arith.muli %arg1, %mul3A_15 : i32
    %add3A_17 = arith.constant 240 : i32
    %add3A_18 = arith.addi %mul3A_16, %add3A_17 : i32
    "tpu.region"() ({
      %run_scoped3A_111 = tpu.sem_alloc : memref<!tpu.dma_semaphore, #tpu.memory_space<semaphore_mem>>
      %dma_start3A_112 = arith.constant 0 : i32
      %dma_start3A_113 = tpu.memref_slice %arg6[%add3A_18, %dma_start3A_112] : memref<10000x128xf32, #tpu.memory_space<vmem_shared>> -> memref<80x128xf32, #tpu.memory_space<vmem_shared>>
      %dma_start3A_114 = arith.constant 0 : i32
      %dma_start3A_115 = tpu.memref_slice %arg6[%add3A_18, %dma_start3A_114] : memref<10000x128xf32, #tpu.memory_space<vmem_shared>> -> memref<80x128xf32, #tpu.memory_space<vmem_shared>>
      tpu.enqueue_dma source(%arg11 : memref<80x128xf32, #tpu.memory_space<vmem>>) target(%dma_start3A_115 : memref<80x128xf32, #tpu.memory_space<vmem_shared>>) target_semaphore(%run_scoped3A_111 : memref<!tpu.dma_semaphore, #tpu.memory_space<semaphore_mem>>)
      %dma_wait3A_116 = arith.constant 0 : i32
      %dma_wait3A_117 = tpu.memref_slice %arg6[%add3A_18, %dma_wait3A_116] : memref<10000x128xf32, #tpu.memory_space<vmem_shared>> -> memref<80x128xf32, #tpu.memory_space<vmem_shared>>
      %dma_wait3A_118 = arith.constant 0 : i32
      %dma_wait3A_119 = tpu.memref_slice %arg6[%add3A_18, %dma_wait3A_118] : memref<10000x128xf32, #tpu.memory_space<vmem_shared>> -> memref<80x128xf32, #tpu.memory_space<vmem_shared>>
      tpu.wait_dma2 semaphore(%run_scoped3A_111 : memref<!tpu.dma_semaphore, #tpu.memory_space<semaphore_mem>>) src(%arg11 : memref<80x128xf32, #tpu.memory_space<vmem>>) dst(%dma_wait3A_119 : memref<80x128xf32, #tpu.memory_space<vmem_shared>>)
      tpu.yield
    }) : () -> ()
    %mul3A_19 = arith.constant 625 : i32
    %mul3A_20 = arith.muli %arg1, %mul3A_19 : i32
    %add3A_21 = arith.constant 320 : i32
    %add3A_22 = arith.addi %mul3A_20, %add3A_21 : i32
    "tpu.region"() ({
      %run_scoped3A_111 = tpu.sem_alloc : memref<!tpu.dma_semaphore, #tpu.memory_space<semaphore_mem>>
      %dma_start3A_112 = arith.constant 0 : i32
      %dma_start3A_113 = tpu.memref_slice %arg6[%add3A_22, %dma_start3A_112] : memref<10000x128xf32, #tpu.memory_space<vmem_shared>> -> memref<80x128xf32, #tpu.memory_space<vmem_shared>>
      %dma_start3A_114 = arith.constant 0 : i32
      %dma_start3A_115 = tpu.memref_slice %arg6[%add3A_22, %dma_start3A_114] : memref<10000x128xf32, #tpu.memory_space<vmem_shared>> -> memref<80x128xf32, #tpu.memory_space<vmem_shared>>
      tpu.enqueue_dma source(%arg11 : memref<80x128xf32, #tpu.memory_space<vmem>>) target(%dma_start3A_115 : memref<80x128xf32, #tpu.memory_space<vmem_shared>>) target_semaphore(%run_scoped3A_111 : memref<!tpu.dma_semaphore, #tpu.memory_space<semaphore_mem>>)
      %dma_wait3A_116 = arith.constant 0 : i32
      %dma_wait3A_117 = tpu.memref_slice %arg6[%add3A_22, %dma_wait3A_116] : memref<10000x128xf32, #tpu.memory_space<vmem_shared>> -> memref<80x128xf32, #tpu.memory_space<vmem_shared>>
      %dma_wait3A_118 = arith.constant 0 : i32
      %dma_wait3A_119 = tpu.memref_slice %arg6[%add3A_22, %dma_wait3A_118] : memref<10000x128xf32, #tpu.memory_space<vmem_shared>> -> memref<80x128xf32, #tpu.memory_space<vmem_shared>>
      tpu.wait_dma2 semaphore(%run_scoped3A_111 : memref<!tpu.dma_semaphore, #tpu.memory_space<semaphore_mem>>) src(%arg11 : memref<80x128xf32, #tpu.memory_space<vmem>>) dst(%dma_wait3A_119 : memref<80x128xf32, #tpu.memory_space<vmem_shared>>)
      tpu.yield
    }) : () -> ()
    %mul3A_23 = arith.constant 625 : i32
    %mul3A_24 = arith.muli %arg1, %mul3A_23 : i32
    %add3A_25 = arith.constant 400 : i32
    %add3A_26 = arith.addi %mul3A_24, %add3A_25 : i32
    "tpu.region"() ({
      %run_scoped3A_111 = tpu.sem_alloc : memref<!tpu.dma_semaphore, #tpu.memory_space<semaphore_mem>>
      %dma_start3A_112 = arith.constant 0 : i32
      %dma_start3A_113 = tpu.memref_slice %arg6[%add3A_26, %dma_start3A_112] : memref<10000x128xf32, #tpu.memory_space<vmem_shared>> -> memref<80x128xf32, #tpu.memory_space<vmem_shared>>
      %dma_start3A_114 = arith.constant 0 : i32
      %dma_start3A_115 = tpu.memref_slice %arg6[%add3A_26, %dma_start3A_114] : memref<10000x128xf32, #tpu.memory_space<vmem_shared>> -> memref<80x128xf32, #tpu.memory_space<vmem_shared>>
      tpu.enqueue_dma source(%arg11 : memref<80x128xf32, #tpu.memory_space<vmem>>) target(%dma_start3A_115 : memref<80x128xf32, #tpu.memory_space<vmem_shared>>) target_semaphore(%run_scoped3A_111 : memref<!tpu.dma_semaphore, #tpu.memory_space<semaphore_mem>>)
      %dma_wait3A_116 = arith.constant 0 : i32
      %dma_wait3A_117 = tpu.memref_slice %arg6[%add3A_26, %dma_wait3A_116] : memref<10000x128xf32, #tpu.memory_space<vmem_shared>> -> memref<80x128xf32, #tpu.memory_space<vmem_shared>>
      %dma_wait3A_118 = arith.constant 0 : i32
      %dma_wait3A_119 = tpu.memref_slice %arg6[%add3A_26, %dma_wait3A_118] : memref<10000x128xf32, #tpu.memory_space<vmem_shared>> -> memref<80x128xf32, #tpu.memory_space<vmem_shared>>
      tpu.wait_dma2 semaphore(%run_scoped3A_111 : memref<!tpu.dma_semaphore, #tpu.memory_space<semaphore_mem>>) src(%arg11 : memref<80x128xf32, #tpu.memory_space<vmem>>) dst(%dma_wait3A_119 : memref<80x128xf32, #tpu.memory_space<vmem_shared>>)
      tpu.yield
    }) : () -> ()
    %mul3A_27 = arith.constant 625 : i32
    %mul3A_28 = arith.muli %arg1, %mul3A_27 : i32
    %add3A_29 = arith.constant 480 : i32
    %add3A_30 = arith.addi %mul3A_28, %add3A_29 : i32
    "tpu.region"() ({
      %run_scoped3A_111 = tpu.sem_alloc : memref<!tpu.dma_semaphore, #tpu.memory_space<semaphore_mem>>
      %dma_start3A_112 = arith.constant 0 : i32
      %dma_start3A_113 = tpu.memref_slice %arg6[%add3A_30, %dma_start3A_112] : memref<10000x128xf32, #tpu.memory_space<vmem_shared>> -> memref<80x128xf32, #tpu.memory_space<vmem_shared>>
      %dma_start3A_114 = arith.constant 0 : i32
      %dma_start3A_115 = tpu.memref_slice %arg6[%add3A_30, %dma_start3A_114] : memref<10000x128xf32, #tpu.memory_space<vmem_shared>> -> memref<80x128xf32, #tpu.memory_space<vmem_shared>>
      tpu.enqueue_dma source(%arg11 : memref<80x128xf32, #tpu.memory_space<vmem>>) target(%dma_start3A_115 : memref<80x128xf32, #tpu.memory_space<vmem_shared>>) target_semaphore(%run_scoped3A_111 : memref<!tpu.dma_semaphore, #tpu.memory_space<semaphore_mem>>)
      %dma_wait3A_116 = arith.constant 0 : i32
      %dma_wait3A_117 = tpu.memref_slice %arg6[%add3A_30, %dma_wait3A_116] : memref<10000x128xf32, #tpu.memory_space<vmem_shared>> -> memref<80x128xf32, #tpu.memory_space<vmem_shared>>
      %dma_wait3A_118 = arith.constant 0 : i32
      %dma_wait3A_119 = tpu.memref_slice %arg6[%add3A_30, %dma_wait3A_118] : memref<10000x128xf32, #tpu.memory_space<vmem_shared>> -> memref<80x128xf32, #tpu.memory_space<vmem_shared>>
      tpu.wait_dma2 semaphore(%run_scoped3A_111 : memref<!tpu.dma_semaphore, #tpu.memory_space<semaphore_mem>>) src(%arg11 : memref<80x128xf32, #tpu.memory_space<vmem>>) dst(%dma_wait3A_119 : memref<80x128xf32, #tpu.memory_space<vmem_shared>>)
      tpu.yield
    }) : () -> ()
    %mul3A_31 = arith.constant 625 : i32
    %mul3A_32 = arith.muli %arg1, %mul3A_31 : i32
    %add3A_33 = arith.constant 560 : i32
    %add3A_34 = arith.addi %mul3A_32, %add3A_33 : i32
    "tpu.region"() ({
      %run_scoped3A_111 = tpu.sem_alloc : memref<!tpu.dma_semaphore, #tpu.memory_space<semaphore_mem>>
      %dma_start3A_112 = arith.constant 0 : i32
      %dma_start3A_113 = arith.constant 0 : i32
      %dma_start3A_114 = tpu.memref_slice %arg11[%dma_start3A_112, %dma_start3A_113] : memref<80x128xf32, #tpu.memory_space<vmem>> -> memref<65x128xf32, #tpu.memory_space<vmem>>
      %dma_start3A_115 = arith.constant 0 : i32
      %dma_start3A_116 = tpu.memref_slice %arg6[%add3A_34, %dma_start3A_115] : memref<10000x128xf32, #tpu.memory_space<vmem_shared>> -> memref<65x128xf32, #tpu.memory_space<vmem_shared>>
      %dma_start3A_117 = arith.constant 0 : i32
      %dma_start3A_118 = tpu.memref_slice %arg6[%add3A_34, %dma_start3A_117] : memref<10000x128xf32, #tpu.memory_space<vmem_shared>> -> memref<65x128xf32, #tpu.memory_space<vmem_shared>>
      %dma_start3A_119 = arith.constant 0 : i32
      %dma_start3A_120 = arith.constant 0 : i32
      %dma_start3A_121 = tpu.memref_slice %arg11[%dma_start3A_119, %dma_start3A_120] : memref<80x128xf32, #tpu.memory_space<vmem>> -> memref<65x128xf32, #tpu.memory_space<vmem>>
      tpu.enqueue_dma source(%dma_start3A_121 : memref<65x128xf32, #tpu.memory_space<vmem>>) target(%dma_start3A_118 : memref<65x128xf32, #tpu.memory_space<vmem_shared>>) target_semaphore(%run_scoped3A_111 : memref<!tpu.dma_semaphore, #tpu.memory_space<semaphore_mem>>)
      %dma_wait3A_122 = arith.constant 0 : i32
      %dma_wait3A_123 = arith.constant 0 : i32
      %dma_wait3A_124 = tpu.memref_slice %arg11[%dma_wait3A_122, %dma_wait3A_123] : memref<80x128xf32, #tpu.memory_space<vmem>> -> memref<65x128xf32, #tpu.memory_space<vmem>>
      %dma_wait3A_125 = arith.constant 0 : i32
      %dma_wait3A_126 = tpu.memref_slice %arg6[%add3A_34, %dma_wait3A_125] : memref<10000x128xf32, #tpu.memory_space<vmem_shared>> -> memref<65x128xf32, #tpu.memory_space<vmem_shared>>
      %dma_wait3A_127 = arith.constant 0 : i32
      %dma_wait3A_128 = tpu.memref_slice %arg6[%add3A_34, %dma_wait3A_127] : memref<10000x128xf32, #tpu.memory_space<vmem_shared>> -> memref<65x128xf32, #tpu.memory_space<vmem_shared>>
      %dma_wait3A_129 = arith.constant 0 : i32
      %dma_wait3A_130 = arith.constant 0 : i32
      %dma_wait3A_131 = tpu.memref_slice %arg11[%dma_wait3A_129, %dma_wait3A_130] : memref<80x128xf32, #tpu.memory_space<vmem>> -> memref<65x128xf32, #tpu.memory_space<vmem>>
      tpu.wait_dma2 semaphore(%run_scoped3A_111 : memref<!tpu.dma_semaphore, #tpu.memory_space<semaphore_mem>>) src(%dma_wait3A_131 : memref<65x128xf32, #tpu.memory_space<vmem>>) dst(%dma_wait3A_128 : memref<65x128xf32, #tpu.memory_space<vmem_shared>>)
      tpu.yield
    }) : () -> ()
    %barrier3A = arith.constant 0 : index
    tpu.barrier barrier_id(%barrier3A)
    %dma_start3A = arith.constant 0 : i32
    %dma_start3A_35 = arith.constant 0 : i32
    %dma_start3A_36 = arith.constant 0 : i32
    %dma_start3A_37 = tpu.memref_slice %arg4[%add3A, %dma_start3A, %dma_start3A_35, %dma_start3A_36] : memref<32x125x2x80xi32, #tpu.memory_space<hbm>> -> memref<1x1x2x80xi32, #tpu.memory_space<hbm>>
    %dma_start3A_38 = tpu.memref_squeeze %dma_start3A_37 : memref<1x1x2x80xi32, #tpu.memory_space<hbm>> -> memref<2x80xi32, #tpu.memory_space<hbm>>
    %dma_start3A_39 = arith.constant 0 : i32
    %dma_start3A_40 = arith.constant 0 : i32
    %dma_start3A_41 = tpu.memref_slice %arg4[%add3A, %dma_start3A, %dma_start3A_39, %dma_start3A_40] : memref<32x125x2x80xi32, #tpu.memory_space<hbm>> -> memref<1x1x2x80xi32, #tpu.memory_space<hbm>>
    %dma_start3A_42 = tpu.memref_squeeze %dma_start3A_41 : memref<1x1x2x80xi32, #tpu.memory_space<hbm>> -> memref<2x80xi32, #tpu.memory_space<hbm>>
    tpu.enqueue_dma source(%dma_start3A_42 : memref<2x80xi32, #tpu.memory_space<hbm>>) target(%arg7 : memref<2x80xi32, #tpu.memory_space<vmem>>) target_semaphore(%arg15 : memref<!tpu.dma_semaphore, #tpu.memory_space<semaphore_mem>>)
    %dma_start3A_43 = arith.constant 1 : i32
    %dma_start3A_44 = arith.constant 0 : i32
    %dma_start3A_45 = arith.constant 0 : i32
    %dma_start3A_46 = tpu.memref_slice %arg4[%add3A, %dma_start3A_43, %dma_start3A_44, %dma_start3A_45] : memref<32x125x2x80xi32, #tpu.memory_space<hbm>> -> memref<1x1x2x80xi32, #tpu.memory_space<hbm>>
    %dma_start3A_47 = tpu.memref_squeeze %dma_start3A_46 : memref<1x1x2x80xi32, #tpu.memory_space<hbm>> -> memref<2x80xi32, #tpu.memory_space<hbm>>
    %dma_start3A_48 = arith.constant 0 : i32
    %dma_start3A_49 = arith.constant 0 : i32
    %dma_start3A_50 = tpu.memref_slice %arg4[%add3A, %dma_start3A_43, %dma_start3A_48, %dma_start3A_49] : memref<32x125x2x80xi32, #tpu.memory_space<hbm>> -> memref<1x1x2x80xi32, #tpu.memory_space<hbm>>
    %dma_start3A_51 = tpu.memref_squeeze %dma_start3A_50 : memref<1x1x2x80xi32, #tpu.memory_space<hbm>> -> memref<2x80xi32, #tpu.memory_space<hbm>>
    tpu.enqueue_dma source(%dma_start3A_51 : memref<2x80xi32, #tpu.memory_space<hbm>>) target(%arg8 : memref<2x80xi32, #tpu.memory_space<vmem>>) target_semaphore(%arg16 : memref<!tpu.dma_semaphore, #tpu.memory_space<semaphore_mem>>)
    %scan3A = arith.constant 0 : i32
    %scan3A_52 = arith.constant 0 : i32
    %scan3A_53 = arith.constant 31 : i32
    %scan3A_54 = arith.addi %scan3A_52, %scan3A_53 : i32
    %scan3A_55 = arith.constant 1 : i32
    %scan3A_56 = scf.for %scan3A_111 = %scan3A_52 to %scan3A_54 step %scan3A_55 iter_args(%scan3A_112 = %scan3A) -> (i32)  : i32 {
      %mul3A_113 = arith.constant 4 : i32
      %mul3A_114 = arith.muli %mul3A_113, %scan3A_111 : i32
      %dma_wait3A_115 = arith.constant 0 : i32
      %dma_wait3A_116 = arith.constant 0 : i32
      %dma_wait3A_117 = arith.constant 0 : i32
      %dma_wait3A_118 = tpu.memref_slice %arg4[%add3A, %dma_wait3A_115, %dma_wait3A_116, %dma_wait3A_117] : memref<32x125x2x80xi32, #tpu.memory_space<hbm>> -> memref<1x1x2x80xi32, #tpu.memory_space<hbm>>
      %dma_wait3A_119 = tpu.memref_squeeze %dma_wait3A_118 : memref<1x1x2x80xi32, #tpu.memory_space<hbm>> -> memref<2x80xi32, #tpu.memory_space<hbm>>
      %dma_wait3A_120 = arith.constant 0 : i32
      %dma_wait3A_121 = arith.constant 0 : i32
      %dma_wait3A_122 = tpu.memref_slice %arg4[%add3A, %dma_wait3A_115, %dma_wait3A_120, %dma_wait3A_121] : memref<32x125x2x80xi32, #tpu.memory_space<hbm>> -> memref<1x1x2x80xi32, #tpu.memory_space<hbm>>
      %dma_wait3A_123 = tpu.memref_squeeze %dma_wait3A_122 : memref<1x1x2x80xi32, #tpu.memory_space<hbm>> -> memref<2x80xi32, #tpu.memory_space<hbm>>
      tpu.wait_dma2 semaphore(%arg15 : memref<!tpu.dma_semaphore, #tpu.memory_space<semaphore_mem>>) src(%dma_wait3A_123 : memref<2x80xi32, #tpu.memory_space<hbm>>) dst(%arg7 : memref<2x80xi32, #tpu.memory_space<vmem>>)
      %dma_wait3A_124 = arith.constant 0 : i32
      %dma_wait3A_125 = arith.constant 0 : i32
      %dma_wait3A_126 = arith.constant 0 : i32
      %dma_wait3A_127 = tpu.memref_slice %arg4[%add3A, %dma_wait3A_124, %dma_wait3A_125, %dma_wait3A_126] : memref<32x125x2x80xi32, #tpu.memory_space<hbm>> -> memref<1x1x2x80xi32, #tpu.memory_space<hbm>>
      %dma_wait3A_128 = tpu.memref_squeeze %dma_wait3A_127 : memref<1x1x2x80xi32, #tpu.memory_space<hbm>> -> memref<2x80xi32, #tpu.memory_space<hbm>>
      %dma_wait3A_129 = arith.constant 0 : i32
      %dma_wait3A_130 = arith.constant 0 : i32
      %dma_wait3A_131 = tpu.memref_slice %arg4[%add3A, %dma_wait3A_124, %dma_wait3A_129, %dma_wait3A_130] : memref<32x125x2x80xi32, #tpu.memory_space<hbm>> -> memref<1x1x2x80xi32, #tpu.memory_space<hbm>>
      %dma_wait3A_132 = tpu.memref_squeeze %dma_wait3A_131 : memref<1x1x2x80xi32, #tpu.memory_space<hbm>> -> memref<2x80xi32, #tpu.memory_space<hbm>>
      tpu.wait_dma2 semaphore(%arg16 : memref<!tpu.dma_semaphore, #tpu.memory_space<semaphore_mem>>) src(%dma_wait3A_132 : memref<2x80xi32, #tpu.memory_space<hbm>>) dst(%arg8 : memref<2x80xi32, #tpu.memory_space<vmem>>)
      %add3A_133 = arith.constant 2 : i32
      %add3A_134 = arith.addi %mul3A_114, %add3A_133 : i32
      %dma_start3A_135 = arith.constant 0 : i32
      %dma_start3A_136 = arith.constant 0 : i32
      %dma_start3A_137 = tpu.memref_slice %arg4[%add3A, %add3A_134, %dma_start3A_135, %dma_start3A_136] : memref<32x125x2x80xi32, #tpu.memory_space<hbm>> -> memref<1x1x2x80xi32, #tpu.memory_space<hbm>>
      %dma_start3A_138 = tpu.memref_squeeze %dma_start3A_137 : memref<1x1x2x80xi32, #tpu.memory_space<hbm>> -> memref<2x80xi32, #tpu.memory_space<hbm>>
      %dma_start3A_139 = arith.constant 0 : i32
      %dma_start3A_140 = arith.constant 0 : i32
      %dma_start3A_141 = tpu.memref_slice %arg4[%add3A, %add3A_134, %dma_start3A_139, %dma_start3A_140] : memref<32x125x2x80xi32, #tpu.memory_space<hbm>> -> memref<1x1x2x80xi32, #tpu.memory_space<hbm>>
      %dma_start3A_142 = tpu.memref_squeeze %dma_start3A_141 : memref<1x1x2x80xi32, #tpu.memory_space<hbm>> -> memref<2x80xi32, #tpu.memory_space<hbm>>
      tpu.enqueue_dma source(%dma_start3A_142 : memref<2x80xi32, #tpu.memory_space<hbm>>) target(%arg9 : memref<2x80xi32, #tpu.memory_space<vmem>>) target_semaphore(%arg17 : memref<!tpu.dma_semaphore, #tpu.memory_space<semaphore_mem>>)
      %add3A_143 = arith.constant 3 : i32
      %add3A_144 = arith.addi %mul3A_114, %add3A_143 : i32
      %dma_start3A_145 = arith.constant 0 : i32
      %dma_start3A_146 = arith.constant 0 : i32
      %dma_start3A_147 = tpu.memref_slice %arg4[%add3A, %add3A_144, %dma_start3A_145, %dma_start3A_146] : memref<32x125x2x80xi32, #tpu.memory_space<hbm>> -> memref<1x1x2x80xi32, #tpu.memory_space<hbm>>
      %dma_start3A_148 = tpu.memref_squeeze %dma_start3A_147 : memref<1x1x2x80xi32, #tpu.memory_space<hbm>> -> memref<2x80xi32, #tpu.memory_space<hbm>>
      %dma_start3A_149 = arith.constant 0 : i32
      %dma_start3A_150 = arith.constant 0 : i32
      %dma_start3A_151 = tpu.memref_slice %arg4[%add3A, %add3A_144, %dma_start3A_149, %dma_start3A_150] : memref<32x125x2x80xi32, #tpu.memory_space<hbm>> -> memref<1x1x2x80xi32, #tpu.memory_space<hbm>>
      %dma_start3A_152 = tpu.memref_squeeze %dma_start3A_151 : memref<1x1x2x80xi32, #tpu.memory_space<hbm>> -> memref<2x80xi32, #tpu.memory_space<hbm>>
      tpu.enqueue_dma source(%dma_start3A_152 : memref<2x80xi32, #tpu.memory_space<hbm>>) target(%arg10 : memref<2x80xi32, #tpu.memory_space<vmem>>) target_semaphore(%arg18 : memref<!tpu.dma_semaphore, #tpu.memory_space<semaphore_mem>>)
      %dma_start3A_153 = arith.constant 0 : i32
      %dma_start3A_154 = arith.constant 0 : i32
      %dma_start3A_155 = tpu.memref_slice %arg7[%dma_start3A_153, %dma_start3A_154] : memref<2x80xi32, #tpu.memory_space<vmem>> -> memref<1x80xi32, #tpu.memory_space<vmem>>
      %dma_start3A_156 = tpu.memref_squeeze %dma_start3A_155 : memref<1x80xi32, #tpu.memory_space<vmem>> -> memref<80xi32, #tpu.memory_space<vmem>>
      %dma_start3A_157 = arith.constant 0 : i32
      %dma_start3A_158 = arith.constant 0 : i32
      %dma_start3A_159 = tpu.memref_slice %arg2[%dma_start3A_157, %dma_start3A_158] : memref<10000x128xf32, #tpu.memory_space<hbm>> -> memref<10000x128xf32, #tpu.memory_space<hbm>>
      tpu.enqueue_indirect_dma source(%dma_start3A_159 : memref<10000x128xf32, #tpu.memory_space<hbm>>) target(%arg11 : memref<80x128xf32, #tpu.memory_space<vmem>>) offsets(%dma_start3A_156 : memref<80xi32, #tpu.memory_space<vmem>>) semaphore(%arg19 : memref<!tpu.dma_semaphore, #tpu.memory_space<semaphore_mem>>)
      %mul3A_160 = arith.constant 10000 : i32
      %mul3A_161 = arith.muli %add3A, %mul3A_160 : i32
      %mul3A_162 = arith.constant 80 : i32
      %mul3A_163 = arith.muli %mul3A_114, %mul3A_162 : i32
      %add3A_164 = arith.addi %mul3A_161, %mul3A_163 : i32
      %dma_start3A_165 = arith.constant 0 : i32
      %dma_start3A_166 = tpu.memref_slice %arg3[%add3A_164, %dma_start3A_165] : memref<320000x128xf32, #tpu.memory_space<hbm>> -> memref<80x128xf32, #tpu.memory_space<hbm>>
      %dma_start3A_167 = arith.constant 0 : i32
      %dma_start3A_168 = tpu.memref_slice %arg3[%add3A_164, %dma_start3A_167] : memref<320000x128xf32, #tpu.memory_space<hbm>> -> memref<80x128xf32, #tpu.memory_space<hbm>>
      tpu.enqueue_dma source(%dma_start3A_168 : memref<80x128xf32, #tpu.memory_space<hbm>>) target(%arg13 : memref<80x128xf32, #tpu.memory_space<vmem>>) target_semaphore(%arg21 : memref<!tpu.dma_semaphore, #tpu.memory_space<semaphore_mem>>)
      %add3A_169 = arith.constant 1 : i32
      %add3A_170 = arith.addi %mul3A_114, %add3A_169 : i32
      %dma_start3A_171 = arith.constant 0 : i32
      %dma_start3A_172 = arith.constant 0 : i32
      %dma_start3A_173 = tpu.memref_slice %arg8[%dma_start3A_171, %dma_start3A_172] : memref<2x80xi32, #tpu.memory_space<vmem>> -> memref<1x80xi32, #tpu.memory_space<vmem>>
      %dma_start3A_174 = tpu.memref_squeeze %dma_start3A_173 : memref<1x80xi32, #tpu.memory_space<vmem>> -> memref<80xi32, #tpu.memory_space<vmem>>
      %dma_start3A_175 = arith.constant 0 : i32
      %dma_start3A_176 = arith.constant 0 : i32
      %dma_start3A_177 = tpu.memref_slice %arg2[%dma_start3A_175, %dma_start3A_176] : memref<10000x128xf32, #tpu.memory_space<hbm>> -> memref<10000x128xf32, #tpu.memory_space<hbm>>
      tpu.enqueue_indirect_dma source(%dma_start3A_177 : memref<10000x128xf32, #tpu.memory_space<hbm>>) target(%arg12 : memref<80x128xf32, #tpu.memory_space<vmem>>) offsets(%dma_start3A_174 : memref<80xi32, #tpu.memory_space<vmem>>) semaphore(%arg20 : memref<!tpu.dma_semaphore, #tpu.memory_space<semaphore_mem>>)
      %mul3A_178 = arith.constant 10000 : i32
      %mul3A_179 = arith.muli %add3A, %mul3A_178 : i32
      %mul3A_180 = arith.constant 80 : i32
      %mul3A_181 = arith.muli %add3A_170, %mul3A_180 : i32
      %add3A_182 = arith.addi %mul3A_179, %mul3A_181 : i32
      %dma_start3A_183 = arith.constant 0 : i32
      %dma_start3A_184 = tpu.memref_slice %arg3[%add3A_182, %dma_start3A_183] : memref<320000x128xf32, #tpu.memory_space<hbm>> -> memref<80x128xf32, #tpu.memory_space<hbm>>
      %dma_start3A_185 = arith.constant 0 : i32
      %dma_start3A_186 = tpu.memref_slice %arg3[%add3A_182, %dma_start3A_185] : memref<320000x128xf32, #tpu.memory_space<hbm>> -> memref<80x128xf32, #tpu.memory_space<hbm>>
      tpu.enqueue_dma source(%dma_start3A_186 : memref<80x128xf32, #tpu.memory_space<hbm>>) target(%arg14 : memref<80x128xf32, #tpu.memory_space<vmem>>) target_semaphore(%arg22 : memref<!tpu.dma_semaphore, #tpu.memory_space<semaphore_mem>>)
      %dma_wait3A_187 = arith.constant 0 : i32
      %dma_wait3A_188 = arith.constant 0 : i32
      %dma_wait3A_189 = tpu.memref_slice %arg7[%dma_wait3A_187, %dma_wait3A_188] : memref<2x80xi32, #tpu.memory_space<vmem>> -> memref<1x80xi32, #tpu.memory_space<vmem>>
      %dma_wait3A_190 = tpu.memref_squeeze %dma_wait3A_189 : memref<1x80xi32, #tpu.memory_space<vmem>> -> memref<80xi32, #tpu.memory_space<vmem>>
      %dma_wait3A_191 = arith.constant 0 : i32
      %dma_wait3A_192 = arith.constant 0 : i32
      %dma_wait3A_193 = tpu.memref_slice %arg2[%dma_wait3A_191, %dma_wait3A_192] : memref<10000x128xf32, #tpu.memory_space<hbm>> -> memref<10000x128xf32, #tpu.memory_space<hbm>>
      tpu.wait_indirect_dma semaphore(%arg19 : memref<!tpu.dma_semaphore, #tpu.memory_space<semaphore_mem>>) src(%dma_wait3A_193 : memref<10000x128xf32, #tpu.memory_space<hbm>>) dst(%arg11 : memref<80x128xf32, #tpu.memory_space<vmem>>)
      %dma_wait3A_194 = arith.constant 0 : i32
      %dma_wait3A_195 = tpu.memref_slice %arg3[%add3A_164, %dma_wait3A_194] : memref<320000x128xf32, #tpu.memory_space<hbm>> -> memref<80x128xf32, #tpu.memory_space<hbm>>
      %dma_wait3A_196 = arith.constant 0 : i32
      %dma_wait3A_197 = tpu.memref_slice %arg3[%add3A_164, %dma_wait3A_196] : memref<320000x128xf32, #tpu.memory_space<hbm>> -> memref<80x128xf32, #tpu.memory_space<hbm>>
      tpu.wait_dma2 semaphore(%arg21 : memref<!tpu.dma_semaphore, #tpu.memory_space<semaphore_mem>>) src(%dma_wait3A_197 : memref<80x128xf32, #tpu.memory_space<hbm>>) dst(%arg13 : memref<80x128xf32, #tpu.memory_space<vmem>>)
      %parallel_loop3A_198 = arith.constant 0 : i32
      %parallel_loop3A_199 = arith.constant 80 : i32
      %parallel_loop3A_200 = arith.constant 1 : i32
      scf.for %parallel_loop3A_375 = %parallel_loop3A_198 to %parallel_loop3A_199 step %parallel_loop3A_200  : i32 {
        %parallel_loop3A_376 = arith.index_cast %parallel_loop3A_375 : i32 to index
        %parallel_loop3A_377 = arith.constant 0 : index
        %parallel_loop3A_378 = tpu.vector_load %arg11[%parallel_loop3A_376, %parallel_loop3A_377] {strides = array<i32>} : memref<80x128xf32, #tpu.memory_space<vmem>>, vector<1x16xf32>,
        %parallel_loop3A_379 = vector.shape_cast %parallel_loop3A_378 : vector<1x16xf32> to vector<16xf32>
        %parallel_loop3A_380 = arith.index_cast %parallel_loop3A_375 : i32 to index
        %parallel_loop3A_381 = arith.constant 0 : index
        %parallel_loop3A_382 = tpu.vector_load %arg13[%parallel_loop3A_380, %parallel_loop3A_381] {strides = array<i32>} : memref<80x128xf32, #tpu.memory_space<vmem>>, vector<1x16xf32>,
        %parallel_loop3A_383 = vector.shape_cast %parallel_loop3A_382 : vector<1x16xf32> to vector<16xf32>
        %parallel_loop3A_384 = arith.addf %parallel_loop3A_379, %parallel_loop3A_383 : vector<16xf32>
        %parallel_loop3A_385 = arith.constant 0.000000e+00 : f32
        %parallel_loop3A_386 = vector.broadcast %parallel_loop3A_385 : f32 to vector<16xf32>
        %parallel_loop3A_387 = arith.maximumf %parallel_loop3A_384, %parallel_loop3A_386 : vector<16xf32>
        %parallel_loop3A_388 = arith.index_cast %parallel_loop3A_375 : i32 to index
        %parallel_loop3A_389 = arith.constant 0 : index
        %parallel_loop3A_390 = tpu.vector_load %arg11[%parallel_loop3A_388, %parallel_loop3A_389] {strides = array<i32>} : memref<80x128xf32, #tpu.memory_space<vmem>>, vector<1x16xf32>,
        %parallel_loop3A_391 = vector.shape_cast %parallel_loop3A_390 : vector<1x16xf32> to vector<16xf32>
        %parallel_loop3A_392 = vector.shape_cast %parallel_loop3A_387 : vector<16xf32> to vector<1x16xf32>
        tpu.vector_store %arg11[%parallel_loop3A_388, %parallel_loop3A_389], %parallel_loop3A_392 {strides = array<i32>} : memref<80x128xf32, #tpu.memory_space<vmem>>, vector<1x16xf32>,
        %parallel_loop3A_393 = arith.index_cast %parallel_loop3A_375 : i32 to index
        %parallel_loop3A_394 = arith.constant 16 : index
        %parallel_loop3A_395 = tpu.vector_load %arg11[%parallel_loop3A_393, %parallel_loop3A_394] {strides = array<i32>} : memref<80x128xf32, #tpu.memory_space<vmem>>, vector<1x16xf32>,
        %parallel_loop3A_396 = vector.shape_cast %parallel_loop3A_395 : vector<1x16xf32> to vector<16xf32>
        %parallel_loop3A_397 = arith.index_cast %parallel_loop3A_375 : i32 to index
        %parallel_loop3A_398 = arith.constant 16 : index
        %parallel_loop3A_399 = tpu.vector_load %arg13[%parallel_loop3A_397, %parallel_loop3A_398] {strides = array<i32>} : memref<80x128xf32, #tpu.memory_space<vmem>>, vector<1x16xf32>,
        %parallel_loop3A_400 = vector.shape_cast %parallel_loop3A_399 : vector<1x16xf32> to vector<16xf32>
        %parallel_loop3A_401 = arith.addf %parallel_loop3A_396, %parallel_loop3A_400 : vector<16xf32>
        %parallel_loop3A_402 = arith.constant 0.000000e+00 : f32
        %parallel_loop3A_403 = vector.broadcast %parallel_loop3A_402 : f32 to vector<16xf32>
        %parallel_loop3A_404 = arith.maximumf %parallel_loop3A_401, %parallel_loop3A_403 : vector<16xf32>
        %parallel_loop3A_405 = arith.index_cast %parallel_loop3A_375 : i32 to index
        %parallel_loop3A_406 = arith.constant 16 : index
        %parallel_loop3A_407 = tpu.vector_load %arg11[%parallel_loop3A_405, %parallel_loop3A_406] {strides = array<i32>} : memref<80x128xf32, #tpu.memory_space<vmem>>, vector<1x16xf32>,
        %parallel_loop3A_408 = vector.shape_cast %parallel_loop3A_407 : vector<1x16xf32> to vector<16xf32>
        %parallel_loop3A_409 = vector.shape_cast %parallel_loop3A_404 : vector<16xf32> to vector<1x16xf32>
        tpu.vector_store %arg11[%parallel_loop3A_405, %parallel_loop3A_406], %parallel_loop3A_409 {strides = array<i32>} : memref<80x128xf32, #tpu.memory_space<vmem>>, vector<1x16xf32>,
        %parallel_loop3A_410 = arith.index_cast %parallel_loop3A_375 : i32 to index
        %parallel_loop3A_411 = arith.constant 32 : index
        %parallel_loop3A_412 = tpu.vector_load %arg11[%parallel_loop3A_410, %parallel_loop3A_411] {strides = array<i32>} : memref<80x128xf32, #tpu.memory_space<vmem>>, vector<1x16xf32>,
        %parallel_loop3A_413 = vector.shape_cast %parallel_loop3A_412 : vector<1x16xf32> to vector<16xf32>
        %parallel_loop3A_414 = arith.index_cast %parallel_loop3A_375 : i32 to index
        %parallel_loop3A_415 = arith.constant 32 : index
        %parallel_loop3A_416 = tpu.vector_load %arg13[%parallel_loop3A_414, %parallel_loop3A_415] {strides = array<i32>} : memref<80x128xf32, #tpu.memory_space<vmem>>, vector<1x16xf32>,
        %parallel_loop3A_417 = vector.shape_cast %parallel_loop3A_416 : vector<1x16xf32> to vector<16xf32>
        %parallel_loop3A_418 = arith.addf %parallel_loop3A_413, %parallel_loop3A_417 : vector<16xf32>
        %parallel_loop3A_419 = arith.constant 0.000000e+00 : f32
        %parallel_loop3A_420 = vector.broadcast %parallel_loop3A_419 : f32 to vector<16xf32>
        %parallel_loop3A_421 = arith.maximumf %parallel_loop3A_418, %parallel_loop3A_420 : vector<16xf32>
        %parallel_loop3A_422 = arith.index_cast %parallel_loop3A_375 : i32 to index
        %parallel_loop3A_423 = arith.constant 32 : index
        %parallel_loop3A_424 = tpu.vector_load %arg11[%parallel_loop3A_422, %parallel_loop3A_423] {strides = array<i32>} : memref<80x128xf32, #tpu.memory_space<vmem>>, vector<1x16xf32>,
        %parallel_loop3A_425 = vector.shape_cast %parallel_loop3A_424 : vector<1x16xf32> to vector<16xf32>
        %parallel_loop3A_426 = vector.shape_cast %parallel_loop3A_421 : vector<16xf32> to vector<1x16xf32>
        tpu.vector_store %arg11[%parallel_loop3A_422, %parallel_loop3A_423], %parallel_loop3A_426 {strides = array<i32>} : memref<80x128xf32, #tpu.memory_space<vmem>>, vector<1x16xf32>,
        %parallel_loop3A_427 = arith.index_cast %parallel_loop3A_375 : i32 to index
        %parallel_loop3A_428 = arith.constant 48 : index
        %parallel_loop3A_429 = tpu.vector_load %arg11[%parallel_loop3A_427, %parallel_loop3A_428] {strides = array<i32>} : memref<80x128xf32, #tpu.memory_space<vmem>>, vector<1x16xf32>,
        %parallel_loop3A_430 = vector.shape_cast %parallel_loop3A_429 : vector<1x16xf32> to vector<16xf32>
        %parallel_loop3A_431 = arith.index_cast %parallel_loop3A_375 : i32 to index
        %parallel_loop3A_432 = arith.constant 48 : index
        %parallel_loop3A_433 = tpu.vector_load %arg13[%parallel_loop3A_431, %parallel_loop3A_432] {strides = array<i32>} : memref<80x128xf32, #tpu.memory_space<vmem>>, vector<1x16xf32>,
        %parallel_loop3A_434 = vector.shape_cast %parallel_loop3A_433 : vector<1x16xf32> to vector<16xf32>
        %parallel_loop3A_435 = arith.addf %parallel_loop3A_430, %parallel_loop3A_434 : vector<16xf32>
        %parallel_loop3A_436 = arith.constant 0.000000e+00 : f32
        %parallel_loop3A_437 = vector.broadcast %parallel_loop3A_436 : f32 to vector<16xf32>
        %parallel_loop3A_438 = arith.maximumf %parallel_loop3A_435, %parallel_loop3A_437 : vector<16xf32>
        %parallel_loop3A_439 = arith.index_cast %parallel_loop3A_375 : i32 to index
        %parallel_loop3A_440 = arith.constant 48 : index
        %parallel_loop3A_441 = tpu.vector_load %arg11[%parallel_loop3A_439, %parallel_loop3A_440] {strides = array<i32>} : memref<80x128xf32, #tpu.memory_space<vmem>>, vector<1x16xf32>,
        %parallel_loop3A_442 = vector.shape_cast %parallel_loop3A_441 : vector<1x16xf32> to vector<16xf32>
        %parallel_loop3A_443 = vector.shape_cast %parallel_loop3A_438 : vector<16xf32> to vector<1x16xf32>
        tpu.vector_store %arg11[%parallel_loop3A_439, %parallel_loop3A_440], %parallel_loop3A_443 {strides = array<i32>} : memref<80x128xf32, #tpu.memory_space<vmem>>, vector<1x16xf32>,
        %parallel_loop3A_444 = arith.index_cast %parallel_loop3A_375 : i32 to index
        %parallel_loop3A_445 = arith.constant 64 : index
        %parallel_loop3A_446 = tpu.vector_load %arg11[%parallel_loop3A_444, %parallel_loop3A_445] {strides = array<i32>} : memref<80x128xf32, #tpu.memory_space<vmem>>, vector<1x16xf32>,
        %parallel_loop3A_447 = vector.shape_cast %parallel_loop3A_446 : vector<1x16xf32> to vector<16xf32>
        %parallel_loop3A_448 = arith.index_cast %parallel_loop3A_375 : i32 to index
        %parallel_loop3A_449 = arith.constant 64 : index
        %parallel_loop3A_450 = tpu.vector_load %arg13[%parallel_loop3A_448, %parallel_loop3A_449] {strides = array<i32>} : memref<80x128xf32, #tpu.memory_space<vmem>>, vector<1x16xf32>,
        %parallel_loop3A_451 = vector.shape_cast %parallel_loop3A_450 : vector<1x16xf32> to vector<16xf32>
        %parallel_loop3A_452 = arith.addf %parallel_loop3A_447, %parallel_loop3A_451 : vector<16xf32>
        %parallel_loop3A_453 = arith.constant 0.000000e+00 : f32
        %parallel_loop3A_454 = vector.broadcast %parallel_loop3A_453 : f32 to vector<16xf32>
        %parallel_loop3A_455 = arith.maximumf %parallel_loop3A_452, %parallel_loop3A_454 : vector<16xf32>
        %parallel_loop3A_456 = arith.index_cast %parallel_loop3A_375 : i32 to index
        %parallel_loop3A_457 = arith.constant 64 : index
        %parallel_loop3A_458 = tpu.vector_load %arg11[%parallel_loop3A_456, %parallel_loop3A_457] {strides = array<i32>} : memref<80x128xf32, #tpu.memory_space<vmem>>, vector<1x16xf32>,
        %parallel_loop3A_459 = vector.shape_cast %parallel_loop3A_458 : vector<1x16xf32> to vector<16xf32>
        %parallel_loop3A_460 = vector.shape_cast %parallel_loop3A_455 : vector<16xf32> to vector<1x16xf32>
        tpu.vector_store %arg11[%parallel_loop3A_456, %parallel_loop3A_457], %parallel_loop3A_460 {strides = array<i32>} : memref<80x128xf32, #tpu.memory_space<vmem>>, vector<1x16xf32>,
        %parallel_loop3A_461 = arith.index_cast %parallel_loop3A_375 : i32 to index
        %parallel_loop3A_462 = arith.constant 80 : index
        %parallel_loop3A_463 = tpu.vector_load %arg11[%parallel_loop3A_461, %parallel_loop3A_462] {strides = array<i32>} : memref<80x128xf32, #tpu.memory_space<vmem>>, vector<1x16xf32>,
        %parallel_loop3A_464 = vector.shape_cast %parallel_loop3A_463 : vector<1x16xf32> to vector<16xf32>
        %parallel_loop3A_465 = arith.index_cast %parallel_loop3A_375 : i32 to index
        %parallel_loop3A_466 = arith.constant 80 : index
        %parallel_loop3A_467 = tpu.vector_load %arg13[%parallel_loop3A_465, %parallel_loop3A_466] {strides = array<i32>} : memref<80x128xf32, #tpu.memory_space<vmem>>, vector<1x16xf32>,
        %parallel_loop3A_468 = vector.shape_cast %parallel_loop3A_467 : vector<1x16xf32> to vector<16xf32>
        %parallel_loop3A_469 = arith.addf %parallel_loop3A_464, %parallel_loop3A_468 : vector<16xf32>
        %parallel_loop3A_470 = arith.constant 0.000000e+00 : f32
        %parallel_loop3A_471 = vector.broadcast %parallel_loop3A_470 : f32 to vector<16xf32>
        %parallel_loop3A_472 = arith.maximumf %parallel_loop3A_469, %parallel_loop3A_471 : vector<16xf32>
        %parallel_loop3A_473 = arith.index_cast %parallel_loop3A_375 : i32 to index
        %parallel_loop3A_474 = arith.constant 80 : index
        %parallel_loop3A_475 = tpu.vector_load %arg11[%parallel_loop3A_473, %parallel_loop3A_474] {strides = array<i32>} : memref<80x128xf32, #tpu.memory_space<vmem>>, vector<1x16xf32>,
        %parallel_loop3A_476 = vector.shape_cast %parallel_loop3A_475 : vector<1x16xf32> to vector<16xf32>
        %parallel_loop3A_477 = vector.shape_cast %parallel_loop3A_472 : vector<16xf32> to vector<1x16xf32>
        tpu.vector_store %arg11[%parallel_loop3A_473, %parallel_loop3A_474], %parallel_loop3A_477 {strides = array<i32>} : memref<80x128xf32, #tpu.memory_space<vmem>>, vector<1x16xf32>,
        %parallel_loop3A_478 = arith.index_cast %parallel_loop3A_375 : i32 to index
        %parallel_loop3A_479 = arith.constant 96 : index
        %parallel_loop3A_480 = tpu.vector_load %arg11[%parallel_loop3A_478, %parallel_loop3A_479] {strides = array<i32>} : memref<80x128xf32, #tpu.memory_space<vmem>>, vector<1x16xf32>,
        %parallel_loop3A_481 = vector.shape_cast %parallel_loop3A_480 : vector<1x16xf32> to vector<16xf32>
        %parallel_loop3A_482 = arith.index_cast %parallel_loop3A_375 : i32 to index
        %parallel_loop3A_483 = arith.constant 96 : index
        %parallel_loop3A_484 = tpu.vector_load %arg13[%parallel_loop3A_482, %parallel_loop3A_483] {strides = array<i32>} : memref<80x128xf32, #tpu.memory_space<vmem>>, vector<1x16xf32>,
        %parallel_loop3A_485 = vector.shape_cast %parallel_loop3A_484 : vector<1x16xf32> to vector<16xf32>
        %parallel_loop3A_486 = arith.addf %parallel_loop3A_481, %parallel_loop3A_485 : vector<16xf32>
        %parallel_loop3A_487 = arith.constant 0.000000e+00 : f32
        %parallel_loop3A_488 = vector.broadcast %parallel_loop3A_487 : f32 to vector<16xf32>
        %parallel_loop3A_489 = arith.maximumf %parallel_loop3A_486, %parallel_loop3A_488 : vector<16xf32>
        %parallel_loop3A_490 = arith.index_cast %parallel_loop3A_375 : i32 to index
        %parallel_loop3A_491 = arith.constant 96 : index
        %parallel_loop3A_492 = tpu.vector_load %arg11[%parallel_loop3A_490, %parallel_loop3A_491] {strides = array<i32>} : memref<80x128xf32, #tpu.memory_space<vmem>>, vector<1x16xf32>,
        %parallel_loop3A_493 = vector.shape_cast %parallel_loop3A_492 : vector<1x16xf32> to vector<16xf32>
        %parallel_loop3A_494 = vector.shape_cast %parallel_loop3A_489 : vector<16xf32> to vector<1x16xf32>
        tpu.vector_store %arg11[%parallel_loop3A_490, %parallel_loop3A_491], %parallel_loop3A_494 {strides = array<i32>} : memref<80x128xf32, #tpu.memory_space<vmem>>, vector<1x16xf32>,
        %parallel_loop3A_495 = arith.index_cast %parallel_loop3A_375 : i32 to index
        %parallel_loop3A_496 = arith.constant 112 : index
        %parallel_loop3A_497 = tpu.vector_load %arg11[%parallel_loop3A_495, %parallel_loop3A_496] {strides = array<i32>} : memref<80x128xf32, #tpu.memory_space<vmem>>, vector<1x16xf32>,
        %parallel_loop3A_498 = vector.shape_cast %parallel_loop3A_497 : vector<1x16xf32> to vector<16xf32>
        %parallel_loop3A_499 = arith.index_cast %parallel_loop3A_375 : i32 to index
        %parallel_loop3A_500 = arith.constant 112 : index
        %parallel_loop3A_501 = tpu.vector_load %arg13[%parallel_loop3A_499, %parallel_loop3A_500] {strides = array<i32>} : memref<80x128xf32, #tpu.memory_space<vmem>>, vector<1x16xf32>,
        %parallel_loop3A_502 = vector.shape_cast %parallel_loop3A_501 : vector<1x16xf32> to vector<16xf32>
        %parallel_loop3A_503 = arith.addf %parallel_loop3A_498, %parallel_loop3A_502 : vector<16xf32>
        %parallel_loop3A_504 = arith.constant 0.000000e+00 : f32
        %parallel_loop3A_505 = vector.broadcast %parallel_loop3A_504 : f32 to vector<16xf32>
        %parallel_loop3A_506 = arith.maximumf %parallel_loop3A_503, %parallel_loop3A_505 : vector<16xf32>
        %parallel_loop3A_507 = arith.index_cast %parallel_loop3A_375 : i32 to index
        %parallel_loop3A_508 = arith.constant 112 : index
        %parallel_loop3A_509 = tpu.vector_load %arg11[%parallel_loop3A_507, %parallel_loop3A_508] {strides = array<i32>} : memref<80x128xf32, #tpu.memory_space<vmem>>, vector<1x16xf32>,
        %parallel_loop3A_510 = vector.shape_cast %parallel_loop3A_509 : vector<1x16xf32> to vector<16xf32>
        %parallel_loop3A_511 = vector.shape_cast %parallel_loop3A_506 : vector<16xf32> to vector<1x16xf32>
        tpu.vector_store %arg11[%parallel_loop3A_507, %parallel_loop3A_508], %parallel_loop3A_511 {strides = array<i32>} : memref<80x128xf32, #tpu.memory_space<vmem>>, vector<1x16xf32>,
      } {sc.loop_unroll_factor = 8 : i64, sc.parallel_access}
      %dma_start3A_201 = arith.constant 1 : i32
      %dma_start3A_202 = arith.constant 0 : i32
      %dma_start3A_203 = tpu.memref_slice %arg7[%dma_start3A_201, %dma_start3A_202] : memref<2x80xi32, #tpu.memory_space<vmem>> -> memref<1x80xi32, #tpu.memory_space<vmem>>
      %dma_start3A_204 = tpu.memref_squeeze %dma_start3A_203 : memref<1x80xi32, #tpu.memory_space<vmem>> -> memref<80xi32, #tpu.memory_space<vmem>>
      %dma_start3A_205 = arith.constant 0 : i32
      %dma_start3A_206 = arith.constant 0 : i32
      %dma_start3A_207 = tpu.memref_slice %arg6[%dma_start3A_205, %dma_start3A_206] : memref<10000x128xf32, #tpu.memory_space<vmem_shared>> -> memref<10000x128xf32, #tpu.memory_space<vmem_shared>>
      tpu.enqueue_indirect_dma source(%arg11 : memref<80x128xf32, #tpu.memory_space<vmem>>) target(%dma_start3A_207 : memref<10000x128xf32, #tpu.memory_space<vmem_shared>>) offsets(%dma_start3A_204 : memref<80xi32, #tpu.memory_space<vmem>>) semaphore(%arg23 : memref<!tpu.dma_semaphore, #tpu.memory_space<semaphore_mem>>) {add = true}
      %dma_wait3A_208 = arith.constant 0 : i32
      %dma_wait3A_209 = arith.constant 0 : i32
      %dma_wait3A_210 = tpu.memref_slice %arg8[%dma_wait3A_208, %dma_wait3A_209] : memref<2x80xi32, #tpu.memory_space<vmem>> -> memref<1x80xi32, #tpu.memory_space<vmem>>
      %dma_wait3A_211 = tpu.memref_squeeze %dma_wait3A_210 : memref<1x80xi32, #tpu.memory_space<vmem>> -> memref<80xi32, #tpu.memory_space<vmem>>
      %dma_wait3A_212 = arith.constant 0 : i32
      %dma_wait3A_213 = arith.constant 0 : i32
      %dma_wait3A_214 = tpu.memref_slice %arg2[%dma_wait3A_212, %dma_wait3A_213] : memref<10000x128xf32, #tpu.memory_space<hbm>> -> memref<10000x128xf32, #tpu.memory_space<hbm>>
      tpu.wait_indirect_dma semaphore(%arg20 : memref<!tpu.dma_semaphore, #tpu.memory_space<semaphore_mem>>) src(%dma_wait3A_214 : memref<10000x128xf32, #tpu.memory_space<hbm>>) dst(%arg12 : memref<80x128xf32, #tpu.memory_space<vmem>>)
      %dma_wait3A_215 = arith.constant 0 : i32
      %dma_wait3A_216 = tpu.memref_slice %arg3[%add3A_182, %dma_wait3A_215] : memref<320000x128xf32, #tpu.memory_space<hbm>> -> memref<80x128xf32, #tpu.memory_space<hbm>>
      %dma_wait3A_217 = arith.constant 0 : i32
      %dma_wait3A_218 = tpu.memref_slice %arg3[%add3A_182, %dma_wait3A_217] : memref<320000x128xf32, #tpu.memory_space<hbm>> -> memref<80x128xf32, #tpu.memory_space<hbm>>
      tpu.wait_dma2 semaphore(%arg22 : memref<!tpu.dma_semaphore, #tpu.memory_space<semaphore_mem>>) src(%dma_wait3A_218 : memref<80x128xf32, #tpu.memory_space<hbm>>) dst(%arg14 : memref<80x128xf32, #tpu.memory_space<vmem>>)
      %parallel_loop3A_219 = arith.constant 0 : i32
      %parallel_loop3A_220 = arith.constant 80 : i32
      %parallel_loop3A_221 = arith.constant 1 : i32
      scf.for %parallel_loop3A_375 = %parallel_loop3A_219 to %parallel_loop3A_220 step %parallel_loop3A_221  : i32 {
        %parallel_loop3A_376 = arith.index_cast %parallel_loop3A_375 : i32 to index
        %parallel_loop3A_377 = arith.constant 0 : index
        %parallel_loop3A_378 = tpu.vector_load %arg12[%parallel_loop3A_376, %parallel_loop3A_377] {strides = array<i32>} : memref<80x128xf32, #tpu.memory_space<vmem>>, vector<1x16xf32>,
        %parallel_loop3A_379 = vector.shape_cast %parallel_loop3A_378 : vector<1x16xf32> to vector<16xf32>
        %parallel_loop3A_380 = arith.index_cast %parallel_loop3A_375 : i32 to index
        %parallel_loop3A_381 = arith.constant 0 : index
        %parallel_loop3A_382 = tpu.vector_load %arg14[%parallel_loop3A_380, %parallel_loop3A_381] {strides = array<i32>} : memref<80x128xf32, #tpu.memory_space<vmem>>, vector<1x16xf32>,
        %parallel_loop3A_383 = vector.shape_cast %parallel_loop3A_382 : vector<1x16xf32> to vector<16xf32>
        %parallel_loop3A_384 = arith.addf %parallel_loop3A_379, %parallel_loop3A_383 : vector<16xf32>
        %parallel_loop3A_385 = arith.constant 0.000000e+00 : f32
        %parallel_loop3A_386 = vector.broadcast %parallel_loop3A_385 : f32 to vector<16xf32>
        %parallel_loop3A_387 = arith.maximumf %parallel_loop3A_384, %parallel_loop3A_386 : vector<16xf32>
        %parallel_loop3A_388 = arith.index_cast %parallel_loop3A_375 : i32 to index
        %parallel_loop3A_389 = arith.constant 0 : index
        %parallel_loop3A_390 = tpu.vector_load %arg12[%parallel_loop3A_388, %parallel_loop3A_389] {strides = array<i32>} : memref<80x128xf32, #tpu.memory_space<vmem>>, vector<1x16xf32>,
        %parallel_loop3A_391 = vector.shape_cast %parallel_loop3A_390 : vector<1x16xf32> to vector<16xf32>
        %parallel_loop3A_392 = vector.shape_cast %parallel_loop3A_387 : vector<16xf32> to vector<1x16xf32>
        tpu.vector_store %arg12[%parallel_loop3A_388, %parallel_loop3A_389], %parallel_loop3A_392 {strides = array<i32>} : memref<80x128xf32, #tpu.memory_space<vmem>>, vector<1x16xf32>,
        %parallel_loop3A_393 = arith.index_cast %parallel_loop3A_375 : i32 to index
        %parallel_loop3A_394 = arith.constant 16 : index
        %parallel_loop3A_395 = tpu.vector_load %arg12[%parallel_loop3A_393, %parallel_loop3A_394] {strides = array<i32>} : memref<80x128xf32, #tpu.memory_space<vmem>>, vector<1x16xf32>,
        %parallel_loop3A_396 = vector.shape_cast %parallel_loop3A_395 : vector<1x16xf32> to vector<16xf32>
        %parallel_loop3A_397 = arith.index_cast %parallel_loop3A_375 : i32 to index
        %parallel_loop3A_398 = arith.constant 16 : index
        %parallel_loop3A_399 = tpu.vector_load %arg14[%parallel_loop3A_397, %parallel_loop3A_398] {strides = array<i32>} : memref<80x128xf32, #tpu.memory_space<vmem>>, vector<1x16xf32>,
        %parallel_loop3A_400 = vector.shape_cast %parallel_loop3A_399 : vector<1x16xf32> to vector<16xf32>
        %parallel_loop3A_401 = arith.addf %parallel_loop3A_396, %parallel_loop3A_400 : vector<16xf32>
        %parallel_loop3A_402 = arith.constant 0.000000e+00 : f32
        %parallel_loop3A_403 = vector.broadcast %parallel_loop3A_402 : f32 to vector<16xf32>
        %parallel_loop3A_404 = arith.maximumf %parallel_loop3A_401, %parallel_loop3A_403 : vector<16xf32>
        %parallel_loop3A_405 = arith.index_cast %parallel_loop3A_375 : i32 to index
        %parallel_loop3A_406 = arith.constant 16 : index
        %parallel_loop3A_407 = tpu.vector_load %arg12[%parallel_loop3A_405, %parallel_loop3A_406] {strides = array<i32>} : memref<80x128xf32, #tpu.memory_space<vmem>>, vector<1x16xf32>,
        %parallel_loop3A_408 = vector.shape_cast %parallel_loop3A_407 : vector<1x16xf32> to vector<16xf32>
        %parallel_loop3A_409 = vector.shape_cast %parallel_loop3A_404 : vector<16xf32> to vector<1x16xf32>
        tpu.vector_store %arg12[%parallel_loop3A_405, %parallel_loop3A_406], %parallel_loop3A_409 {strides = array<i32>} : memref<80x128xf32, #tpu.memory_space<vmem>>, vector<1x16xf32>,
        %parallel_loop3A_410 = arith.index_cast %parallel_loop3A_375 : i32 to index
        %parallel_loop3A_411 = arith.constant 32 : index
        %parallel_loop3A_412 = tpu.vector_load %arg12[%parallel_loop3A_410, %parallel_loop3A_411] {strides = array<i32>} : memref<80x128xf32, #tpu.memory_space<vmem>>, vector<1x16xf32>,
        %parallel_loop3A_413 = vector.shape_cast %parallel_loop3A_412 : vector<1x16xf32> to vector<16xf32>
        %parallel_loop3A_414 = arith.index_cast %parallel_loop3A_375 : i32 to index
        %parallel_loop3A_415 = arith.constant 32 : index
        %parallel_loop3A_416 = tpu.vector_load %arg14[%parallel_loop3A_414, %parallel_loop3A_415] {strides = array<i32>} : memref<80x128xf32, #tpu.memory_space<vmem>>, vector<1x16xf32>,
        %parallel_loop3A_417 = vector.shape_cast %parallel_loop3A_416 : vector<1x16xf32> to vector<16xf32>
        %parallel_loop3A_418 = arith.addf %parallel_loop3A_413, %parallel_loop3A_417 : vector<16xf32>
        %parallel_loop3A_419 = arith.constant 0.000000e+00 : f32
        %parallel_loop3A_420 = vector.broadcast %parallel_loop3A_419 : f32 to vector<16xf32>
        %parallel_loop3A_421 = arith.maximumf %parallel_loop3A_418, %parallel_loop3A_420 : vector<16xf32>
        %parallel_loop3A_422 = arith.index_cast %parallel_loop3A_375 : i32 to index
        %parallel_loop3A_423 = arith.constant 32 : index
        %parallel_loop3A_424 = tpu.vector_load %arg12[%parallel_loop3A_422, %parallel_loop3A_423] {strides = array<i32>} : memref<80x128xf32, #tpu.memory_space<vmem>>, vector<1x16xf32>,
        %parallel_loop3A_425 = vector.shape_cast %parallel_loop3A_424 : vector<1x16xf32> to vector<16xf32>
        %parallel_loop3A_426 = vector.shape_cast %parallel_loop3A_421 : vector<16xf32> to vector<1x16xf32>
        tpu.vector_store %arg12[%parallel_loop3A_422, %parallel_loop3A_423], %parallel_loop3A_426 {strides = array<i32>} : memref<80x128xf32, #tpu.memory_space<vmem>>, vector<1x16xf32>,
        %parallel_loop3A_427 = arith.index_cast %parallel_loop3A_375 : i32 to index
        %parallel_loop3A_428 = arith.constant 48 : index
        %parallel_loop3A_429 = tpu.vector_load %arg12[%parallel_loop3A_427, %parallel_loop3A_428] {strides = array<i32>} : memref<80x128xf32, #tpu.memory_space<vmem>>, vector<1x16xf32>,
        %parallel_loop3A_430 = vector.shape_cast %parallel_loop3A_429 : vector<1x16xf32> to vector<16xf32>
        %parallel_loop3A_431 = arith.index_cast %parallel_loop3A_375 : i32 to index
        %parallel_loop3A_432 = arith.constant 48 : index
        %parallel_loop3A_433 = tpu.vector_load %arg14[%parallel_loop3A_431, %parallel_loop3A_432] {strides = array<i32>} : memref<80x128xf32, #tpu.memory_space<vmem>>, vector<1x16xf32>,
        %parallel_loop3A_434 = vector.shape_cast %parallel_loop3A_433 : vector<1x16xf32> to vector<16xf32>
        %parallel_loop3A_435 = arith.addf %parallel_loop3A_430, %parallel_loop3A_434 : vector<16xf32>
        %parallel_loop3A_436 = arith.constant 0.000000e+00 : f32
        %parallel_loop3A_437 = vector.broadcast %parallel_loop3A_436 : f32 to vector<16xf32>
        %parallel_loop3A_438 = arith.maximumf %parallel_loop3A_435, %parallel_loop3A_437 : vector<16xf32>
        %parallel_loop3A_439 = arith.index_cast %parallel_loop3A_375 : i32 to index
        %parallel_loop3A_440 = arith.constant 48 : index
        %parallel_loop3A_441 = tpu.vector_load %arg12[%parallel_loop3A_439, %parallel_loop3A_440] {strides = array<i32>} : memref<80x128xf32, #tpu.memory_space<vmem>>, vector<1x16xf32>,
        %parallel_loop3A_442 = vector.shape_cast %parallel_loop3A_441 : vector<1x16xf32> to vector<16xf32>
        %parallel_loop3A_443 = vector.shape_cast %parallel_loop3A_438 : vector<16xf32> to vector<1x16xf32>
        tpu.vector_store %arg12[%parallel_loop3A_439, %parallel_loop3A_440], %parallel_loop3A_443 {strides = array<i32>} : memref<80x128xf32, #tpu.memory_space<vmem>>, vector<1x16xf32>,
        %parallel_loop3A_444 = arith.index_cast %parallel_loop3A_375 : i32 to index
        %parallel_loop3A_445 = arith.constant 64 : index
        %parallel_loop3A_446 = tpu.vector_load %arg12[%parallel_loop3A_444, %parallel_loop3A_445] {strides = array<i32>} : memref<80x128xf32, #tpu.memory_space<vmem>>, vector<1x16xf32>,
        %parallel_loop3A_447 = vector.shape_cast %parallel_loop3A_446 : vector<1x16xf32> to vector<16xf32>
        %parallel_loop3A_448 = arith.index_cast %parallel_loop3A_375 : i32 to index
        %parallel_loop3A_449 = arith.constant 64 : index
        %parallel_loop3A_450 = tpu.vector_load %arg14[%parallel_loop3A_448, %parallel_loop3A_449] {strides = array<i32>} : memref<80x128xf32, #tpu.memory_space<vmem>>, vector<1x16xf32>,
        %parallel_loop3A_451 = vector.shape_cast %parallel_loop3A_450 : vector<1x16xf32> to vector<16xf32>
        %parallel_loop3A_452 = arith.addf %parallel_loop3A_447, %parallel_loop3A_451 : vector<16xf32>
        %parallel_loop3A_453 = arith.constant 0.000000e+00 : f32
        %parallel_loop3A_454 = vector.broadcast %parallel_loop3A_453 : f32 to vector<16xf32>
        %parallel_loop3A_455 = arith.maximumf %parallel_loop3A_452, %parallel_loop3A_454 : vector<16xf32>
        %parallel_loop3A_456 = arith.index_cast %parallel_loop3A_375 : i32 to index
        %parallel_loop3A_457 = arith.constant 64 : index
        %parallel_loop3A_458 = tpu.vector_load %arg12[%parallel_loop3A_456, %parallel_loop3A_457] {strides = array<i32>} : memref<80x128xf32, #tpu.memory_space<vmem>>, vector<1x16xf32>,
        %parallel_loop3A_459 = vector.shape_cast %parallel_loop3A_458 : vector<1x16xf32> to vector<16xf32>
        %parallel_loop3A_460 = vector.shape_cast %parallel_loop3A_455 : vector<16xf32> to vector<1x16xf32>
        tpu.vector_store %arg12[%parallel_loop3A_456, %parallel_loop3A_457], %parallel_loop3A_460 {strides = array<i32>} : memref<80x128xf32, #tpu.memory_space<vmem>>, vector<1x16xf32>,
        %parallel_loop3A_461 = arith.index_cast %parallel_loop3A_375 : i32 to index
        %parallel_loop3A_462 = arith.constant 80 : index
        %parallel_loop3A_463 = tpu.vector_load %arg12[%parallel_loop3A_461, %parallel_loop3A_462] {strides = array<i32>} : memref<80x128xf32, #tpu.memory_space<vmem>>, vector<1x16xf32>,
        %parallel_loop3A_464 = vector.shape_cast %parallel_loop3A_463 : vector<1x16xf32> to vector<16xf32>
        %parallel_loop3A_465 = arith.index_cast %parallel_loop3A_375 : i32 to index
        %parallel_loop3A_466 = arith.constant 80 : index
        %parallel_loop3A_467 = tpu.vector_load %arg14[%parallel_loop3A_465, %parallel_loop3A_466] {strides = array<i32>} : memref<80x128xf32, #tpu.memory_space<vmem>>, vector<1x16xf32>,
        %parallel_loop3A_468 = vector.shape_cast %parallel_loop3A_467 : vector<1x16xf32> to vector<16xf32>
        %parallel_loop3A_469 = arith.addf %parallel_loop3A_464, %parallel_loop3A_468 : vector<16xf32>
        %parallel_loop3A_470 = arith.constant 0.000000e+00 : f32
        %parallel_loop3A_471 = vector.broadcast %parallel_loop3A_470 : f32 to vector<16xf32>
        %parallel_loop3A_472 = arith.maximumf %parallel_loop3A_469, %parallel_loop3A_471 : vector<16xf32>
        %parallel_loop3A_473 = arith.index_cast %parallel_loop3A_375 : i32 to index
        %parallel_loop3A_474 = arith.constant 80 : index
        %parallel_loop3A_475 = tpu.vector_load %arg12[%parallel_loop3A_473, %parallel_loop3A_474] {strides = array<i32>} : memref<80x128xf32, #tpu.memory_space<vmem>>, vector<1x16xf32>,
        %parallel_loop3A_476 = vector.shape_cast %parallel_loop3A_475 : vector<1x16xf32> to vector<16xf32>
        %parallel_loop3A_477 = vector.shape_cast %parallel_loop3A_472 : vector<16xf32> to vector<1x16xf32>
        tpu.vector_store %arg12[%parallel_loop3A_473, %parallel_loop3A_474], %parallel_loop3A_477 {strides = array<i32>} : memref<80x128xf32, #tpu.memory_space<vmem>>, vector<1x16xf32>,
        %parallel_loop3A_478 = arith.index_cast %parallel_loop3A_375 : i32 to index
        %parallel_loop3A_479 = arith.constant 96 : index
        %parallel_loop3A_480 = tpu.vector_load %arg12[%parallel_loop3A_478, %parallel_loop3A_479] {strides = array<i32>} : memref<80x128xf32, #tpu.memory_space<vmem>>, vector<1x16xf32>,
        %parallel_loop3A_481 = vector.shape_cast %parallel_loop3A_480 : vector<1x16xf32> to vector<16xf32>
        %parallel_loop3A_482 = arith.index_cast %parallel_loop3A_375 : i32 to index
        %parallel_loop3A_483 = arith.constant 96 : index
        %parallel_loop3A_484 = tpu.vector_load %arg14[%parallel_loop3A_482, %parallel_loop3A_483] {strides = array<i32>} : memref<80x128xf32, #tpu.memory_space<vmem>>, vector<1x16xf32>,
        %parallel_loop3A_485 = vector.shape_cast %parallel_loop3A_484 : vector<1x16xf32> to vector<16xf32>
        %parallel_loop3A_486 = arith.addf %parallel_loop3A_481, %parallel_loop3A_485 : vector<16xf32>
        %parallel_loop3A_487 = arith.constant 0.000000e+00 : f32
        %parallel_loop3A_488 = vector.broadcast %parallel_loop3A_487 : f32 to vector<16xf32>
        %parallel_loop3A_489 = arith.maximumf %parallel_loop3A_486, %parallel_loop3A_488 : vector<16xf32>
        %parallel_loop3A_490 = arith.index_cast %parallel_loop3A_375 : i32 to index
        %parallel_loop3A_491 = arith.constant 96 : index
        %parallel_loop3A_492 = tpu.vector_load %arg12[%parallel_loop3A_490, %parallel_loop3A_491] {strides = array<i32>} : memref<80x128xf32, #tpu.memory_space<vmem>>, vector<1x16xf32>,
        %parallel_loop3A_493 = vector.shape_cast %parallel_loop3A_492 : vector<1x16xf32> to vector<16xf32>
        %parallel_loop3A_494 = vector.shape_cast %parallel_loop3A_489 : vector<16xf32> to vector<1x16xf32>
        tpu.vector_store %arg12[%parallel_loop3A_490, %parallel_loop3A_491], %parallel_loop3A_494 {strides = array<i32>} : memref<80x128xf32, #tpu.memory_space<vmem>>, vector<1x16xf32>,
        %parallel_loop3A_495 = arith.index_cast %parallel_loop3A_375 : i32 to index
        %parallel_loop3A_496 = arith.constant 112 : index
        %parallel_loop3A_497 = tpu.vector_load %arg12[%parallel_loop3A_495, %parallel_loop3A_496] {strides = array<i32>} : memref<80x128xf32, #tpu.memory_space<vmem>>, vector<1x16xf32>,
        %parallel_loop3A_498 = vector.shape_cast %parallel_loop3A_497 : vector<1x16xf32> to vector<16xf32>
        %parallel_loop3A_499 = arith.index_cast %parallel_loop3A_375 : i32 to index
        %parallel_loop3A_500 = arith.constant 112 : index
        %parallel_loop3A_501 = tpu.vector_load %arg14[%parallel_loop3A_499, %parallel_loop3A_500] {strides = array<i32>} : memref<80x128xf32, #tpu.memory_space<vmem>>, vector<1x16xf32>,
        %parallel_loop3A_502 = vector.shape_cast %parallel_loop3A_501 : vector<1x16xf32> to vector<16xf32>
        %parallel_loop3A_503 = arith.addf %parallel_loop3A_498, %parallel_loop3A_502 : vector<16xf32>
        %parallel_loop3A_504 = arith.constant 0.000000e+00 : f32
        %parallel_loop3A_505 = vector.broadcast %parallel_loop3A_504 : f32 to vector<16xf32>
        %parallel_loop3A_506 = arith.maximumf %parallel_loop3A_503, %parallel_loop3A_505 : vector<16xf32>
        %parallel_loop3A_507 = arith.index_cast %parallel_loop3A_375 : i32 to index
        %parallel_loop3A_508 = arith.constant 112 : index
        %parallel_loop3A_509 = tpu.vector_load %arg12[%parallel_loop3A_507, %parallel_loop3A_508] {strides = array<i32>} : memref<80x128xf32, #tpu.memory_space<vmem>>, vector<1x16xf32>,
        %parallel_loop3A_510 = vector.shape_cast %parallel_loop3A_509 : vector<1x16xf32> to vector<16xf32>
        %parallel_loop3A_511 = vector.shape_cast %parallel_loop3A_506 : vector<16xf32> to vector<1x16xf32>
        tpu.vector_store %arg12[%parallel_loop3A_507, %parallel_loop3A_508], %parallel_loop3A_511 {strides = array<i32>} : memref<80x128xf32, #tpu.memory_space<vmem>>, vector<1x16xf32>,
      } {sc.loop_unroll_factor = 8 : i64, sc.parallel_access}
      %dma_start3A_222 = arith.constant 1 : i32
      %dma_start3A_223 = arith.constant 0 : i32
      %dma_start3A_224 = tpu.memref_slice %arg8[%dma_start3A_222, %dma_start3A_223] : memref<2x80xi32, #tpu.memory_space<vmem>> -> memref<1x80xi32, #tpu.memory_space<vmem>>
      %dma_start3A_225 = tpu.memref_squeeze %dma_start3A_224 : memref<1x80xi32, #tpu.memory_space<vmem>> -> memref<80xi32, #tpu.memory_space<vmem>>
      %dma_start3A_226 = arith.constant 0 : i32
      %dma_start3A_227 = arith.constant 0 : i32
      %dma_start3A_228 = tpu.memref_slice %arg6[%dma_start3A_226, %dma_start3A_227] : memref<10000x128xf32, #tpu.memory_space<vmem_shared>> -> memref<10000x128xf32, #tpu.memory_space<vmem_shared>>
      tpu.enqueue_indirect_dma source(%arg12 : memref<80x128xf32, #tpu.memory_space<vmem>>) target(%dma_start3A_228 : memref<10000x128xf32, #tpu.memory_space<vmem_shared>>) offsets(%dma_start3A_225 : memref<80xi32, #tpu.memory_space<vmem>>) semaphore(%arg24 : memref<!tpu.dma_semaphore, #tpu.memory_space<semaphore_mem>>) {add = true}
      %dma_wait3A_229 = arith.constant 1 : i32
      %dma_wait3A_230 = arith.constant 0 : i32
      %dma_wait3A_231 = tpu.memref_slice %arg7[%dma_wait3A_229, %dma_wait3A_230] : memref<2x80xi32, #tpu.memory_space<vmem>> -> memref<1x80xi32, #tpu.memory_space<vmem>>
      %dma_wait3A_232 = tpu.memref_squeeze %dma_wait3A_231 : memref<1x80xi32, #tpu.memory_space<vmem>> -> memref<80xi32, #tpu.memory_space<vmem>>
      %dma_wait3A_233 = arith.constant 0 : i32
      %dma_wait3A_234 = arith.constant 0 : i32
      %dma_wait3A_235 = tpu.memref_slice %arg6[%dma_wait3A_233, %dma_wait3A_234] : memref<10000x128xf32, #tpu.memory_space<vmem_shared>> -> memref<10000x128xf32, #tpu.memory_space<vmem_shared>>
      tpu.wait_indirect_dma semaphore(%arg23 : memref<!tpu.dma_semaphore, #tpu.memory_space<semaphore_mem>>) src(%arg11 : memref<80x128xf32, #tpu.memory_space<vmem>>) dst(%dma_wait3A_235 : memref<10000x128xf32, #tpu.memory_space<vmem_shared>>)
      %dma_wait3A_236 = arith.constant 0 : i32
      %dma_wait3A_237 = arith.constant 0 : i32
      %dma_wait3A_238 = arith.constant 0 : i32
      %dma_wait3A_239 = tpu.memref_slice %arg4[%add3A, %dma_wait3A_236, %dma_wait3A_237, %dma_wait3A_238] : memref<32x125x2x80xi32, #tpu.memory_space<hbm>> -> memref<1x1x2x80xi32, #tpu.memory_space<hbm>>
      %dma_wait3A_240 = tpu.memref_squeeze %dma_wait3A_239 : memref<1x1x2x80xi32, #tpu.memory_space<hbm>> -> memref<2x80xi32, #tpu.memory_space<hbm>>
      %dma_wait3A_241 = arith.constant 0 : i32
      %dma_wait3A_242 = arith.constant 0 : i32
      %dma_wait3A_243 = tpu.memref_slice %arg4[%add3A, %dma_wait3A_236, %dma_wait3A_241, %dma_wait3A_242] : memref<32x125x2x80xi32, #tpu.memory_space<hbm>> -> memref<1x1x2x80xi32, #tpu.memory_space<hbm>>
      %dma_wait3A_244 = tpu.memref_squeeze %dma_wait3A_243 : memref<1x1x2x80xi32, #tpu.memory_space<hbm>> -> memref<2x80xi32, #tpu.memory_space<hbm>>
      tpu.wait_dma2 semaphore(%arg17 : memref<!tpu.dma_semaphore, #tpu.memory_space<semaphore_mem>>) src(%dma_wait3A_244 : memref<2x80xi32, #tpu.memory_space<hbm>>) dst(%arg9 : memref<2x80xi32, #tpu.memory_space<vmem>>)
      %add3A_245 = arith.constant 2 : i32
      %add3A_246 = arith.addi %mul3A_114, %add3A_245 : i32
      %dma_start3A_247 = arith.constant 0 : i32
      %dma_start3A_248 = arith.constant 0 : i32
      %dma_start3A_249 = tpu.memref_slice %arg9[%dma_start3A_247, %dma_start3A_248] : memref<2x80xi32, #tpu.memory_space<vmem>> -> memref<1x80xi32, #tpu.memory_space<vmem>>
      %dma_start3A_250 = tpu.memref_squeeze %dma_start3A_249 : memref<1x80xi32, #tpu.memory_space<vmem>> -> memref<80xi32, #tpu.memory_space<vmem>>
      %dma_start3A_251 = arith.constant 0 : i32
      %dma_start3A_252 = arith.constant 0 : i32
      %dma_start3A_253 = tpu.memref_slice %arg2[%dma_start3A_251, %dma_start3A_252] : memref<10000x128xf32, #tpu.memory_space<hbm>> -> memref<10000x128xf32, #tpu.memory_space<hbm>>
      tpu.enqueue_indirect_dma source(%dma_start3A_253 : memref<10000x128xf32, #tpu.memory_space<hbm>>) target(%arg11 : memref<80x128xf32, #tpu.memory_space<vmem>>) offsets(%dma_start3A_250 : memref<80xi32, #tpu.memory_space<vmem>>) semaphore(%arg19 : memref<!tpu.dma_semaphore, #tpu.memory_space<semaphore_mem>>)
      %mul3A_254 = arith.constant 10000 : i32
      %mul3A_255 = arith.muli %add3A, %mul3A_254 : i32
      %mul3A_256 = arith.constant 80 : i32
      %mul3A_257 = arith.muli %add3A_246, %mul3A_256 : i32
      %add3A_258 = arith.addi %mul3A_255, %mul3A_257 : i32
      %dma_start3A_259 = arith.constant 0 : i32
      %dma_start3A_260 = tpu.memref_slice %arg3[%add3A_258, %dma_start3A_259] : memref<320000x128xf32, #tpu.memory_space<hbm>> -> memref<80x128xf32, #tpu.memory_space<hbm>>
      %dma_start3A_261 = arith.constant 0 : i32
      %dma_start3A_262 = tpu.memref_slice %arg3[%add3A_258, %dma_start3A_261] : memref<320000x128xf32, #tpu.memory_space<hbm>> -> memref<80x128xf32, #tpu.memory_space<hbm>>
      tpu.enqueue_dma source(%dma_start3A_262 : memref<80x128xf32, #tpu.memory_space<hbm>>) target(%arg13 : memref<80x128xf32, #tpu.memory_space<vmem>>) target_semaphore(%arg21 : memref<!tpu.dma_semaphore, #tpu.memory_space<semaphore_mem>>)
      %add3A_263 = arith.constant 4 : i32
      %add3A_264 = arith.addi %mul3A_114, %add3A_263 : i32
      %dma_start3A_265 = arith.constant 0 : i32
      %dma_start3A_266 = arith.constant 0 : i32
      %dma_start3A_267 = tpu.memref_slice %arg4[%add3A, %add3A_264, %dma_start3A_265, %dma_start3A_266] : memref<32x125x2x80xi32, #tpu.memory_space<hbm>> -> memref<1x1x2x80xi32, #tpu.memory_space<hbm>>
      %dma_start3A_268 = tpu.memref_squeeze %dma_start3A_267 : memref<1x1x2x80xi32, #tpu.memory_space<hbm>> -> memref<2x80xi32, #tpu.memory_space<hbm>>
      %dma_start3A_269 = arith.constant 0 : i32
      %dma_start3A_270 = arith.constant 0 : i32
      %dma_start3A_271 = tpu.memref_slice %arg4[%add3A, %add3A_264, %dma_start3A_269, %dma_start3A_270] : memref<32x125x2x80xi32, #tpu.memory_space<hbm>> -> memref<1x1x2x80xi32, #tpu.memory_space<hbm>>
      %dma_start3A_272 = tpu.memref_squeeze %dma_start3A_271 : memref<1x1x2x80xi32, #tpu.memory_space<hbm>> -> memref<2x80xi32, #tpu.memory_space<hbm>>
      tpu.enqueue_dma source(%dma_start3A_272 : memref<2x80xi32, #tpu.memory_space<hbm>>) target(%arg7 : memref<2x80xi32, #tpu.memory_space<vmem>>) target_semaphore(%arg15 : memref<!tpu.dma_semaphore, #tpu.memory_space<semaphore_mem>>)
      %dma_wait3A_273 = arith.constant 1 : i32
      %dma_wait3A_274 = arith.constant 0 : i32
      %dma_wait3A_275 = tpu.memref_slice %arg8[%dma_wait3A_273, %dma_wait3A_274] : memref<2x80xi32, #tpu.memory_space<vmem>> -> memref<1x80xi32, #tpu.memory_space<vmem>>
      %dma_wait3A_276 = tpu.memref_squeeze %dma_wait3A_275 : memref<1x80xi32, #tpu.memory_space<vmem>> -> memref<80xi32, #tpu.memory_space<vmem>>
      %dma_wait3A_277 = arith.constant 0 : i32
      %dma_wait3A_278 = arith.constant 0 : i32
      %dma_wait3A_279 = tpu.memref_slice %arg6[%dma_wait3A_277, %dma_wait3A_278] : memref<10000x128xf32, #tpu.memory_space<vmem_shared>> -> memref<10000x128xf32, #tpu.memory_space<vmem_shared>>
      tpu.wait_indirect_dma semaphore(%arg24 : memref<!tpu.dma_semaphore, #tpu.memory_space<semaphore_mem>>) src(%arg12 : memref<80x128xf32, #tpu.memory_space<vmem>>) dst(%dma_wait3A_279 : memref<10000x128xf32, #tpu.memory_space<vmem_shared>>)
      %dma_wait3A_280 = arith.constant 0 : i32
      %dma_wait3A_281 = arith.constant 0 : i32
      %dma_wait3A_282 = arith.constant 0 : i32
      %dma_wait3A_283 = tpu.memref_slice %arg4[%add3A, %dma_wait3A_280, %dma_wait3A_281, %dma_wait3A_282] : memref<32x125x2x80xi32, #tpu.memory_space<hbm>> -> memref<1x1x2x80xi32, #tpu.memory_space<hbm>>
      %dma_wait3A_284 = tpu.memref_squeeze %dma_wait3A_283 : memref<1x1x2x80xi32, #tpu.memory_space<hbm>> -> memref<2x80xi32, #tpu.memory_space<hbm>>
      %dma_wait3A_285 = arith.constant 0 : i32
      %dma_wait3A_286 = arith.constant 0 : i32
      %dma_wait3A_287 = tpu.memref_slice %arg4[%add3A, %dma_wait3A_280, %dma_wait3A_285, %dma_wait3A_286] : memref<32x125x2x80xi32, #tpu.memory_space<hbm>> -> memref<1x1x2x80xi32, #tpu.memory_space<hbm>>
      %dma_wait3A_288 = tpu.memref_squeeze %dma_wait3A_287 : memref<1x1x2x80xi32, #tpu.memory_space<hbm>> -> memref<2x80xi32, #tpu.memory_space<hbm>>
      tpu.wait_dma2 semaphore(%arg18 : memref<!tpu.dma_semaphore, #tpu.memory_space<semaphore_mem>>) src(%dma_wait3A_288 : memref<2x80xi32, #tpu.memory_space<hbm>>) dst(%arg10 : memref<2x80xi32, #tpu.memory_space<vmem>>)
      %add3A_289 = arith.constant 3 : i32
      %add3A_290 = arith.addi %mul3A_114, %add3A_289 : i32
      %dma_start3A_291 = arith.constant 0 : i32
      %dma_start3A_292 = arith.constant 0 : i32
      %dma_start3A_293 = tpu.memref_slice %arg10[%dma_start3A_291, %dma_start3A_292] : memref<2x80xi32, #tpu.memory_space<vmem>> -> memref<1x80xi32, #tpu.memory_space<vmem>>
      %dma_start3A_294 = tpu.memref_squeeze %dma_start3A_293 : memref<1x80xi32, #tpu.memory_space<vmem>> -> memref<80xi32, #tpu.memory_space<vmem>>
      %dma_start3A_295 = arith.constant 0 : i32
      %dma_start3A_296 = arith.constant 0 : i32
      %dma_start3A_297 = tpu.memref_slice %arg2[%dma_start3A_295, %dma_start3A_296] : memref<10000x128xf32, #tpu.memory_space<hbm>> -> memref<10000x128xf32, #tpu.memory_space<hbm>>
      tpu.enqueue_indirect_dma source(%dma_start3A_297 : memref<10000x128xf32, #tpu.memory_space<hbm>>) target(%arg12 : memref<80x128xf32, #tpu.memory_space<vmem>>) offsets(%dma_start3A_294 : memref<80xi32, #tpu.memory_space<vmem>>) semaphore(%arg20 : memref<!tpu.dma_semaphore, #tpu.memory_space<semaphore_mem>>)
      %mul3A_298 = arith.constant 10000 : i32
      %mul3A_299 = arith.muli %add3A, %mul3A_298 : i32
      %mul3A_300 = arith.constant 80 : i32
      %mul3A_301 = arith.muli %add3A_290, %mul3A_300 : i32
      %add3A_302 = arith.addi %mul3A_299, %mul3A_301 : i32
      %dma_start3A_303 = arith.constant 0 : i32
      %dma_start3A_304 = tpu.memref_slice %arg3[%add3A_302, %dma_start3A_303] : memref<320000x128xf32, #tpu.memory_space<hbm>> -> memref<80x128xf32, #tpu.memory_space<hbm>>
      %dma_start3A_305 = arith.constant 0 : i32
      %dma_start3A_306 = tpu.memref_slice %arg3[%add3A_302, %dma_start3A_305] : memref<320000x128xf32, #tpu.memory_space<hbm>> -> memref<80x128xf32, #tpu.memory_space<hbm>>
      tpu.enqueue_dma source(%dma_start3A_306 : memref<80x128xf32, #tpu.memory_space<hbm>>) target(%arg14 : memref<80x128xf32, #tpu.memory_space<vmem>>) target_semaphore(%arg22 : memref<!tpu.dma_semaphore, #tpu.memory_space<semaphore_mem>>)
      %add3A_307 = arith.constant 5 : i32
      %add3A_308 = arith.addi %mul3A_114, %add3A_307 : i32
      %min3A = arith.constant 124 : i32
      %min3A_309 = arith.minsi %add3A_308, %min3A : i32
      %dma_start3A_310 = arith.constant 0 : i32
      %dma_start3A_311 = arith.constant 0 : i32
      %dma_start3A_312 = tpu.memref_slice %arg4[%add3A, %min3A_309, %dma_start3A_310, %dma_start3A_311] : memref<32x125x2x80xi32, #tpu.memory_space<hbm>> -> memref<1x1x2x80xi32, #tpu.memory_space<hbm>>
      %dma_start3A_313 = tpu.memref_squeeze %dma_start3A_312 : memref<1x1x2x80xi32, #tpu.memory_space<hbm>> -> memref<2x80xi32, #tpu.memory_space<hbm>>
      %dma_start3A_314 = arith.constant 0 : i32
      %dma_start3A_315 = arith.constant 0 : i32
      %dma_start3A_316 = tpu.memref_slice %arg4[%add3A, %min3A_309, %dma_start3A_314, %dma_start3A_315] : memref<32x125x2x80xi32, #tpu.memory_space<hbm>> -> memref<1x1x2x80xi32, #tpu.memory_space<hbm>>
      %dma_start3A_317 = tpu.memref_squeeze %dma_start3A_316 : memref<1x1x2x80xi32, #tpu.memory_space<hbm>> -> memref<2x80xi32, #tpu.memory_space<hbm>>
      tpu.enqueue_dma source(%dma_start3A_317 : memref<2x80xi32, #tpu.memory_space<hbm>>) target(%arg8 : memref<2x80xi32, #tpu.memory_space<vmem>>) target_semaphore(%arg16 : memref<!tpu.dma_semaphore, #tpu.memory_space<semaphore_mem>>)
      %dma_wait3A_318 = arith.constant 0 : i32
      %dma_wait3A_319 = arith.constant 0 : i32
      %dma_wait3A_320 = tpu.memref_slice %arg9[%dma_wait3A_318, %dma_wait3A_319] : memref<2x80xi32, #tpu.memory_space<vmem>> -> memref<1x80xi32, #tpu.memory_space<vmem>>
      %dma_wait3A_321 = tpu.memref_squeeze %dma_wait3A_320 : memref<1x80xi32, #tpu.memory_space<vmem>> -> memref<80xi32, #tpu.memory_space<vmem>>
      %dma_wait3A_322 = arith.constant 0 : i32
      %dma_wait3A_323 = arith.constant 0 : i32
      %dma_wait3A_324 = tpu.memref_slice %arg2[%dma_wait3A_322, %dma_wait3A_323] : memref<10000x128xf32, #tpu.memory_space<hbm>> -> memref<10000x128xf32, #tpu.memory_space<hbm>>
      tpu.wait_indirect_dma semaphore(%arg19 : memref<!tpu.dma_semaphore, #tpu.memory_space<semaphore_mem>>) src(%dma_wait3A_324 : memref<10000x128xf32, #tpu.memory_space<hbm>>) dst(%arg11 : memref<80x128xf32, #tpu.memory_space<vmem>>)
      %dma_wait3A_325 = arith.constant 0 : i32
      %dma_wait3A_326 = tpu.memref_slice %arg3[%add3A_258, %dma_wait3A_325] : memref<320000x128xf32, #tpu.memory_space<hbm>> -> memref<80x128xf32, #tpu.memory_space<hbm>>
      %dma_wait3A_327 = arith.constant 0 : i32
      %dma_wait3A_328 = tpu.memref_slice %arg3[%add3A_258, %dma_wait3A_327] : memref<320000x128xf32, #tpu.memory_space<hbm>> -> memref<80x128xf32, #tpu.memory_space<hbm>>
      tpu.wait_dma2 semaphore(%arg21 : memref<!tpu.dma_semaphore, #tpu.memory_space<semaphore_mem>>) src(%dma_wait3A_328 : memref<80x128xf32, #tpu.memory_space<hbm>>) dst(%arg13 : memref<80x128xf32, #tpu.memory_space<vmem>>)
      %parallel_loop3A_329 = arith.constant 0 : i32
      %parallel_loop3A_330 = arith.constant 80 : i32
      %parallel_loop3A_331 = arith.constant 1 : i32
      scf.for %parallel_loop3A_375 = %parallel_loop3A_329 to %parallel_loop3A_330 step %parallel_loop3A_331  : i32 {
        %parallel_loop3A_376 = arith.index_cast %parallel_loop3A_375 : i32 to index
        %parallel_loop3A_377 = arith.constant 0 : index
        %parallel_loop3A_378 = tpu.vector_load %arg11[%parallel_loop3A_376, %parallel_loop3A_377] {strides = array<i32>} : memref<80x128xf32, #tpu.memory_space<vmem>>, vector<1x16xf32>,
        %parallel_loop3A_379 = vector.shape_cast %parallel_loop3A_378 : vector<1x16xf32> to vector<16xf32>
        %parallel_loop3A_380 = arith.index_cast %parallel_loop3A_375 : i32 to index
        %parallel_loop3A_381 = arith.constant 0 : index
        %parallel_loop3A_382 = tpu.vector_load %arg13[%parallel_loop3A_380, %parallel_loop3A_381] {strides = array<i32>} : memref<80x128xf32, #tpu.memory_space<vmem>>, vector<1x16xf32>,
        %parallel_loop3A_383 = vector.shape_cast %parallel_loop3A_382 : vector<1x16xf32> to vector<16xf32>
        %parallel_loop3A_384 = arith.addf %parallel_loop3A_379, %parallel_loop3A_383 : vector<16xf32>
        %parallel_loop3A_385 = arith.constant 0.000000e+00 : f32
        %parallel_loop3A_386 = vector.broadcast %parallel_loop3A_385 : f32 to vector<16xf32>
        %parallel_loop3A_387 = arith.maximumf %parallel_loop3A_384, %parallel_loop3A_386 : vector<16xf32>
        %parallel_loop3A_388 = arith.index_cast %parallel_loop3A_375 : i32 to index
        %parallel_loop3A_389 = arith.constant 0 : index
        %parallel_loop3A_390 = tpu.vector_load %arg11[%parallel_loop3A_388, %parallel_loop3A_389] {strides = array<i32>} : memref<80x128xf32, #tpu.memory_space<vmem>>, vector<1x16xf32>,
        %parallel_loop3A_391 = vector.shape_cast %parallel_loop3A_390 : vector<1x16xf32> to vector<16xf32>
        %parallel_loop3A_392 = vector.shape_cast %parallel_loop3A_387 : vector<16xf32> to vector<1x16xf32>
        tpu.vector_store %arg11[%parallel_loop3A_388, %parallel_loop3A_389], %parallel_loop3A_392 {strides = array<i32>} : memref<80x128xf32, #tpu.memory_space<vmem>>, vector<1x16xf32>,
        %parallel_loop3A_393 = arith.index_cast %parallel_loop3A_375 : i32 to index
        %parallel_loop3A_394 = arith.constant 16 : index
        %parallel_loop3A_395 = tpu.vector_load %arg11[%parallel_loop3A_393, %parallel_loop3A_394] {strides = array<i32>} : memref<80x128xf32, #tpu.memory_space<vmem>>, vector<1x16xf32>,
        %parallel_loop3A_396 = vector.shape_cast %parallel_loop3A_395 : vector<1x16xf32> to vector<16xf32>
        %parallel_loop3A_397 = arith.index_cast %parallel_loop3A_375 : i32 to index
        %parallel_loop3A_398 = arith.constant 16 : index
        %parallel_loop3A_399 = tpu.vector_load %arg13[%parallel_loop3A_397, %parallel_loop3A_398] {strides = array<i32>} : memref<80x128xf32, #tpu.memory_space<vmem>>, vector<1x16xf32>,
        %parallel_loop3A_400 = vector.shape_cast %parallel_loop3A_399 : vector<1x16xf32> to vector<16xf32>
        %parallel_loop3A_401 = arith.addf %parallel_loop3A_396, %parallel_loop3A_400 : vector<16xf32>
        %parallel_loop3A_402 = arith.constant 0.000000e+00 : f32
        %parallel_loop3A_403 = vector.broadcast %parallel_loop3A_402 : f32 to vector<16xf32>
        %parallel_loop3A_404 = arith.maximumf %parallel_loop3A_401, %parallel_loop3A_403 : vector<16xf32>
        %parallel_loop3A_405 = arith.index_cast %parallel_loop3A_375 : i32 to index
        %parallel_loop3A_406 = arith.constant 16 : index
        %parallel_loop3A_407 = tpu.vector_load %arg11[%parallel_loop3A_405, %parallel_loop3A_406] {strides = array<i32>} : memref<80x128xf32, #tpu.memory_space<vmem>>, vector<1x16xf32>,
        %parallel_loop3A_408 = vector.shape_cast %parallel_loop3A_407 : vector<1x16xf32> to vector<16xf32>
        %parallel_loop3A_409 = vector.shape_cast %parallel_loop3A_404 : vector<16xf32> to vector<1x16xf32>
        tpu.vector_store %arg11[%parallel_loop3A_405, %parallel_loop3A_406], %parallel_loop3A_409 {strides = array<i32>} : memref<80x128xf32, #tpu.memory_space<vmem>>, vector<1x16xf32>,
        %parallel_loop3A_410 = arith.index_cast %parallel_loop3A_375 : i32 to index
        %parallel_loop3A_411 = arith.constant 32 : index
        %parallel_loop3A_412 = tpu.vector_load %arg11[%parallel_loop3A_410, %parallel_loop3A_411] {strides = array<i32>} : memref<80x128xf32, #tpu.memory_space<vmem>>, vector<1x16xf32>,
        %parallel_loop3A_413 = vector.shape_cast %parallel_loop3A_412 : vector<1x16xf32> to vector<16xf32>
        %parallel_loop3A_414 = arith.index_cast %parallel_loop3A_375 : i32 to index
        %parallel_loop3A_415 = arith.constant 32 : index
        %parallel_loop3A_416 = tpu.vector_load %arg13[%parallel_loop3A_414, %parallel_loop3A_415] {strides = array<i32>} : memref<80x128xf32, #tpu.memory_space<vmem>>, vector<1x16xf32>,
        %parallel_loop3A_417 = vector.shape_cast %parallel_loop3A_416 : vector<1x16xf32> to vector<16xf32>
        %parallel_loop3A_418 = arith.addf %parallel_loop3A_413, %parallel_loop3A_417 : vector<16xf32>
        %parallel_loop3A_419 = arith.constant 0.000000e+00 : f32
        %parallel_loop3A_420 = vector.broadcast %parallel_loop3A_419 : f32 to vector<16xf32>
        %parallel_loop3A_421 = arith.maximumf %parallel_loop3A_418, %parallel_loop3A_420 : vector<16xf32>
        %parallel_loop3A_422 = arith.index_cast %parallel_loop3A_375 : i32 to index
        %parallel_loop3A_423 = arith.constant 32 : index
        %parallel_loop3A_424 = tpu.vector_load %arg11[%parallel_loop3A_422, %parallel_loop3A_423] {strides = array<i32>} : memref<80x128xf32, #tpu.memory_space<vmem>>, vector<1x16xf32>,
        %parallel_loop3A_425 = vector.shape_cast %parallel_loop3A_424 : vector<1x16xf32> to vector<16xf32>
        %parallel_loop3A_426 = vector.shape_cast %parallel_loop3A_421 : vector<16xf32> to vector<1x16xf32>
        tpu.vector_store %arg11[%parallel_loop3A_422, %parallel_loop3A_423], %parallel_loop3A_426 {strides = array<i32>} : memref<80x128xf32, #tpu.memory_space<vmem>>, vector<1x16xf32>,
        %parallel_loop3A_427 = arith.index_cast %parallel_loop3A_375 : i32 to index
        %parallel_loop3A_428 = arith.constant 48 : index
        %parallel_loop3A_429 = tpu.vector_load %arg11[%parallel_loop3A_427, %parallel_loop3A_428] {strides = array<i32>} : memref<80x128xf32, #tpu.memory_space<vmem>>, vector<1x16xf32>,
        %parallel_loop3A_430 = vector.shape_cast %parallel_loop3A_429 : vector<1x16xf32> to vector<16xf32>
        %parallel_loop3A_431 = arith.index_cast %parallel_loop3A_375 : i32 to index
        %parallel_loop3A_432 = arith.constant 48 : index
        %parallel_loop3A_433 = tpu.vector_load %arg13[%parallel_loop3A_431, %parallel_loop3A_432] {strides = array<i32>} : memref<80x128xf32, #tpu.memory_space<vmem>>, vector<1x16xf32>,
        %parallel_loop3A_434 = vector.shape_cast %parallel_loop3A_433 : vector<1x16xf32> to vector<16xf32>
        %parallel_loop3A_435 = arith.addf %parallel_loop3A_430, %parallel_loop3A_434 : vector<16xf32>
        %parallel_loop3A_436 = arith.constant 0.000000e+00 : f32
        %parallel_loop3A_437 = vector.broadcast %parallel_loop3A_436 : f32 to vector<16xf32>
        %parallel_loop3A_438 = arith.maximumf %parallel_loop3A_435, %parallel_loop3A_437 : vector<16xf32>
        %parallel_loop3A_439 = arith.index_cast %parallel_loop3A_375 : i32 to index
        %parallel_loop3A_440 = arith.constant 48 : index
        %parallel_loop3A_441 = tpu.vector_load %arg11[%parallel_loop3A_439, %parallel_loop3A_440] {strides = array<i32>} : memref<80x128xf32, #tpu.memory_space<vmem>>, vector<1x16xf32>,
        %parallel_loop3A_442 = vector.shape_cast %parallel_loop3A_441 : vector<1x16xf32> to vector<16xf32>
        %parallel_loop3A_443 = vector.shape_cast %parallel_loop3A_438 : vector<16xf32> to vector<1x16xf32>
        tpu.vector_store %arg11[%parallel_loop3A_439, %parallel_loop3A_440], %parallel_loop3A_443 {strides = array<i32>} : memref<80x128xf32, #tpu.memory_space<vmem>>, vector<1x16xf32>,
        %parallel_loop3A_444 = arith.index_cast %parallel_loop3A_375 : i32 to index
        %parallel_loop3A_445 = arith.constant 64 : index
        %parallel_loop3A_446 = tpu.vector_load %arg11[%parallel_loop3A_444, %parallel_loop3A_445] {strides = array<i32>} : memref<80x128xf32, #tpu.memory_space<vmem>>, vector<1x16xf32>,
        %parallel_loop3A_447 = vector.shape_cast %parallel_loop3A_446 : vector<1x16xf32> to vector<16xf32>
        %parallel_loop3A_448 = arith.index_cast %parallel_loop3A_375 : i32 to index
        %parallel_loop3A_449 = arith.constant 64 : index
        %parallel_loop3A_450 = tpu.vector_load %arg13[%parallel_loop3A_448, %parallel_loop3A_449] {strides = array<i32>} : memref<80x128xf32, #tpu.memory_space<vmem>>, vector<1x16xf32>,
        %parallel_loop3A_451 = vector.shape_cast %parallel_loop3A_450 : vector<1x16xf32> to vector<16xf32>
        %parallel_loop3A_452 = arith.addf %parallel_loop3A_447, %parallel_loop3A_451 : vector<16xf32>
        %parallel_loop3A_453 = arith.constant 0.000000e+00 : f32
        %parallel_loop3A_454 = vector.broadcast %parallel_loop3A_453 : f32 to vector<16xf32>
        %parallel_loop3A_455 = arith.maximumf %parallel_loop3A_452, %parallel_loop3A_454 : vector<16xf32>
        %parallel_loop3A_456 = arith.index_cast %parallel_loop3A_375 : i32 to index
        %parallel_loop3A_457 = arith.constant 64 : index
        %parallel_loop3A_458 = tpu.vector_load %arg11[%parallel_loop3A_456, %parallel_loop3A_457] {strides = array<i32>} : memref<80x128xf32, #tpu.memory_space<vmem>>, vector<1x16xf32>,
        %parallel_loop3A_459 = vector.shape_cast %parallel_loop3A_458 : vector<1x16xf32> to vector<16xf32>
        %parallel_loop3A_460 = vector.shape_cast %parallel_loop3A_455 : vector<16xf32> to vector<1x16xf32>
        tpu.vector_store %arg11[%parallel_loop3A_456, %parallel_loop3A_457], %parallel_loop3A_460 {strides = array<i32>} : memref<80x128xf32, #tpu.memory_space<vmem>>, vector<1x16xf32>,
        %parallel_loop3A_461 = arith.index_cast %parallel_loop3A_375 : i32 to index
        %parallel_loop3A_462 = arith.constant 80 : index
        %parallel_loop3A_463 = tpu.vector_load %arg11[%parallel_loop3A_461, %parallel_loop3A_462] {strides = array<i32>} : memref<80x128xf32, #tpu.memory_space<vmem>>, vector<1x16xf32>,
        %parallel_loop3A_464 = vector.shape_cast %parallel_loop3A_463 : vector<1x16xf32> to vector<16xf32>
        %parallel_loop3A_465 = arith.index_cast %parallel_loop3A_375 : i32 to index
        %parallel_loop3A_466 = arith.constant 80 : index
        %parallel_loop3A_467 = tpu.vector_load %arg13[%parallel_loop3A_465, %parallel_loop3A_466] {strides = array<i32>} : memref<80x128xf32, #tpu.memory_space<vmem>>, vector<1x16xf32>,
        %parallel_loop3A_468 = vector.shape_cast %parallel_loop3A_467 : vector<1x16xf32> to vector<16xf32>
        %parallel_loop3A_469 = arith.addf %parallel_loop3A_464, %parallel_loop3A_468 : vector<16xf32>
        %parallel_loop3A_470 = arith.constant 0.000000e+00 : f32
        %parallel_loop3A_471 = vector.broadcast %parallel_loop3A_470 : f32 to vector<16xf32>
        %parallel_loop3A_472 = arith.maximumf %parallel_loop3A_469, %parallel_loop3A_471 : vector<16xf32>
        %parallel_loop3A_473 = arith.index_cast %parallel_loop3A_375 : i32 to index
        %parallel_loop3A_474 = arith.constant 80 : index
        %parallel_loop3A_475 = tpu.vector_load %arg11[%parallel_loop3A_473, %parallel_loop3A_474] {strides = array<i32>} : memref<80x128xf32, #tpu.memory_space<vmem>>, vector<1x16xf32>,
        %parallel_loop3A_476 = vector.shape_cast %parallel_loop3A_475 : vector<1x16xf32> to vector<16xf32>
        %parallel_loop3A_477 = vector.shape_cast %parallel_loop3A_472 : vector<16xf32> to vector<1x16xf32>
        tpu.vector_store %arg11[%parallel_loop3A_473, %parallel_loop3A_474], %parallel_loop3A_477 {strides = array<i32>} : memref<80x128xf32, #tpu.memory_space<vmem>>, vector<1x16xf32>,
        %parallel_loop3A_478 = arith.index_cast %parallel_loop3A_375 : i32 to index
        %parallel_loop3A_479 = arith.constant 96 : index
        %parallel_loop3A_480 = tpu.vector_load %arg11[%parallel_loop3A_478, %parallel_loop3A_479] {strides = array<i32>} : memref<80x128xf32, #tpu.memory_space<vmem>>, vector<1x16xf32>,
        %parallel_loop3A_481 = vector.shape_cast %parallel_loop3A_480 : vector<1x16xf32> to vector<16xf32>
        %parallel_loop3A_482 = arith.index_cast %parallel_loop3A_375 : i32 to index
        %parallel_loop3A_483 = arith.constant 96 : index
        %parallel_loop3A_484 = tpu.vector_load %arg13[%parallel_loop3A_482, %parallel_loop3A_483] {strides = array<i32>} : memref<80x128xf32, #tpu.memory_space<vmem>>, vector<1x16xf32>,
        %parallel_loop3A_485 = vector.shape_cast %parallel_loop3A_484 : vector<1x16xf32> to vector<16xf32>
        %parallel_loop3A_486 = arith.addf %parallel_loop3A_481, %parallel_loop3A_485 : vector<16xf32>
        %parallel_loop3A_487 = arith.constant 0.000000e+00 : f32
        %parallel_loop3A_488 = vector.broadcast %parallel_loop3A_487 : f32 to vector<16xf32>
        %parallel_loop3A_489 = arith.maximumf %parallel_loop3A_486, %parallel_loop3A_488 : vector<16xf32>
        %parallel_loop3A_490 = arith.index_cast %parallel_loop3A_375 : i32 to index
        %parallel_loop3A_491 = arith.constant 96 : index
        %parallel_loop3A_492 = tpu.vector_load %arg11[%parallel_loop3A_490, %parallel_loop3A_491] {strides = array<i32>} : memref<80x128xf32, #tpu.memory_space<vmem>>, vector<1x16xf32>,
        %parallel_loop3A_493 = vector.shape_cast %parallel_loop3A_492 : vector<1x16xf32> to vector<16xf32>
        %parallel_loop3A_494 = vector.shape_cast %parallel_loop3A_489 : vector<16xf32> to vector<1x16xf32>
        tpu.vector_store %arg11[%parallel_loop3A_490, %parallel_loop3A_491], %parallel_loop3A_494 {strides = array<i32>} : memref<80x128xf32, #tpu.memory_space<vmem>>, vector<1x16xf32>,
        %parallel_loop3A_495 = arith.index_cast %parallel_loop3A_375 : i32 to index
        %parallel_loop3A_496 = arith.constant 112 : index
        %parallel_loop3A_497 = tpu.vector_load %arg11[%parallel_loop3A_495, %parallel_loop3A_496] {strides = array<i32>} : memref<80x128xf32, #tpu.memory_space<vmem>>, vector<1x16xf32>,
        %parallel_loop3A_498 = vector.shape_cast %parallel_loop3A_497 : vector<1x16xf32> to vector<16xf32>
        %parallel_loop3A_499 = arith.index_cast %parallel_loop3A_375 : i32 to index
        %parallel_loop3A_500 = arith.constant 112 : index
        %parallel_loop3A_501 = tpu.vector_load %arg13[%parallel_loop3A_499, %parallel_loop3A_500] {strides = array<i32>} : memref<80x128xf32, #tpu.memory_space<vmem>>, vector<1x16xf32>,
        %parallel_loop3A_502 = vector.shape_cast %parallel_loop3A_501 : vector<1x16xf32> to vector<16xf32>
        %parallel_loop3A_503 = arith.addf %parallel_loop3A_498, %parallel_loop3A_502 : vector<16xf32>
        %parallel_loop3A_504 = arith.constant 0.000000e+00 : f32
        %parallel_loop3A_505 = vector.broadcast %parallel_loop3A_504 : f32 to vector<16xf32>
        %parallel_loop3A_506 = arith.maximumf %parallel_loop3A_503, %parallel_loop3A_505 : vector<16xf32>
        %parallel_loop3A_507 = arith.index_cast %parallel_loop3A_375 : i32 to index
        %parallel_loop3A_508 = arith.constant 112 : index
        %parallel_loop3A_509 = tpu.vector_load %arg11[%parallel_loop3A_507, %parallel_loop3A_508] {strides = array<i32>} : memref<80x128xf32, #tpu.memory_space<vmem>>, vector<1x16xf32>,
        %parallel_loop3A_510 = vector.shape_cast %parallel_loop3A_509 : vector<1x16xf32> to vector<16xf32>
        %parallel_loop3A_511 = vector.shape_cast %parallel_loop3A_506 : vector<16xf32> to vector<1x16xf32>
        tpu.vector_store %arg11[%parallel_loop3A_507, %parallel_loop3A_508], %parallel_loop3A_511 {strides = array<i32>} : memref<80x128xf32, #tpu.memory_space<vmem>>, vector<1x16xf32>,
      } {sc.loop_unroll_factor = 8 : i64, sc.parallel_access}
      %dma_start3A_332 = arith.constant 1 : i32
      %dma_start3A_333 = arith.constant 0 : i32
      %dma_start3A_334 = tpu.memref_slice %arg9[%dma_start3A_332, %dma_start3A_333] : memref<2x80xi32, #tpu.memory_space<vmem>> -> memref<1x80xi32, #tpu.memory_space<vmem>>
      %dma_start3A_335 = tpu.memref_squeeze %dma_start3A_334 : memref<1x80xi32, #tpu.memory_space<vmem>> -> memref<80xi32, #tpu.memory_space<vmem>>
      %dma_start3A_336 = arith.constant 0 : i32
      %dma_start3A_337 = arith.constant 0 : i32
      %dma_start3A_338 = tpu.memref_slice %arg6[%dma_start3A_336, %dma_start3A_337] : memref<10000x128xf32, #tpu.memory_space<vmem_shared>> -> memref<10000x128xf32, #tpu.memory_space<vmem_shared>>
      tpu.enqueue_indirect_dma source(%arg11 : memref<80x128xf32, #tpu.memory_space<vmem>>) target(%dma_start3A_338 : memref<10000x128xf32, #tpu.memory_space<vmem_shared>>) offsets(%dma_start3A_335 : memref<80xi32, #tpu.memory_space<vmem>>) semaphore(%arg23 : memref<!tpu.dma_semaphore, #tpu.memory_space<semaphore_mem>>) {add = true}
      %dma_wait3A_339 = arith.constant 0 : i32
      %dma_wait3A_340 = arith.constant 0 : i32
      %dma_wait3A_341 = tpu.memref_slice %arg10[%dma_wait3A_339, %dma_wait3A_340] : memref<2x80xi32, #tpu.memory_space<vmem>> -> memref<1x80xi32, #tpu.memory_space<vmem>>
      %dma_wait3A_342 = tpu.memref_squeeze %dma_wait3A_341 : memref<1x80xi32, #tpu.memory_space<vmem>> -> memref<80xi32, #tpu.memory_space<vmem>>
      %dma_wait3A_343 = arith.constant 0 : i32
      %dma_wait3A_344 = arith.constant 0 : i32
      %dma_wait3A_345 = tpu.memref_slice %arg2[%dma_wait3A_343, %dma_wait3A_344] : memref<10000x128xf32, #tpu.memory_space<hbm>> -> memref<10000x128xf32, #tpu.memory_space<hbm>>
      tpu.wait_indirect_dma semaphore(%arg20 : memref<!tpu.dma_semaphore, #tpu.memory_space<semaphore_mem>>) src(%dma_wait3A_345 : memref<10000x128xf32, #tpu.memory_space<hbm>>) dst(%arg12 : memref<80x128xf32, #tpu.memory_space<vmem>>)
      %dma_wait3A_346 = arith.constant 0 : i32
      %dma_wait3A_347 = tpu.memref_slice %arg3[%add3A_302, %dma_wait3A_346] : memref<320000x128xf32, #tpu.memory_space<hbm>> -> memref<80x128xf32, #tpu.memory_space<hbm>>
      %dma_wait3A_348 = arith.constant 0 : i32
      %dma_wait3A_349 = tpu.memref_slice %arg3[%add3A_302, %dma_wait3A_348] : memref<320000x128xf32, #tpu.memory_space<hbm>> -> memref<80x128xf32, #tpu.memory_space<hbm>>
      tpu.wait_dma2 semaphore(%arg22 : memref<!tpu.dma_semaphore, #tpu.memory_space<semaphore_mem>>) src(%dma_wait3A_349 : memref<80x128xf32, #tpu.memory_space<hbm>>) dst(%arg14 : memref<80x128xf32, #tpu.memory_space<vmem>>)
      %parallel_loop3A_350 = arith.constant 0 : i32
      %parallel_loop3A_351 = arith.constant 80 : i32
      %parallel_loop3A_352 = arith.constant 1 : i32
      scf.for %parallel_loop3A_375 = %parallel_loop3A_350 to %parallel_loop3A_351 step %parallel_loop3A_352  : i32 {
        %parallel_loop3A_376 = arith.index_cast %parallel_loop3A_375 : i32 to index
        %parallel_loop3A_377 = arith.constant 0 : index
        %parallel_loop3A_378 = tpu.vector_load %arg12[%parallel_loop3A_376, %parallel_loop3A_377] {strides = array<i32>} : memref<80x128xf32, #tpu.memory_space<vmem>>, vector<1x16xf32>,
        %parallel_loop3A_379 = vector.shape_cast %parallel_loop3A_378 : vector<1x16xf32> to vector<16xf32>
        %parallel_loop3A_380 = arith.index_cast %parallel_loop3A_375 : i32 to index
        %parallel_loop3A_381 = arith.constant 0 : index
        %parallel_loop3A_382 = tpu.vector_load %arg14[%parallel_loop3A_380, %parallel_loop3A_381] {strides = array<i32>} : memref<80x128xf32, #tpu.memory_space<vmem>>, vector<1x16xf32>,
        %parallel_loop3A_383 = vector.shape_cast %parallel_loop3A_382 : vector<1x16xf32> to vector<16xf32>
        %parallel_loop3A_384 = arith.addf %parallel_loop3A_379, %parallel_loop3A_383 : vector<16xf32>
        %parallel_loop3A_385 = arith.constant 0.000000e+00 : f32
        %parallel_loop3A_386 = vector.broadcast %parallel_loop3A_385 : f32 to vector<16xf32>
        %parallel_loop3A_387 = arith.maximumf %parallel_loop3A_384, %parallel_loop3A_386 : vector<16xf32>
        %parallel_loop3A_388 = arith.index_cast %parallel_loop3A_375 : i32 to index
        %parallel_loop3A_389 = arith.constant 0 : index
        %parallel_loop3A_390 = tpu.vector_load %arg12[%parallel_loop3A_388, %parallel_loop3A_389] {strides = array<i32>} : memref<80x128xf32, #tpu.memory_space<vmem>>, vector<1x16xf32>,
        %parallel_loop3A_391 = vector.shape_cast %parallel_loop3A_390 : vector<1x16xf32> to vector<16xf32>
        %parallel_loop3A_392 = vector.shape_cast %parallel_loop3A_387 : vector<16xf32> to vector<1x16xf32>
        tpu.vector_store %arg12[%parallel_loop3A_388, %parallel_loop3A_389], %parallel_loop3A_392 {strides = array<i32>} : memref<80x128xf32, #tpu.memory_space<vmem>>, vector<1x16xf32>,
        %parallel_loop3A_393 = arith.index_cast %parallel_loop3A_375 : i32 to index
        %parallel_loop3A_394 = arith.constant 16 : index
        %parallel_loop3A_395 = tpu.vector_load %arg12[%parallel_loop3A_393, %parallel_loop3A_394] {strides = array<i32>} : memref<80x128xf32, #tpu.memory_space<vmem>>, vector<1x16xf32>,
        %parallel_loop3A_396 = vector.shape_cast %parallel_loop3A_395 : vector<1x16xf32> to vector<16xf32>
        %parallel_loop3A_397 = arith.index_cast %parallel_loop3A_375 : i32 to index
        %parallel_loop3A_398 = arith.constant 16 : index
        %parallel_loop3A_399 = tpu.vector_load %arg14[%parallel_loop3A_397, %parallel_loop3A_398] {strides = array<i32>} : memref<80x128xf32, #tpu.memory_space<vmem>>, vector<1x16xf32>,
        %parallel_loop3A_400 = vector.shape_cast %parallel_loop3A_399 : vector<1x16xf32> to vector<16xf32>
        %parallel_loop3A_401 = arith.addf %parallel_loop3A_396, %parallel_loop3A_400 : vector<16xf32>
        %parallel_loop3A_402 = arith.constant 0.000000e+00 : f32
        %parallel_loop3A_403 = vector.broadcast %parallel_loop3A_402 : f32 to vector<16xf32>
        %parallel_loop3A_404 = arith.maximumf %parallel_loop3A_401, %parallel_loop3A_403 : vector<16xf32>
        %parallel_loop3A_405 = arith.index_cast %parallel_loop3A_375 : i32 to index
        %parallel_loop3A_406 = arith.constant 16 : index
        %parallel_loop3A_407 = tpu.vector_load %arg12[%parallel_loop3A_405, %parallel_loop3A_406] {strides = array<i32>} : memref<80x128xf32, #tpu.memory_space<vmem>>, vector<1x16xf32>,
        %parallel_loop3A_408 = vector.shape_cast %parallel_loop3A_407 : vector<1x16xf32> to vector<16xf32>
        %parallel_loop3A_409 = vector.shape_cast %parallel_loop3A_404 : vector<16xf32> to vector<1x16xf32>
        tpu.vector_store %arg12[%parallel_loop3A_405, %parallel_loop3A_406], %parallel_loop3A_409 {strides = array<i32>} : memref<80x128xf32, #tpu.memory_space<vmem>>, vector<1x16xf32>,
        %parallel_loop3A_410 = arith.index_cast %parallel_loop3A_375 : i32 to index
        %parallel_loop3A_411 = arith.constant 32 : index
        %parallel_loop3A_412 = tpu.vector_load %arg12[%parallel_loop3A_410, %parallel_loop3A_411] {strides = array<i32>} : memref<80x128xf32, #tpu.memory_space<vmem>>, vector<1x16xf32>,
        %parallel_loop3A_413 = vector.shape_cast %parallel_loop3A_412 : vector<1x16xf32> to vector<16xf32>
        %parallel_loop3A_414 = arith.index_cast %parallel_loop3A_375 : i32 to index
        %parallel_loop3A_415 = arith.constant 32 : index
        %parallel_loop3A_416 = tpu.vector_load %arg14[%parallel_loop3A_414, %parallel_loop3A_415] {strides = array<i32>} : memref<80x128xf32, #tpu.memory_space<vmem>>, vector<1x16xf32>,
        %parallel_loop3A_417 = vector.shape_cast %parallel_loop3A_416 : vector<1x16xf32> to vector<16xf32>
        %parallel_loop3A_418 = arith.addf %parallel_loop3A_413, %parallel_loop3A_417 : vector<16xf32>
        %parallel_loop3A_419 = arith.constant 0.000000e+00 : f32
        %parallel_loop3A_420 = vector.broadcast %parallel_loop3A_419 : f32 to vector<16xf32>
        %parallel_loop3A_421 = arith.maximumf %parallel_loop3A_418, %parallel_loop3A_420 : vector<16xf32>
        %parallel_loop3A_422 = arith.index_cast %parallel_loop3A_375 : i32 to index
        %parallel_loop3A_423 = arith.constant 32 : index
        %parallel_loop3A_424 = tpu.vector_load %arg12[%parallel_loop3A_422, %parallel_loop3A_423] {strides = array<i32>} : memref<80x128xf32, #tpu.memory_space<vmem>>, vector<1x16xf32>,
        %parallel_loop3A_425 = vector.shape_cast %parallel_loop3A_424 : vector<1x16xf32> to vector<16xf32>
        %parallel_loop3A_426 = vector.shape_cast %parallel_loop3A_421 : vector<16xf32> to vector<1x16xf32>
        tpu.vector_store %arg12[%parallel_loop3A_422, %parallel_loop3A_423], %parallel_loop3A_426 {strides = array<i32>} : memref<80x128xf32, #tpu.memory_space<vmem>>, vector<1x16xf32>,
        %parallel_loop3A_427 = arith.index_cast %parallel_loop3A_375 : i32 to index
        %parallel_loop3A_428 = arith.constant 48 : index
        %parallel_loop3A_429 = tpu.vector_load %arg12[%parallel_loop3A_427, %parallel_loop3A_428] {strides = array<i32>} : memref<80x128xf32, #tpu.memory_space<vmem>>, vector<1x16xf32>,
        %parallel_loop3A_430 = vector.shape_cast %parallel_loop3A_429 : vector<1x16xf32> to vector<16xf32>
        %parallel_loop3A_431 = arith.index_cast %parallel_loop3A_375 : i32 to index
        %parallel_loop3A_432 = arith.constant 48 : index
        %parallel_loop3A_433 = tpu.vector_load %arg14[%parallel_loop3A_431, %parallel_loop3A_432] {strides = array<i32>} : memref<80x128xf32, #tpu.memory_space<vmem>>, vector<1x16xf32>,
        %parallel_loop3A_434 = vector.shape_cast %parallel_loop3A_433 : vector<1x16xf32> to vector<16xf32>
        %parallel_loop3A_435 = arith.addf %parallel_loop3A_430, %parallel_loop3A_434 : vector<16xf32>
        %parallel_loop3A_436 = arith.constant 0.000000e+00 : f32
        %parallel_loop3A_437 = vector.broadcast %parallel_loop3A_436 : f32 to vector<16xf32>
        %parallel_loop3A_438 = arith.maximumf %parallel_loop3A_435, %parallel_loop3A_437 : vector<16xf32>
        %parallel_loop3A_439 = arith.index_cast %parallel_loop3A_375 : i32 to index
        %parallel_loop3A_440 = arith.constant 48 : index
        %parallel_loop3A_441 = tpu.vector_load %arg12[%parallel_loop3A_439, %parallel_loop3A_440] {strides = array<i32>} : memref<80x128xf32, #tpu.memory_space<vmem>>, vector<1x16xf32>,
        %parallel_loop3A_442 = vector.shape_cast %parallel_loop3A_441 : vector<1x16xf32> to vector<16xf32>
        %parallel_loop3A_443 = vector.shape_cast %parallel_loop3A_438 : vector<16xf32> to vector<1x16xf32>
        tpu.vector_store %arg12[%parallel_loop3A_439, %parallel_loop3A_440], %parallel_loop3A_443 {strides = array<i32>} : memref<80x128xf32, #tpu.memory_space<vmem>>, vector<1x16xf32>,
        %parallel_loop3A_444 = arith.index_cast %parallel_loop3A_375 : i32 to index
        %parallel_loop3A_445 = arith.constant 64 : index
        %parallel_loop3A_446 = tpu.vector_load %arg12[%parallel_loop3A_444, %parallel_loop3A_445] {strides = array<i32>} : memref<80x128xf32, #tpu.memory_space<vmem>>, vector<1x16xf32>,
        %parallel_loop3A_447 = vector.shape_cast %parallel_loop3A_446 : vector<1x16xf32> to vector<16xf32>
        %parallel_loop3A_448 = arith.index_cast %parallel_loop3A_375 : i32 to index
        %parallel_loop3A_449 = arith.constant 64 : index
        %parallel_loop3A_450 = tpu.vector_load %arg14[%parallel_loop3A_448, %parallel_loop3A_449] {strides = array<i32>} : memref<80x128xf32, #tpu.memory_space<vmem>>, vector<1x16xf32>,
        %parallel_loop3A_451 = vector.shape_cast %parallel_loop3A_450 : vector<1x16xf32> to vector<16xf32>
        %parallel_loop3A_452 = arith.addf %parallel_loop3A_447, %parallel_loop3A_451 : vector<16xf32>
        %parallel_loop3A_453 = arith.constant 0.000000e+00 : f32
        %parallel_loop3A_454 = vector.broadcast %parallel_loop3A_453 : f32 to vector<16xf32>
        %parallel_loop3A_455 = arith.maximumf %parallel_loop3A_452, %parallel_loop3A_454 : vector<16xf32>
        %parallel_loop3A_456 = arith.index_cast %parallel_loop3A_375 : i32 to index
        %parallel_loop3A_457 = arith.constant 64 : index
        %parallel_loop3A_458 = tpu.vector_load %arg12[%parallel_loop3A_456, %parallel_loop3A_457] {strides = array<i32>} : memref<80x128xf32, #tpu.memory_space<vmem>>, vector<1x16xf32>,
        %parallel_loop3A_459 = vector.shape_cast %parallel_loop3A_458 : vector<1x16xf32> to vector<16xf32>
        %parallel_loop3A_460 = vector.shape_cast %parallel_loop3A_455 : vector<16xf32> to vector<1x16xf32>
        tpu.vector_store %arg12[%parallel_loop3A_456, %parallel_loop3A_457], %parallel_loop3A_460 {strides = array<i32>} : memref<80x128xf32, #tpu.memory_space<vmem>>, vector<1x16xf32>,
        %parallel_loop3A_461 = arith.index_cast %parallel_loop3A_375 : i32 to index
        %parallel_loop3A_462 = arith.constant 80 : index
        %parallel_loop3A_463 = tpu.vector_load %arg12[%parallel_loop3A_461, %parallel_loop3A_462] {strides = array<i32>} : memref<80x128xf32, #tpu.memory_space<vmem>>, vector<1x16xf32>,
        %parallel_loop3A_464 = vector.shape_cast %parallel_loop3A_463 : vector<1x16xf32> to vector<16xf32>
        %parallel_loop3A_465 = arith.index_cast %parallel_loop3A_375 : i32 to index
        %parallel_loop3A_466 = arith.constant 80 : index
        %parallel_loop3A_467 = tpu.vector_load %arg14[%parallel_loop3A_465, %parallel_loop3A_466] {strides = array<i32>} : memref<80x128xf32, #tpu.memory_space<vmem>>, vector<1x16xf32>,
        %parallel_loop3A_468 = vector.shape_cast %parallel_loop3A_467 : vector<1x16xf32> to vector<16xf32>
        %parallel_loop3A_469 = arith.addf %parallel_loop3A_464, %parallel_loop3A_468 : vector<16xf32>
        %parallel_loop3A_470 = arith.constant 0.000000e+00 : f32
        %parallel_loop3A_471 = vector.broadcast %parallel_loop3A_470 : f32 to vector<16xf32>
        %parallel_loop3A_472 = arith.maximumf %parallel_loop3A_469, %parallel_loop3A_471 : vector<16xf32>
        %parallel_loop3A_473 = arith.index_cast %parallel_loop3A_375 : i32 to index
        %parallel_loop3A_474 = arith.constant 80 : index
        %parallel_loop3A_475 = tpu.vector_load %arg12[%parallel_loop3A_473, %parallel_loop3A_474] {strides = array<i32>} : memref<80x128xf32, #tpu.memory_space<vmem>>, vector<1x16xf32>,
        %parallel_loop3A_476 = vector.shape_cast %parallel_loop3A_475 : vector<1x16xf32> to vector<16xf32>
        %parallel_loop3A_477 = vector.shape_cast %parallel_loop3A_472 : vector<16xf32> to vector<1x16xf32>
        tpu.vector_store %arg12[%parallel_loop3A_473, %parallel_loop3A_474], %parallel_loop3A_477 {strides = array<i32>} : memref<80x128xf32, #tpu.memory_space<vmem>>, vector<1x16xf32>,
        %parallel_loop3A_478 = arith.index_cast %parallel_loop3A_375 : i32 to index
        %parallel_loop3A_479 = arith.constant 96 : index
        %parallel_loop3A_480 = tpu.vector_load %arg12[%parallel_loop3A_478, %parallel_loop3A_479] {strides = array<i32>} : memref<80x128xf32, #tpu.memory_space<vmem>>, vector<1x16xf32>,
        %parallel_loop3A_481 = vector.shape_cast %parallel_loop3A_480 : vector<1x16xf32> to vector<16xf32>
        %parallel_loop3A_482 = arith.index_cast %parallel_loop3A_375 : i32 to index
        %parallel_loop3A_483 = arith.constant 96 : index
        %parallel_loop3A_484 = tpu.vector_load %arg14[%parallel_loop3A_482, %parallel_loop3A_483] {strides = array<i32>} : memref<80x128xf32, #tpu.memory_space<vmem>>, vector<1x16xf32>,
        %parallel_loop3A_485 = vector.shape_cast %parallel_loop3A_484 : vector<1x16xf32> to vector<16xf32>
        %parallel_loop3A_486 = arith.addf %parallel_loop3A_481, %parallel_loop3A_485 : vector<16xf32>
        %parallel_loop3A_487 = arith.constant 0.000000e+00 : f32
        %parallel_loop3A_488 = vector.broadcast %parallel_loop3A_487 : f32 to vector<16xf32>
        %parallel_loop3A_489 = arith.maximumf %parallel_loop3A_486, %parallel_loop3A_488 : vector<16xf32>
        %parallel_loop3A_490 = arith.index_cast %parallel_loop3A_375 : i32 to index
        %parallel_loop3A_491 = arith.constant 96 : index
        %parallel_loop3A_492 = tpu.vector_load %arg12[%parallel_loop3A_490, %parallel_loop3A_491] {strides = array<i32>} : memref<80x128xf32, #tpu.memory_space<vmem>>, vector<1x16xf32>,
        %parallel_loop3A_493 = vector.shape_cast %parallel_loop3A_492 : vector<1x16xf32> to vector<16xf32>
        %parallel_loop3A_494 = vector.shape_cast %parallel_loop3A_489 : vector<16xf32> to vector<1x16xf32>
        tpu.vector_store %arg12[%parallel_loop3A_490, %parallel_loop3A_491], %parallel_loop3A_494 {strides = array<i32>} : memref<80x128xf32, #tpu.memory_space<vmem>>, vector<1x16xf32>,
        %parallel_loop3A_495 = arith.index_cast %parallel_loop3A_375 : i32 to index
        %parallel_loop3A_496 = arith.constant 112 : index
        %parallel_loop3A_497 = tpu.vector_load %arg12[%parallel_loop3A_495, %parallel_loop3A_496] {strides = array<i32>} : memref<80x128xf32, #tpu.memory_space<vmem>>, vector<1x16xf32>,
        %parallel_loop3A_498 = vector.shape_cast %parallel_loop3A_497 : vector<1x16xf32> to vector<16xf32>
        %parallel_loop3A_499 = arith.index_cast %parallel_loop3A_375 : i32 to index
        %parallel_loop3A_500 = arith.constant 112 : index
        %parallel_loop3A_501 = tpu.vector_load %arg14[%parallel_loop3A_499, %parallel_loop3A_500] {strides = array<i32>} : memref<80x128xf32, #tpu.memory_space<vmem>>, vector<1x16xf32>,
        %parallel_loop3A_502 = vector.shape_cast %parallel_loop3A_501 : vector<1x16xf32> to vector<16xf32>
        %parallel_loop3A_503 = arith.addf %parallel_loop3A_498, %parallel_loop3A_502 : vector<16xf32>
        %parallel_loop3A_504 = arith.constant 0.000000e+00 : f32
        %parallel_loop3A_505 = vector.broadcast %parallel_loop3A_504 : f32 to vector<16xf32>
        %parallel_loop3A_506 = arith.maximumf %parallel_loop3A_503, %parallel_loop3A_505 : vector<16xf32>
        %parallel_loop3A_507 = arith.index_cast %parallel_loop3A_375 : i32 to index
        %parallel_loop3A_508 = arith.constant 112 : index
        %parallel_loop3A_509 = tpu.vector_load %arg12[%parallel_loop3A_507, %parallel_loop3A_508] {strides = array<i32>} : memref<80x128xf32, #tpu.memory_space<vmem>>, vector<1x16xf32>,
        %parallel_loop3A_510 = vector.shape_cast %parallel_loop3A_509 : vector<1x16xf32> to vector<16xf32>
        %parallel_loop3A_511 = vector.shape_cast %parallel_loop3A_506 : vector<16xf32> to vector<1x16xf32>
        tpu.vector_store %arg12[%parallel_loop3A_507, %parallel_loop3A_508], %parallel_loop3A_511 {strides = array<i32>} : memref<80x128xf32, #tpu.memory_space<vmem>>, vector<1x16xf32>,
      } {sc.loop_unroll_factor = 8 : i64, sc.parallel_access}
      %dma_start3A_353 = arith.constant 1 : i32
      %dma_start3A_354 = arith.constant 0 : i32
      %dma_start3A_355 = tpu.memref_slice %arg10[%dma_start3A_353, %dma_start3A_354] : memref<2x80xi32, #tpu.memory_space<vmem>> -> memref<1x80xi32, #tpu.memory_space<vmem>>
      %dma_start3A_356 = tpu.memref_squeeze %dma_start3A_355 : memref<1x80xi32, #tpu.memory_space<vmem>> -> memref<80xi32, #tpu.memory_space<vmem>>
      %dma_start3A_357 = arith.constant 0 : i32
      %dma_start3A_358 = arith.constant 0 : i32
      %dma_start3A_359 = tpu.memref_slice %arg6[%dma_start3A_357, %dma_start3A_358] : memref<10000x128xf32, #tpu.memory_space<vmem_shared>> -> memref<10000x128xf32, #tpu.memory_space<vmem_shared>>
      tpu.enqueue_indirect_dma source(%arg12 : memref<80x128xf32, #tpu.memory_space<vmem>>) target(%dma_start3A_359 : memref<10000x128xf32, #tpu.memory_space<vmem_shared>>) offsets(%dma_start3A_356 : memref<80xi32, #tpu.memory_space<vmem>>) semaphore(%arg24 : memref<!tpu.dma_semaphore, #tpu.memory_space<semaphore_mem>>) {add = true}
      %dma_wait3A_360 = arith.constant 1 : i32
      %dma_wait3A_361 = arith.constant 0 : i32
      %dma_wait3A_362 = tpu.memref_slice %arg9[%dma_wait3A_360, %dma_wait3A_361] : memref<2x80xi32, #tpu.memory_space<vmem>> -> memref<1x80xi32, #tpu.memory_space<vmem>>
      %dma_wait3A_363 = tpu.memref_squeeze %dma_wait3A_362 : memref<1x80xi32, #tpu.memory_space<vmem>> -> memref<80xi32, #tpu.memory_space<vmem>>
      %dma_wait3A_364 = arith.constant 0 : i32
      %dma_wait3A_365 = arith.constant 0 : i32
      %dma_wait3A_366 = tpu.memref_slice %arg6[%dma_wait3A_364, %dma_wait3A_365] : memref<10000x128xf32, #tpu.memory_space<vmem_shared>> -> memref<10000x128xf32, #tpu.memory_space<vmem_shared>>
      tpu.wait_indirect_dma semaphore(%arg23 : memref<!tpu.dma_semaphore, #tpu.memory_space<semaphore_mem>>) src(%arg11 : memref<80x128xf32, #tpu.memory_space<vmem>>) dst(%dma_wait3A_366 : memref<10000x128xf32, #tpu.memory_space<vmem_shared>>)
      %dma_wait3A_367 = arith.constant 1 : i32
      %dma_wait3A_368 = arith.constant 0 : i32
      %dma_wait3A_369 = tpu.memref_slice %arg10[%dma_wait3A_367, %dma_wait3A_368] : memref<2x80xi32, #tpu.memory_space<vmem>> -> memref<1x80xi32, #tpu.memory_space<vmem>>
      %dma_wait3A_370 = tpu.memref_squeeze %dma_wait3A_369 : memref<1x80xi32, #tpu.memory_space<vmem>> -> memref<80xi32, #tpu.memory_space<vmem>>
      %dma_wait3A_371 = arith.constant 0 : i32
      %dma_wait3A_372 = arith.constant 0 : i32
      %dma_wait3A_373 = tpu.memref_slice %arg6[%dma_wait3A_371, %dma_wait3A_372] : memref<10000x128xf32, #tpu.memory_space<vmem_shared>> -> memref<10000x128xf32, #tpu.memory_space<vmem_shared>>
      tpu.wait_indirect_dma semaphore(%arg24 : memref<!tpu.dma_semaphore, #tpu.memory_space<semaphore_mem>>) src(%arg12 : memref<80x128xf32, #tpu.memory_space<vmem>>) dst(%dma_wait3A_373 : memref<10000x128xf32, #tpu.memory_space<vmem_shared>>)
      %scan3A_374 = arith.constant 0 : i32
      scf.yield %scan3A_374 : i32
    }
    %scan3A_57 = arith.constant 31 : i32
    %dma_wait3A = arith.constant 0 : i32
    %dma_wait3A_58 = arith.constant 0 : i32
    %dma_wait3A_59 = arith.constant 0 : i32
    %dma_wait3A_60 = tpu.memref_slice %arg4[%add3A, %dma_wait3A, %dma_wait3A_58, %dma_wait3A_59] : memref<32x125x2x80xi32, #tpu.memory_space<hbm>> -> memref<1x1x2x80xi32, #tpu.memory_space<hbm>>
    %dma_wait3A_61 = tpu.memref_squeeze %dma_wait3A_60 : memref<1x1x2x80xi32, #tpu.memory_space<hbm>> -> memref<2x80xi32, #tpu.memory_space<hbm>>
    %dma_wait3A_62 = arith.constant 0 : i32
    %dma_wait3A_63 = arith.constant 0 : i32
    %dma_wait3A_64 = tpu.memref_slice %arg4[%add3A, %dma_wait3A, %dma_wait3A_62, %dma_wait3A_63] : memref<32x125x2x80xi32, #tpu.memory_space<hbm>> -> memref<1x1x2x80xi32, #tpu.memory_space<hbm>>
    %dma_wait3A_65 = tpu.memref_squeeze %dma_wait3A_64 : memref<1x1x2x80xi32, #tpu.memory_space<hbm>> -> memref<2x80xi32, #tpu.memory_space<hbm>>
    tpu.wait_dma2 semaphore(%arg15 : memref<!tpu.dma_semaphore, #tpu.memory_space<semaphore_mem>>) src(%dma_wait3A_65 : memref<2x80xi32, #tpu.memory_space<hbm>>) dst(%arg7 : memref<2x80xi32, #tpu.memory_space<vmem>>)
    %dma_wait3A_66 = arith.constant 0 : i32
    %dma_wait3A_67 = arith.constant 0 : i32
    %dma_wait3A_68 = arith.constant 0 : i32
    %dma_wait3A_69 = tpu.memref_slice %arg4[%add3A, %dma_wait3A_66, %dma_wait3A_67, %dma_wait3A_68] : memref<32x125x2x80xi32, #tpu.memory_space<hbm>> -> memref<1x1x2x80xi32, #tpu.memory_space<hbm>>
    %dma_wait3A_70 = tpu.memref_squeeze %dma_wait3A_69 : memref<1x1x2x80xi32, #tpu.memory_space<hbm>> -> memref<2x80xi32, #tpu.memory_space<hbm>>
    %dma_wait3A_71 = arith.constant 0 : i32
    %dma_wait3A_72 = arith.constant 0 : i32
    %dma_wait3A_73 = tpu.memref_slice %arg4[%add3A, %dma_wait3A_66, %dma_wait3A_71, %dma_wait3A_72] : memref<32x125x2x80xi32, #tpu.memory_space<hbm>> -> memref<1x1x2x80xi32, #tpu.memory_space<hbm>>
    %dma_wait3A_74 = tpu.memref_squeeze %dma_wait3A_73 : memref<1x1x2x80xi32, #tpu.memory_space<hbm>> -> memref<2x80xi32, #tpu.memory_space<hbm>>
    tpu.wait_dma2 semaphore(%arg16 : memref<!tpu.dma_semaphore, #tpu.memory_space<semaphore_mem>>) src(%dma_wait3A_74 : memref<2x80xi32, #tpu.memory_space<hbm>>) dst(%arg8 : memref<2x80xi32, #tpu.memory_space<vmem>>)
    %dma_start3A_75 = arith.constant 0 : i32
    %dma_start3A_76 = arith.constant 0 : i32
    %dma_start3A_77 = tpu.memref_slice %arg7[%dma_start3A_75, %dma_start3A_76] : memref<2x80xi32, #tpu.memory_space<vmem>> -> memref<1x80xi32, #tpu.memory_space<vmem>>
    %dma_start3A_78 = tpu.memref_squeeze %dma_start3A_77 : memref<1x80xi32, #tpu.memory_space<vmem>> -> memref<80xi32, #tpu.memory_space<vmem>>
    %dma_start3A_79 = arith.constant 0 : i32
    %dma_start3A_80 = arith.constant 0 : i32
    %dma_start3A_81 = tpu.memref_slice %arg2[%dma_start3A_79, %dma_start3A_80] : memref<10000x128xf32, #tpu.memory_space<hbm>> -> memref<10000x128xf32, #tpu.memory_space<hbm>>
    tpu.enqueue_indirect_dma source(%dma_start3A_81 : memref<10000x128xf32, #tpu.memory_space<hbm>>) target(%arg11 : memref<80x128xf32, #tpu.memory_space<vmem>>) offsets(%dma_start3A_78 : memref<80xi32, #tpu.memory_space<vmem>>) semaphore(%arg19 : memref<!tpu.dma_semaphore, #tpu.memory_space<semaphore_mem>>)
    %mul3A_82 = arith.constant 10000 : i32
    %mul3A_83 = arith.muli %add3A, %mul3A_82 : i32
    %add3A_84 = arith.constant 9920 : i32
    %add3A_85 = arith.addi %mul3A_83, %add3A_84 : i32
    %dma_start3A_86 = arith.constant 0 : i32
    %dma_start3A_87 = tpu.memref_slice %arg3[%add3A_85, %dma_start3A_86] : memref<320000x128xf32, #tpu.memory_space<hbm>> -> memref<80x128xf32, #tpu.memory_space<hbm>>
    %dma_start3A_88 = arith.constant 0 : i32
    %dma_start3A_89 = tpu.memref_slice %arg3[%add3A_85, %dma_start3A_88] : memref<320000x128xf32, #tpu.memory_space<hbm>> -> memref<80x128xf32, #tpu.memory_space<hbm>>
    tpu.enqueue_dma source(%dma_start3A_89 : memref<80x128xf32, #tpu.memory_space<hbm>>) target(%arg13 : memref<80x128xf32, #tpu.memory_space<vmem>>) target_semaphore(%arg21 : memref<!tpu.dma_semaphore, #tpu.memory_space<semaphore_mem>>)
    %dma_wait3A_90 = arith.constant 0 : i32
    %dma_wait3A_91 = arith.constant 0 : i32
    %dma_wait3A_92 = tpu.memref_slice %arg7[%dma_wait3A_90, %dma_wait3A_91] : memref<2x80xi32, #tpu.memory_space<vmem>> -> memref<1x80xi32, #tpu.memory_space<vmem>>
    %dma_wait3A_93 = tpu.memref_squeeze %dma_wait3A_92 : memref<1x80xi32, #tpu.memory_space<vmem>> -> memref<80xi32, #tpu.memory_space<vmem>>
    %dma_wait3A_94 = arith.constant 0 : i32
    %dma_wait3A_95 = arith.constant 0 : i32
    %dma_wait3A_96 = tpu.memref_slice %arg2[%dma_wait3A_94, %dma_wait3A_95] : memref<10000x128xf32, #tpu.memory_space<hbm>> -> memref<10000x128xf32, #tpu.memory_space<hbm>>
    tpu.wait_indirect_dma semaphore(%arg19 : memref<!tpu.dma_semaphore, #tpu.memory_space<semaphore_mem>>) src(%dma_wait3A_96 : memref<10000x128xf32, #tpu.memory_space<hbm>>) dst(%arg11 : memref<80x128xf32, #tpu.memory_space<vmem>>)
    %dma_wait3A_97 = arith.constant 0 : i32
    %dma_wait3A_98 = tpu.memref_slice %arg3[%add3A_85, %dma_wait3A_97] : memref<320000x128xf32, #tpu.memory_space<hbm>> -> memref<80x128xf32, #tpu.memory_space<hbm>>
    %dma_wait3A_99 = arith.constant 0 : i32
    %dma_wait3A_100 = tpu.memref_slice %arg3[%add3A_85, %dma_wait3A_99] : memref<320000x128xf32, #tpu.memory_space<hbm>> -> memref<80x128xf32, #tpu.memory_space<hbm>>
    tpu.wait_dma2 semaphore(%arg21 : memref<!tpu.dma_semaphore, #tpu.memory_space<semaphore_mem>>) src(%dma_wait3A_100 : memref<80x128xf32, #tpu.memory_space<hbm>>) dst(%arg13 : memref<80x128xf32, #tpu.memory_space<vmem>>)
    %parallel_loop3A_101 = arith.constant 0 : i32
    %parallel_loop3A_102 = arith.constant 80 : i32
    %parallel_loop3A_103 = arith.constant 1 : i32
    scf.for %parallel_loop3A_111 = %parallel_loop3A_101 to %parallel_loop3A_102 step %parallel_loop3A_103  : i32 {
      %parallel_loop3A_112 = arith.index_cast %parallel_loop3A_111 : i32 to index
      %parallel_loop3A_113 = arith.constant 0 : index
      %parallel_loop3A_114 = tpu.vector_load %arg11[%parallel_loop3A_112, %parallel_loop3A_113] {strides = array<i32>} : memref<80x128xf32, #tpu.memory_space<vmem>>, vector<1x16xf32>,
      %parallel_loop3A_115 = vector.shape_cast %parallel_loop3A_114 : vector<1x16xf32> to vector<16xf32>
      %parallel_loop3A_116 = arith.index_cast %parallel_loop3A_111 : i32 to index
      %parallel_loop3A_117 = arith.constant 0 : index
      %parallel_loop3A_118 = tpu.vector_load %arg13[%parallel_loop3A_116, %parallel_loop3A_117] {strides = array<i32>} : memref<80x128xf32, #tpu.memory_space<vmem>>, vector<1x16xf32>,
      %parallel_loop3A_119 = vector.shape_cast %parallel_loop3A_118 : vector<1x16xf32> to vector<16xf32>
      %parallel_loop3A_120 = arith.addf %parallel_loop3A_115, %parallel_loop3A_119 : vector<16xf32>
      %parallel_loop3A_121 = arith.constant 0.000000e+00 : f32
      %parallel_loop3A_122 = vector.broadcast %parallel_loop3A_121 : f32 to vector<16xf32>
      %parallel_loop3A_123 = arith.maximumf %parallel_loop3A_120, %parallel_loop3A_122 : vector<16xf32>
      %parallel_loop3A_124 = arith.index_cast %parallel_loop3A_111 : i32 to index
      %parallel_loop3A_125 = arith.constant 0 : index
      %parallel_loop3A_126 = tpu.vector_load %arg11[%parallel_loop3A_124, %parallel_loop3A_125] {strides = array<i32>} : memref<80x128xf32, #tpu.memory_space<vmem>>, vector<1x16xf32>,
      %parallel_loop3A_127 = vector.shape_cast %parallel_loop3A_126 : vector<1x16xf32> to vector<16xf32>
      %parallel_loop3A_128 = vector.shape_cast %parallel_loop3A_123 : vector<16xf32> to vector<1x16xf32>
      tpu.vector_store %arg11[%parallel_loop3A_124, %parallel_loop3A_125], %parallel_loop3A_128 {strides = array<i32>} : memref<80x128xf32, #tpu.memory_space<vmem>>, vector<1x16xf32>,
      %parallel_loop3A_129 = arith.index_cast %parallel_loop3A_111 : i32 to index
      %parallel_loop3A_130 = arith.constant 16 : index
      %parallel_loop3A_131 = tpu.vector_load %arg11[%parallel_loop3A_129, %parallel_loop3A_130] {strides = array<i32>} : memref<80x128xf32, #tpu.memory_space<vmem>>, vector<1x16xf32>,
      %parallel_loop3A_132 = vector.shape_cast %parallel_loop3A_131 : vector<1x16xf32> to vector<16xf32>
      %parallel_loop3A_133 = arith.index_cast %parallel_loop3A_111 : i32 to index
      %parallel_loop3A_134 = arith.constant 16 : index
      %parallel_loop3A_135 = tpu.vector_load %arg13[%parallel_loop3A_133, %parallel_loop3A_134] {strides = array<i32>} : memref<80x128xf32, #tpu.memory_space<vmem>>, vector<1x16xf32>,
      %parallel_loop3A_136 = vector.shape_cast %parallel_loop3A_135 : vector<1x16xf32> to vector<16xf32>
      %parallel_loop3A_137 = arith.addf %parallel_loop3A_132, %parallel_loop3A_136 : vector<16xf32>
      %parallel_loop3A_138 = arith.constant 0.000000e+00 : f32
      %parallel_loop3A_139 = vector.broadcast %parallel_loop3A_138 : f32 to vector<16xf32>
      %parallel_loop3A_140 = arith.maximumf %parallel_loop3A_137, %parallel_loop3A_139 : vector<16xf32>
      %parallel_loop3A_141 = arith.index_cast %parallel_loop3A_111 : i32 to index
      %parallel_loop3A_142 = arith.constant 16 : index
      %parallel_loop3A_143 = tpu.vector_load %arg11[%parallel_loop3A_141, %parallel_loop3A_142] {strides = array<i32>} : memref<80x128xf32, #tpu.memory_space<vmem>>, vector<1x16xf32>,
      %parallel_loop3A_144 = vector.shape_cast %parallel_loop3A_143 : vector<1x16xf32> to vector<16xf32>
      %parallel_loop3A_145 = vector.shape_cast %parallel_loop3A_140 : vector<16xf32> to vector<1x16xf32>
      tpu.vector_store %arg11[%parallel_loop3A_141, %parallel_loop3A_142], %parallel_loop3A_145 {strides = array<i32>} : memref<80x128xf32, #tpu.memory_space<vmem>>, vector<1x16xf32>,
      %parallel_loop3A_146 = arith.index_cast %parallel_loop3A_111 : i32 to index
      %parallel_loop3A_147 = arith.constant 32 : index
      %parallel_loop3A_148 = tpu.vector_load %arg11[%parallel_loop3A_146, %parallel_loop3A_147] {strides = array<i32>} : memref<80x128xf32, #tpu.memory_space<vmem>>, vector<1x16xf32>,
      %parallel_loop3A_149 = vector.shape_cast %parallel_loop3A_148 : vector<1x16xf32> to vector<16xf32>
      %parallel_loop3A_150 = arith.index_cast %parallel_loop3A_111 : i32 to index
      %parallel_loop3A_151 = arith.constant 32 : index
      %parallel_loop3A_152 = tpu.vector_load %arg13[%parallel_loop3A_150, %parallel_loop3A_151] {strides = array<i32>} : memref<80x128xf32, #tpu.memory_space<vmem>>, vector<1x16xf32>,
      %parallel_loop3A_153 = vector.shape_cast %parallel_loop3A_152 : vector<1x16xf32> to vector<16xf32>
      %parallel_loop3A_154 = arith.addf %parallel_loop3A_149, %parallel_loop3A_153 : vector<16xf32>
      %parallel_loop3A_155 = arith.constant 0.000000e+00 : f32
      %parallel_loop3A_156 = vector.broadcast %parallel_loop3A_155 : f32 to vector<16xf32>
      %parallel_loop3A_157 = arith.maximumf %parallel_loop3A_154, %parallel_loop3A_156 : vector<16xf32>
      %parallel_loop3A_158 = arith.index_cast %parallel_loop3A_111 : i32 to index
      %parallel_loop3A_159 = arith.constant 32 : index
      %parallel_loop3A_160 = tpu.vector_load %arg11[%parallel_loop3A_158, %parallel_loop3A_159] {strides = array<i32>} : memref<80x128xf32, #tpu.memory_space<vmem>>, vector<1x16xf32>,
      %parallel_loop3A_161 = vector.shape_cast %parallel_loop3A_160 : vector<1x16xf32> to vector<16xf32>
      %parallel_loop3A_162 = vector.shape_cast %parallel_loop3A_157 : vector<16xf32> to vector<1x16xf32>
      tpu.vector_store %arg11[%parallel_loop3A_158, %parallel_loop3A_159], %parallel_loop3A_162 {strides = array<i32>} : memref<80x128xf32, #tpu.memory_space<vmem>>, vector<1x16xf32>,
      %parallel_loop3A_163 = arith.index_cast %parallel_loop3A_111 : i32 to index
      %parallel_loop3A_164 = arith.constant 48 : index
      %parallel_loop3A_165 = tpu.vector_load %arg11[%parallel_loop3A_163, %parallel_loop3A_164] {strides = array<i32>} : memref<80x128xf32, #tpu.memory_space<vmem>>, vector<1x16xf32>,
      %parallel_loop3A_166 = vector.shape_cast %parallel_loop3A_165 : vector<1x16xf32> to vector<16xf32>
      %parallel_loop3A_167 = arith.index_cast %parallel_loop3A_111 : i32 to index
      %parallel_loop3A_168 = arith.constant 48 : index
      %parallel_loop3A_169 = tpu.vector_load %arg13[%parallel_loop3A_167, %parallel_loop3A_168] {strides = array<i32>} : memref<80x128xf32, #tpu.memory_space<vmem>>, vector<1x16xf32>,
      %parallel_loop3A_170 = vector.shape_cast %parallel_loop3A_169 : vector<1x16xf32> to vector<16xf32>
      %parallel_loop3A_171 = arith.addf %parallel_loop3A_166, %parallel_loop3A_170 : vector<16xf32>
      %parallel_loop3A_172 = arith.constant 0.000000e+00 : f32
      %parallel_loop3A_173 = vector.broadcast %parallel_loop3A_172 : f32 to vector<16xf32>
      %parallel_loop3A_174 = arith.maximumf %parallel_loop3A_171, %parallel_loop3A_173 : vector<16xf32>
      %parallel_loop3A_175 = arith.index_cast %parallel_loop3A_111 : i32 to index
      %parallel_loop3A_176 = arith.constant 48 : index
      %parallel_loop3A_177 = tpu.vector_load %arg11[%parallel_loop3A_175, %parallel_loop3A_176] {strides = array<i32>} : memref<80x128xf32, #tpu.memory_space<vmem>>, vector<1x16xf32>,
      %parallel_loop3A_178 = vector.shape_cast %parallel_loop3A_177 : vector<1x16xf32> to vector<16xf32>
      %parallel_loop3A_179 = vector.shape_cast %parallel_loop3A_174 : vector<16xf32> to vector<1x16xf32>
      tpu.vector_store %arg11[%parallel_loop3A_175, %parallel_loop3A_176], %parallel_loop3A_179 {strides = array<i32>} : memref<80x128xf32, #tpu.memory_space<vmem>>, vector<1x16xf32>,
      %parallel_loop3A_180 = arith.index_cast %parallel_loop3A_111 : i32 to index
      %parallel_loop3A_181 = arith.constant 64 : index
      %parallel_loop3A_182 = tpu.vector_load %arg11[%parallel_loop3A_180, %parallel_loop3A_181] {strides = array<i32>} : memref<80x128xf32, #tpu.memory_space<vmem>>, vector<1x16xf32>,
      %parallel_loop3A_183 = vector.shape_cast %parallel_loop3A_182 : vector<1x16xf32> to vector<16xf32>
      %parallel_loop3A_184 = arith.index_cast %parallel_loop3A_111 : i32 to index
      %parallel_loop3A_185 = arith.constant 64 : index
      %parallel_loop3A_186 = tpu.vector_load %arg13[%parallel_loop3A_184, %parallel_loop3A_185] {strides = array<i32>} : memref<80x128xf32, #tpu.memory_space<vmem>>, vector<1x16xf32>,
      %parallel_loop3A_187 = vector.shape_cast %parallel_loop3A_186 : vector<1x16xf32> to vector<16xf32>
      %parallel_loop3A_188 = arith.addf %parallel_loop3A_183, %parallel_loop3A_187 : vector<16xf32>
      %parallel_loop3A_189 = arith.constant 0.000000e+00 : f32
      %parallel_loop3A_190 = vector.broadcast %parallel_loop3A_189 : f32 to vector<16xf32>
      %parallel_loop3A_191 = arith.maximumf %parallel_loop3A_188, %parallel_loop3A_190 : vector<16xf32>
      %parallel_loop3A_192 = arith.index_cast %parallel_loop3A_111 : i32 to index
      %parallel_loop3A_193 = arith.constant 64 : index
      %parallel_loop3A_194 = tpu.vector_load %arg11[%parallel_loop3A_192, %parallel_loop3A_193] {strides = array<i32>} : memref<80x128xf32, #tpu.memory_space<vmem>>, vector<1x16xf32>,
      %parallel_loop3A_195 = vector.shape_cast %parallel_loop3A_194 : vector<1x16xf32> to vector<16xf32>
      %parallel_loop3A_196 = vector.shape_cast %parallel_loop3A_191 : vector<16xf32> to vector<1x16xf32>
      tpu.vector_store %arg11[%parallel_loop3A_192, %parallel_loop3A_193], %parallel_loop3A_196 {strides = array<i32>} : memref<80x128xf32, #tpu.memory_space<vmem>>, vector<1x16xf32>,
      %parallel_loop3A_197 = arith.index_cast %parallel_loop3A_111 : i32 to index
      %parallel_loop3A_198 = arith.constant 80 : index
      %parallel_loop3A_199 = tpu.vector_load %arg11[%parallel_loop3A_197, %parallel_loop3A_198] {strides = array<i32>} : memref<80x128xf32, #tpu.memory_space<vmem>>, vector<1x16xf32>,
      %parallel_loop3A_200 = vector.shape_cast %parallel_loop3A_199 : vector<1x16xf32> to vector<16xf32>
      %parallel_loop3A_201 = arith.index_cast %parallel_loop3A_111 : i32 to index
      %parallel_loop3A_202 = arith.constant 80 : index
      %parallel_loop3A_203 = tpu.vector_load %arg13[%parallel_loop3A_201, %parallel_loop3A_202] {strides = array<i32>} : memref<80x128xf32, #tpu.memory_space<vmem>>, vector<1x16xf32>,
      %parallel_loop3A_204 = vector.shape_cast %parallel_loop3A_203 : vector<1x16xf32> to vector<16xf32>
      %parallel_loop3A_205 = arith.addf %parallel_loop3A_200, %parallel_loop3A_204 : vector<16xf32>
      %parallel_loop3A_206 = arith.constant 0.000000e+00 : f32
      %parallel_loop3A_207 = vector.broadcast %parallel_loop3A_206 : f32 to vector<16xf32>
      %parallel_loop3A_208 = arith.maximumf %parallel_loop3A_205, %parallel_loop3A_207 : vector<16xf32>
      %parallel_loop3A_209 = arith.index_cast %parallel_loop3A_111 : i32 to index
      %parallel_loop3A_210 = arith.constant 80 : index
      %parallel_loop3A_211 = tpu.vector_load %arg11[%parallel_loop3A_209, %parallel_loop3A_210] {strides = array<i32>} : memref<80x128xf32, #tpu.memory_space<vmem>>, vector<1x16xf32>,
      %parallel_loop3A_212 = vector.shape_cast %parallel_loop3A_211 : vector<1x16xf32> to vector<16xf32>
      %parallel_loop3A_213 = vector.shape_cast %parallel_loop3A_208 : vector<16xf32> to vector<1x16xf32>
      tpu.vector_store %arg11[%parallel_loop3A_209, %parallel_loop3A_210], %parallel_loop3A_213 {strides = array<i32>} : memref<80x128xf32, #tpu.memory_space<vmem>>, vector<1x16xf32>,
      %parallel_loop3A_214 = arith.index_cast %parallel_loop3A_111 : i32 to index
      %parallel_loop3A_215 = arith.constant 96 : index
      %parallel_loop3A_216 = tpu.vector_load %arg11[%parallel_loop3A_214, %parallel_loop3A_215] {strides = array<i32>} : memref<80x128xf32, #tpu.memory_space<vmem>>, vector<1x16xf32>,
      %parallel_loop3A_217 = vector.shape_cast %parallel_loop3A_216 : vector<1x16xf32> to vector<16xf32>
      %parallel_loop3A_218 = arith.index_cast %parallel_loop3A_111 : i32 to index
      %parallel_loop3A_219 = arith.constant 96 : index
      %parallel_loop3A_220 = tpu.vector_load %arg13[%parallel_loop3A_218, %parallel_loop3A_219] {strides = array<i32>} : memref<80x128xf32, #tpu.memory_space<vmem>>, vector<1x16xf32>,
      %parallel_loop3A_221 = vector.shape_cast %parallel_loop3A_220 : vector<1x16xf32> to vector<16xf32>
      %parallel_loop3A_222 = arith.addf %parallel_loop3A_217, %parallel_loop3A_221 : vector<16xf32>
      %parallel_loop3A_223 = arith.constant 0.000000e+00 : f32
      %parallel_loop3A_224 = vector.broadcast %parallel_loop3A_223 : f32 to vector<16xf32>
      %parallel_loop3A_225 = arith.maximumf %parallel_loop3A_222, %parallel_loop3A_224 : vector<16xf32>
      %parallel_loop3A_226 = arith.index_cast %parallel_loop3A_111 : i32 to index
      %parallel_loop3A_227 = arith.constant 96 : index
      %parallel_loop3A_228 = tpu.vector_load %arg11[%parallel_loop3A_226, %parallel_loop3A_227] {strides = array<i32>} : memref<80x128xf32, #tpu.memory_space<vmem>>, vector<1x16xf32>,
      %parallel_loop3A_229 = vector.shape_cast %parallel_loop3A_228 : vector<1x16xf32> to vector<16xf32>
      %parallel_loop3A_230 = vector.shape_cast %parallel_loop3A_225 : vector<16xf32> to vector<1x16xf32>
      tpu.vector_store %arg11[%parallel_loop3A_226, %parallel_loop3A_227], %parallel_loop3A_230 {strides = array<i32>} : memref<80x128xf32, #tpu.memory_space<vmem>>, vector<1x16xf32>,
      %parallel_loop3A_231 = arith.index_cast %parallel_loop3A_111 : i32 to index
      %parallel_loop3A_232 = arith.constant 112 : index
      %parallel_loop3A_233 = tpu.vector_load %arg11[%parallel_loop3A_231, %parallel_loop3A_232] {strides = array<i32>} : memref<80x128xf32, #tpu.memory_space<vmem>>, vector<1x16xf32>,
      %parallel_loop3A_234 = vector.shape_cast %parallel_loop3A_233 : vector<1x16xf32> to vector<16xf32>
      %parallel_loop3A_235 = arith.index_cast %parallel_loop3A_111 : i32 to index
      %parallel_loop3A_236 = arith.constant 112 : index
      %parallel_loop3A_237 = tpu.vector_load %arg13[%parallel_loop3A_235, %parallel_loop3A_236] {strides = array<i32>} : memref<80x128xf32, #tpu.memory_space<vmem>>, vector<1x16xf32>,
      %parallel_loop3A_238 = vector.shape_cast %parallel_loop3A_237 : vector<1x16xf32> to vector<16xf32>
      %parallel_loop3A_239 = arith.addf %parallel_loop3A_234, %parallel_loop3A_238 : vector<16xf32>
      %parallel_loop3A_240 = arith.constant 0.000000e+00 : f32
      %parallel_loop3A_241 = vector.broadcast %parallel_loop3A_240 : f32 to vector<16xf32>
      %parallel_loop3A_242 = arith.maximumf %parallel_loop3A_239, %parallel_loop3A_241 : vector<16xf32>
      %parallel_loop3A_243 = arith.index_cast %parallel_loop3A_111 : i32 to index
      %parallel_loop3A_244 = arith.constant 112 : index
      %parallel_loop3A_245 = tpu.vector_load %arg11[%parallel_loop3A_243, %parallel_loop3A_244] {strides = array<i32>} : memref<80x128xf32, #tpu.memory_space<vmem>>, vector<1x16xf32>,
      %parallel_loop3A_246 = vector.shape_cast %parallel_loop3A_245 : vector<1x16xf32> to vector<16xf32>
      %parallel_loop3A_247 = vector.shape_cast %parallel_loop3A_242 : vector<16xf32> to vector<1x16xf32>
      tpu.vector_store %arg11[%parallel_loop3A_243, %parallel_loop3A_244], %parallel_loop3A_247 {strides = array<i32>} : memref<80x128xf32, #tpu.memory_space<vmem>>, vector<1x16xf32>,
    } {sc.loop_unroll_factor = 8 : i64, sc.parallel_access}
    %run_scoped3A = arith.constant 1 : i32
    "tpu.region"() ({
      %run_scoped3A_111 = tpu.sem_alloc : memref<!tpu.dma_semaphore, #tpu.memory_space<semaphore_mem>>
      %dma_start3A_112 = arith.constant 0 : i32
      %dma_start3A_113 = tpu.memref_slice %arg7[%run_scoped3A, %dma_start3A_112] : memref<2x80xi32, #tpu.memory_space<vmem>> -> memref<1x80xi32, #tpu.memory_space<vmem>>
      %dma_start3A_114 = tpu.memref_squeeze %dma_start3A_113 : memref<1x80xi32, #tpu.memory_space<vmem>> -> memref<80xi32, #tpu.memory_space<vmem>>
      %dma_start3A_115 = arith.constant 0 : i32
      %dma_start3A_116 = arith.constant 0 : i32
      %dma_start3A_117 = tpu.memref_slice %arg6[%dma_start3A_115, %dma_start3A_116] : memref<10000x128xf32, #tpu.memory_space<vmem_shared>> -> memref<10000x128xf32, #tpu.memory_space<vmem_shared>>
      tpu.enqueue_indirect_dma source(%arg11 : memref<80x128xf32, #tpu.memory_space<vmem>>) target(%dma_start3A_117 : memref<10000x128xf32, #tpu.memory_space<vmem_shared>>) offsets(%dma_start3A_114 : memref<80xi32, #tpu.memory_space<vmem>>) semaphore(%run_scoped3A_111 : memref<!tpu.dma_semaphore, #tpu.memory_space<semaphore_mem>>) {add = true}
      %dma_wait3A_118 = arith.constant 0 : i32
      %dma_wait3A_119 = tpu.memref_slice %arg7[%run_scoped3A, %dma_wait3A_118] : memref<2x80xi32, #tpu.memory_space<vmem>> -> memref<1x80xi32, #tpu.memory_space<vmem>>
      %dma_wait3A_120 = tpu.memref_squeeze %dma_wait3A_119 : memref<1x80xi32, #tpu.memory_space<vmem>> -> memref<80xi32, #tpu.memory_space<vmem>>
      %dma_wait3A_121 = arith.constant 0 : i32
      %dma_wait3A_122 = arith.constant 0 : i32
      %dma_wait3A_123 = tpu.memref_slice %arg6[%dma_wait3A_121, %dma_wait3A_122] : memref<10000x128xf32, #tpu.memory_space<vmem_shared>> -> memref<10000x128xf32, #tpu.memory_space<vmem_shared>>
      tpu.wait_indirect_dma semaphore(%run_scoped3A_111 : memref<!tpu.dma_semaphore, #tpu.memory_space<semaphore_mem>>) src(%arg11 : memref<80x128xf32, #tpu.memory_space<vmem>>) dst(%dma_wait3A_123 : memref<10000x128xf32, #tpu.memory_space<vmem_shared>>)
      tpu.yield
    }) : () -> ()
    %barrier3A_104 = arith.constant 0 : index
    tpu.barrier barrier_id(%barrier3A_104)
    %lt3A = arith.constant 15 : i32
    %lt3A_105 = arith.cmpi slt, %arg1, %lt3A : i32
    %convert_element_type3A = arith.extui %lt3A_105 : i1 to i32
    %cond3A = arith.constant 0 : i32
    %cond3A_106 = arith.cmpi ne, %convert_element_type3A, %cond3A : i32
    scf.if %cond3A_106 {
      %mul3A_111 = arith.constant 632 : i32
      %mul3A_112 = arith.muli %arg1, %mul3A_111 : i32
      %mul3A_113 = arith.constant 632 : i32
      %mul3A_114 = arith.muli %arg1, %mul3A_113 : i32
      "tpu.region"() ({
        %run_scoped3A_115 = tpu.sem_alloc : memref<!tpu.dma_semaphore, #tpu.memory_space<semaphore_mem>>
        %dma_start3A_116 = arith.constant 0 : i32
        %dma_start3A_117 = tpu.memref_slice %arg5[%arg0, %mul3A_114, %dma_start3A_116] : memref<2x10000x128xf32, #tpu.memory_space<hbm>> -> memref<1x632x128xf32, #tpu.memory_space<hbm>>
        %dma_start3A_118 = tpu.memref_squeeze %dma_start3A_117 : memref<1x632x128xf32, #tpu.memory_space<hbm>> -> memref<632x128xf32, #tpu.memory_space<hbm>>
        %dma_start3A_119 = arith.constant 0 : i32
        %dma_start3A_120 = tpu.memref_slice %arg6[%mul3A_112, %dma_start3A_119] : memref<10000x128xf32, #tpu.memory_space<vmem_shared>> -> memref<632x128xf32, #tpu.memory_space<vmem_shared>>
        tpu.enqueue_dma source(%dma_start3A_120 : memref<632x128xf32, #tpu.memory_space<vmem_shared>>) target(%dma_start3A_118 : memref<632x128xf32, #tpu.memory_space<hbm>>) target_semaphore(%run_scoped3A_115 : memref<!tpu.dma_semaphore, #tpu.memory_space<semaphore_mem>>)
        %dma_wait3A_121 = arith.constant 0 : i32
        %dma_wait3A_122 = tpu.memref_slice %arg5[%arg0, %mul3A_114, %dma_wait3A_121] : memref<2x10000x128xf32, #tpu.memory_space<hbm>> -> memref<1x632x128xf32, #tpu.memory_space<hbm>>
        %dma_wait3A_123 = tpu.memref_squeeze %dma_wait3A_122 : memref<1x632x128xf32, #tpu.memory_space<hbm>> -> memref<632x128xf32, #tpu.memory_space<hbm>>
        %dma_wait3A_124 = arith.constant 0 : i32
        %dma_wait3A_125 = tpu.memref_slice %arg6[%mul3A_112, %dma_wait3A_124] : memref<10000x128xf32, #tpu.memory_space<vmem_shared>> -> memref<632x128xf32, #tpu.memory_space<vmem_shared>>
        tpu.wait_dma2 semaphore(%run_scoped3A_115 : memref<!tpu.dma_semaphore, #tpu.memory_space<semaphore_mem>>) src(%dma_wait3A_125 : memref<632x128xf32, #tpu.memory_space<vmem_shared>>) dst(%dma_wait3A_123 : memref<632x128xf32, #tpu.memory_space<hbm>>)
        tpu.yield
      }) : () -> ()
    } else {
    }
    %eq3A = arith.constant 15 : i32
    %eq3A_107 = arith.cmpi eq, %arg1, %eq3A : i32
    %convert_element_type3A_108 = arith.extui %eq3A_107 : i1 to i32
    %cond3A_109 = arith.constant 0 : i32
    %cond3A_110 = arith.cmpi ne, %convert_element_type3A_108, %cond3A_109 : i32
    scf.if %cond3A_110 {
      "tpu.region"() ({
        %run_scoped3A_111 = tpu.sem_alloc : memref<!tpu.dma_semaphore, #tpu.memory_space<semaphore_mem>>
        %dma_start3A_112 = arith.constant 9480 : i32
        %dma_start3A_113 = arith.constant 0 : i32
        %dma_start3A_114 = tpu.memref_slice %arg5[%arg0, %dma_start3A_112, %dma_start3A_113] : memref<2x10000x128xf32, #tpu.memory_space<hbm>> -> memref<1x520x128xf32, #tpu.memory_space<hbm>>
        %dma_start3A_115 = tpu.memref_squeeze %dma_start3A_114 : memref<1x520x128xf32, #tpu.memory_space<hbm>> -> memref<520x128xf32, #tpu.memory_space<hbm>>
        %dma_start3A_116 = arith.constant 9480 : i32
        %dma_start3A_117 = arith.constant 0 : i32
        %dma_start3A_118 = tpu.memref_slice %arg6[%dma_start3A_116, %dma_start3A_117] : memref<10000x128xf32, #tpu.memory_space<vmem_shared>> -> memref<520x128xf32, #tpu.memory_space<vmem_shared>>
        tpu.enqueue_dma source(%dma_start3A_118 : memref<520x128xf32, #tpu.memory_space<vmem_shared>>) target(%dma_start3A_115 : memref<520x128xf32, #tpu.memory_space<hbm>>) target_semaphore(%run_scoped3A_111 : memref<!tpu.dma_semaphore, #tpu.memory_space<semaphore_mem>>)
        %dma_wait3A_119 = arith.constant 9480 : i32
        %dma_wait3A_120 = arith.constant 0 : i32
        %dma_wait3A_121 = tpu.memref_slice %arg5[%arg0, %dma_wait3A_119, %dma_wait3A_120] : memref<2x10000x128xf32, #tpu.memory_space<hbm>> -> memref<1x520x128xf32, #tpu.memory_space<hbm>>
        %dma_wait3A_122 = tpu.memref_squeeze %dma_wait3A_121 : memref<1x520x128xf32, #tpu.memory_space<hbm>> -> memref<520x128xf32, #tpu.memory_space<hbm>>
        %dma_wait3A_123 = arith.constant 9480 : i32
        %dma_wait3A_124 = arith.constant 0 : i32
        %dma_wait3A_125 = tpu.memref_slice %arg6[%dma_wait3A_123, %dma_wait3A_124] : memref<10000x128xf32, #tpu.memory_space<vmem_shared>> -> memref<520x128xf32, #tpu.memory_space<vmem_shared>>
        tpu.wait_dma2 semaphore(%run_scoped3A_111 : memref<!tpu.dma_semaphore, #tpu.memory_space<semaphore_mem>>) src(%dma_wait3A_125 : memref<520x128xf32, #tpu.memory_space<vmem_shared>>) dst(%dma_wait3A_122 : memref<520x128xf32, #tpu.memory_space<hbm>>)
        tpu.yield
      }) : () -> ()
    } else {
    }
    return
  }
}

module attributes {stable_mosaic.version = 14 : i64} {
  func.func @_node_mm_body(%arg0: memref<10000x128xf32, #tpu.memory_space<vmem>>, %arg1: memref<128x128xf32, #tpu.memory_space<vmem>>, %arg2: memref<128x128xf32, #tpu.memory_space<vmem>>, %arg3: memref<10000x128xf32, #tpu.memory_space<vmem>>, %arg4: memref<10000x128xf32, #tpu.memory_space<vmem>>) attributes {dimension_semantics = [], scalar_prefetch = 0 : i64, scratch_operands = 0 : i64, tpu.core_type = #tpu.core_type<tc>} {
    %get3A = arith.constant 0 : index
    %get3A_0 = arith.constant 0 : index
    %get3A_1 = vector.load %arg0[%get3A, %get3A_0] : memref<10000x128xf32, #tpu.memory_space<vmem>>, vector<10000x128xf32>
    %get3A_2 = arith.constant 0 : index
    %get3A_3 = arith.constant 0 : index
    %get3A_4 = vector.load %arg1[%get3A_2, %get3A_3] : memref<128x128xf32, #tpu.memory_space<vmem>>, vector<128x128xf32>
    %dot_general3A = arith.constant dense<0.000000e+00> : vector<10000x128xf32>
    %dot_general3A_5 = tpu.matmul %get3A_1, %get3A_4, %dot_general3A {dimension_numbers = #tpu.dot_dimension_numbers<[1], [0], [0], [1], [0, 0, 1, 1], [], []>, transpose_lhs_hint = false} : vector<10000x128xf32>, vector<128x128xf32>, vector<10000x128xf32> -> vector<10000x128xf32>
    %swap3A = arith.constant 0 : index
    %swap3A_6 = arith.constant 0 : index
    %swap3A_7 = vector.load %arg3[%swap3A, %swap3A_6] : memref<10000x128xf32, #tpu.memory_space<vmem>>, vector<10000x128xf32>
    tpu.vector_store %arg3[%swap3A, %swap3A_6], %dot_general3A_5 {strides = array<i32>} : memref<10000x128xf32, #tpu.memory_space<vmem>>, vector<10000x128xf32>,
    %get3A_8 = arith.constant 0 : index
    %get3A_9 = arith.constant 0 : index
    %get3A_10 = vector.load %arg2[%get3A_8, %get3A_9] : memref<128x128xf32, #tpu.memory_space<vmem>>, vector<128x128xf32>
    %dot_general3A_11 = arith.constant dense<0.000000e+00> : vector<10000x128xf32>
    %dot_general3A_12 = tpu.matmul %get3A_1, %get3A_10, %dot_general3A_11 {dimension_numbers = #tpu.dot_dimension_numbers<[1], [0], [0], [1], [0, 0, 1, 1], [], []>, transpose_lhs_hint = false} : vector<10000x128xf32>, vector<128x128xf32>, vector<10000x128xf32> -> vector<10000x128xf32>
    %swap3A_13 = arith.constant 0 : index
    %swap3A_14 = arith.constant 0 : index
    %swap3A_15 = vector.load %arg4[%swap3A_13, %swap3A_14] : memref<10000x128xf32, #tpu.memory_space<vmem>>, vector<10000x128xf32>
    tpu.vector_store %arg4[%swap3A_13, %swap3A_14], %dot_general3A_12 {strides = array<i32>} : memref<10000x128xf32, #tpu.memory_space<vmem>>, vector<10000x128xf32>,
    return
  }
}

module attributes {stable_mosaic.version = 14 : i64} {
  func.func @_edge_mm_body(%arg0: i32, %arg1: memref<16000x16xf32, #tpu.memory_space<vmem>>, %arg2: memref<16x128xf32, #tpu.memory_space<vmem>>, %arg3: memref<1x128xf32, #tpu.memory_space<vmem>>, %arg4: memref<16000x128xf32, #tpu.memory_space<vmem>>) attributes {dimension_semantics = [#tpu.dimension_semantics<arbitrary>], iteration_bounds = array<i64: 20>, scalar_prefetch = 0 : i64, scratch_operands = 0 : i64, tpu.core_type = #tpu.core_type<tc>, window_params = [{transform_indices = @transform_0, window_bounds = array<i64: 16000, 16>}, {pipeline_mode = #tpu.pipeline_mode<synchronous>, transform_indices = @transform_1, window_bounds = array<i64: 16, 128>}, {pipeline_mode = #tpu.pipeline_mode<synchronous>, transform_indices = @transform_2, window_bounds = array<i64: 1, 128>}, {transform_indices = @transform_3, window_bounds = array<i64: 16000, 128>}]} {
    %get3A = arith.constant 0 : index
    %get3A_0 = arith.constant 0 : index
    %get3A_1 = vector.load %arg1[%get3A, %get3A_0] : memref<16000x16xf32, #tpu.memory_space<vmem>>, vector<16000x16xf32>
    %get3A_2 = arith.constant 0 : index
    %get3A_3 = arith.constant 0 : index
    %get3A_4 = vector.load %arg2[%get3A_2, %get3A_3] : memref<16x128xf32, #tpu.memory_space<vmem>>, vector<16x128xf32>
    %dot_general3A = arith.constant dense<0.000000e+00> : vector<16000x128xf32>
    %dot_general3A_5 = tpu.matmul %get3A_1, %get3A_4, %dot_general3A {dimension_numbers = #tpu.dot_dimension_numbers<[1], [0], [0], [1], [0, 0, 1, 1], [], []>, transpose_lhs_hint = false} : vector<16000x16xf32>, vector<16x128xf32>, vector<16000x128xf32> -> vector<16000x128xf32>
    %get3A_6 = arith.constant 0 : index
    %get3A_7 = arith.constant 0 : index
    %get3A_8 = vector.load %arg3[%get3A_6, %get3A_7] : memref<1x128xf32, #tpu.memory_space<vmem>>, vector<1x128xf32>
    %add3A = vector.broadcast %get3A_8 : vector<1x128xf32> to vector<16000x128xf32>
    %add3A_9 = arith.addf %dot_general3A_5, %add3A : vector<16000x128xf32>
    %swap3A = arith.constant 0 : index
    %swap3A_10 = arith.constant 0 : index
    %swap3A_11 = vector.load %arg4[%swap3A, %swap3A_10] : memref<16000x128xf32, #tpu.memory_space<vmem>>, vector<16000x128xf32>
    tpu.vector_store %arg4[%swap3A, %swap3A_10], %add3A_9 {strides = array<i32>} : memref<16000x128xf32, #tpu.memory_space<vmem>>, vector<16000x128xf32>,
    return
  }
  func.func @transform_0(%arg0: i32) -> (i32, i32) {
    %c0_i32 = arith.constant 0 : i32
    %c0_i32_0 = arith.constant 0 : i32
    return %arg0, %c0_i32 : i32, i32
  }
  func.func @transform_1(%arg0: i32) -> (i32, i32) {
    %c0_i32 = arith.constant 0 : i32
    %c0_i32_0 = arith.constant 0 : i32
    %c0_i32_1 = arith.constant 0 : i32
    return %c0_i32, %c0_i32_0 : i32, i32
  }
  func.func @transform_2(%arg0: i32) -> (i32, i32) {
    %c0_i32 = arith.constant 0 : i32
    %c0_i32_0 = arith.constant 0 : i32
    %c0_i32_1 = arith.constant 0 : i32
    return %c0_i32, %c0_i32_0 : i32, i32
  }
  func.func @transform_3(%arg0: i32) -> (i32, i32) {
    %c0_i32 = arith.constant 0 : i32
    %c0_i32_0 = arith.constant 0 : i32
    return %arg0, %c0_i32 : i32, i32
  }
}

module attributes {stable_mosaic.version = 14 : i64} {
  func.func @_final_body(%arg0: memref<10000x128xf32, #tpu.memory_space<vmem>>, %arg1: memref<2x10000x128xf32, #tpu.memory_space<vmem>>, %arg2: memref<128x128xf32, #tpu.memory_space<vmem>>, %arg3: memref<1x128xf32, #tpu.memory_space<vmem>>, %arg4: memref<10000x128xf32, #tpu.memory_space<vmem>>) attributes {dimension_semantics = [], scalar_prefetch = 0 : i64, scratch_operands = 0 : i64, tpu.core_type = #tpu.core_type<tc>} {
    %get3A = arith.constant 0 : index
    %get3A_0 = arith.constant 0 : index
    %get3A_1 = arith.constant 0 : index
    %get3A_2 = vector.load %arg1[%get3A, %get3A_0, %get3A_1] : memref<2x10000x128xf32, #tpu.memory_space<vmem>>, vector<1x10000x128xf32>
    %get3A_3 = vector.shape_cast %get3A_2 : vector<1x10000x128xf32> to vector<10000x128xf32>
    %get3A_4 = arith.constant 1 : index
    %get3A_5 = arith.constant 0 : index
    %get3A_6 = arith.constant 0 : index
    %get3A_7 = vector.load %arg1[%get3A_4, %get3A_5, %get3A_6] : memref<2x10000x128xf32, #tpu.memory_space<vmem>>, vector<1x10000x128xf32>
    %get3A_8 = vector.shape_cast %get3A_7 : vector<1x10000x128xf32> to vector<10000x128xf32>
    %add3A = arith.addf %get3A_3, %get3A_8 : vector<10000x128xf32>
    %get3A_9 = arith.constant 0 : index
    %get3A_10 = arith.constant 0 : index
    %get3A_11 = vector.load %arg2[%get3A_9, %get3A_10] : memref<128x128xf32, #tpu.memory_space<vmem>>, vector<128x128xf32>
    %dot_general3A = arith.constant dense<0.000000e+00> : vector<10000x128xf32>
    %dot_general3A_12 = tpu.matmul %add3A, %get3A_11, %dot_general3A {dimension_numbers = #tpu.dot_dimension_numbers<[1], [0], [0], [1], [0, 0, 1, 1], [], []>, transpose_lhs_hint = false} : vector<10000x128xf32>, vector<128x128xf32>, vector<10000x128xf32> -> vector<10000x128xf32>
    %get3A_13 = arith.constant 0 : index
    %get3A_14 = arith.constant 0 : index
    %get3A_15 = vector.load %arg0[%get3A_13, %get3A_14] : memref<10000x128xf32, #tpu.memory_space<vmem>>, vector<10000x128xf32>
    %add3A_16 = arith.addf %dot_general3A_12, %get3A_15 : vector<10000x128xf32>
    %get3A_17 = arith.constant 0 : index
    %get3A_18 = arith.constant 0 : index
    %get3A_19 = vector.load %arg3[%get3A_17, %get3A_18] : memref<1x128xf32, #tpu.memory_space<vmem>>, vector<1x128xf32>
    %add3A_20 = vector.broadcast %get3A_19 : vector<1x128xf32> to vector<10000x128xf32>
    %add3A_21 = arith.addf %add3A_16, %add3A_20 : vector<10000x128xf32>
    %max3A = arith.constant 0.000000e+00 : f32
    %max3A_22 = vector.broadcast %max3A : f32 to vector<10000x128xf32>
    %max3A_23 = arith.maximumf %add3A_21, %max3A_22 : vector<10000x128xf32>
    %swap3A = arith.constant 0 : index
    %swap3A_24 = arith.constant 0 : index
    %swap3A_25 = vector.load %arg4[%swap3A, %swap3A_24] : memref<10000x128xf32, #tpu.memory_space<vmem>>, vector<10000x128xf32>
    tpu.vector_store %arg4[%swap3A, %swap3A_24], %max3A_23 {strides = array<i32>} : memref<10000x128xf32, #tpu.memory_space<vmem>>, vector<10000x128xf32>,
    return
  }
}

</mosaic_0001>

<sc_bundles>
// kernel: kernel.6.cloned.1.call-start
scs
__scs_entry_jumppad:
0x0: {  	(pc) =	sbr.rel $0x88, $3  }
0x1: {  	(tag) =	ssettag $0x0;
	lr =	simm.s32 $0x1  }
0x2: {  	[smem:$0x3F9A] =	sst lr;
	_ =	strace $0xD0000000  }
0x3: {  	_ = 	snop  }
0x4: {  	_ = 	snop  }
0x5: {  	_ = 	snop  }
0x6: {  	_ = 	snop  }
0x7: {  	_ = 	snop  }
__scs_overlays_trampoline_lowered:
0x8: {  	[smem:$0x3FA9] =	sst s0  }
0x9: {  	[smem:$0x3FAA] =	sst s1  }
0xa: {  	[smem:$0x3FAB] =	sst s2  }
0xb: {  	[smem:$0x3FAC] =	sst s3  }
0xc: {  	[smem:$0x3FAD] =	sst s4  }
0xd: {  	[smem:$0x3FAE] =	sst s5  }
0xe: {  	[smem:$0x3FAF] =	sst s6  }
0xf: {  	[smem:$0x3FB0] =	sst s7  }
0x10: {  	[smem:$0x3FB1] =	sst s8  }
0x11: {  	[smem:$0x3FB2] =	sst s9;
	s0 =	simm.s32 @!p0 $0x0  }
0x12: {  	s1 =	sld [smem:$0x3F98];
	s0 =	simm.s32 @p0 $0x1  }
0x13: {  	[smem:$0x3FB3] =	sst s0;
	s0 =	simm.s32 @!p1 $0x0  }
0x14: {  	s2 =	sld [smem:$0x3F97];
	s0 =	simm.s32 @p1 $0x1  }
0x15: {  	[smem:$0x3FB4] =	sst s0;
	s0 =	simm.s32 @!p2 $0x0  }
0x16: {  	s3 =	sld [smem:$0x3FDB];
	s0 =	simm.s32 @p2 $0x1  }
0x17: {  	s4 =	simm.s32 $0x1BF5;
	[smem:$0x3FB6] =	sst s0  }
0x18: {  	s0 =	sld [smem:$0x3F99];
	_ =	swait.ge [sflag:s4], $0x0  }
0x19: {  	s7 =	sld [smem:$0x3F9A]  }
0x1a: {  	s8 =	sadd.s32 $0xFFFFE003, lr  }
0x1b: {  	s9 =	sadd.s32 $0xFFFFFEF7, lr;
	s5 =	simm.s32 $0xFFFFFFFF;
	p2 =	slt.u32 s8, $0xFFFFF086  }
0x1c: {  	p1 =	slt.u32 s9, $0xF7A;
	s5 =	simm.s32 @!p2 $0x0  }
0x1d: {  	s5 =	simm.s32 @p1 $0x1;
	p0 =	seq.s32 s7, s2  }
0x1e: {  	s7 =	smul.u32 @!p0 $0xF7A, s2;
	p2 =	seq.s32 @!p0 s5, $0x0  }
0x1f: {  	s9 =	smul.u32 $0xF7A, s1;
	s8 =	simm.s32 @!p0 $0x1BF5;
	p2 =	por !p2, p0  }
0x20: {  	[sflag:s8] =	ssyncset.s32 @!p0 $0xFFFFF086;
	s6 =	sadd.s32 @!p0 s3, s7;
	s7 =	simm.s32 @!p0 $0x108  }
0x21: {  	s3 =	sadd.s32 s3, s9;
	s6 =	sadd.s32 @!p0 $0x88, s6;
	s7 =	simm.s32 @p2 $0x1082  }
0x22: {  	[simem:s7], [sflag:s8] =	dma.local @!p0 [hbm:s6], $0xF7A  }
0x23: {  	s9 =	sor.u32 $0xD0000000, s2;
	s6 =	simm.s32 $0x108;
	_ =	swait.ge @!p0 [sflag:s8], $0x0  }
0x24: {  	s3 =	sadd.s32 $0x88, s3;
	s6 =	simm.s32 @!p1 $0x1082;
	[sflag:s4] =	ssyncset.s32 $0xFFFFF086  }
0x25: {  	[simem:s6], [sflag:s4] =	dma.local [hbm:s3], $0xF7A  }
0x26: {  	[smem:$0x3F9A] =	sst s1;
	(tag) =	ssettag s2;
	_ =	strace s9  }
0x27: {  	s1 =	sld [smem:$0x3FAA]  }
0x28: {  	s2 =	sld [smem:$0x3FAB]  }
0x29: {  	s4 =	sld [smem:$0x3FAD]  }
0x2a: {  	p0 =	seq.s32 s5, $0x0;
	s5 =	sld [smem:$0x3FAE]  }
0x2b: {  	s6 =	sld [smem:$0x3FAF]  }
0x2c: {  	s7 =	sld [smem:$0x3FB0]  }
0x2d: {  	s3 =	simm.s32 $0x108;
	s8 =	sld [smem:$0x3FB1]  }
0x2e: {  	s3 =	simm.s32 @!p0 $0x1082;
	s9 =	sld [smem:$0x3FB2]  }
0x2f: {  	lr =	sadd.s32 s0, s3;
	s0 =	sld [smem:$0x3FA9]  }
0x30: {  	s3 =	sld [smem:$0x3FAC]  }
0x31: {  	[smem:$0x3FB5] =	sst s10  }
0x32: {  	s10 =	sld [smem:$0x3FB3];
	_ =	sdelay $0x3  }
0x33: {  	p0 =	seq.s32 s10, $0x1;
	s10 =	sld [smem:$0x3FB5];
	_ =	sdelay $0x3  }
0x34: {  	[smem:$0x3FB5] =	sst s10  }
0x35: {  	s10 =	sld [smem:$0x3FB4];
	_ =	sdelay $0x3  }
0x36: {  	p1 =	seq.s32 s10, $0x1;
	s10 =	sld [smem:$0x3FB5];
	_ =	sdelay $0x3  }
0x37: {  	[smem:$0x3FB5] =	sst s10  }
0x38: {  	s10 =	sld [smem:$0x3FB6]  }
0x39: {  	_ = 	snop;
	(pc) =	sbr.ind lr, $3  }
0x3a: {  	_ = 	snop  }
0x3b: {  	_ = 	snop  }
0x3c: {  	p2 =	seq.s32 s10, $0x1;
	s10 =	sld [smem:$0x3FB5]  }
0x3d: {  	_ =	shalt  }
0x3e: {  	_ =	shalt  }
0x3f: {  	_ =	shalt  }
0x40: {  	_ =	shalt  }
0x41: {  	_ =	shalt  }
0x42: {  	_ =	shalt  }
0x43: {  	_ =	shalt  }
0x44: {  	_ =	shalt  }
0x45: {  	_ =	shalt  }
0x46: {  	_ =	shalt  }
0x47: {  	_ =	shalt  }
0x48: {  	_ =	shalt  }
0x49: {  	_ =	shalt  }
0x4a: {  	_ =	shalt  }
0x4b: {  	_ =	shalt  }
0x4c: {  	_ =	shalt  }
0x4d: {  	_ =	shalt  }
0x4e: {  	_ =	shalt  }
0x4f: {  	_ =	shalt  }
0x50: {  	_ =	shalt  }
0x51: {  	_ =	shalt  }
0x52: {  	_ =	shalt  }
0x53: {  	_ =	shalt  }
0x54: {  	_ =	shalt  }
0x55: {  	_ =	shalt  }
0x56: {  	_ =	shalt  }
0x57: {  	_ =	shalt  }
0x58: {  	_ =	shalt  }
0x59: {  	_ =	shalt  }
0x5a: {  	_ =	shalt  }
0x5b: {  	_ =	shalt  }
0x5c: {  	_ =	shalt  }
0x5d: {  	_ =	shalt  }
0x5e: {  	_ =	shalt  }
0x5f: {  	_ =	shalt  }
0x60: {  	_ =	shalt  }
0x61: {  	_ =	shalt  }
0x62: {  	_ =	shalt  }
0x63: {  	_ =	shalt  }
0x64: {  	_ =	shalt  }
0x65: {  	_ =	shalt  }
0x66: {  	_ =	shalt  }
0x67: {  	_ =	shalt  }
0x68: {  	_ =	shalt  }
0x69: {  	_ =	shalt  }
0x6a: {  	_ =	shalt  }
0x6b: {  	_ =	shalt  }
0x6c: {  	_ =	shalt  }
0x6d: {  	_ =	shalt  }
0x6e: {  	_ =	shalt  }
0x6f: {  	_ =	shalt  }
0x70: {  	_ =	shalt  }
0x71: {  	_ =	shalt  }
0x72: {  	_ =	shalt  }
0x73: {  	_ =	shalt  }
0x74: {  	_ =	shalt  }
0x75: {  	_ =	shalt  }
0x76: {  	_ =	shalt  }
0x77: {  	_ =	shalt  }
0x78: {  	_ =	shalt  }
0x79: {  	_ =	shalt  }
0x7a: {  	_ =	shalt  }
0x7b: {  	_ =	shalt  }
0x7c: {  	_ =	shalt  }
0x7d: {  	_ =	shalt  }
0x7e: {  	_ =	shalt  }
0x7f: {  	_ =	shalt  }
0x80: {  	_ =	shalt  }
0x81: {  	_ =	shalt  }
0x82: {  	_ =	shalt  }
0x83: {  	_ =	shalt  }
0x84: {  	_ =	shalt  }
0x85: {  	_ =	shalt  }
0x86: {  	_ =	shalt  }
0x87: {  	_ =	shalt  }
.Lfunc_end0:
.L_simem_size_0:
called_computation_lowered:
.L_overlay_start_0:
0x88: {  	s2 =	sld [smem:$0x3FD9]  }
0x89: {  	s3 =	sld [smem:$0x3FFE];
	_ =	sdelay $0x1  }
0x8a: {  	s1 =	srdreg.scid  }
0x8b: {  	s0 =	sand.u32 $0x1, s1  }
0x8c: {  	s16 =	sshll.u32 s0, $0xA;
	s2 =	sadd.s32 s3, s2  }
0x8d: {  	s2 =	sadd.s32 s2, s16  }
0x8e: {  	[smem:$0x3FC1] =	sst s2  }
0x8f: {  	_ = 	snop  }
0x90: {  	(tm) =	ssettm $0x1  }
0x91: {  	s17 =	sld [smem:$0x3FFB];
	_ =	sdelay $0x3  }
0x92: {  	_ =	strace s17  }
0x93: {  	s2 =	sld [smem:$0x3FFC];
	_ =	sdelay $0x3  }
0x94: {  	_ =	strace s2  }
0x95: {  	s2 =	sld [smem:$0x3FFD];
	_ =	sdelay $0x3  }
0x96: {  	_ =	strace s2  }
0x97: {  	_ =	strace $0x8FFFFFFF  }
0x98: {  	s18 =	sld [smem:$0x3FDB];
	_ =	sdelay $0x1  }
0x99: {  	s19 =	simm.s32 $_scs_section_size  }
0x9a: {  	s4 =	simm.s32 $_size__tile_overlayer_lowered;
	s5 =	simm.s32 $_tile_overlayer_lowered  }
0x9b: {  	s22 =	simm.s32 $0x1BFF;
	s21 =	sshll.u32 s5, $0x1;
	s2 =	sadd.s32 s19, s18  }
0x9c: {  	s6 =	simm.s32 $0x0;
	s20 =	sshll.u32 s4, $0x1;
	s4 =	sadd.s32 s21, s2  }
0x9d: {  	[timem:s6], [sflag:s22] =	dma.local [hbm:s4], s20  }
0x9e: {  	_ =	swait.ge [sflag:s22], s20  }
0x9f: {  	s3 =	ssub.s32 $0x0, s20;
	[sflag:s22] =	ssyncset.done $0x0  }
0xa0: {  	[sflag:s22] =	ssyncadd.s32 s3;
	_ =	sdelay $0x1  }
0xa1: {  	s23 =	simm.s32 $0x1B8B  }
0xa2: {  	_ =	swait.ge [sflag:s23], $0x1  }
0xa3: {  	[sflag:s23] =	ssyncset.done $0x0  }
0xa4: {  	s25 =	simm.s32 $0x1B8E;
	s24 =	sld [smem:$0x3FFE];
	[sflag:s23] =	ssyncadd.s32 $0xFFFFFFFF  }
0xa5: {  	s26 =	simm.s32 $execute0_lowered;
	[smem:$0x3FD2] =	sst s25  }
0xa6: {  	s4 =	sshll.u32 s26, $0x1;
	_ =	strace $0x80000046;
	[dreg:$0x1] =	wrdreg $0xFFFFFFFF  }
0xa7: {  	s28 =	simm.s32 $_size_execute0_lowered;
	s2 =	sadd.s32 s2, s4;
	[dreg:$0x0] =	wrdreg $0x0  }
0xa8: {  	s4 =	sshll.u32 s28, $0x1;
	[dreg:$0x2] =	wrdreg s2  }
0xa9: {  	[dreg:$0x3] =	wrdreg s4  }
0xaa: {  	[dreg:$0x4] =	wrdreg $0xC0  }
0xab: {  	_ =	task [dreg:s6], $0x5FFFF  }
0xac: {  	[dreg:$0x1] =	wrdreg $0xFFFFFFFF  }
0xad: {  	[dreg:$0x0] =	wrdreg $0x60  }
0xae: {  	[dreg:$0x2] =	wrdreg s24  }
0xaf: {  	[dreg:$0x3] =	wrdreg $0x0  }
0xb0: {  	[dreg:$0x4] =	wrdreg $0x9  }
0xb1: {  	_ =	task.clear_ibuf [dreg:s6], $0x5FFFF;
	_ =	strace $0x90000046  }
0xb2: {  	s29 =	simm.s32 $0x9;
	_ =	strace $0x80000048  }
0xb3: {  	_ =	swait.ge [sflag:s29], $0x1  }
0xb4: {  	[sflag:s29] =	ssyncadd.s32 $0xFFFFFFFF  }
0xb5: {  	_ =	strace $0x90000048  }
0xb6: {  	_ =	sfence  }
0xb7: {  	s30 =	sld [smem:$0x0];
	_ =	sdelay $0x2  }
0xb8: {  	s31 =	sshll.u32 s1, $0xD;
	s1 =	sshrl.u32 s1, $0x2  }
0xb9: {  	s3 =	sand.u32 $0x4000, s31;
	s1 =	sadd.s32 s1, s30  }
0xba: {  	s0 =	sor.u32 s3, s0;
	s1 =	sshll.u32 s1, $0x11  }
0xbb: {  	s0 =	sor.u32 s1, s0  }
0xbc: {  	s0 =	sadd.s32 $0x8F2B, s0  }
0xbd: {  	[sflag:s0] =	ssyncadd.remote.s32 $0x1  }
0xbe: {  	_ =	sfence.sel $0xFFFF  }
0xbf: {  	[dreg:$0x0] =	wrdreg $0xFFFFFFFF;
	(pc) =	sbr.abs _section_cstart, $3  }
0xc0: {  	[dreg:$0x1] =	wrdreg $0xFFFFFFFF  }
0xc1: {  	_ =	task.clear_ibuf [dreg:s6], $0x2FFFF;
	_ =	strace $0x9FFFFFFF  }
0xc2: {  	(tm) =	ssettm $0x7FFFFFFF  }
0xc3: {  	_ =	shalt  }
tec
execute0_lowered:
.L_overlay_start_1:
0x0: {  	(tag) =	ssettag $0x1  }
0x1: {  	s0 =	rddreg [dreg:$0x0]  }
0x2: {  	s1 =	rddreg [dreg:$0x1];
	s2 =	simm.s32 $0x0  }
0x3: {  	s3 =	srdreg.scid;
	s12 =	stileid.u32;
	s29 =	simm.s32 $0x13C80  }
0x4: {  	s31 =	simm.s32 $0x13880;
	s28 =	simm.s32 $0x13A80;
	[smem:$0x7FF] =	sst s2  }
0x5: {  	s30 =	simm.s32 $0x4;
	s4 =	sadd.s32 $0x503A00, s0;
	s5 =	sadd.s32 $0x52AC00, s0  }
0x6: {  	s3 =	sand.u32 $0x1, s3;
	s7 =	smul.u32 $0x4E200, s12;
	s6 =	sadd.s32 $0x4E4600, s0  }
0x7: {  	s0 =	sadd.s32 $0x2600, s0;
	s10 =	sshll.u32 s12, $0x1;
	s20 =	smul.u32 $0x13C00, s12  }
0x8: {  	s21 =	smul.u32 $0x4F000, s12;
	p0 =	seq.s32 s12, $0xF;
	s12 =	simm.s32 $0x50  }
0x9: {  	s8 =	ssub.s32 $0x2, s3;
	s24 =	sor.u32 s3, s10;
	s3 =	smul.u32 $0x138800, s3  }
0xa: {  	_ =	strace $0x80000047;
	s7 =	sshrl.u32 s7, $0x2;
	s10 =	smul.u32 $0x7D00, s24  }
0xb: {  	s9 =	sshrl.u32 s8, $0x1;
	s16 =	smul.u32 $0x138800, s24;
	s11 =	sadd.s32 s7, s1  }
0xc: {  	s23 =	sshrl.u32 s21, $0x2;
	s7 =	sadd.s32 $0x2800, s11;
	[dreg:$0x3] =	wrdreg s11  }
0xd: {  	s8 =	ssub.s32 s8, s9;
	s25 =	sadd.s32 $0x5000, s11;
	[dreg:$0x4] =	wrdreg s7  }
0xe: {  	s22 =	sadd.s32 s20, s3;
	s26 =	sadd.s32 $0x7800, s11;
	[dreg:$0x5] =	wrdreg s25  }
0xf: {  	s3 =	sshrl.u32 s3, $0x3;
	s13 =	sadd.s32 $0xA000, s11;
	[dreg:$0x6] =	wrdreg s26  }
0x10: {  	s20 =	simm.s32 $0x7;
	s14 =	sadd.s32 $0xC800, s11;
	[dreg:$0x7] =	wrdreg s13  }
0x11: {  	s15 =	sadd.s32 $0xF000, s11;
	s17 =	sadd.s32 $0x11800, s11;
	[dreg:$0x8] =	wrdreg s14  }
0x12: {  	s18 =	sshrl.u32 s10, $0x3;
	s13 =	smul.u32 $0x2710, s24;
	[dreg:$0x9] =	wrdreg s15  }
0x13: {  	[dreg:$0xa] =	wrdreg s17;
	s19 =	sadd.s32 s6, s18;
	s7 =	sshrl.u32 s16, $0x3  }
0x14: {  	s24 =	smax.u32 s8, $0x1;
	s25 =	sadd.s32 $0x400, s10;
	s26 =	sadd.s32 $0x500, s10  }
0x15: {  	s8 =	simm.s32 $0x2;
	s15 =	simm.s32 $0x16480;
	[dreg:$0xb] =	wrdreg s19  }
0x16: {  	s18 =	simm.s32 $0x5;
	s17 =	simm.s32 $0x3;
	[dreg:$0x11] =	wrdreg s24  }
0x17: {  	s16 =	simm.s32 $0x0;
	s11 =	sadd.s32 $0x20, s19;
	[dreg:$0x14] =	wrdreg s25  }
0x18: {  	s7 =	sadd.s32 s5, s7;
	[dreg:$0x15] =	wrdreg s26;
	s19 =	simm.s32 $0xB  }
0x19: {  	s25 =	simm.s32 $0x9;
	[dreg:$0xc] =	wrdreg s11;
	s7 =	sadd.s32 $0x26C00, s7  }
0x1a: {  	s14 =	sadd.s32 $0x50, s13;
	[dreg:$0xe] =	wrdreg s7;
	s7 =	sshrl.u32 s22, $0x3  }
0x1b: {  	[dreg:$0xd] =	wrdreg s14;
	s7 =	sadd.s32 s0, s7;
	s0 =	sadd.s32 s0, s3  }
0x1c: {  	s14 =	simm.s32 $0x18C80;
	s22 =	simm.s32 $0x6;
	s0 =	sadd.s32 $0x25080, s0  }
0x1d: {  	s3 =	simm.s32 $0x1;
	[dreg:$0x10] =	wrdreg s0;
	s0 =	sadd.s32 $0x128400, s1  }
0x1e: {  	[dreg:$0xf] =	wrdreg s7;
	s7 =	sadd.s32 s23, s1;
	s0 =	sshrl.u32 @p0 s0, $0x3  }
0x1f: {  	s23 =	simm.s32 $0x8;
	[dreg:$0x12] =	wrdreg s0;
	s0 =	sshrl.u32 @!p0 s7, $0x3  }
0x20: {  	v0 =	vimm.f32 $0.0e+00;
	s7 =	simm.s32 $0xA;
	[dreg:$0x13] =	wrdreg s0;
	s0 =	simm.s32 $0x13980  }
.LBB2_1:
0x21: {  	s9 =	simm.s32 $0x13D80  }
0x22: {  	[tilespmem:s9+$0xFFFFFF00] =	vst v0  }
0x23: {  	[tilespmem:s9+$0xF0] =	vst v0  }
0x24: {  	[tilespmem:s9+$0xE0] =	vst v0  }
0x25: {  	[tilespmem:s9+$0xD0] =	vst v0  }
0x26: {  	[tilespmem:s9+$0xC0] =	vst v0  }
0x27: {  	[tilespmem:s9+$0xB0] =	vst v0  }
0x28: {  	[tilespmem:s9+$0xA0] =	vst v0  }
0x29: {  	[tilespmem:s9+$0x90] =	vst v0  }
0x2a: {  	[tilespmem:s9+$0x80] =	vst v0  }
0x2b: {  	[tilespmem:s9+$0x70] =	vst v0  }
0x2c: {  	[tilespmem:s9+$0x60] =	vst v0  }
0x2d: {  	[tilespmem:s9+$0x50] =	vst v0  }
0x2e: {  	[tilespmem:s9+$0x40] =	vst v0  }
0x2f: {  	[tilespmem:s9+$0x30] =	vst v0  }
0x30: {  	[tilespmem:s9+$0x20] =	vst v0  }
0x31: {  	[tilespmem:s9+$0x10] =	vst v0  }
0x32: {  	[tilespmem:s9+$0x0] =	vst v0  }
0x33: {  	[tilespmem:s9+$0xFFFFFFF0] =	vst v0  }
0x34: {  	[tilespmem:s9+$0xFFFFFFE0] =	vst v0  }
0x35: {  	[tilespmem:s9+$0xFFFFFFD0] =	vst v0  }
0x36: {  	[tilespmem:s9+$0xFFFFFFC0] =	vst v0  }
0x37: {  	[tilespmem:s9+$0xFFFFFFB0] =	vst v0  }
0x38: {  	[tilespmem:s9+$0xFFFFFFA0] =	vst v0  }
0x39: {  	[tilespmem:s9+$0xFFFFFF90] =	vst v0  }
0x3a: {  	[tilespmem:s9+$0xFFFFFF80] =	vst v0  }
0x3b: {  	[tilespmem:s9+$0xFFFFFF70] =	vst v0  }
0x3c: {  	[tilespmem:s9+$0xFFFFFF60] =	vst v0  }
0x3d: {  	[tilespmem:s9+$0xFFFFFF50] =	vst v0  }
0x3e: {  	[tilespmem:s9+$0xFFFFFF40] =	vst v0  }
0x3f: {  	[tilespmem:s9+$0xFFFFFF30] =	vst v0  }
0x40: {  	s11 =	simm.s32 $0x0;
	[tilespmem:s9+$0xFFFFFF20] =	vst v0  }
.LBB2_2:
0x41: {  	s11 =	sadd.s32 $0x4, s11;
	[tilespmem:s9+$0xFFFFFF10] =	vst v0;
	s9 =	sadd.s32 $0x200, s9  }
0x42: {  	[tilespmem:s9+$0xFFFFFF00] =	vst v0;
	p1 =	slt.u32 s11, $0x4C  }
0x43: {  	[tilespmem:s9+$0xF0] =	vst v0  }
0x44: {  	[tilespmem:s9+$0xE0] =	vst v0  }
0x45: {  	[tilespmem:s9+$0xD0] =	vst v0  }
0x46: {  	[tilespmem:s9+$0xC0] =	vst v0  }
0x47: {  	[tilespmem:s9+$0xB0] =	vst v0  }
0x48: {  	[tilespmem:s9+$0xA0] =	vst v0  }
0x49: {  	[tilespmem:s9+$0x90] =	vst v0  }
0x4a: {  	[tilespmem:s9+$0x80] =	vst v0  }
0x4b: {  	[tilespmem:s9+$0x70] =	vst v0  }
0x4c: {  	[tilespmem:s9+$0x60] =	vst v0  }
0x4d: {  	[tilespmem:s9+$0x50] =	vst v0  }
0x4e: {  	[tilespmem:s9+$0x40] =	vst v0  }
0x4f: {  	[tilespmem:s9+$0x30] =	vst v0  }
0x50: {  	[tilespmem:s9+$0x20] =	vst v0  }
0x51: {  	[tilespmem:s9+$0x10] =	vst v0  }
0x52: {  	[tilespmem:s9+$0x0] =	vst v0  }
0x53: {  	[tilespmem:s9+$0xFFFFFFF0] =	vst v0  }
0x54: {  	[tilespmem:s9+$0xFFFFFFE0] =	vst v0  }
0x55: {  	[tilespmem:s9+$0xFFFFFFD0] =	vst v0  }
0x56: {  	[tilespmem:s9+$0xFFFFFFC0] =	vst v0  }
0x57: {  	[tilespmem:s9+$0xFFFFFFB0] =	vst v0  }
0x58: {  	[tilespmem:s9+$0xFFFFFFA0] =	vst v0  }
0x59: {  	[tilespmem:s9+$0xFFFFFF90] =	vst v0  }
0x5a: {  	[tilespmem:s9+$0xFFFFFF80] =	vst v0  }
0x5b: {  	[tilespmem:s9+$0xFFFFFF70] =	vst v0  }
.Ltmp0:
0x5c: {  	[tilespmem:s9+$0xFFFFFF60] =	vst v0;
	(pc) =	sbr.rel @p1 .LBB2_2-.Ltmp0, $4  }
0x5d: {  	[tilespmem:s9+$0xFFFFFF50] =	vst v0  }
0x5e: {  	[tilespmem:s9+$0xFFFFFF40] =	vst v0  }
0x5f: {  	[tilespmem:s9+$0xFFFFFF30] =	vst v0  }
0x60: {  	[tilespmem:s9+$0xFFFFFF20] =	vst v0  }
0x61: {  	[dreg:$0x16] =	wrdreg s16  }
0x62: {  	[tilespmem:s9+$0xFFFFFF10] =	vst v0  }
0x63: {  	s9 =	rddreg [dreg:$0x3]  }
0x64: {  	[spmem:s9] =	stream.linear.scatter [tilespmem:s29], [sflag:$0xB], $0x2800, $0x38;
	[tilespmem:$0x1DC80] =	vst v63  }
0x65: {  	_ =	swait.ge [sflag:s19], $0x2800  }
0x66: {  	[sflag:s19] =	ssyncset.done $0x0  }
0x67: {  	s11 =	rddreg [dreg:$0x4];
	[sflag:s19] =	ssyncadd.s32 $0xFFFFD800  }
0x68: {  	[spmem:s11] =	stream.linear.scatter [tilespmem:s29], [sflag:$0xB], $0x2800, $0x38;
	[tilespmem:$0x1DC80] =	vst v63  }
0x69: {  	_ =	swait.ge [sflag:s19], $0x2800  }
0x6a: {  	[sflag:s19] =	ssyncset.done $0x0  }
0x6b: {  	s16 =	rddreg [dreg:$0x5];
	[sflag:s19] =	ssyncadd.s32 $0xFFFFD800  }
0x6c: {  	[spmem:s16] =	stream.linear.scatter [tilespmem:s29], [sflag:$0xB], $0x2800, $0x38;
	[tilespmem:$0x1DC80] =	vst v63  }
0x6d: {  	_ =	swait.ge [sflag:s19], $0x2800  }
0x6e: {  	[sflag:s19] =	ssyncset.done $0x0  }
0x6f: {  	s21 =	rddreg [dreg:$0x6];
	[sflag:s19] =	ssyncadd.s32 $0xFFFFD800  }
0x70: {  	[spmem:s21] =	stream.linear.scatter [tilespmem:s29], [sflag:$0xB], $0x2800, $0x38;
	[tilespmem:$0x1DC80] =	vst v63  }
0x71: {  	_ =	swait.ge [sflag:s19], $0x2800  }
0x72: {  	[sflag:s19] =	ssyncset.done $0x0  }
0x73: {  	s24 =	rddreg [dreg:$0x7];
	[sflag:s19] =	ssyncadd.s32 $0xFFFFD800  }
0x74: {  	[spmem:s24] =	stream.linear.scatter [tilespmem:s29], [sflag:$0xB], $0x2800, $0x38;
	[tilespmem:$0x1DC80] =	vst v63  }
0x75: {  	_ =	swait.ge [sflag:s19], $0x2800  }
0x76: {  	[sflag:s19] =	ssyncset.done $0x0  }
0x77: {  	s26 =	rddreg [dreg:$0x8];
	[sflag:s19] =	ssyncadd.s32 $0xFFFFD800  }
0x78: {  	[spmem:s26] =	stream.linear.scatter [tilespmem:s29], [sflag:$0xB], $0x2800, $0x38;
	[tilespmem:$0x1DC80] =	vst v63  }
0x79: {  	_ =	swait.ge [sflag:s19], $0x2800  }
0x7a: {  	[sflag:s19] =	ssyncset.done $0x0  }
0x7b: {  	s11 =	rddreg [dreg:$0x9];
	[sflag:s19] =	ssyncadd.s32 $0xFFFFD800  }
0x7c: {  	[spmem:s11] =	stream.linear.scatter [tilespmem:s29], [sflag:$0xB], $0x2800, $0x38;
	[tilespmem:$0x1DC80] =	vst v63  }
0x7d: {  	_ =	swait.ge [sflag:s19], $0x2800  }
0x7e: {  	[sflag:s19] =	ssyncset.done $0x0  }
0x7f: {  	s16 =	rddreg [dreg:$0xa];
	[sflag:s19] =	ssyncadd.s32 $0xFFFFD800  }
0x80: {  	[spmem:s16] =	stream.linear.scatter [tilespmem:s29], [sflag:$0xB], $0x2080, $0x38;
	[tilespmem:$0x1DC80] =	vst v63  }
0x81: {  	_ =	swait.ge [sflag:s19], $0x2080  }
0x82: {  	[sflag:s19] =	ssyncset.done $0x0  }
0x83: {  	[sflag:s19] =	ssyncadd.s32 $0xFFFFDF80  }
0x84: {  	[bflag:$0x0] =	sbarrier.arrive $0xFFFF  }
0x85: {  	s24 =	simm.s32 $0x0;
	s21 =	rddreg [dreg:$0xb]  }
0x86: {  	[tilespmem:s31], [sflag:$0x1] =	stream.linear.gather [hbm4b:s21+s24], $0x100, $0x38;
	[tilespmem:$0x1DC80] =	vst v63  }
0x87: {  	s26 =	rddreg [dreg:$0xc]  }
0x88: {  	[tilespmem:s0], [sflag:$0x2] =	stream.linear.gather [hbm4b:s26+s24], $0x100, $0x38;
	[tilespmem:$0x1DC80] =	vst v63  }
.LBB2_4:
0x89: {  	s21 =	sshll.u32 s24, $0x2;
	_ =	swait.ge [sflag:s3], $0x100  }
0x8a: {  	[sflag:s3] =	ssyncset.done $0x0;
	s26 =	sor.u32 $0x2, s21  }
0x8b: {  	[sflag:s3] =	ssyncadd.s32 $0xFFFFFF00;
	s9 =	sshll.u32 s26, $0x8  }
0x8c: {  	_ =	swait.ge [sflag:s8], $0x100;
	s9 =	sadd.s32 s10, s9  }
0x8d: {  	s19 =	sshllo.u32 s24, $0x2;
	[sflag:s8] =	ssyncset.done $0x0;
	s9 =	sshrl.u32 s9, $0x3  }
0x8e: {  	s11 =	sshll.u32 s19, $0x8;
	[sflag:s8] =	ssyncadd.s32 $0xFFFFFF00;
	s9 =	sadd.s32 s6, s9  }
0x8f: {  	[tilespmem:s28], [sflag:$0x3] =	stream.linear.gather [hbm4b:s9+s2], $0x100, $0x38;
	[tilespmem:$0x1DC80] =	vst v63  }
0x90: {  	s9 =	sadd.s32 s10, s11  }
0x91: {  	s9 =	sshrl.u32 s9, $0x3  }
0x92: {  	s11 =	simm.s32 $0x13B80;
	s9 =	sadd.s32 s6, s9  }
0x93: {  	[tilespmem:s11], [sflag:$0x4] =	stream.linear.gather [hbm4b:s9+s2], $0x100, $0x38;
	[tilespmem:$0x1DC80] =	vst v63  }
0x94: {  	s9 =	smul.u32 $0x140, s24  }
0x95: {  	[tilespmem:s29], [sflag:$0x5] =	stream.indirect.gather [hbm4b:s4+s12], $0x80, s31, s12, $0xb8;
	[tilespmem:$0x1DC80] =	vst v63  }
0x96: {  	s16 =	sadd.s32 s13, s9  }
0x97: {  	s11 =	sshll.u32 s16, $0x4;
	s16 =	rddreg [dreg:$0xd]  }
0x98: {  	s11 =	sadd.s32 s5, s11;
	s9 =	sadd.s32 s16, s9  }
0x99: {  	[tilespmem:s14], [sflag:$0x7] =	stream.linear.gather [hbm4b:s11+s2], $0x2800, $0x38;
	[tilespmem:$0x1DC80] =	vst v63  }
0x9a: {  	s9 =	sshll.u32 s9, $0x4  }
0x9b: {  	[tilespmem:s15], [sflag:$0x6] =	stream.indirect.gather [hbm4b:s4+s12], $0x80, s0, s12, $0xb8;
	[tilespmem:$0x1DC80] =	vst v63  }
0x9c: {  	s16 =	simm.s32 $0x1B480;
	s9 =	sadd.s32 s5, s9  }
0x9d: {  	[tilespmem:s16], [sflag:$0x8] =	stream.linear.gather [hbm4b:s9+s2], $0x2800, $0x38;
	[tilespmem:$0x1DC80] =	vst v63  }
0x9e: {  	_ =	swait.ge [sflag:s18], $0x2800  }
0x9f: {  	[sflag:s18] =	ssyncset.done $0x0  }
0xa0: {  	[sflag:s18] =	ssyncadd.s32 $0xFFFFD800  }
0xa1: {  	_ =	swait.ge [sflag:s20], $0x2800  }
0xa2: {  	[sflag:s20] =	ssyncset.done $0x0  }
0xa3: {  	s28 =	simm.s32 $0x13E80;
	[sflag:s20] =	ssyncadd.s32 $0xFFFFD800  }
0xa4: {  	s9 =	simm.s32 $0x18E80;
	v1 =	vld [tilespmem:s28+$0x180]  }
0xa5: {  	v2 =	vld [tilespmem:s9+$0x180]  }
0xa6: {  	v3 =	vld [tilespmem:s28+$0xFFFFFE80]  }
0xa7: {  	v5 =	vld [tilespmem:s9+$0xFFFFFE80]  }
0xa8: {  	v6 =	vld [tilespmem:s28+$0xFFFFFF00]  }
0xa9: {  	v7 =	vld [tilespmem:s9+$0xFFFFFF00]  }
0xaa: {  	v8 =	vld [tilespmem:s28+$0xFFFFFF80]  }
0xab: {  	v9 =	vld [tilespmem:s9+$0xFFFFFF80]  }
0xac: {  	v10 =	vld [tilespmem:s9+$0x0]  }
0xad: {  	v11 =	vld [tilespmem:s28+$0x80]  }
0xae: {  	v44 =	vld [tilespmem:s28+$0xFFFFFE90]  }
0xaf: {  	v13 =	vld [tilespmem:s28+$0xFFFFFF10]  }
0xb0: {  	v14 =	vld [tilespmem:s28+$0x90]  }
0xb1: {  	v45 =	vld [tilespmem:s28+$0x110]  }
0xb2: {  	v46 =	vld [tilespmem:s28+$0xFFFFFF20]  }
0xb3: {  	v47 =	vld [tilespmem:s28+$0xFFFFFFA0]  }
0xb4: {  	v48 =	vld [tilespmem:s28+$0xA0]  }
0xb5: {  	v49 =	vld [tilespmem:s28+$0xFFFFFF30];
	v1 =	vadd.f32 v2, v1  }
0xb6: {  	v50 =	vld [tilespmem:s28+$0xFFFFFFB0]  }
0xb7: {  	v51 =	vld [tilespmem:s28+$0x30];
	v1 =	vmax.f32 v1, $0.0e+00  }
0xb8: {  	[tilespmem:s28+$0x180] =	vst v1;
	v1 =	vld [tilespmem:s28+$0x190]  }
0xb9: {  	v4 =	vld [tilespmem:s9+$0x190]  }
0xba: {  	v52 =	vld [tilespmem:s28+$0xFFFFFE40]  }
0xbb: {  	v54 =	vld [tilespmem:s28+$0xFFFFFFC0]  }
0xbc: {  	v55 =	vld [tilespmem:s28+$0xC0]  }
0xbd: {  	v56 =	vld [tilespmem:s28+$0xFFFFFE50]  }
0xbe: {  	v57 =	vld [tilespmem:s28+$0xFFFFFFD0];
	v1 =	vadd.f32 v4, v1  }
0xbf: {  	v58 =	vld [tilespmem:s28+$0xD0]  }
0xc0: {  	v2 =	vld [tilespmem:s9+$0xFFFFFE00];
	v1 =	vmax.f32 v1, $0.0e+00  }
0xc1: {  	[tilespmem:s28+$0x190] =	vst v1;
	v1 =	vld [tilespmem:s28+$0x1A0]  }
0xc2: {  	v12 =	vld [tilespmem:s9+$0x1A0]  }
0xc3: {  	v3 =	vadd.f32 v5, v3;
	v5 =	vld [tilespmem:s9+$0x80]  }
0xc4: {  	v8 =	vadd.f32 v9, v8;
	v9 =	vld [tilespmem:s28+$0xFFFFFE00]  }
0xc5: {  	v6 =	vadd.f32 v7, v6;
	v7 =	vld [tilespmem:s28+$0x100]  }
0xc6: {  	v3 =	vmax.f32 v3, $0.0e+00;
	v4 =	vld [tilespmem:s28+$0x0]  }
0xc7: {  	[tilespmem:s28+$0xFFFFFE80] =	vst v3;
	v3 =	vmax.f32 v6, $0.0e+00;
	v6 =	vld [tilespmem:s9+$0x100];
	v1 =	vadd.f32 v12, v1  }
0xc8: {  	[tilespmem:s28+$0xFFFFFF00] =	vst v3;
	v3 =	vmax.f32 v8, $0.0e+00;
	v8 =	vld [tilespmem:s9+$0xFFFFFE90];
	v5 =	vadd.f32 v5, v11  }
0xc9: {  	v2 =	vadd.f32 v2, v9;
	v11 =	vld [tilespmem:s28+$0xFFFFFE10];
	v1 =	vmax.f32 v1, $0.0e+00  }
0xca: {  	[tilespmem:s28+$0x1A0] =	vst v1;
	v1 =	vmax.f32 v5, $0.0e+00;
	v5 =	vld [tilespmem:s28+$0x1B0]  }
0xcb: {  	v4 =	vadd.f32 v10, v4;
	[tilespmem:s28+$0x80] =	vst v1;
	v1 =	vmax.f32 v2, $0.0e+00;
	v2 =	vld [tilespmem:s9+$0x1B0]  }
0xcc: {  	[tilespmem:s28+$0xFFFFFF80] =	vst v3;
	v6 =	vadd.f32 v6, v7;
	v7 =	vld [tilespmem:s28+$0x10]  }
0xcd: {  	v3 =	vmax.f32 v4, $0.0e+00;
	v4 =	vld [tilespmem:s9+$0xFFFFFF10];
	[tilespmem:s28+$0xFFFFFE00] =	vst v1  }
0xce: {  	v1 =	vld [tilespmem:s9+$0xFFFFFE10]  }
0xcf: {  	[tilespmem:s28+$0x0] =	vst v3;
	v3 =	vld [tilespmem:s9+$0xFFFFFF90]  }
0xd0: {  	v9 =	vld [tilespmem:s9+$0x10];
	v2 =	vadd.f32 v2, v5  }
0xd1: {  	v5 =	vld [tilespmem:s28+$0xFFFFFF90]  }
0xd2: {  	v10 =	vld [tilespmem:s9+$0x90];
	v2 =	vmax.f32 v2, $0.0e+00  }
0xd3: {  	v1 =	vadd.f32 v1, v11;
	[tilespmem:s28+$0x1B0] =	vst v2;
	v2 =	vmax.f32 v6, $0.0e+00;
	v6 =	vld [tilespmem:s28+$0x1C0]  }
0xd4: {  	[tilespmem:s28+$0x100] =	vst v2;
	v2 =	vadd.f32 v8, v44;
	v8 =	vld [tilespmem:s9+$0x1C0]  }
0xd5: {  	v4 =	vadd.f32 v4, v13;
	v1 =	vmax.f32 v1, $0.0e+00;
	v11 =	vld [tilespmem:s9+$0x110]  }
0xd6: {  	v59 =	vld [tilespmem:s28+$0xFFFFFE60];
	[tilespmem:s28+$0xFFFFFE10] =	vst v1;
	v1 =	vmax.f32 v2, $0.0e+00;
	v2 =	vadd.f32 v3, v5  }
0xd7: {  	v60 =	vld [tilespmem:s28+$0xFFFFFFE0];
	[tilespmem:s28+$0xFFFFFE90] =	vst v1;
	v1 =	vmax.f32 v4, $0.0e+00;
	v4 =	vadd.f32 v9, v7  }
0xd8: {  	v61 =	vld [tilespmem:s28+$0xE0];
	[tilespmem:s28+$0xFFFFFF10] =	vst v1;
	v1 =	vmax.f32 v2, $0.0e+00;
	v2 =	vadd.f32 v10, v14  }
0xd9: {  	v3 =	vld [tilespmem:s9+$0xFFFFFE20];
	[tilespmem:s28+$0xFFFFFF90] =	vst v1;
	v1 =	vmax.f32 v4, $0.0e+00;
	v4 =	vadd.f32 v8, v6  }
0xda: {  	v5 =	vld [tilespmem:s9+$0xFFFFFEA0];
	[tilespmem:s28+$0x10] =	vst v1;
	v1 =	vmax.f32 v2, $0.0e+00;
	v2 =	vadd.f32 v11, v45  }
0xdb: {  	v10 =	vld [tilespmem:s28+$0xFFFFFE20];
	[tilespmem:s28+$0x90] =	vst v1;
	v1 =	vmax.f32 v4, $0.0e+00  }
0xdc: {  	[tilespmem:s28+$0x1C0] =	vst v1;
	v1 =	vmax.f32 v2, $0.0e+00;
	v2 =	vld [tilespmem:s28+$0x1D0]  }
0xdd: {  	[tilespmem:s28+$0x110] =	vst v1;
	v1 =	vld [tilespmem:s9+$0x1D0]  }
0xde: {  	v7 =	vld [tilespmem:s9+$0xFFFFFF20]  }
0xdf: {  	v6 =	vld [tilespmem:s9+$0xFFFFFFA0]  }
0xe0: {  	v11 =	vld [tilespmem:s28+$0xFFFFFEA0]  }
0xe1: {  	v8 =	vld [tilespmem:s9+$0x20];
	v3 =	vadd.f32 v3, v10  }
0xe2: {  	v4 =	vld [tilespmem:s9+$0xA0];
	v1 =	vadd.f32 v1, v2  }
0xe3: {  	v10 =	vld [tilespmem:s28+$0x120];
	v3 =	vmax.f32 v3, $0.0e+00  }
0xe4: {  	[tilespmem:s28+$0xFFFFFE20] =	vst v3;
	v2 =	vld [tilespmem:s28+$0x20];
	v1 =	vmax.f32 v1, $0.0e+00  }
0xe5: {  	v9 =	vld [tilespmem:s9+$0x120];
	[tilespmem:s28+$0x1D0] =	vst v1;
	v1 =	vadd.f32 v5, v11  }
0xe6: {  	v7 =	vadd.f32 v7, v46;
	v3 =	vadd.f32 v6, v47;
	v6 =	vld [tilespmem:s9+$0xFFFFFE30]  }
0xe7: {  	v5 =	vld [tilespmem:s28+$0x1E0];
	v1 =	vmax.f32 v1, $0.0e+00  }
0xe8: {  	v11 =	vld [tilespmem:s9+$0x1E0];
	[tilespmem:s28+$0xFFFFFEA0] =	vst v1;
	v1 =	vmax.f32 v7, $0.0e+00  }
0xe9: {  	v2 =	vadd.f32 v8, v2;
	v7 =	vld [tilespmem:s9+$0xFFFFFEB0];
	[tilespmem:s28+$0xFFFFFF20] =	vst v1  }
0xea: {  	v1 =	vmax.f32 v3, $0.0e+00;
	v3 =	vadd.f32 v4, v48;
	v4 =	vld [tilespmem:s9+$0xFFFFFF30]  }
0xeb: {  	[tilespmem:s28+$0xFFFFFFA0] =	vst v1;
	v1 =	vmax.f32 v2, $0.0e+00;
	v2 =	vadd.f32 v9, v10;
	v10 =	vld [tilespmem:s28+$0xFFFFFE30]  }
0xec: {  	v8 =	vld [tilespmem:s9+$0xFFFFFFB0]  }
0xed: {  	[tilespmem:s28+$0x20] =	vst v1;
	v1 =	vmax.f32 v3, $0.0e+00;
	v3 =	vadd.f32 v11, v5;
	v11 =	vld [tilespmem:s28+$0xFFFFFEB0]  }
0xee: {  	v5 =	vld [tilespmem:s9+$0x30];
	[tilespmem:s28+$0xA0] =	vst v1;
	v1 =	vmax.f32 v2, $0.0e+00  }
0xef: {  	v9 =	vld [tilespmem:s9+$0xB0];
	[tilespmem:s28+$0x120] =	vst v1  }
0xf0: {  	v1 =	vmax.f32 v3, $0.0e+00;
	v3 =	vld [tilespmem:s9+$0x130]  }
0xf1: {  	[tilespmem:s28+$0x1E0] =	vst v1;
	v1 =	vld [tilespmem:s28+$0x1F0]  }
0xf2: {  	v2 =	vld [tilespmem:s9+$0x1F0];
	v6 =	vadd.f32 v6, v10  }
0xf3: {  	v10 =	vld [tilespmem:s28+$0xB0];
	v7 =	vadd.f32 v7, v11  }
0xf4: {  	v4 =	vadd.f32 v4, v49;
	v11 =	vld [tilespmem:s28+$0x130];
	v6 =	vmax.f32 v6, $0.0e+00  }
0xf5: {  	[tilespmem:s28+$0xFFFFFE30] =	vst v6;
	v6 =	vmax.f32 v7, $0.0e+00;
	v7 =	vld [tilespmem:s28+$0xFFFFFEC0]  }
0xf6: {  	v8 =	vadd.f32 v8, v50;
	v4 =	vmax.f32 v4, $0.0e+00;
	v53 =	vld [tilespmem:s9+$0xFFFFFE40];
	[tilespmem:s28+$0xFFFFFEB0] =	vst v6  }
0xf7: {  	v5 =	vadd.f32 v5, v51;
	[tilespmem:s28+$0xFFFFFF30] =	vst v4;
	v6 =	vld [tilespmem:s9+$0xFFFFFEC0]  }
0xf8: {  	v4 =	vmax.f32 v8, $0.0e+00;
	v8 =	vadd.f32 v9, v10;
	v9 =	vld [tilespmem:s9+$0xFFFFFF40]  }
0xf9: {  	[tilespmem:s28+$0xFFFFFFB0] =	vst v4;
	v4 =	vmax.f32 v5, $0.0e+00;
	v10 =	vld [tilespmem:s28+$0xFFFFFF40]  }
0xfa: {  	v5 =	vld [tilespmem:s9+$0xFFFFFFC0];
	[tilespmem:s28+$0x30] =	vst v4;
	v3 =	vadd.f32 v3, v11;
	v4 =	vmax.f32 v8, $0.0e+00  }
0xfb: {  	v8 =	vld [tilespmem:s9+$0x40];
	[tilespmem:s28+$0xB0] =	vst v4  }
0xfc: {  	v3 =	vmax.f32 v3, $0.0e+00;
	v4 =	vld [tilespmem:s9+$0xC0];
	v11 =	vadd.f32 v53, v52  }
0xfd: {  	[tilespmem:s28+$0x130] =	vst v3;
	v6 =	vadd.f32 v6, v7;
	v7 =	vld [tilespmem:s28+$0x40]  }
0xfe: {  	v3 =	vld [tilespmem:s9+$0x140];
	v9 =	vadd.f32 v9, v10;
	v11 =	vmax.f32 v11, $0.0e+00  }
0xff: {  	[tilespmem:s28+$0xFFFFFE40] =	vst v11;
	v6 =	vmax.f32 v6, $0.0e+00;
	v11 =	vld [tilespmem:s28+$0x140]  }
0x100: {  	v5 =	vadd.f32 v5, v54;
	v9 =	vmax.f32 v9, $0.0e+00;
	[tilespmem:s28+$0xFFFFFEC0] =	vst v6;
	v6 =	vld [tilespmem:s9+$0xFFFFFE50]  }
0x101: {  	[tilespmem:s28+$0xFFFFFF40] =	vst v9;
	v10 =	vld [tilespmem:s9+$0xFFFFFED0]  }
0x102: {  	v5 =	vmax.f32 v5, $0.0e+00;
	v4 =	vadd.f32 v4, v55;
	v9 =	vld [tilespmem:s9+$0xFFFFFF50];
	v7 =	vadd.f32 v8, v7  }
0x103: {  	[tilespmem:s28+$0xFFFFFFC0] =	vst v5;
	v8 =	vld [tilespmem:s28+$0xFFFFFED0]  }
0x104: {  	v4 =	vmax.f32 v4, $0.0e+00;
	v5 =	vmax.f32 v7, $0.0e+00;
	v7 =	vld [tilespmem:s9+$0xFFFFFFD0]  }
0x105: {  	v3 =	vadd.f32 v3, v11;
	[tilespmem:s28+$0xC0] =	vst v4;
	v11 =	vld [tilespmem:s28+$0xFFFFFF50]  }
0x106: {  	[tilespmem:s28+$0x40] =	vst v5;
	v4 =	vld [tilespmem:s9+$0xD0]  }
0x107: {  	v6 =	vadd.f32 v6, v56;
	v5 =	vld [tilespmem:s9+$0x50];
	v3 =	vmax.f32 v3, $0.0e+00  }
0x108: {  	[tilespmem:s28+$0x140] =	vst v3;
	v8 =	vadd.f32 v10, v8;
	v10 =	vld [tilespmem:s28+$0x50]  }
0x109: {  	v6 =	vmax.f32 v6, $0.0e+00;
	v3 =	vld [tilespmem:s9+$0x150]  }
0x10a: {  	[tilespmem:s28+$0xFFFFFE50] =	vst v6;
	v6 =	vmax.f32 v8, $0.0e+00;
	v8 =	vld [tilespmem:s28+$0x150];
	v9 =	vadd.f32 v9, v11  }
0x10b: {  	v7 =	vadd.f32 v7, v57;
	[tilespmem:s28+$0xFFFFFED0] =	vst v6;
	v6 =	vld [tilespmem:s9+$0xFFFFFE60]  }
0x10c: {  	v4 =	vadd.f32 v4, v58;
	v11 =	vld [tilespmem:s9+$0xFFFFFEE0];
	v9 =	vmax.f32 v9, $0.0e+00  }
0x10d: {  	v7 =	vmax.f32 v7, $0.0e+00;
	v5 =	vadd.f32 v5, v10;
	v10 =	vld [tilespmem:s28+$0xFFFFFEE0];
	[tilespmem:s28+$0xFFFFFF50] =	vst v9  }
0x10e: {  	[tilespmem:s28+$0xFFFFFFD0] =	vst v7;
	v4 =	vmax.f32 v4, $0.0e+00;
	v9 =	vld [tilespmem:s9+$0xFFFFFF60]  }
0x10f: {  	v7 =	vld [tilespmem:s9+$0xFFFFFFE0];
	[tilespmem:s28+$0xD0] =	vst v4;
	v5 =	vmax.f32 v5, $0.0e+00;
	v3 =	vadd.f32 v3, v8  }
0x110: {  	v4 =	vld [tilespmem:s9+$0xE0];
	[tilespmem:s28+$0x50] =	vst v5  }
0x111: {  	v5 =	vld [tilespmem:s9+$0x60];
	v3 =	vmax.f32 v3, $0.0e+00  }
0x112: {  	v6 =	vadd.f32 v6, v59;
	[tilespmem:s28+$0x150] =	vst v3;
	v3 =	vld [tilespmem:s28+$0xFFFFFF60]  }
0x113: {  	v10 =	vadd.f32 v11, v10;
	v11 =	vld [tilespmem:s28+$0x60]  }
0x114: {  	v6 =	vmax.f32 v6, $0.0e+00;
	v8 =	vld [tilespmem:s9+$0x160]  }
0x115: {  	[tilespmem:s28+$0xFFFFFE60] =	vst v6;
	v6 =	vmax.f32 v10, $0.0e+00;
	v10 =	vld [tilespmem:s28+$0x160]  }
0x116: {  	v62 =	vld [tilespmem:s9+$0xFFFFFE70];
	[tilespmem:s28+$0xFFFFFEE0] =	vst v6;
	v6 =	vadd.f32 v7, v60  }
0x117: {  	v7 =	vld [tilespmem:s28+$0xFFFFFE70]  }
0x118: {  	v3 =	vadd.f32 v9, v3;
	v9 =	vld [tilespmem:s9+$0xFFFFFEF0];
	v6 =	vmax.f32 v6, $0.0e+00  }
0x119: {  	v5 =	vadd.f32 v5, v11;
	v11 =	vld [tilespmem:s28+$0xFFFFFEF0];
	[tilespmem:s28+$0xFFFFFFE0] =	vst v6  }
0x11a: {  	v63 =	vadd.f32 v4, v61;
	v3 =	vmax.f32 v3, $0.0e+00;
	v4 =	vld [tilespmem:s9+$0xFFFFFFF0]  }
0x11b: {  	v5 =	vmax.f32 v5, $0.0e+00;
	v6 =	vadd.f32 v8, v10;
	v10 =	vld [tilespmem:s28+$0xFFFFFFF0];
	[tilespmem:s28+$0xFFFFFF60] =	vst v3  }
0x11c: {  	v8 =	vmax.f32 v63, $0.0e+00;
	[tilespmem:s28+$0x60] =	vst v5;
	v3 =	vld [tilespmem:s9+$0xFFFFFF70]  }
0x11d: {  	[tilespmem:s28+$0xE0] =	vst v8;
	v5 =	vld [tilespmem:s9+$0x70]  }
0x11e: {  	v2 =	vadd.f32 v2, v1;
	v8 =	vmax.f32 v6, $0.0e+00;
	v6 =	vld [tilespmem:s9+$0xF0]  }
0x11f: {  	v7 =	vadd.f32 v62, v7;
	[tilespmem:s28+$0x160] =	vst v8;
	v8 =	vld [tilespmem:s28+$0xFFFFFF70]  }
0x120: {  	v2 =	vmax.f32 v2, $0.0e+00;
	v11 =	vadd.f32 v9, v11;
	v9 =	vld [tilespmem:s28+$0x70]  }
0x121: {  	[tilespmem:s28+$0x1F0] =	vst v2;
	v2 =	vmax.f32 v7, $0.0e+00;
	v7 =	vld [tilespmem:s28+$0xF0]  }
0x122: {  	v1 =	vld [tilespmem:s9+$0x170];
	[tilespmem:s28+$0xFFFFFE70] =	vst v2;
	v2 =	vmax.f32 v11, $0.0e+00  }
0x123: {  	s11 =	simm.s32 $0x0;
	s16 =	simm.s32 $0x14280;
	[tilespmem:s28+$0xFFFFFEF0] =	vst v2;
	v2 =	vld [tilespmem:s28+$0x170]  }
.LBB2_5:
0x124: {  	v11 =	vld [tilespmem:s16+$0x180];
	v3 =	vadd.f32 v3, v8;
	s9 =	sadd.s32 $0x400, s9  }
0x125: {  	s11 =	sadd.s32 $0x8, s11;
	v8 =	vld [tilespmem:s9+$0x180];
	v4 =	vadd.f32 v4, v10  }
0x126: {  	p1 =	slt.u32 s11, $0x48;
	v10 =	vld [tilespmem:s9+$0xFFFFFE00];
	v3 =	vmax.f32 v3, $0.0e+00;
	v5 =	vadd.f32 v5, v9  }
0x127: {  	v9 =	vld [tilespmem:s16+$0xFFFFFE80];
	[tilespmem:s28+$0xFFFFFF70] =	vst v3;
	v3 =	vmax.f32 v4, $0.0e+00;
	v4 =	vadd.f32 v6, v7  }
0x128: {  	v6 =	vld [tilespmem:s9+$0xFFFFFE80];
	[tilespmem:s28+$0xFFFFFFF0] =	vst v3;
	v3 =	vmax.f32 v5, $0.0e+00;
	v1 =	vadd.f32 v1, v2  }
0x129: {  	v2 =	vld [tilespmem:s16+$0xFFFFFF00];
	[tilespmem:s28+$0x70] =	vst v3;
	v3 =	vmax.f32 v4, $0.0e+00  }
0x12a: {  	v4 =	vld [tilespmem:s9+$0xFFFFFF00];
	v5 =	vadd.f32 v8, v11;
	[tilespmem:s28+$0xF0] =	vst v3;
	v1 =	vmax.f32 v1, $0.0e+00  }
0x12b: {  	v3 =	vld [tilespmem:s16+$0xFFFFFF80];
	[tilespmem:s28+$0x170] =	vst v1;
	s28 =	smov.u32 s16  }
0x12c: {  	v1 =	vld [tilespmem:s9+$0xFFFFFF80];
	v5 =	vmax.f32 v5, $0.0e+00  }
0x12d: {  	v6 =	vadd.f32 v6, v9;
	[tilespmem:s16+$0x180] =	vst v5;
	v5 =	vld [tilespmem:s16+$0x190]  }
0x12e: {  	v7 =	vld [tilespmem:s9+$0x190]  }
0x12f: {  	v6 =	vmax.f32 v6, $0.0e+00;
	v2 =	vadd.f32 v4, v2;
	v4 =	vld [tilespmem:s16+$0x0]  }
0x130: {  	[tilespmem:s16+$0xFFFFFE80] =	vst v6;
	v6 =	vld [tilespmem:s9+$0x0]  }
0x131: {  	v2 =	vmax.f32 v2, $0.0e+00;
	v1 =	vadd.f32 v1, v3;
	v3 =	vld [tilespmem:s16+$0x80]  }
0x132: {  	[tilespmem:s16+$0xFFFFFF00] =	vst v2;
	v2 =	vld [tilespmem:s9+$0x80]  }
0x133: {  	v1 =	vmax.f32 v1, $0.0e+00;
	v8 =	vld [tilespmem:s16+$0x100];
	v5 =	vadd.f32 v7, v5  }
0x134: {  	[tilespmem:s16+$0xFFFFFF80] =	vst v1;
	v1 =	vld [tilespmem:s9+$0x100]  }
0x135: {  	v7 =	vld [tilespmem:s16+$0xFFFFFE00];
	v4 =	vadd.f32 v6, v4;
	v5 =	vmax.f32 v5, $0.0e+00  }
0x136: {  	[tilespmem:s16+$0x190] =	vst v5;
	v5 =	vld [tilespmem:s16+$0x1A0]  }
0x137: {  	v4 =	vmax.f32 v4, $0.0e+00;
	v2 =	vadd.f32 v2, v3;
	v3 =	vld [tilespmem:s9+$0x1A0]  }
0x138: {  	v6 =	vld [tilespmem:s9+$0xFFFFFE90];
	[tilespmem:s16+$0x0] =	vst v4  }
0x139: {  	v4 =	vld [tilespmem:s9+$0xFFFFFF10];
	v2 =	vmax.f32 v2, $0.0e+00;
	v1 =	vadd.f32 v1, v8  }
0x13a: {  	v7 =	vadd.f32 v10, v7;
	v8 =	vld [tilespmem:s9+$0xFFFFFF90];
	[tilespmem:s16+$0x80] =	vst v2  }
0x13b: {  	v2 =	vld [tilespmem:s9+$0x10];
	v1 =	vmax.f32 v1, $0.0e+00  }
0x13c: {  	v7 =	vmax.f32 v7, $0.0e+00;
	v9 =	vld [tilespmem:s9+$0x90];
	[tilespmem:s16+$0x100] =	vst v1;
	v1 =	vadd.f32 v3, v5  }
0x13d: {  	[tilespmem:s16+$0xFFFFFE00] =	vst v7;
	v3 =	vld [tilespmem:s9+$0x110]  }
0x13e: {  	v5 =	vld [tilespmem:s9+$0xFFFFFE10];
	v1 =	vmax.f32 v1, $0.0e+00  }
0x13f: {  	[tilespmem:s16+$0x1A0] =	vst v1;
	v1 =	vld [tilespmem:s16+$0x1B0]  }
0x140: {  	v7 =	vld [tilespmem:s9+$0x1B0]  }
0x141: {  	v10 =	vld [tilespmem:s16+$0xFFFFFE10]  }
0x142: {  	v11 =	vld [tilespmem:s16+$0xFFFFFE90]  }
0x143: {  	v12 =	vld [tilespmem:s16+$0xFFFFFF10]  }
0x144: {  	v13 =	vld [tilespmem:s16+$0xFFFFFF90]  }
0x145: {  	v14 =	vld [tilespmem:s16+$0x10];
	v1 =	vadd.f32 v7, v1  }
0x146: {  	v5 =	vadd.f32 v5, v10;
	v7 =	vld [tilespmem:s16+$0x90]  }
0x147: {  	v6 =	vadd.f32 v6, v11;
	v10 =	vld [tilespmem:s16+$0x110];
	v1 =	vmax.f32 v1, $0.0e+00  }
0x148: {  	v5 =	vmax.f32 v5, $0.0e+00;
	v4 =	vadd.f32 v4, v12;
	[tilespmem:s16+$0x1B0] =	vst v1;
	v1 =	vld [tilespmem:s16+$0x1C0]  }
0x149: {  	[tilespmem:s16+$0xFFFFFE10] =	vst v5;
	v5 =	vmax.f32 v6, $0.0e+00;
	v6 =	vadd.f32 v8, v13;
	v8 =	vld [tilespmem:s9+$0x1C0]  }
0x14a: {  	v11 =	vld [tilespmem:s9+$0xFFFFFE20];
	[tilespmem:s16+$0xFFFFFE90] =	vst v5;
	v4 =	vmax.f32 v4, $0.0e+00;
	v2 =	vadd.f32 v2, v14  }
0x14b: {  	v5 =	vld [tilespmem:s9+$0xFFFFFEA0];
	[tilespmem:s16+$0xFFFFFF10] =	vst v4;
	v4 =	vmax.f32 v6, $0.0e+00;
	v6 =	vadd.f32 v9, v7  }
0x14c: {  	v7 =	vld [tilespmem:s9+$0xFFFFFF20];
	[tilespmem:s16+$0xFFFFFF90] =	vst v4;
	v2 =	vmax.f32 v2, $0.0e+00;
	v3 =	vadd.f32 v3, v10  }
0x14d: {  	v4 =	vld [tilespmem:s9+$0xFFFFFFA0];
	[tilespmem:s16+$0x10] =	vst v2;
	v2 =	vmax.f32 v6, $0.0e+00  }
0x14e: {  	v6 =	vld [tilespmem:s9+$0x20];
	[tilespmem:s16+$0x90] =	vst v2;
	v2 =	vmax.f32 v3, $0.0e+00;
	v1 =	vadd.f32 v8, v1  }
0x14f: {  	v3 =	vld [tilespmem:s9+$0xA0];
	[tilespmem:s16+$0x110] =	vst v2  }
0x150: {  	v2 =	vld [tilespmem:s9+$0x120];
	v1 =	vmax.f32 v1, $0.0e+00  }
0x151: {  	[tilespmem:s16+$0x1C0] =	vst v1;
	v1 =	vld [tilespmem:s16+$0x1D0]  }
0x152: {  	v8 =	vld [tilespmem:s9+$0x1D0]  }
0x153: {  	v9 =	vld [tilespmem:s16+$0xFFFFFE20]  }
0x154: {  	v10 =	vld [tilespmem:s16+$0xFFFFFEA0]  }
0x155: {  	v12 =	vld [tilespmem:s16+$0xFFFFFF20]  }
0x156: {  	v13 =	vld [tilespmem:s16+$0xFFFFFFA0]  }
0x157: {  	v14 =	vld [tilespmem:s16+$0x20];
	v1 =	vadd.f32 v8, v1  }
0x158: {  	v8 =	vadd.f32 v11, v9;
	v9 =	vld [tilespmem:s16+$0xA0]  }
0x159: {  	v5 =	vadd.f32 v5, v10;
	v10 =	vld [tilespmem:s16+$0x120];
	v1 =	vmax.f32 v1, $0.0e+00  }
0x15a: {  	v8 =	vmax.f32 v8, $0.0e+00;
	v7 =	vadd.f32 v7, v12;
	[tilespmem:s16+$0x1D0] =	vst v1;
	v1 =	vld [tilespmem:s16+$0x1E0]  }
0x15b: {  	[tilespmem:s16+$0xFFFFFE20] =	vst v8;
	v5 =	vmax.f32 v5, $0.0e+00;
	v4 =	vadd.f32 v4, v13;
	v8 =	vld [tilespmem:s9+$0x1E0]  }
0x15c: {  	v11 =	vld [tilespmem:s9+$0xFFFFFE30];
	[tilespmem:s16+$0xFFFFFEA0] =	vst v5;
	v5 =	vmax.f32 v7, $0.0e+00;
	v6 =	vadd.f32 v6, v14  }
0x15d: {  	v7 =	vld [tilespmem:s9+$0xFFFFFEB0];
	[tilespmem:s16+$0xFFFFFF20] =	vst v5;
	v4 =	vmax.f32 v4, $0.0e+00;
	v3 =	vadd.f32 v3, v9  }
0x15e: {  	v5 =	vld [tilespmem:s9+$0xFFFFFF30];
	[tilespmem:s16+$0xFFFFFFA0] =	vst v4;
	v4 =	vmax.f32 v6, $0.0e+00;
	v2 =	vadd.f32 v2, v10  }
0x15f: {  	v6 =	vld [tilespmem:s9+$0xFFFFFFB0];
	[tilespmem:s16+$0x20] =	vst v4;
	v3 =	vmax.f32 v3, $0.0e+00  }
0x160: {  	v4 =	vld [tilespmem:s9+$0x30];
	[tilespmem:s16+$0xA0] =	vst v3;
	v2 =	vmax.f32 v2, $0.0e+00;
	v1 =	vadd.f32 v8, v1  }
0x161: {  	v3 =	vld [tilespmem:s9+$0xB0];
	[tilespmem:s16+$0x120] =	vst v2  }
0x162: {  	v2 =	vld [tilespmem:s9+$0x130];
	v1 =	vmax.f32 v1, $0.0e+00  }
0x163: {  	[tilespmem:s16+$0x1E0] =	vst v1;
	v1 =	vld [tilespmem:s16+$0x1F0]  }
0x164: {  	v8 =	vld [tilespmem:s9+$0x1F0]  }
0x165: {  	v9 =	vld [tilespmem:s16+$0xFFFFFE30]  }
0x166: {  	v10 =	vld [tilespmem:s16+$0xFFFFFEB0]  }
0x167: {  	v12 =	vld [tilespmem:s16+$0xFFFFFF30]  }
0x168: {  	v13 =	vld [tilespmem:s16+$0xFFFFFFB0]  }
0x169: {  	v14 =	vld [tilespmem:s16+$0x30];
	v1 =	vadd.f32 v8, v1  }
0x16a: {  	v8 =	vadd.f32 v11, v9;
	v9 =	vld [tilespmem:s16+$0xB0]  }
0x16b: {  	v7 =	vadd.f32 v7, v10;
	v10 =	vld [tilespmem:s16+$0x130];
	v1 =	vmax.f32 v1, $0.0e+00  }
0x16c: {  	v8 =	vmax.f32 v8, $0.0e+00;
	v11 =	vld [tilespmem:s16+$0xFFFFFE40];
	v5 =	vadd.f32 v5, v12;
	[tilespmem:s16+$0x1F0] =	vst v1  }
0x16d: {  	[tilespmem:s16+$0xFFFFFE30] =	vst v8;
	v1 =	vmax.f32 v7, $0.0e+00;
	v7 =	vld [tilespmem:s16+$0xFFFFFEC0];
	v6 =	vadd.f32 v6, v13  }
0x16e: {  	v8 =	vld [tilespmem:s9+$0xFFFFFE40];
	[tilespmem:s16+$0xFFFFFEB0] =	vst v1;
	v1 =	vmax.f32 v5, $0.0e+00;
	v4 =	vadd.f32 v4, v14  }
0x16f: {  	v5 =	vld [tilespmem:s9+$0xFFFFFEC0];
	[tilespmem:s16+$0xFFFFFF30] =	vst v1;
	v1 =	vmax.f32 v6, $0.0e+00;
	v3 =	vadd.f32 v3, v9  }
0x170: {  	v6 =	vld [tilespmem:s9+$0xFFFFFF40];
	[tilespmem:s16+$0xFFFFFFB0] =	vst v1;
	v1 =	vmax.f32 v4, $0.0e+00;
	v2 =	vadd.f32 v2, v10  }
0x171: {  	v4 =	vld [tilespmem:s9+$0xFFFFFFC0];
	[tilespmem:s16+$0x30] =	vst v1;
	v1 =	vmax.f32 v3, $0.0e+00  }
0x172: {  	v3 =	vld [tilespmem:s9+$0x40];
	[tilespmem:s16+$0xB0] =	vst v1;
	v1 =	vmax.f32 v2, $0.0e+00  }
0x173: {  	v2 =	vadd.f32 v8, v11;
	v8 =	vld [tilespmem:s9+$0xC0];
	[tilespmem:s16+$0x130] =	vst v1  }
0x174: {  	v1 =	vadd.f32 v5, v7;
	v5 =	vld [tilespmem:s9+$0x140]  }
0x175: {  	v2 =	vmax.f32 v2, $0.0e+00;
	v7 =	vld [tilespmem:s16+$0xFFFFFF40]  }
0x176: {  	[tilespmem:s16+$0xFFFFFE40] =	vst v2;
	v1 =	vmax.f32 v1, $0.0e+00;
	v2 =	vld [tilespmem:s16+$0xFFFFFFC0]  }
0x177: {  	[tilespmem:s16+$0xFFFFFEC0] =	vst v1;
	v1 =	vld [tilespmem:s16+$0x40]  }
0x178: {  	v9 =	vld [tilespmem:s16+$0xC0]  }
0x179: {  	v10 =	vld [tilespmem:s16+$0x140]  }
0x17a: {  	v11 =	vld [tilespmem:s9+$0xFFFFFE50];
	v6 =	vadd.f32 v6, v7  }
0x17b: {  	v7 =	vld [tilespmem:s9+$0xFFFFFED0];
	v2 =	vadd.f32 v4, v2  }
0x17c: {  	v4 =	vld [tilespmem:s16+$0xFFFFFE50];
	v6 =	vmax.f32 v6, $0.0e+00;
	v1 =	vadd.f32 v3, v1  }
0x17d: {  	v3 =	vld [tilespmem:s16+$0xFFFFFED0];
	[tilespmem:s16+$0xFFFFFF40] =	vst v6;
	v2 =	vmax.f32 v2, $0.0e+00;
	v6 =	vadd.f32 v8, v9  }
0x17e: {  	v8 =	vld [tilespmem:s9+$0xFFFFFF50];
	[tilespmem:s16+$0xFFFFFFC0] =	vst v2;
	v1 =	vmax.f32 v1, $0.0e+00;
	v2 =	vadd.f32 v5, v10  }
0x17f: {  	v5 =	vld [tilespmem:s9+$0xFFFFFFD0];
	[tilespmem:s16+$0x40] =	vst v1;
	v1 =	vmax.f32 v6, $0.0e+00  }
0x180: {  	v6 =	vld [tilespmem:s9+$0x50];
	[tilespmem:s16+$0xC0] =	vst v1;
	v1 =	vmax.f32 v2, $0.0e+00  }
0x181: {  	v2 =	vadd.f32 v11, v4;
	v4 =	vld [tilespmem:s9+$0xD0];
	[tilespmem:s16+$0x140] =	vst v1  }
0x182: {  	v1 =	vadd.f32 v7, v3;
	v3 =	vld [tilespmem:s9+$0x150]  }
0x183: {  	v2 =	vmax.f32 v2, $0.0e+00;
	v7 =	vld [tilespmem:s16+$0xFFFFFF50]  }
0x184: {  	[tilespmem:s16+$0xFFFFFE50] =	vst v2;
	v1 =	vmax.f32 v1, $0.0e+00;
	v2 =	vld [tilespmem:s16+$0xFFFFFFD0]  }
0x185: {  	[tilespmem:s16+$0xFFFFFED0] =	vst v1;
	v1 =	vld [tilespmem:s16+$0x50]  }
0x186: {  	v9 =	vld [tilespmem:s16+$0xD0]  }
0x187: {  	v10 =	vld [tilespmem:s16+$0x150]  }
0x188: {  	v11 =	vld [tilespmem:s9+$0xFFFFFE60];
	v7 =	vadd.f32 v8, v7  }
0x189: {  	v8 =	vld [tilespmem:s9+$0xFFFFFEE0];
	v2 =	vadd.f32 v5, v2  }
0x18a: {  	v5 =	vld [tilespmem:s16+$0xFFFFFE60];
	v7 =	vmax.f32 v7, $0.0e+00;
	v1 =	vadd.f32 v6, v1  }
0x18b: {  	v6 =	vld [tilespmem:s16+$0xFFFFFEE0];
	[tilespmem:s16+$0xFFFFFF50] =	vst v7;
	v2 =	vmax.f32 v2, $0.0e+00;
	v4 =	vadd.f32 v4, v9  }
0x18c: {  	v7 =	vld [tilespmem:s9+$0xFFFFFF60];
	[tilespmem:s16+$0xFFFFFFD0] =	vst v2;
	v1 =	vmax.f32 v1, $0.0e+00;
	v2 =	vadd.f32 v3, v10  }
0x18d: {  	v3 =	vld [tilespmem:s9+$0xFFFFFFE0];
	[tilespmem:s16+$0x50] =	vst v1;
	v1 =	vmax.f32 v4, $0.0e+00  }
0x18e: {  	v4 =	vld [tilespmem:s9+$0x60];
	[tilespmem:s16+$0xD0] =	vst v1;
	v1 =	vmax.f32 v2, $0.0e+00  }
0x18f: {  	v2 =	vadd.f32 v11, v5;
	v5 =	vld [tilespmem:s9+$0xE0];
	[tilespmem:s16+$0x150] =	vst v1  }
0x190: {  	v1 =	vadd.f32 v8, v6;
	v6 =	vld [tilespmem:s9+$0x160]  }
0x191: {  	v2 =	vmax.f32 v2, $0.0e+00;
	v8 =	vld [tilespmem:s16+$0xFFFFFF60]  }
0x192: {  	[tilespmem:s16+$0xFFFFFE60] =	vst v2;
	v1 =	vmax.f32 v1, $0.0e+00;
	v2 =	vld [tilespmem:s16+$0xFFFFFFE0]  }
0x193: {  	[tilespmem:s16+$0xFFFFFEE0] =	vst v1;
	v1 =	vld [tilespmem:s16+$0x60]  }
0x194: {  	v9 =	vld [tilespmem:s16+$0xE0]  }
0x195: {  	v10 =	vld [tilespmem:s16+$0x160]  }
0x196: {  	v11 =	vld [tilespmem:s9+$0xFFFFFE70];
	v7 =	vadd.f32 v7, v8  }
0x197: {  	v8 =	vld [tilespmem:s9+$0xFFFFFEF0];
	v2 =	vadd.f32 v3, v2  }
0x198: {  	v12 =	vld [tilespmem:s16+$0xFFFFFE70];
	v3 =	vmax.f32 v7, $0.0e+00;
	v1 =	vadd.f32 v4, v1  }
0x199: {  	v7 =	vld [tilespmem:s16+$0xFFFFFEF0];
	[tilespmem:s16+$0xFFFFFF60] =	vst v3;
	v2 =	vmax.f32 v2, $0.0e+00;
	v5 =	vadd.f32 v5, v9  }
0x19a: {  	v3 =	vld [tilespmem:s9+$0xFFFFFF70];
	[tilespmem:s16+$0xFFFFFFE0] =	vst v2;
	v1 =	vmax.f32 v1, $0.0e+00;
	v2 =	vadd.f32 v6, v10  }
0x19b: {  	v4 =	vld [tilespmem:s9+$0xFFFFFFF0];
	[tilespmem:s16+$0x60] =	vst v1;
	v1 =	vmax.f32 v5, $0.0e+00  }
0x19c: {  	v5 =	vld [tilespmem:s9+$0x70];
	[tilespmem:s16+$0xE0] =	vst v1;
	v1 =	vmax.f32 v2, $0.0e+00  }
0x19d: {  	v2 =	vadd.f32 v11, v12;
	v6 =	vld [tilespmem:s9+$0xF0];
	[tilespmem:s16+$0x160] =	vst v1  }
0x19e: {  	v7 =	vadd.f32 v8, v7;
	v1 =	vld [tilespmem:s9+$0x170]  }
.Ltmp1:
0x19f: {  	v2 =	vmax.f32 v2, $0.0e+00;
	v8 =	vld [tilespmem:s16+$0xFFFFFF70];
	(pc) =	sbr.rel @p1 .LBB2_5-.Ltmp1, $4  }
0x1a0: {  	[tilespmem:s16+$0xFFFFFE70] =	vst v2;
	v2 =	vmax.f32 v7, $0.0e+00;
	v10 =	vld [tilespmem:s16+$0xFFFFFFF0]  }
0x1a1: {  	[tilespmem:s16+$0xFFFFFEF0] =	vst v2;
	v9 =	vld [tilespmem:s16+$0x70]  }
0x1a2: {  	v7 =	vld [tilespmem:s16+$0xF0]  }
0x1a3: {  	s16 =	sadd.s32 $0x400, s16;
	v2 =	vld [tilespmem:s28+$0x170]  }
0x1a4: {  	v3 =	vadd.f32 v3, v8  }
0x1a5: {  	v4 =	vadd.f32 v4, v10  }
0x1a6: {  	v3 =	vmax.f32 v3, $0.0e+00;
	v5 =	vadd.f32 v5, v9  }
0x1a7: {  	[tilespmem:s28+$0xFFFFFF70] =	vst v3;
	v3 =	vmax.f32 v4, $0.0e+00;
	v4 =	vadd.f32 v6, v7  }
0x1a8: {  	[tilespmem:s28+$0xFFFFFFF0] =	vst v3;
	v3 =	vmax.f32 v5, $0.0e+00;
	v1 =	vadd.f32 v1, v2  }
0x1a9: {  	[tilespmem:s28+$0x70] =	vst v3;
	v2 =	vmax.f32 v4, $0.0e+00  }
0x1aa: {  	[tilespmem:s28+$0xF0] =	vst v2;
	v1 =	vmax.f32 v1, $0.0e+00  }
0x1ab: {  	s9 =	simm.s32 $0x13900;
	[tilespmem:s28+$0x170] =	vst v1  }
0x1ac: {  	[spmem:s1] =	stream.indirect.scatter.add.f32 [tilespmem:s29], [sflag:$0x9], $0x80, s9, s12, $0xb8;
	[tilespmem:$0x1DC80] =	vst v63  }
0x1ad: {  	_ =	swait.ge [sflag:s22], $0x2800  }
0x1ae: {  	[sflag:s22] =	ssyncset.done $0x0  }
0x1af: {  	[sflag:s22] =	ssyncadd.s32 $0xFFFFD800  }
0x1b0: {  	_ =	swait.ge [sflag:s23], $0x2800  }
0x1b1: {  	[sflag:s23] =	ssyncset.done $0x0  }
0x1b2: {  	s28 =	simm.s32 $0x16680;
	[sflag:s23] =	ssyncadd.s32 $0xFFFFD800  }
0x1b3: {  	s9 =	simm.s32 $0x1B680;
	v1 =	vld [tilespmem:s28+$0x180]  }
0x1b4: {  	v2 =	vld [tilespmem:s9+$0x180]  }
0x1b5: {  	v3 =	vld [tilespmem:s28+$0xFFFFFE80]  }
0x1b6: {  	v5 =	vld [tilespmem:s9+$0xFFFFFE80]  }
0x1b7: {  	v6 =	vld [tilespmem:s28+$0xFFFFFF00]  }
0x1b8: {  	v7 =	vld [tilespmem:s9+$0xFFFFFF00]  }
0x1b9: {  	v8 =	vld [tilespmem:s28+$0xFFFFFF80]  }
0x1ba: {  	v9 =	vld [tilespmem:s9+$0xFFFFFF80]  }
0x1bb: {  	v10 =	vld [tilespmem:s9+$0x0]  }
0x1bc: {  	v11 =	vld [tilespmem:s28+$0x80]  }
0x1bd: {  	v44 =	vld [tilespmem:s28+$0xFFFFFE90]  }
0x1be: {  	v13 =	vld [tilespmem:s28+$0xFFFFFF10]  }
0x1bf: {  	v14 =	vld [tilespmem:s28+$0x90]  }
0x1c0: {  	v45 =	vld [tilespmem:s28+$0x110]  }
0x1c1: {  	v46 =	vld [tilespmem:s28+$0xFFFFFF20]  }
0x1c2: {  	v47 =	vld [tilespmem:s28+$0xFFFFFFA0]  }
0x1c3: {  	v48 =	vld [tilespmem:s28+$0xA0]  }
0x1c4: {  	v49 =	vld [tilespmem:s28+$0xFFFFFF30];
	v1 =	vadd.f32 v2, v1  }
0x1c5: {  	v50 =	vld [tilespmem:s28+$0xFFFFFFB0]  }
0x1c6: {  	v51 =	vld [tilespmem:s28+$0x30];
	v1 =	vmax.f32 v1, $0.0e+00  }
0x1c7: {  	[tilespmem:s28+$0x180] =	vst v1;
	v1 =	vld [tilespmem:s28+$0x190]  }
0x1c8: {  	v4 =	vld [tilespmem:s9+$0x190]  }
0x1c9: {  	v52 =	vld [tilespmem:s28+$0xFFFFFE40]  }
0x1ca: {  	v54 =	vld [tilespmem:s28+$0xFFFFFFC0]  }
0x1cb: {  	v55 =	vld [tilespmem:s28+$0xC0]  }
0x1cc: {  	v56 =	vld [tilespmem:s28+$0xFFFFFE50]  }
0x1cd: {  	v57 =	vld [tilespmem:s28+$0xFFFFFFD0];
	v1 =	vadd.f32 v4, v1  }
0x1ce: {  	v58 =	vld [tilespmem:s28+$0xD0]  }
0x1cf: {  	v2 =	vld [tilespmem:s9+$0xFFFFFE00];
	v1 =	vmax.f32 v1, $0.0e+00  }
0x1d0: {  	[tilespmem:s28+$0x190] =	vst v1;
	v1 =	vld [tilespmem:s28+$0x1A0]  }
0x1d1: {  	v12 =	vld [tilespmem:s9+$0x1A0]  }
0x1d2: {  	v3 =	vadd.f32 v5, v3;
	v5 =	vld [tilespmem:s9+$0x80]  }
0x1d3: {  	v8 =	vadd.f32 v9, v8;
	v9 =	vld [tilespmem:s28+$0xFFFFFE00]  }
0x1d4: {  	v6 =	vadd.f32 v7, v6;
	v7 =	vld [tilespmem:s28+$0x100]  }
0x1d5: {  	v3 =	vmax.f32 v3, $0.0e+00;
	v4 =	vld [tilespmem:s28+$0x0]  }
0x1d6: {  	[tilespmem:s28+$0xFFFFFE80] =	vst v3;
	v3 =	vmax.f32 v6, $0.0e+00;
	v6 =	vld [tilespmem:s9+$0x100];
	v1 =	vadd.f32 v12, v1  }
0x1d7: {  	[tilespmem:s28+$0xFFFFFF00] =	vst v3;
	v3 =	vmax.f32 v8, $0.0e+00;
	v8 =	vld [tilespmem:s9+$0xFFFFFE90];
	v5 =	vadd.f32 v5, v11  }
0x1d8: {  	v2 =	vadd.f32 v2, v9;
	v11 =	vld [tilespmem:s28+$0xFFFFFE10];
	v1 =	vmax.f32 v1, $0.0e+00  }
0x1d9: {  	[tilespmem:s28+$0x1A0] =	vst v1;
	v1 =	vmax.f32 v5, $0.0e+00;
	v5 =	vld [tilespmem:s28+$0x1B0]  }
0x1da: {  	v4 =	vadd.f32 v10, v4;
	[tilespmem:s28+$0x80] =	vst v1;
	v1 =	vmax.f32 v2, $0.0e+00;
	v2 =	vld [tilespmem:s9+$0x1B0]  }
0x1db: {  	[tilespmem:s28+$0xFFFFFF80] =	vst v3;
	v6 =	vadd.f32 v6, v7;
	v7 =	vld [tilespmem:s28+$0x10]  }
0x1dc: {  	v3 =	vmax.f32 v4, $0.0e+00;
	v4 =	vld [tilespmem:s9+$0xFFFFFF10];
	[tilespmem:s28+$0xFFFFFE00] =	vst v1  }
0x1dd: {  	v1 =	vld [tilespmem:s9+$0xFFFFFE10]  }
0x1de: {  	[tilespmem:s28+$0x0] =	vst v3;
	v3 =	vld [tilespmem:s9+$0xFFFFFF90]  }
0x1df: {  	v9 =	vld [tilespmem:s9+$0x10];
	v2 =	vadd.f32 v2, v5  }
0x1e0: {  	v5 =	vld [tilespmem:s28+$0xFFFFFF90]  }
0x1e1: {  	v10 =	vld [tilespmem:s9+$0x90];
	v2 =	vmax.f32 v2, $0.0e+00  }
0x1e2: {  	v1 =	vadd.f32 v1, v11;
	[tilespmem:s28+$0x1B0] =	vst v2;
	v2 =	vmax.f32 v6, $0.0e+00;
	v6 =	vld [tilespmem:s28+$0x1C0]  }
0x1e3: {  	[tilespmem:s28+$0x100] =	vst v2;
	v2 =	vadd.f32 v8, v44;
	v8 =	vld [tilespmem:s9+$0x1C0]  }
0x1e4: {  	v4 =	vadd.f32 v4, v13;
	v1 =	vmax.f32 v1, $0.0e+00;
	v11 =	vld [tilespmem:s9+$0x110]  }
0x1e5: {  	v59 =	vld [tilespmem:s28+$0xFFFFFE60];
	[tilespmem:s28+$0xFFFFFE10] =	vst v1;
	v1 =	vmax.f32 v2, $0.0e+00;
	v2 =	vadd.f32 v3, v5  }
0x1e6: {  	v60 =	vld [tilespmem:s28+$0xFFFFFFE0];
	[tilespmem:s28+$0xFFFFFE90] =	vst v1;
	v1 =	vmax.f32 v4, $0.0e+00;
	v4 =	vadd.f32 v9, v7  }
0x1e7: {  	v61 =	vld [tilespmem:s28+$0xE0];
	[tilespmem:s28+$0xFFFFFF10] =	vst v1;
	v1 =	vmax.f32 v2, $0.0e+00;
	v2 =	vadd.f32 v10, v14  }
0x1e8: {  	v3 =	vld [tilespmem:s9+$0xFFFFFE20];
	[tilespmem:s28+$0xFFFFFF90] =	vst v1;
	v1 =	vmax.f32 v4, $0.0e+00;
	v4 =	vadd.f32 v8, v6  }
0x1e9: {  	v5 =	vld [tilespmem:s9+$0xFFFFFEA0];
	[tilespmem:s28+$0x10] =	vst v1;
	v1 =	vmax.f32 v2, $0.0e+00;
	v2 =	vadd.f32 v11, v45  }
0x1ea: {  	v10 =	vld [tilespmem:s28+$0xFFFFFE20];
	[tilespmem:s28+$0x90] =	vst v1;
	v1 =	vmax.f32 v4, $0.0e+00  }
0x1eb: {  	[tilespmem:s28+$0x1C0] =	vst v1;
	v1 =	vmax.f32 v2, $0.0e+00;
	v2 =	vld [tilespmem:s28+$0x1D0]  }
0x1ec: {  	[tilespmem:s28+$0x110] =	vst v1;
	v1 =	vld [tilespmem:s9+$0x1D0]  }
0x1ed: {  	v7 =	vld [tilespmem:s9+$0xFFFFFF20]  }
0x1ee: {  	v6 =	vld [tilespmem:s9+$0xFFFFFFA0]  }
0x1ef: {  	v11 =	vld [tilespmem:s28+$0xFFFFFEA0]  }
0x1f0: {  	v8 =	vld [tilespmem:s9+$0x20];
	v3 =	vadd.f32 v3, v10  }
0x1f1: {  	v4 =	vld [tilespmem:s9+$0xA0];
	v1 =	vadd.f32 v1, v2  }
0x1f2: {  	v10 =	vld [tilespmem:s28+$0x120];
	v3 =	vmax.f32 v3, $0.0e+00  }
0x1f3: {  	[tilespmem:s28+$0xFFFFFE20] =	vst v3;
	v2 =	vld [tilespmem:s28+$0x20];
	v1 =	vmax.f32 v1, $0.0e+00  }
0x1f4: {  	v9 =	vld [tilespmem:s9+$0x120];
	[tilespmem:s28+$0x1D0] =	vst v1;
	v1 =	vadd.f32 v5, v11  }
0x1f5: {  	v7 =	vadd.f32 v7, v46;
	v3 =	vadd.f32 v6, v47;
	v6 =	vld [tilespmem:s9+$0xFFFFFE30]  }
0x1f6: {  	v5 =	vld [tilespmem:s28+$0x1E0];
	v1 =	vmax.f32 v1, $0.0e+00  }
0x1f7: {  	v11 =	vld [tilespmem:s9+$0x1E0];
	[tilespmem:s28+$0xFFFFFEA0] =	vst v1;
	v1 =	vmax.f32 v7, $0.0e+00  }
0x1f8: {  	v2 =	vadd.f32 v8, v2;
	v7 =	vld [tilespmem:s9+$0xFFFFFEB0];
	[tilespmem:s28+$0xFFFFFF20] =	vst v1  }
0x1f9: {  	v1 =	vmax.f32 v3, $0.0e+00;
	v3 =	vadd.f32 v4, v48;
	v4 =	vld [tilespmem:s9+$0xFFFFFF30]  }
0x1fa: {  	[tilespmem:s28+$0xFFFFFFA0] =	vst v1;
	v1 =	vmax.f32 v2, $0.0e+00;
	v2 =	vadd.f32 v9, v10;
	v10 =	vld [tilespmem:s28+$0xFFFFFE30]  }
0x1fb: {  	v8 =	vld [tilespmem:s9+$0xFFFFFFB0]  }
0x1fc: {  	[tilespmem:s28+$0x20] =	vst v1;
	v1 =	vmax.f32 v3, $0.0e+00;
	v3 =	vadd.f32 v11, v5;
	v11 =	vld [tilespmem:s28+$0xFFFFFEB0]  }
0x1fd: {  	v5 =	vld [tilespmem:s9+$0x30];
	[tilespmem:s28+$0xA0] =	vst v1;
	v1 =	vmax.f32 v2, $0.0e+00  }
0x1fe: {  	v9 =	vld [tilespmem:s9+$0xB0];
	[tilespmem:s28+$0x120] =	vst v1  }
0x1ff: {  	v1 =	vmax.f32 v3, $0.0e+00;
	v3 =	vld [tilespmem:s9+$0x130]  }
0x200: {  	[tilespmem:s28+$0x1E0] =	vst v1;
	v1 =	vld [tilespmem:s28+$0x1F0]  }
0x201: {  	v2 =	vld [tilespmem:s9+$0x1F0];
	v6 =	vadd.f32 v6, v10  }
0x202: {  	v10 =	vld [tilespmem:s28+$0xB0];
	v7 =	vadd.f32 v7, v11  }
0x203: {  	v4 =	vadd.f32 v4, v49;
	v11 =	vld [tilespmem:s28+$0x130];
	v6 =	vmax.f32 v6, $0.0e+00  }
0x204: {  	[tilespmem:s28+$0xFFFFFE30] =	vst v6;
	v6 =	vmax.f32 v7, $0.0e+00;
	v7 =	vld [tilespmem:s28+$0xFFFFFEC0]  }
0x205: {  	v8 =	vadd.f32 v8, v50;
	v4 =	vmax.f32 v4, $0.0e+00;
	v53 =	vld [tilespmem:s9+$0xFFFFFE40];
	[tilespmem:s28+$0xFFFFFEB0] =	vst v6  }
0x206: {  	v5 =	vadd.f32 v5, v51;
	[tilespmem:s28+$0xFFFFFF30] =	vst v4;
	v6 =	vld [tilespmem:s9+$0xFFFFFEC0]  }
0x207: {  	v4 =	vmax.f32 v8, $0.0e+00;
	v8 =	vadd.f32 v9, v10;
	v9 =	vld [tilespmem:s9+$0xFFFFFF40]  }
0x208: {  	[tilespmem:s28+$0xFFFFFFB0] =	vst v4;
	v4 =	vmax.f32 v5, $0.0e+00;
	v10 =	vld [tilespmem:s28+$0xFFFFFF40]  }
0x209: {  	v5 =	vld [tilespmem:s9+$0xFFFFFFC0];
	[tilespmem:s28+$0x30] =	vst v4;
	v3 =	vadd.f32 v3, v11;
	v4 =	vmax.f32 v8, $0.0e+00  }
0x20a: {  	v8 =	vld [tilespmem:s9+$0x40];
	[tilespmem:s28+$0xB0] =	vst v4  }
0x20b: {  	v3 =	vmax.f32 v3, $0.0e+00;
	v4 =	vld [tilespmem:s9+$0xC0];
	v11 =	vadd.f32 v53, v52  }
0x20c: {  	[tilespmem:s28+$0x130] =	vst v3;
	v6 =	vadd.f32 v6, v7;
	v7 =	vld [tilespmem:s28+$0x40]  }
0x20d: {  	v3 =	vld [tilespmem:s9+$0x140];
	v9 =	vadd.f32 v9, v10;
	v11 =	vmax.f32 v11, $0.0e+00  }
0x20e: {  	[tilespmem:s28+$0xFFFFFE40] =	vst v11;
	v6 =	vmax.f32 v6, $0.0e+00;
	v11 =	vld [tilespmem:s28+$0x140]  }
0x20f: {  	v5 =	vadd.f32 v5, v54;
	v9 =	vmax.f32 v9, $0.0e+00;
	[tilespmem:s28+$0xFFFFFEC0] =	vst v6;
	v6 =	vld [tilespmem:s9+$0xFFFFFE50]  }
0x210: {  	[tilespmem:s28+$0xFFFFFF40] =	vst v9;
	v10 =	vld [tilespmem:s9+$0xFFFFFED0]  }
0x211: {  	v5 =	vmax.f32 v5, $0.0e+00;
	v4 =	vadd.f32 v4, v55;
	v9 =	vld [tilespmem:s9+$0xFFFFFF50];
	v7 =	vadd.f32 v8, v7  }
0x212: {  	[tilespmem:s28+$0xFFFFFFC0] =	vst v5;
	v8 =	vld [tilespmem:s28+$0xFFFFFED0]  }
0x213: {  	v4 =	vmax.f32 v4, $0.0e+00;
	v5 =	vmax.f32 v7, $0.0e+00;
	v7 =	vld [tilespmem:s9+$0xFFFFFFD0]  }
0x214: {  	v3 =	vadd.f32 v3, v11;
	[tilespmem:s28+$0xC0] =	vst v4;
	v11 =	vld [tilespmem:s28+$0xFFFFFF50]  }
0x215: {  	[tilespmem:s28+$0x40] =	vst v5;
	v4 =	vld [tilespmem:s9+$0xD0]  }
0x216: {  	v6 =	vadd.f32 v6, v56;
	v5 =	vld [tilespmem:s9+$0x50];
	v3 =	vmax.f32 v3, $0.0e+00  }
0x217: {  	[tilespmem:s28+$0x140] =	vst v3;
	v8 =	vadd.f32 v10, v8;
	v10 =	vld [tilespmem:s28+$0x50]  }
0x218: {  	v6 =	vmax.f32 v6, $0.0e+00;
	v3 =	vld [tilespmem:s9+$0x150]  }
0x219: {  	[tilespmem:s28+$0xFFFFFE50] =	vst v6;
	v6 =	vmax.f32 v8, $0.0e+00;
	v8 =	vld [tilespmem:s28+$0x150];
	v9 =	vadd.f32 v9, v11  }
0x21a: {  	v7 =	vadd.f32 v7, v57;
	[tilespmem:s28+$0xFFFFFED0] =	vst v6;
	v6 =	vld [tilespmem:s9+$0xFFFFFE60]  }
0x21b: {  	v4 =	vadd.f32 v4, v58;
	v11 =	vld [tilespmem:s9+$0xFFFFFEE0];
	v9 =	vmax.f32 v9, $0.0e+00  }
0x21c: {  	v7 =	vmax.f32 v7, $0.0e+00;
	v5 =	vadd.f32 v5, v10;
	v10 =	vld [tilespmem:s28+$0xFFFFFEE0];
	[tilespmem:s28+$0xFFFFFF50] =	vst v9  }
0x21d: {  	[tilespmem:s28+$0xFFFFFFD0] =	vst v7;
	v4 =	vmax.f32 v4, $0.0e+00;
	v9 =	vld [tilespmem:s9+$0xFFFFFF60]  }
0x21e: {  	v7 =	vld [tilespmem:s9+$0xFFFFFFE0];
	[tilespmem:s28+$0xD0] =	vst v4;
	v5 =	vmax.f32 v5, $0.0e+00;
	v3 =	vadd.f32 v3, v8  }
0x21f: {  	v4 =	vld [tilespmem:s9+$0xE0];
	[tilespmem:s28+$0x50] =	vst v5  }
0x220: {  	v5 =	vld [tilespmem:s9+$0x60];
	v3 =	vmax.f32 v3, $0.0e+00  }
0x221: {  	v6 =	vadd.f32 v6, v59;
	[tilespmem:s28+$0x150] =	vst v3;
	v3 =	vld [tilespmem:s28+$0xFFFFFF60]  }
0x222: {  	v10 =	vadd.f32 v11, v10;
	v11 =	vld [tilespmem:s28+$0x60]  }
0x223: {  	v6 =	vmax.f32 v6, $0.0e+00;
	v8 =	vld [tilespmem:s9+$0x160]  }
0x224: {  	[tilespmem:s28+$0xFFFFFE60] =	vst v6;
	v6 =	vmax.f32 v10, $0.0e+00;
	v10 =	vld [tilespmem:s28+$0x160]  }
0x225: {  	v62 =	vld [tilespmem:s9+$0xFFFFFE70];
	[tilespmem:s28+$0xFFFFFEE0] =	vst v6;
	v6 =	vadd.f32 v7, v60  }
0x226: {  	v7 =	vld [tilespmem:s28+$0xFFFFFE70]  }
0x227: {  	v3 =	vadd.f32 v9, v3;
	v9 =	vld [tilespmem:s9+$0xFFFFFEF0];
	v6 =	vmax.f32 v6, $0.0e+00  }
0x228: {  	v5 =	vadd.f32 v5, v11;
	v11 =	vld [tilespmem:s28+$0xFFFFFEF0];
	[tilespmem:s28+$0xFFFFFFE0] =	vst v6  }
0x229: {  	v63 =	vadd.f32 v4, v61;
	v3 =	vmax.f32 v3, $0.0e+00;
	v4 =	vld [tilespmem:s9+$0xFFFFFFF0]  }
0x22a: {  	v5 =	vmax.f32 v5, $0.0e+00;
	v6 =	vadd.f32 v8, v10;
	v10 =	vld [tilespmem:s28+$0xFFFFFFF0];
	[tilespmem:s28+$0xFFFFFF60] =	vst v3  }
0x22b: {  	v8 =	vmax.f32 v63, $0.0e+00;
	[tilespmem:s28+$0x60] =	vst v5;
	v3 =	vld [tilespmem:s9+$0xFFFFFF70]  }
0x22c: {  	[tilespmem:s28+$0xE0] =	vst v8;
	v5 =	vld [tilespmem:s9+$0x70]  }
0x22d: {  	v2 =	vadd.f32 v2, v1;
	v8 =	vmax.f32 v6, $0.0e+00;
	v6 =	vld [tilespmem:s9+$0xF0]  }
0x22e: {  	v7 =	vadd.f32 v62, v7;
	[tilespmem:s28+$0x160] =	vst v8;
	v8 =	vld [tilespmem:s28+$0xFFFFFF70]  }
0x22f: {  	v2 =	vmax.f32 v2, $0.0e+00;
	v11 =	vadd.f32 v9, v11;
	v9 =	vld [tilespmem:s28+$0x70]  }
0x230: {  	[tilespmem:s28+$0x1F0] =	vst v2;
	v2 =	vmax.f32 v7, $0.0e+00;
	v7 =	vld [tilespmem:s28+$0xF0]  }
0x231: {  	v1 =	vld [tilespmem:s9+$0x170];
	[tilespmem:s28+$0xFFFFFE70] =	vst v2;
	v2 =	vmax.f32 v11, $0.0e+00  }
0x232: {  	s11 =	simm.s32 $0x0;
	s16 =	simm.s32 $0x16A80;
	[tilespmem:s28+$0xFFFFFEF0] =	vst v2;
	v2 =	vld [tilespmem:s28+$0x170]  }
.LBB2_7:
0x233: {  	v11 =	vld [tilespmem:s16+$0x180];
	v3 =	vadd.f32 v3, v8;
	s9 =	sadd.s32 $0x400, s9  }
0x234: {  	s11 =	sadd.s32 $0x8, s11;
	v8 =	vld [tilespmem:s9+$0x180];
	v4 =	vadd.f32 v4, v10  }
0x235: {  	p1 =	slt.u32 s11, $0x48;
	v10 =	vld [tilespmem:s9+$0xFFFFFE00];
	v3 =	vmax.f32 v3, $0.0e+00;
	v5 =	vadd.f32 v5, v9  }
0x236: {  	v9 =	vld [tilespmem:s16+$0xFFFFFE80];
	[tilespmem:s28+$0xFFFFFF70] =	vst v3;
	v3 =	vmax.f32 v4, $0.0e+00;
	v4 =	vadd.f32 v6, v7  }
0x237: {  	v6 =	vld [tilespmem:s9+$0xFFFFFE80];
	[tilespmem:s28+$0xFFFFFFF0] =	vst v3;
	v3 =	vmax.f32 v5, $0.0e+00;
	v1 =	vadd.f32 v1, v2  }
0x238: {  	v2 =	vld [tilespmem:s16+$0xFFFFFF00];
	[tilespmem:s28+$0x70] =	vst v3;
	v3 =	vmax.f32 v4, $0.0e+00  }
0x239: {  	v4 =	vld [tilespmem:s9+$0xFFFFFF00];
	v5 =	vadd.f32 v8, v11;
	[tilespmem:s28+$0xF0] =	vst v3;
	v1 =	vmax.f32 v1, $0.0e+00  }
0x23a: {  	v3 =	vld [tilespmem:s16+$0xFFFFFF80];
	[tilespmem:s28+$0x170] =	vst v1;
	s28 =	smov.u32 s16  }
0x23b: {  	v1 =	vld [tilespmem:s9+$0xFFFFFF80];
	v5 =	vmax.f32 v5, $0.0e+00  }
0x23c: {  	v6 =	vadd.f32 v6, v9;
	[tilespmem:s16+$0x180] =	vst v5;
	v5 =	vld [tilespmem:s16+$0x190]  }
0x23d: {  	v7 =	vld [tilespmem:s9+$0x190]  }
0x23e: {  	v6 =	vmax.f32 v6, $0.0e+00;
	v2 =	vadd.f32 v4, v2;
	v4 =	vld [tilespmem:s16+$0x0]  }
0x23f: {  	[tilespmem:s16+$0xFFFFFE80] =	vst v6;
	v6 =	vld [tilespmem:s9+$0x0]  }
0x240: {  	v2 =	vmax.f32 v2, $0.0e+00;
	v1 =	vadd.f32 v1, v3;
	v3 =	vld [tilespmem:s16+$0x80]  }
0x241: {  	[tilespmem:s16+$0xFFFFFF00] =	vst v2;
	v2 =	vld [tilespmem:s9+$0x80]  }
0x242: {  	v1 =	vmax.f32 v1, $0.0e+00;
	v8 =	vld [tilespmem:s16+$0x100];
	v5 =	vadd.f32 v7, v5  }
0x243: {  	[tilespmem:s16+$0xFFFFFF80] =	vst v1;
	v1 =	vld [tilespmem:s9+$0x100]  }
0x244: {  	v7 =	vld [tilespmem:s16+$0xFFFFFE00];
	v4 =	vadd.f32 v6, v4;
	v5 =	vmax.f32 v5, $0.0e+00  }
0x245: {  	[tilespmem:s16+$0x190] =	vst v5;
	v5 =	vld [tilespmem:s16+$0x1A0]  }
0x246: {  	v4 =	vmax.f32 v4, $0.0e+00;
	v2 =	vadd.f32 v2, v3;
	v3 =	vld [tilespmem:s9+$0x1A0]  }
0x247: {  	v6 =	vld [tilespmem:s9+$0xFFFFFE90];
	[tilespmem:s16+$0x0] =	vst v4  }
0x248: {  	v4 =	vld [tilespmem:s9+$0xFFFFFF10];
	v2 =	vmax.f32 v2, $0.0e+00;
	v1 =	vadd.f32 v1, v8  }
0x249: {  	v7 =	vadd.f32 v10, v7;
	v8 =	vld [tilespmem:s9+$0xFFFFFF90];
	[tilespmem:s16+$0x80] =	vst v2  }
0x24a: {  	v2 =	vld [tilespmem:s9+$0x10];
	v1 =	vmax.f32 v1, $0.0e+00  }
0x24b: {  	v7 =	vmax.f32 v7, $0.0e+00;
	v9 =	vld [tilespmem:s9+$0x90];
	[tilespmem:s16+$0x100] =	vst v1;
	v1 =	vadd.f32 v3, v5  }
0x24c: {  	[tilespmem:s16+$0xFFFFFE00] =	vst v7;
	v3 =	vld [tilespmem:s9+$0x110]  }
0x24d: {  	v5 =	vld [tilespmem:s9+$0xFFFFFE10];
	v1 =	vmax.f32 v1, $0.0e+00  }
0x24e: {  	[tilespmem:s16+$0x1A0] =	vst v1;
	v1 =	vld [tilespmem:s16+$0x1B0]  }
0x24f: {  	v7 =	vld [tilespmem:s9+$0x1B0]  }
0x250: {  	v10 =	vld [tilespmem:s16+$0xFFFFFE10]  }
0x251: {  	v11 =	vld [tilespmem:s16+$0xFFFFFE90]  }
0x252: {  	v12 =	vld [tilespmem:s16+$0xFFFFFF10]  }
0x253: {  	v13 =	vld [tilespmem:s16+$0xFFFFFF90]  }
0x254: {  	v14 =	vld [tilespmem:s16+$0x10];
	v1 =	vadd.f32 v7, v1  }
0x255: {  	v5 =	vadd.f32 v5, v10;
	v7 =	vld [tilespmem:s16+$0x90]  }
0x256: {  	v6 =	vadd.f32 v6, v11;
	v10 =	vld [tilespmem:s16+$0x110];
	v1 =	vmax.f32 v1, $0.0e+00  }
0x257: {  	v5 =	vmax.f32 v5, $0.0e+00;
	v4 =	vadd.f32 v4, v12;
	[tilespmem:s16+$0x1B0] =	vst v1;
	v1 =	vld [tilespmem:s16+$0x1C0]  }
0x258: {  	[tilespmem:s16+$0xFFFFFE10] =	vst v5;
	v5 =	vmax.f32 v6, $0.0e+00;
	v6 =	vadd.f32 v8, v13;
	v8 =	vld [tilespmem:s9+$0x1C0]  }
0x259: {  	v11 =	vld [tilespmem:s9+$0xFFFFFE20];
	[tilespmem:s16+$0xFFFFFE90] =	vst v5;
	v4 =	vmax.f32 v4, $0.0e+00;
	v2 =	vadd.f32 v2, v14  }
0x25a: {  	v5 =	vld [tilespmem:s9+$0xFFFFFEA0];
	[tilespmem:s16+$0xFFFFFF10] =	vst v4;
	v4 =	vmax.f32 v6, $0.0e+00;
	v6 =	vadd.f32 v9, v7  }
0x25b: {  	v7 =	vld [tilespmem:s9+$0xFFFFFF20];
	[tilespmem:s16+$0xFFFFFF90] =	vst v4;
	v2 =	vmax.f32 v2, $0.0e+00;
	v3 =	vadd.f32 v3, v10  }
0x25c: {  	v4 =	vld [tilespmem:s9+$0xFFFFFFA0];
	[tilespmem:s16+$0x10] =	vst v2;
	v2 =	vmax.f32 v6, $0.0e+00  }
0x25d: {  	v6 =	vld [tilespmem:s9+$0x20];
	[tilespmem:s16+$0x90] =	vst v2;
	v2 =	vmax.f32 v3, $0.0e+00;
	v1 =	vadd.f32 v8, v1  }
0x25e: {  	v3 =	vld [tilespmem:s9+$0xA0];
	[tilespmem:s16+$0x110] =	vst v2  }
0x25f: {  	v2 =	vld [tilespmem:s9+$0x120];
	v1 =	vmax.f32 v1, $0.0e+00  }
0x260: {  	[tilespmem:s16+$0x1C0] =	vst v1;
	v1 =	vld [tilespmem:s16+$0x1D0]  }
0x261: {  	v8 =	vld [tilespmem:s9+$0x1D0]  }
0x262: {  	v9 =	vld [tilespmem:s16+$0xFFFFFE20]  }
0x263: {  	v10 =	vld [tilespmem:s16+$0xFFFFFEA0]  }
0x264: {  	v12 =	vld [tilespmem:s16+$0xFFFFFF20]  }
0x265: {  	v13 =	vld [tilespmem:s16+$0xFFFFFFA0]  }
0x266: {  	v14 =	vld [tilespmem:s16+$0x20];
	v1 =	vadd.f32 v8, v1  }
0x267: {  	v8 =	vadd.f32 v11, v9;
	v9 =	vld [tilespmem:s16+$0xA0]  }
0x268: {  	v5 =	vadd.f32 v5, v10;
	v10 =	vld [tilespmem:s16+$0x120];
	v1 =	vmax.f32 v1, $0.0e+00  }
0x269: {  	v8 =	vmax.f32 v8, $0.0e+00;
	v7 =	vadd.f32 v7, v12;
	[tilespmem:s16+$0x1D0] =	vst v1;
	v1 =	vld [tilespmem:s16+$0x1E0]  }
0x26a: {  	[tilespmem:s16+$0xFFFFFE20] =	vst v8;
	v5 =	vmax.f32 v5, $0.0e+00;
	v4 =	vadd.f32 v4, v13;
	v8 =	vld [tilespmem:s9+$0x1E0]  }
0x26b: {  	v11 =	vld [tilespmem:s9+$0xFFFFFE30];
	[tilespmem:s16+$0xFFFFFEA0] =	vst v5;
	v5 =	vmax.f32 v7, $0.0e+00;
	v6 =	vadd.f32 v6, v14  }
0x26c: {  	v7 =	vld [tilespmem:s9+$0xFFFFFEB0];
	[tilespmem:s16+$0xFFFFFF20] =	vst v5;
	v4 =	vmax.f32 v4, $0.0e+00;
	v3 =	vadd.f32 v3, v9  }
0x26d: {  	v5 =	vld [tilespmem:s9+$0xFFFFFF30];
	[tilespmem:s16+$0xFFFFFFA0] =	vst v4;
	v4 =	vmax.f32 v6, $0.0e+00;
	v2 =	vadd.f32 v2, v10  }
0x26e: {  	v6 =	vld [tilespmem:s9+$0xFFFFFFB0];
	[tilespmem:s16+$0x20] =	vst v4;
	v3 =	vmax.f32 v3, $0.0e+00  }
0x26f: {  	v4 =	vld [tilespmem:s9+$0x30];
	[tilespmem:s16+$0xA0] =	vst v3;
	v2 =	vmax.f32 v2, $0.0e+00;
	v1 =	vadd.f32 v8, v1  }
0x270: {  	v3 =	vld [tilespmem:s9+$0xB0];
	[tilespmem:s16+$0x120] =	vst v2  }
0x271: {  	v2 =	vld [tilespmem:s9+$0x130];
	v1 =	vmax.f32 v1, $0.0e+00  }
0x272: {  	[tilespmem:s16+$0x1E0] =	vst v1;
	v1 =	vld [tilespmem:s16+$0x1F0]  }
0x273: {  	v8 =	vld [tilespmem:s9+$0x1F0]  }
0x274: {  	v9 =	vld [tilespmem:s16+$0xFFFFFE30]  }
0x275: {  	v10 =	vld [tilespmem:s16+$0xFFFFFEB0]  }
0x276: {  	v12 =	vld [tilespmem:s16+$0xFFFFFF30]  }
0x277: {  	v13 =	vld [tilespmem:s16+$0xFFFFFFB0]  }
0x278: {  	v14 =	vld [tilespmem:s16+$0x30];
	v1 =	vadd.f32 v8, v1  }
0x279: {  	v8 =	vadd.f32 v11, v9;
	v9 =	vld [tilespmem:s16+$0xB0]  }
0x27a: {  	v7 =	vadd.f32 v7, v10;
	v10 =	vld [tilespmem:s16+$0x130];
	v1 =	vmax.f32 v1, $0.0e+00  }
0x27b: {  	v8 =	vmax.f32 v8, $0.0e+00;
	v11 =	vld [tilespmem:s16+$0xFFFFFE40];
	v5 =	vadd.f32 v5, v12;
	[tilespmem:s16+$0x1F0] =	vst v1  }
0x27c: {  	[tilespmem:s16+$0xFFFFFE30] =	vst v8;
	v1 =	vmax.f32 v7, $0.0e+00;
	v7 =	vld [tilespmem:s16+$0xFFFFFEC0];
	v6 =	vadd.f32 v6, v13  }
0x27d: {  	v8 =	vld [tilespmem:s9+$0xFFFFFE40];
	[tilespmem:s16+$0xFFFFFEB0] =	vst v1;
	v1 =	vmax.f32 v5, $0.0e+00;
	v4 =	vadd.f32 v4, v14  }
0x27e: {  	v5 =	vld [tilespmem:s9+$0xFFFFFEC0];
	[tilespmem:s16+$0xFFFFFF30] =	vst v1;
	v1 =	vmax.f32 v6, $0.0e+00;
	v3 =	vadd.f32 v3, v9  }
0x27f: {  	v6 =	vld [tilespmem:s9+$0xFFFFFF40];
	[tilespmem:s16+$0xFFFFFFB0] =	vst v1;
	v1 =	vmax.f32 v4, $0.0e+00;
	v2 =	vadd.f32 v2, v10  }
0x280: {  	v4 =	vld [tilespmem:s9+$0xFFFFFFC0];
	[tilespmem:s16+$0x30] =	vst v1;
	v1 =	vmax.f32 v3, $0.0e+00  }
0x281: {  	v3 =	vld [tilespmem:s9+$0x40];
	[tilespmem:s16+$0xB0] =	vst v1;
	v1 =	vmax.f32 v2, $0.0e+00  }
0x282: {  	v2 =	vadd.f32 v8, v11;
	v8 =	vld [tilespmem:s9+$0xC0];
	[tilespmem:s16+$0x130] =	vst v1  }
0x283: {  	v1 =	vadd.f32 v5, v7;
	v5 =	vld [tilespmem:s9+$0x140]  }
0x284: {  	v2 =	vmax.f32 v2, $0.0e+00;
	v7 =	vld [tilespmem:s16+$0xFFFFFF40]  }
0x285: {  	[tilespmem:s16+$0xFFFFFE40] =	vst v2;
	v1 =	vmax.f32 v1, $0.0e+00;
	v2 =	vld [tilespmem:s16+$0xFFFFFFC0]  }
0x286: {  	[tilespmem:s16+$0xFFFFFEC0] =	vst v1;
	v1 =	vld [tilespmem:s16+$0x40]  }
0x287: {  	v9 =	vld [tilespmem:s16+$0xC0]  }
0x288: {  	v10 =	vld [tilespmem:s16+$0x140]  }
0x289: {  	v11 =	vld [tilespmem:s9+$0xFFFFFE50];
	v6 =	vadd.f32 v6, v7  }
0x28a: {  	v7 =	vld [tilespmem:s9+$0xFFFFFED0];
	v2 =	vadd.f32 v4, v2  }
0x28b: {  	v4 =	vld [tilespmem:s16+$0xFFFFFE50];
	v6 =	vmax.f32 v6, $0.0e+00;
	v1 =	vadd.f32 v3, v1  }
0x28c: {  	v3 =	vld [tilespmem:s16+$0xFFFFFED0];
	[tilespmem:s16+$0xFFFFFF40] =	vst v6;
	v2 =	vmax.f32 v2, $0.0e+00;
	v6 =	vadd.f32 v8, v9  }
0x28d: {  	v8 =	vld [tilespmem:s9+$0xFFFFFF50];
	[tilespmem:s16+$0xFFFFFFC0] =	vst v2;
	v1 =	vmax.f32 v1, $0.0e+00;
	v2 =	vadd.f32 v5, v10  }
0x28e: {  	v5 =	vld [tilespmem:s9+$0xFFFFFFD0];
	[tilespmem:s16+$0x40] =	vst v1;
	v1 =	vmax.f32 v6, $0.0e+00  }
0x28f: {  	v6 =	vld [tilespmem:s9+$0x50];
	[tilespmem:s16+$0xC0] =	vst v1;
	v1 =	vmax.f32 v2, $0.0e+00  }
0x290: {  	v2 =	vadd.f32 v11, v4;
	v4 =	vld [tilespmem:s9+$0xD0];
	[tilespmem:s16+$0x140] =	vst v1  }
0x291: {  	v1 =	vadd.f32 v7, v3;
	v3 =	vld [tilespmem:s9+$0x150]  }
0x292: {  	v2 =	vmax.f32 v2, $0.0e+00;
	v7 =	vld [tilespmem:s16+$0xFFFFFF50]  }
0x293: {  	[tilespmem:s16+$0xFFFFFE50] =	vst v2;
	v1 =	vmax.f32 v1, $0.0e+00;
	v2 =	vld [tilespmem:s16+$0xFFFFFFD0]  }
0x294: {  	[tilespmem:s16+$0xFFFFFED0] =	vst v1;
	v1 =	vld [tilespmem:s16+$0x50]  }
0x295: {  	v9 =	vld [tilespmem:s16+$0xD0]  }
0x296: {  	v10 =	vld [tilespmem:s16+$0x150]  }
0x297: {  	v11 =	vld [tilespmem:s9+$0xFFFFFE60];
	v7 =	vadd.f32 v8, v7  }
0x298: {  	v8 =	vld [tilespmem:s9+$0xFFFFFEE0];
	v2 =	vadd.f32 v5, v2  }
0x299: {  	v5 =	vld [tilespmem:s16+$0xFFFFFE60];
	v7 =	vmax.f32 v7, $0.0e+00;
	v1 =	vadd.f32 v6, v1  }
0x29a: {  	v6 =	vld [tilespmem:s16+$0xFFFFFEE0];
	[tilespmem:s16+$0xFFFFFF50] =	vst v7;
	v2 =	vmax.f32 v2, $0.0e+00;
	v4 =	vadd.f32 v4, v9  }
0x29b: {  	v7 =	vld [tilespmem:s9+$0xFFFFFF60];
	[tilespmem:s16+$0xFFFFFFD0] =	vst v2;
	v1 =	vmax.f32 v1, $0.0e+00;
	v2 =	vadd.f32 v3, v10  }
0x29c: {  	v3 =	vld [tilespmem:s9+$0xFFFFFFE0];
	[tilespmem:s16+$0x50] =	vst v1;
	v1 =	vmax.f32 v4, $0.0e+00  }
0x29d: {  	v4 =	vld [tilespmem:s9+$0x60];
	[tilespmem:s16+$0xD0] =	vst v1;
	v1 =	vmax.f32 v2, $0.0e+00  }
0x29e: {  	v2 =	vadd.f32 v11, v5;
	v5 =	vld [tilespmem:s9+$0xE0];
	[tilespmem:s16+$0x150] =	vst v1  }
0x29f: {  	v1 =	vadd.f32 v8, v6;
	v6 =	vld [tilespmem:s9+$0x160]  }
0x2a0: {  	v2 =	vmax.f32 v2, $0.0e+00;
	v8 =	vld [tilespmem:s16+$0xFFFFFF60]  }
0x2a1: {  	[tilespmem:s16+$0xFFFFFE60] =	vst v2;
	v1 =	vmax.f32 v1, $0.0e+00;
	v2 =	vld [tilespmem:s16+$0xFFFFFFE0]  }
0x2a2: {  	[tilespmem:s16+$0xFFFFFEE0] =	vst v1;
	v1 =	vld [tilespmem:s16+$0x60]  }
0x2a3: {  	v9 =	vld [tilespmem:s16+$0xE0]  }
0x2a4: {  	v10 =	vld [tilespmem:s16+$0x160]  }
0x2a5: {  	v11 =	vld [tilespmem:s9+$0xFFFFFE70];
	v7 =	vadd.f32 v7, v8  }
0x2a6: {  	v8 =	vld [tilespmem:s9+$0xFFFFFEF0];
	v2 =	vadd.f32 v3, v2  }
0x2a7: {  	v12 =	vld [tilespmem:s16+$0xFFFFFE70];
	v3 =	vmax.f32 v7, $0.0e+00;
	v1 =	vadd.f32 v4, v1  }
0x2a8: {  	v7 =	vld [tilespmem:s16+$0xFFFFFEF0];
	[tilespmem:s16+$0xFFFFFF60] =	vst v3;
	v2 =	vmax.f32 v2, $0.0e+00;
	v5 =	vadd.f32 v5, v9  }
0x2a9: {  	v3 =	vld [tilespmem:s9+$0xFFFFFF70];
	[tilespmem:s16+$0xFFFFFFE0] =	vst v2;
	v1 =	vmax.f32 v1, $0.0e+00;
	v2 =	vadd.f32 v6, v10  }
0x2aa: {  	v4 =	vld [tilespmem:s9+$0xFFFFFFF0];
	[tilespmem:s16+$0x60] =	vst v1;
	v1 =	vmax.f32 v5, $0.0e+00  }
0x2ab: {  	v5 =	vld [tilespmem:s9+$0x70];
	[tilespmem:s16+$0xE0] =	vst v1;
	v1 =	vmax.f32 v2, $0.0e+00  }
0x2ac: {  	v2 =	vadd.f32 v11, v12;
	v6 =	vld [tilespmem:s9+$0xF0];
	[tilespmem:s16+$0x160] =	vst v1  }
0x2ad: {  	v7 =	vadd.f32 v8, v7;
	v1 =	vld [tilespmem:s9+$0x170]  }
.Ltmp2:
0x2ae: {  	v2 =	vmax.f32 v2, $0.0e+00;
	v8 =	vld [tilespmem:s16+$0xFFFFFF70];
	(pc) =	sbr.rel @p1 .LBB2_7-.Ltmp2, $4  }
0x2af: {  	[tilespmem:s16+$0xFFFFFE70] =	vst v2;
	v2 =	vmax.f32 v7, $0.0e+00;
	v10 =	vld [tilespmem:s16+$0xFFFFFFF0]  }
0x2b0: {  	[tilespmem:s16+$0xFFFFFEF0] =	vst v2;
	v9 =	vld [tilespmem:s16+$0x70]  }
0x2b1: {  	v7 =	vld [tilespmem:s16+$0xF0]  }
0x2b2: {  	s16 =	sadd.s32 $0x400, s16;
	v2 =	vld [tilespmem:s28+$0x170]  }
0x2b3: {  	v3 =	vadd.f32 v3, v8  }
0x2b4: {  	v4 =	vadd.f32 v4, v10  }
0x2b5: {  	v3 =	vmax.f32 v3, $0.0e+00;
	v5 =	vadd.f32 v5, v9  }
0x2b6: {  	[tilespmem:s28+$0xFFFFFF70] =	vst v3;
	v3 =	vmax.f32 v4, $0.0e+00;
	v4 =	vadd.f32 v6, v7  }
0x2b7: {  	[tilespmem:s28+$0xFFFFFFF0] =	vst v3;
	v3 =	vmax.f32 v5, $0.0e+00;
	v1 =	vadd.f32 v1, v2  }
0x2b8: {  	[tilespmem:s28+$0x70] =	vst v3;
	v2 =	vmax.f32 v4, $0.0e+00  }
0x2b9: {  	[tilespmem:s28+$0xF0] =	vst v2;
	v1 =	vmax.f32 v1, $0.0e+00  }
0x2ba: {  	s9 =	simm.s32 $0x13A00;
	[tilespmem:s28+$0x170] =	vst v1  }
0x2bb: {  	[spmem:s1] =	stream.indirect.scatter.add.f32 [tilespmem:s15], [sflag:$0xA], $0x80, s9, s12, $0xb8;
	[tilespmem:$0x1DC80] =	vst v63  }
0x2bc: {  	_ =	swait.ge [sflag:s25], $0x2800  }
0x2bd: {  	[sflag:s25] =	ssyncset.done $0x0  }
0x2be: {  	s11 =	smul.u32 $0x50, s26;
	[sflag:s25] =	ssyncadd.s32 $0xFFFFD800  }
0x2bf: {  	_ =	swait.ge [sflag:s17], $0x100  }
0x2c0: {  	s9 =	sadd.s32 s13, s11;
	[sflag:s17] =	ssyncset.done $0x0  }
0x2c1: {  	s28 =	simm.s32 $0x13A80;
	s9 =	sshll.u32 s9, $0x4;
	[sflag:s17] =	ssyncadd.s32 $0xFFFFFF00  }
0x2c2: {  	[tilespmem:s29], [sflag:$0x5] =	stream.indirect.gather [hbm4b:s4+s12], $0x80, s28, s12, $0xb8;
	[tilespmem:$0x1DC80] =	vst v63  }
0x2c3: {  	s16 =	sshll.u32 s24, $0xA;
	s9 =	sadd.s32 s5, s9;
	s11 =	rddreg [dreg:$0x14]  }
0x2c4: {  	[tilespmem:s14], [sflag:$0x7] =	stream.linear.gather [hbm4b:s9+s2], $0x2800, $0x38;
	[tilespmem:$0x1DC80] =	vst v63  }
0x2c5: {  	s9 =	sadd.s32 s16, s11  }
0x2c6: {  	s9 =	sshrl.u32 s9, $0x3  }
0x2c7: {  	s9 =	sadd.s32 s6, s9  }
0x2c8: {  	[tilespmem:s31], [sflag:$0x1] =	stream.linear.gather [hbm4b:s9+s2], $0x100, $0x38;
	[tilespmem:$0x1DC80] =	vst v63  }
0x2c9: {  	_ =	swait.ge [sflag:s7], $0x2800  }
0x2ca: {  	[sflag:s7] =	ssyncset.done $0x0  }
0x2cb: {  	s26 =	smul.u32 $0x50, s19;
	[sflag:s7] =	ssyncadd.s32 $0xFFFFD800  }
0x2cc: {  	_ =	swait.ge [sflag:s30], $0x100  }
0x2cd: {  	s9 =	sadd.s32 s13, s26;
	[sflag:s30] =	ssyncset.done $0x0  }
0x2ce: {  	s16 =	simm.s32 $0x13B80;
	s9 =	sshll.u32 s9, $0x4;
	[sflag:s30] =	ssyncadd.s32 $0xFFFFFF00  }
0x2cf: {  	[tilespmem:s15], [sflag:$0x6] =	stream.indirect.gather [hbm4b:s4+s12], $0x80, s16, s12, $0xb8;
	[tilespmem:$0x1DC80] =	vst v63  }
0x2d0: {  	s19 =	simm.s32 $0x1B480;
	s21 =	smin.u32 s21, $0x77;
	s9 =	sadd.s32 s5, s9  }
0x2d1: {  	[tilespmem:s19], [sflag:$0x8] =	stream.linear.gather [hbm4b:s9+s2], $0x2800, $0x38;
	[tilespmem:$0x1DC80] =	vst v63  }
0x2d2: {  	s26 =	rddreg [dreg:$0x15];
	s9 =	sshll.u32 s21, $0x8  }
0x2d3: {  	s9 =	sadd.s32 s9, s26  }
0x2d4: {  	s9 =	sshrl.u32 s9, $0x3  }
0x2d5: {  	s9 =	sadd.s32 s6, s9  }
0x2d6: {  	[tilespmem:s0], [sflag:$0x2] =	stream.linear.gather [hbm4b:s9+s2], $0x100, $0x38;
	[tilespmem:$0x1DC80] =	vst v63  }
0x2d7: {  	_ =	swait.ge [sflag:s18], $0x2800  }
0x2d8: {  	[sflag:s18] =	ssyncset.done $0x0  }
0x2d9: {  	[sflag:s18] =	ssyncadd.s32 $0xFFFFD800  }
0x2da: {  	_ =	swait.ge [sflag:s20], $0x2800  }
0x2db: {  	[sflag:s20] =	ssyncset.done $0x0  }
0x2dc: {  	s19 =	simm.s32 $0x13E80;
	[sflag:s20] =	ssyncadd.s32 $0xFFFFD800  }
0x2dd: {  	s9 =	simm.s32 $0x18E80;
	v1 =	vld [tilespmem:s19+$0x180]  }
0x2de: {  	v2 =	vld [tilespmem:s9+$0x180]  }
0x2df: {  	v3 =	vld [tilespmem:s19+$0xFFFFFE80]  }
0x2e0: {  	v5 =	vld [tilespmem:s9+$0xFFFFFE80]  }
0x2e1: {  	v6 =	vld [tilespmem:s19+$0xFFFFFF00]  }
0x2e2: {  	v7 =	vld [tilespmem:s9+$0xFFFFFF00]  }
0x2e3: {  	v8 =	vld [tilespmem:s19+$0xFFFFFF80]  }
0x2e4: {  	v9 =	vld [tilespmem:s9+$0xFFFFFF80]  }
0x2e5: {  	v10 =	vld [tilespmem:s9+$0x0]  }
0x2e6: {  	v11 =	vld [tilespmem:s19+$0x80]  }
0x2e7: {  	v44 =	vld [tilespmem:s19+$0xFFFFFE90]  }
0x2e8: {  	v13 =	vld [tilespmem:s19+$0xFFFFFF10]  }
0x2e9: {  	v14 =	vld [tilespmem:s19+$0x90]  }
0x2ea: {  	v45 =	vld [tilespmem:s19+$0x110]  }
0x2eb: {  	v46 =	vld [tilespmem:s19+$0xFFFFFF20]  }
0x2ec: {  	v47 =	vld [tilespmem:s19+$0xFFFFFFA0]  }
0x2ed: {  	v48 =	vld [tilespmem:s19+$0xA0]  }
0x2ee: {  	v49 =	vld [tilespmem:s19+$0xFFFFFF30];
	v1 =	vadd.f32 v2, v1  }
0x2ef: {  	v50 =	vld [tilespmem:s19+$0xFFFFFFB0]  }
0x2f0: {  	v51 =	vld [tilespmem:s19+$0x30];
	v1 =	vmax.f32 v1, $0.0e+00  }
0x2f1: {  	[tilespmem:s19+$0x180] =	vst v1;
	v1 =	vld [tilespmem:s19+$0x190]  }
0x2f2: {  	v4 =	vld [tilespmem:s9+$0x190]  }
0x2f3: {  	v52 =	vld [tilespmem:s19+$0xFFFFFE40]  }
0x2f4: {  	v54 =	vld [tilespmem:s19+$0xFFFFFFC0]  }
0x2f5: {  	v55 =	vld [tilespmem:s19+$0xC0]  }
0x2f6: {  	v56 =	vld [tilespmem:s19+$0xFFFFFE50]  }
0x2f7: {  	v57 =	vld [tilespmem:s19+$0xFFFFFFD0];
	v1 =	vadd.f32 v4, v1  }
0x2f8: {  	v58 =	vld [tilespmem:s19+$0xD0]  }
0x2f9: {  	v2 =	vld [tilespmem:s9+$0xFFFFFE00];
	v1 =	vmax.f32 v1, $0.0e+00  }
0x2fa: {  	[tilespmem:s19+$0x190] =	vst v1;
	v1 =	vld [tilespmem:s19+$0x1A0]  }
0x2fb: {  	v12 =	vld [tilespmem:s9+$0x1A0]  }
0x2fc: {  	v3 =	vadd.f32 v5, v3;
	v5 =	vld [tilespmem:s9+$0x80]  }
0x2fd: {  	v8 =	vadd.f32 v9, v8;
	v9 =	vld [tilespmem:s19+$0xFFFFFE00]  }
0x2fe: {  	v6 =	vadd.f32 v7, v6;
	v7 =	vld [tilespmem:s19+$0x100]  }
0x2ff: {  	v3 =	vmax.f32 v3, $0.0e+00;
	v4 =	vld [tilespmem:s19+$0x0]  }
0x300: {  	[tilespmem:s19+$0xFFFFFE80] =	vst v3;
	v3 =	vmax.f32 v6, $0.0e+00;
	v6 =	vld [tilespmem:s9+$0x100];
	v1 =	vadd.f32 v12, v1  }
0x301: {  	[tilespmem:s19+$0xFFFFFF00] =	vst v3;
	v3 =	vmax.f32 v8, $0.0e+00;
	v8 =	vld [tilespmem:s9+$0xFFFFFE90];
	v5 =	vadd.f32 v5, v11  }
0x302: {  	v2 =	vadd.f32 v2, v9;
	v11 =	vld [tilespmem:s19+$0xFFFFFE10];
	v1 =	vmax.f32 v1, $0.0e+00  }
0x303: {  	[tilespmem:s19+$0x1A0] =	vst v1;
	v1 =	vmax.f32 v5, $0.0e+00;
	v5 =	vld [tilespmem:s19+$0x1B0]  }
0x304: {  	v4 =	vadd.f32 v10, v4;
	[tilespmem:s19+$0x80] =	vst v1;
	v1 =	vmax.f32 v2, $0.0e+00;
	v2 =	vld [tilespmem:s9+$0x1B0]  }
0x305: {  	[tilespmem:s19+$0xFFFFFF80] =	vst v3;
	v6 =	vadd.f32 v6, v7;
	v7 =	vld [tilespmem:s19+$0x10]  }
0x306: {  	v3 =	vmax.f32 v4, $0.0e+00;
	v4 =	vld [tilespmem:s9+$0xFFFFFF10];
	[tilespmem:s19+$0xFFFFFE00] =	vst v1  }
0x307: {  	v1 =	vld [tilespmem:s9+$0xFFFFFE10]  }
0x308: {  	[tilespmem:s19+$0x0] =	vst v3;
	v3 =	vld [tilespmem:s9+$0xFFFFFF90]  }
0x309: {  	v9 =	vld [tilespmem:s9+$0x10];
	v2 =	vadd.f32 v2, v5  }
0x30a: {  	v5 =	vld [tilespmem:s19+$0xFFFFFF90]  }
0x30b: {  	v10 =	vld [tilespmem:s9+$0x90];
	v2 =	vmax.f32 v2, $0.0e+00  }
0x30c: {  	v1 =	vadd.f32 v1, v11;
	[tilespmem:s19+$0x1B0] =	vst v2;
	v2 =	vmax.f32 v6, $0.0e+00;
	v6 =	vld [tilespmem:s19+$0x1C0]  }
0x30d: {  	[tilespmem:s19+$0x100] =	vst v2;
	v2 =	vadd.f32 v8, v44;
	v8 =	vld [tilespmem:s9+$0x1C0]  }
0x30e: {  	v4 =	vadd.f32 v4, v13;
	v1 =	vmax.f32 v1, $0.0e+00;
	v11 =	vld [tilespmem:s9+$0x110]  }
0x30f: {  	v59 =	vld [tilespmem:s19+$0xFFFFFE60];
	[tilespmem:s19+$0xFFFFFE10] =	vst v1;
	v1 =	vmax.f32 v2, $0.0e+00;
	v2 =	vadd.f32 v3, v5  }
0x310: {  	v60 =	vld [tilespmem:s19+$0xFFFFFFE0];
	[tilespmem:s19+$0xFFFFFE90] =	vst v1;
	v1 =	vmax.f32 v4, $0.0e+00;
	v4 =	vadd.f32 v9, v7  }
0x311: {  	v61 =	vld [tilespmem:s19+$0xE0];
	[tilespmem:s19+$0xFFFFFF10] =	vst v1;
	v1 =	vmax.f32 v2, $0.0e+00;
	v2 =	vadd.f32 v10, v14  }
0x312: {  	v3 =	vld [tilespmem:s9+$0xFFFFFE20];
	[tilespmem:s19+$0xFFFFFF90] =	vst v1;
	v1 =	vmax.f32 v4, $0.0e+00;
	v4 =	vadd.f32 v8, v6  }
0x313: {  	v5 =	vld [tilespmem:s9+$0xFFFFFEA0];
	[tilespmem:s19+$0x10] =	vst v1;
	v1 =	vmax.f32 v2, $0.0e+00;
	v2 =	vadd.f32 v11, v45  }
0x314: {  	v10 =	vld [tilespmem:s19+$0xFFFFFE20];
	[tilespmem:s19+$0x90] =	vst v1;
	v1 =	vmax.f32 v4, $0.0e+00  }
0x315: {  	[tilespmem:s19+$0x1C0] =	vst v1;
	v1 =	vmax.f32 v2, $0.0e+00;
	v2 =	vld [tilespmem:s19+$0x1D0]  }
0x316: {  	[tilespmem:s19+$0x110] =	vst v1;
	v1 =	vld [tilespmem:s9+$0x1D0]  }
0x317: {  	v7 =	vld [tilespmem:s9+$0xFFFFFF20]  }
0x318: {  	v6 =	vld [tilespmem:s9+$0xFFFFFFA0]  }
0x319: {  	v11 =	vld [tilespmem:s19+$0xFFFFFEA0]  }
0x31a: {  	v8 =	vld [tilespmem:s9+$0x20];
	v3 =	vadd.f32 v3, v10  }
0x31b: {  	v4 =	vld [tilespmem:s9+$0xA0];
	v1 =	vadd.f32 v1, v2  }
0x31c: {  	v10 =	vld [tilespmem:s19+$0x120];
	v3 =	vmax.f32 v3, $0.0e+00  }
0x31d: {  	[tilespmem:s19+$0xFFFFFE20] =	vst v3;
	v2 =	vld [tilespmem:s19+$0x20];
	v1 =	vmax.f32 v1, $0.0e+00  }
0x31e: {  	v9 =	vld [tilespmem:s9+$0x120];
	[tilespmem:s19+$0x1D0] =	vst v1;
	v1 =	vadd.f32 v5, v11  }
0x31f: {  	v7 =	vadd.f32 v7, v46;
	v3 =	vadd.f32 v6, v47;
	v6 =	vld [tilespmem:s9+$0xFFFFFE30]  }
0x320: {  	v5 =	vld [tilespmem:s19+$0x1E0];
	v1 =	vmax.f32 v1, $0.0e+00  }
0x321: {  	v11 =	vld [tilespmem:s9+$0x1E0];
	[tilespmem:s19+$0xFFFFFEA0] =	vst v1;
	v1 =	vmax.f32 v7, $0.0e+00  }
0x322: {  	v2 =	vadd.f32 v8, v2;
	v7 =	vld [tilespmem:s9+$0xFFFFFEB0];
	[tilespmem:s19+$0xFFFFFF20] =	vst v1  }
0x323: {  	v1 =	vmax.f32 v3, $0.0e+00;
	v3 =	vadd.f32 v4, v48;
	v4 =	vld [tilespmem:s9+$0xFFFFFF30]  }
0x324: {  	[tilespmem:s19+$0xFFFFFFA0] =	vst v1;
	v1 =	vmax.f32 v2, $0.0e+00;
	v2 =	vadd.f32 v9, v10;
	v10 =	vld [tilespmem:s19+$0xFFFFFE30]  }
0x325: {  	v8 =	vld [tilespmem:s9+$0xFFFFFFB0]  }
0x326: {  	[tilespmem:s19+$0x20] =	vst v1;
	v1 =	vmax.f32 v3, $0.0e+00;
	v3 =	vadd.f32 v11, v5;
	v11 =	vld [tilespmem:s19+$0xFFFFFEB0]  }
0x327: {  	v5 =	vld [tilespmem:s9+$0x30];
	[tilespmem:s19+$0xA0] =	vst v1;
	v1 =	vmax.f32 v2, $0.0e+00  }
0x328: {  	v9 =	vld [tilespmem:s9+$0xB0];
	[tilespmem:s19+$0x120] =	vst v1  }
0x329: {  	v1 =	vmax.f32 v3, $0.0e+00;
	v3 =	vld [tilespmem:s9+$0x130]  }
0x32a: {  	[tilespmem:s19+$0x1E0] =	vst v1;
	v1 =	vld [tilespmem:s19+$0x1F0]  }
0x32b: {  	v2 =	vld [tilespmem:s9+$0x1F0];
	v6 =	vadd.f32 v6, v10  }
0x32c: {  	v10 =	vld [tilespmem:s19+$0xB0];
	v7 =	vadd.f32 v7, v11  }
0x32d: {  	v4 =	vadd.f32 v4, v49;
	v11 =	vld [tilespmem:s19+$0x130];
	v6 =	vmax.f32 v6, $0.0e+00  }
0x32e: {  	[tilespmem:s19+$0xFFFFFE30] =	vst v6;
	v6 =	vmax.f32 v7, $0.0e+00;
	v7 =	vld [tilespmem:s19+$0xFFFFFEC0]  }
0x32f: {  	v8 =	vadd.f32 v8, v50;
	v4 =	vmax.f32 v4, $0.0e+00;
	v53 =	vld [tilespmem:s9+$0xFFFFFE40];
	[tilespmem:s19+$0xFFFFFEB0] =	vst v6  }
0x330: {  	v5 =	vadd.f32 v5, v51;
	[tilespmem:s19+$0xFFFFFF30] =	vst v4;
	v6 =	vld [tilespmem:s9+$0xFFFFFEC0]  }
0x331: {  	v4 =	vmax.f32 v8, $0.0e+00;
	v8 =	vadd.f32 v9, v10;
	v9 =	vld [tilespmem:s9+$0xFFFFFF40]  }
0x332: {  	[tilespmem:s19+$0xFFFFFFB0] =	vst v4;
	v4 =	vmax.f32 v5, $0.0e+00;
	v10 =	vld [tilespmem:s19+$0xFFFFFF40]  }
0x333: {  	v5 =	vld [tilespmem:s9+$0xFFFFFFC0];
	[tilespmem:s19+$0x30] =	vst v4;
	v3 =	vadd.f32 v3, v11;
	v4 =	vmax.f32 v8, $0.0e+00  }
0x334: {  	v8 =	vld [tilespmem:s9+$0x40];
	[tilespmem:s19+$0xB0] =	vst v4  }
0x335: {  	v3 =	vmax.f32 v3, $0.0e+00;
	v4 =	vld [tilespmem:s9+$0xC0];
	v11 =	vadd.f32 v53, v52  }
0x336: {  	[tilespmem:s19+$0x130] =	vst v3;
	v6 =	vadd.f32 v6, v7;
	v7 =	vld [tilespmem:s19+$0x40]  }
0x337: {  	v3 =	vld [tilespmem:s9+$0x140];
	v9 =	vadd.f32 v9, v10;
	v11 =	vmax.f32 v11, $0.0e+00  }
0x338: {  	[tilespmem:s19+$0xFFFFFE40] =	vst v11;
	v6 =	vmax.f32 v6, $0.0e+00;
	v11 =	vld [tilespmem:s19+$0x140]  }
0x339: {  	v5 =	vadd.f32 v5, v54;
	v9 =	vmax.f32 v9, $0.0e+00;
	[tilespmem:s19+$0xFFFFFEC0] =	vst v6;
	v6 =	vld [tilespmem:s9+$0xFFFFFE50]  }
0x33a: {  	[tilespmem:s19+$0xFFFFFF40] =	vst v9;
	v10 =	vld [tilespmem:s9+$0xFFFFFED0]  }
0x33b: {  	v5 =	vmax.f32 v5, $0.0e+00;
	v4 =	vadd.f32 v4, v55;
	v9 =	vld [tilespmem:s9+$0xFFFFFF50];
	v7 =	vadd.f32 v8, v7  }
0x33c: {  	[tilespmem:s19+$0xFFFFFFC0] =	vst v5;
	v8 =	vld [tilespmem:s19+$0xFFFFFED0]  }
0x33d: {  	v4 =	vmax.f32 v4, $0.0e+00;
	v5 =	vmax.f32 v7, $0.0e+00;
	v7 =	vld [tilespmem:s9+$0xFFFFFFD0]  }
0x33e: {  	v3 =	vadd.f32 v3, v11;
	[tilespmem:s19+$0xC0] =	vst v4;
	v11 =	vld [tilespmem:s19+$0xFFFFFF50]  }
0x33f: {  	[tilespmem:s19+$0x40] =	vst v5;
	v4 =	vld [tilespmem:s9+$0xD0]  }
0x340: {  	v6 =	vadd.f32 v6, v56;
	v5 =	vld [tilespmem:s9+$0x50];
	v3 =	vmax.f32 v3, $0.0e+00  }
0x341: {  	[tilespmem:s19+$0x140] =	vst v3;
	v8 =	vadd.f32 v10, v8;
	v10 =	vld [tilespmem:s19+$0x50]  }
0x342: {  	v6 =	vmax.f32 v6, $0.0e+00;
	v3 =	vld [tilespmem:s9+$0x150]  }
0x343: {  	[tilespmem:s19+$0xFFFFFE50] =	vst v6;
	v6 =	vmax.f32 v8, $0.0e+00;
	v8 =	vld [tilespmem:s19+$0x150];
	v9 =	vadd.f32 v9, v11  }
0x344: {  	v7 =	vadd.f32 v7, v57;
	[tilespmem:s19+$0xFFFFFED0] =	vst v6;
	v6 =	vld [tilespmem:s9+$0xFFFFFE60]  }
0x345: {  	v4 =	vadd.f32 v4, v58;
	v11 =	vld [tilespmem:s9+$0xFFFFFEE0];
	v9 =	vmax.f32 v9, $0.0e+00  }
0x346: {  	v7 =	vmax.f32 v7, $0.0e+00;
	v5 =	vadd.f32 v5, v10;
	v10 =	vld [tilespmem:s19+$0xFFFFFEE0];
	[tilespmem:s19+$0xFFFFFF50] =	vst v9  }
0x347: {  	[tilespmem:s19+$0xFFFFFFD0] =	vst v7;
	v4 =	vmax.f32 v4, $0.0e+00;
	v9 =	vld [tilespmem:s9+$0xFFFFFF60]  }
0x348: {  	v7 =	vld [tilespmem:s9+$0xFFFFFFE0];
	[tilespmem:s19+$0xD0] =	vst v4;
	v5 =	vmax.f32 v5, $0.0e+00;
	v3 =	vadd.f32 v3, v8  }
0x349: {  	v4 =	vld [tilespmem:s9+$0xE0];
	[tilespmem:s19+$0x50] =	vst v5  }
0x34a: {  	v5 =	vld [tilespmem:s9+$0x60];
	v3 =	vmax.f32 v3, $0.0e+00  }
0x34b: {  	v6 =	vadd.f32 v6, v59;
	[tilespmem:s19+$0x150] =	vst v3;
	v3 =	vld [tilespmem:s19+$0xFFFFFF60]  }
0x34c: {  	v10 =	vadd.f32 v11, v10;
	v11 =	vld [tilespmem:s19+$0x60]  }
0x34d: {  	v6 =	vmax.f32 v6, $0.0e+00;
	v8 =	vld [tilespmem:s9+$0x160]  }
0x34e: {  	[tilespmem:s19+$0xFFFFFE60] =	vst v6;
	v6 =	vmax.f32 v10, $0.0e+00;
	v10 =	vld [tilespmem:s19+$0x160]  }
0x34f: {  	v62 =	vld [tilespmem:s9+$0xFFFFFE70];
	[tilespmem:s19+$0xFFFFFEE0] =	vst v6;
	v6 =	vadd.f32 v7, v60  }
0x350: {  	v7 =	vld [tilespmem:s19+$0xFFFFFE70]  }
0x351: {  	v3 =	vadd.f32 v9, v3;
	v9 =	vld [tilespmem:s9+$0xFFFFFEF0];
	v6 =	vmax.f32 v6, $0.0e+00  }
0x352: {  	v5 =	vadd.f32 v5, v11;
	v11 =	vld [tilespmem:s19+$0xFFFFFEF0];
	[tilespmem:s19+$0xFFFFFFE0] =	vst v6  }
0x353: {  	v63 =	vadd.f32 v4, v61;
	v3 =	vmax.f32 v3, $0.0e+00;
	v4 =	vld [tilespmem:s9+$0xFFFFFFF0]  }
0x354: {  	v5 =	vmax.f32 v5, $0.0e+00;
	v6 =	vadd.f32 v8, v10;
	v10 =	vld [tilespmem:s19+$0xFFFFFFF0];
	[tilespmem:s19+$0xFFFFFF60] =	vst v3  }
0x355: {  	v8 =	vmax.f32 v63, $0.0e+00;
	[tilespmem:s19+$0x60] =	vst v5;
	v3 =	vld [tilespmem:s9+$0xFFFFFF70]  }
0x356: {  	[tilespmem:s19+$0xE0] =	vst v8;
	v5 =	vld [tilespmem:s9+$0x70]  }
0x357: {  	v2 =	vadd.f32 v2, v1;
	v8 =	vmax.f32 v6, $0.0e+00;
	v6 =	vld [tilespmem:s9+$0xF0]  }
0x358: {  	v7 =	vadd.f32 v62, v7;
	[tilespmem:s19+$0x160] =	vst v8;
	v8 =	vld [tilespmem:s19+$0xFFFFFF70]  }
0x359: {  	v2 =	vmax.f32 v2, $0.0e+00;
	v11 =	vadd.f32 v9, v11;
	v9 =	vld [tilespmem:s19+$0x70]  }
0x35a: {  	[tilespmem:s19+$0x1F0] =	vst v2;
	v2 =	vmax.f32 v7, $0.0e+00;
	v7 =	vld [tilespmem:s19+$0xF0]  }
0x35b: {  	v1 =	vld [tilespmem:s9+$0x170];
	[tilespmem:s19+$0xFFFFFE70] =	vst v2;
	v2 =	vmax.f32 v11, $0.0e+00  }
0x35c: {  	s11 =	simm.s32 $0x0;
	s16 =	simm.s32 $0x14280;
	[tilespmem:s19+$0xFFFFFEF0] =	vst v2;
	v2 =	vld [tilespmem:s19+$0x170]  }
.LBB2_9:
0x35d: {  	v11 =	vld [tilespmem:s16+$0x180];
	v3 =	vadd.f32 v3, v8;
	s9 =	sadd.s32 $0x400, s9  }
0x35e: {  	s11 =	sadd.s32 $0x8, s11;
	v8 =	vld [tilespmem:s9+$0x180];
	v4 =	vadd.f32 v4, v10  }
0x35f: {  	p1 =	slt.u32 s11, $0x48;
	v10 =	vld [tilespmem:s9+$0xFFFFFE00];
	v3 =	vmax.f32 v3, $0.0e+00;
	v5 =	vadd.f32 v5, v9  }
0x360: {  	v9 =	vld [tilespmem:s16+$0xFFFFFE80];
	[tilespmem:s19+$0xFFFFFF70] =	vst v3;
	v3 =	vmax.f32 v4, $0.0e+00;
	v4 =	vadd.f32 v6, v7  }
0x361: {  	v6 =	vld [tilespmem:s9+$0xFFFFFE80];
	[tilespmem:s19+$0xFFFFFFF0] =	vst v3;
	v3 =	vmax.f32 v5, $0.0e+00;
	v1 =	vadd.f32 v1, v2  }
0x362: {  	v2 =	vld [tilespmem:s16+$0xFFFFFF00];
	[tilespmem:s19+$0x70] =	vst v3;
	v3 =	vmax.f32 v4, $0.0e+00  }
0x363: {  	v4 =	vld [tilespmem:s9+$0xFFFFFF00];
	v5 =	vadd.f32 v8, v11;
	[tilespmem:s19+$0xF0] =	vst v3;
	v1 =	vmax.f32 v1, $0.0e+00  }
0x364: {  	v3 =	vld [tilespmem:s16+$0xFFFFFF80];
	[tilespmem:s19+$0x170] =	vst v1;
	s19 =	smov.u32 s16  }
0x365: {  	v1 =	vld [tilespmem:s9+$0xFFFFFF80];
	v5 =	vmax.f32 v5, $0.0e+00  }
0x366: {  	v6 =	vadd.f32 v6, v9;
	[tilespmem:s16+$0x180] =	vst v5;
	v5 =	vld [tilespmem:s16+$0x190]  }
0x367: {  	v7 =	vld [tilespmem:s9+$0x190]  }
0x368: {  	v6 =	vmax.f32 v6, $0.0e+00;
	v2 =	vadd.f32 v4, v2;
	v4 =	vld [tilespmem:s16+$0x0]  }
0x369: {  	[tilespmem:s16+$0xFFFFFE80] =	vst v6;
	v6 =	vld [tilespmem:s9+$0x0]  }
0x36a: {  	v2 =	vmax.f32 v2, $0.0e+00;
	v1 =	vadd.f32 v1, v3;
	v3 =	vld [tilespmem:s16+$0x80]  }
0x36b: {  	[tilespmem:s16+$0xFFFFFF00] =	vst v2;
	v2 =	vld [tilespmem:s9+$0x80]  }
0x36c: {  	v1 =	vmax.f32 v1, $0.0e+00;
	v8 =	vld [tilespmem:s16+$0x100];
	v5 =	vadd.f32 v7, v5  }
0x36d: {  	[tilespmem:s16+$0xFFFFFF80] =	vst v1;
	v1 =	vld [tilespmem:s9+$0x100]  }
0x36e: {  	v7 =	vld [tilespmem:s16+$0xFFFFFE00];
	v4 =	vadd.f32 v6, v4;
	v5 =	vmax.f32 v5, $0.0e+00  }
0x36f: {  	[tilespmem:s16+$0x190] =	vst v5;
	v5 =	vld [tilespmem:s16+$0x1A0]  }
0x370: {  	v4 =	vmax.f32 v4, $0.0e+00;
	v2 =	vadd.f32 v2, v3;
	v3 =	vld [tilespmem:s9+$0x1A0]  }
0x371: {  	v6 =	vld [tilespmem:s9+$0xFFFFFE90];
	[tilespmem:s16+$0x0] =	vst v4  }
0x372: {  	v4 =	vld [tilespmem:s9+$0xFFFFFF10];
	v2 =	vmax.f32 v2, $0.0e+00;
	v1 =	vadd.f32 v1, v8  }
0x373: {  	v7 =	vadd.f32 v10, v7;
	v8 =	vld [tilespmem:s9+$0xFFFFFF90];
	[tilespmem:s16+$0x80] =	vst v2  }
0x374: {  	v2 =	vld [tilespmem:s9+$0x10];
	v1 =	vmax.f32 v1, $0.0e+00  }
0x375: {  	v7 =	vmax.f32 v7, $0.0e+00;
	v9 =	vld [tilespmem:s9+$0x90];
	[tilespmem:s16+$0x100] =	vst v1;
	v1 =	vadd.f32 v3, v5  }
0x376: {  	[tilespmem:s16+$0xFFFFFE00] =	vst v7;
	v3 =	vld [tilespmem:s9+$0x110]  }
0x377: {  	v5 =	vld [tilespmem:s9+$0xFFFFFE10];
	v1 =	vmax.f32 v1, $0.0e+00  }
0x378: {  	[tilespmem:s16+$0x1A0] =	vst v1;
	v1 =	vld [tilespmem:s16+$0x1B0]  }
0x379: {  	v7 =	vld [tilespmem:s9+$0x1B0]  }
0x37a: {  	v10 =	vld [tilespmem:s16+$0xFFFFFE10]  }
0x37b: {  	v11 =	vld [tilespmem:s16+$0xFFFFFE90]  }
0x37c: {  	v12 =	vld [tilespmem:s16+$0xFFFFFF10]  }
0x37d: {  	v13 =	vld [tilespmem:s16+$0xFFFFFF90]  }
0x37e: {  	v14 =	vld [tilespmem:s16+$0x10];
	v1 =	vadd.f32 v7, v1  }
0x37f: {  	v5 =	vadd.f32 v5, v10;
	v7 =	vld [tilespmem:s16+$0x90]  }
0x380: {  	v6 =	vadd.f32 v6, v11;
	v10 =	vld [tilespmem:s16+$0x110];
	v1 =	vmax.f32 v1, $0.0e+00  }
0x381: {  	v5 =	vmax.f32 v5, $0.0e+00;
	v4 =	vadd.f32 v4, v12;
	[tilespmem:s16+$0x1B0] =	vst v1;
	v1 =	vld [tilespmem:s16+$0x1C0]  }
0x382: {  	[tilespmem:s16+$0xFFFFFE10] =	vst v5;
	v5 =	vmax.f32 v6, $0.0e+00;
	v6 =	vadd.f32 v8, v13;
	v8 =	vld [tilespmem:s9+$0x1C0]  }
0x383: {  	v11 =	vld [tilespmem:s9+$0xFFFFFE20];
	[tilespmem:s16+$0xFFFFFE90] =	vst v5;
	v4 =	vmax.f32 v4, $0.0e+00;
	v2 =	vadd.f32 v2, v14  }
0x384: {  	v5 =	vld [tilespmem:s9+$0xFFFFFEA0];
	[tilespmem:s16+$0xFFFFFF10] =	vst v4;
	v4 =	vmax.f32 v6, $0.0e+00;
	v6 =	vadd.f32 v9, v7  }
0x385: {  	v7 =	vld [tilespmem:s9+$0xFFFFFF20];
	[tilespmem:s16+$0xFFFFFF90] =	vst v4;
	v2 =	vmax.f32 v2, $0.0e+00;
	v3 =	vadd.f32 v3, v10  }
0x386: {  	v4 =	vld [tilespmem:s9+$0xFFFFFFA0];
	[tilespmem:s16+$0x10] =	vst v2;
	v2 =	vmax.f32 v6, $0.0e+00  }
0x387: {  	v6 =	vld [tilespmem:s9+$0x20];
	[tilespmem:s16+$0x90] =	vst v2;
	v2 =	vmax.f32 v3, $0.0e+00;
	v1 =	vadd.f32 v8, v1  }
0x388: {  	v3 =	vld [tilespmem:s9+$0xA0];
	[tilespmem:s16+$0x110] =	vst v2  }
0x389: {  	v2 =	vld [tilespmem:s9+$0x120];
	v1 =	vmax.f32 v1, $0.0e+00  }
0x38a: {  	[tilespmem:s16+$0x1C0] =	vst v1;
	v1 =	vld [tilespmem:s16+$0x1D0]  }
0x38b: {  	v8 =	vld [tilespmem:s9+$0x1D0]  }
0x38c: {  	v9 =	vld [tilespmem:s16+$0xFFFFFE20]  }
0x38d: {  	v10 =	vld [tilespmem:s16+$0xFFFFFEA0]  }
0x38e: {  	v12 =	vld [tilespmem:s16+$0xFFFFFF20]  }
0x38f: {  	v13 =	vld [tilespmem:s16+$0xFFFFFFA0]  }
0x390: {  	v14 =	vld [tilespmem:s16+$0x20];
	v1 =	vadd.f32 v8, v1  }
0x391: {  	v8 =	vadd.f32 v11, v9;
	v9 =	vld [tilespmem:s16+$0xA0]  }
0x392: {  	v5 =	vadd.f32 v5, v10;
	v10 =	vld [tilespmem:s16+$0x120];
	v1 =	vmax.f32 v1, $0.0e+00  }
0x393: {  	v8 =	vmax.f32 v8, $0.0e+00;
	v7 =	vadd.f32 v7, v12;
	[tilespmem:s16+$0x1D0] =	vst v1;
	v1 =	vld [tilespmem:s16+$0x1E0]  }
0x394: {  	[tilespmem:s16+$0xFFFFFE20] =	vst v8;
	v5 =	vmax.f32 v5, $0.0e+00;
	v4 =	vadd.f32 v4, v13;
	v8 =	vld [tilespmem:s9+$0x1E0]  }
0x395: {  	v11 =	vld [tilespmem:s9+$0xFFFFFE30];
	[tilespmem:s16+$0xFFFFFEA0] =	vst v5;
	v5 =	vmax.f32 v7, $0.0e+00;
	v6 =	vadd.f32 v6, v14  }
0x396: {  	v7 =	vld [tilespmem:s9+$0xFFFFFEB0];
	[tilespmem:s16+$0xFFFFFF20] =	vst v5;
	v4 =	vmax.f32 v4, $0.0e+00;
	v3 =	vadd.f32 v3, v9  }
0x397: {  	v5 =	vld [tilespmem:s9+$0xFFFFFF30];
	[tilespmem:s16+$0xFFFFFFA0] =	vst v4;
	v4 =	vmax.f32 v6, $0.0e+00;
	v2 =	vadd.f32 v2, v10  }
0x398: {  	v6 =	vld [tilespmem:s9+$0xFFFFFFB0];
	[tilespmem:s16+$0x20] =	vst v4;
	v3 =	vmax.f32 v3, $0.0e+00  }
0x399: {  	v4 =	vld [tilespmem:s9+$0x30];
	[tilespmem:s16+$0xA0] =	vst v3;
	v2 =	vmax.f32 v2, $0.0e+00;
	v1 =	vadd.f32 v8, v1  }
0x39a: {  	v3 =	vld [tilespmem:s9+$0xB0];
	[tilespmem:s16+$0x120] =	vst v2  }
0x39b: {  	v2 =	vld [tilespmem:s9+$0x130];
	v1 =	vmax.f32 v1, $0.0e+00  }
0x39c: {  	[tilespmem:s16+$0x1E0] =	vst v1;
	v1 =	vld [tilespmem:s16+$0x1F0]  }
0x39d: {  	v8 =	vld [tilespmem:s9+$0x1F0]  }
0x39e: {  	v9 =	vld [tilespmem:s16+$0xFFFFFE30]  }
0x39f: {  	v10 =	vld [tilespmem:s16+$0xFFFFFEB0]  }
0x3a0: {  	v12 =	vld [tilespmem:s16+$0xFFFFFF30]  }
0x3a1: {  	v13 =	vld [tilespmem:s16+$0xFFFFFFB0]  }
0x3a2: {  	v14 =	vld [tilespmem:s16+$0x30];
	v1 =	vadd.f32 v8, v1  }
0x3a3: {  	v8 =	vadd.f32 v11, v9;
	v9 =	vld [tilespmem:s16+$0xB0]  }
0x3a4: {  	v7 =	vadd.f32 v7, v10;
	v10 =	vld [tilespmem:s16+$0x130];
	v1 =	vmax.f32 v1, $0.0e+00  }
0x3a5: {  	v8 =	vmax.f32 v8, $0.0e+00;
	v11 =	vld [tilespmem:s16+$0xFFFFFE40];
	v5 =	vadd.f32 v5, v12;
	[tilespmem:s16+$0x1F0] =	vst v1  }
0x3a6: {  	[tilespmem:s16+$0xFFFFFE30] =	vst v8;
	v1 =	vmax.f32 v7, $0.0e+00;
	v7 =	vld [tilespmem:s16+$0xFFFFFEC0];
	v6 =	vadd.f32 v6, v13  }
0x3a7: {  	v8 =	vld [tilespmem:s9+$0xFFFFFE40];
	[tilespmem:s16+$0xFFFFFEB0] =	vst v1;
	v1 =	vmax.f32 v5, $0.0e+00;
	v4 =	vadd.f32 v4, v14  }
0x3a8: {  	v5 =	vld [tilespmem:s9+$0xFFFFFEC0];
	[tilespmem:s16+$0xFFFFFF30] =	vst v1;
	v1 =	vmax.f32 v6, $0.0e+00;
	v3 =	vadd.f32 v3, v9  }
0x3a9: {  	v6 =	vld [tilespmem:s9+$0xFFFFFF40];
	[tilespmem:s16+$0xFFFFFFB0] =	vst v1;
	v1 =	vmax.f32 v4, $0.0e+00;
	v2 =	vadd.f32 v2, v10  }
0x3aa: {  	v4 =	vld [tilespmem:s9+$0xFFFFFFC0];
	[tilespmem:s16+$0x30] =	vst v1;
	v1 =	vmax.f32 v3, $0.0e+00  }
0x3ab: {  	v3 =	vld [tilespmem:s9+$0x40];
	[tilespmem:s16+$0xB0] =	vst v1;
	v1 =	vmax.f32 v2, $0.0e+00  }
0x3ac: {  	v2 =	vadd.f32 v8, v11;
	v8 =	vld [tilespmem:s9+$0xC0];
	[tilespmem:s16+$0x130] =	vst v1  }
0x3ad: {  	v1 =	vadd.f32 v5, v7;
	v5 =	vld [tilespmem:s9+$0x140]  }
0x3ae: {  	v2 =	vmax.f32 v2, $0.0e+00;
	v7 =	vld [tilespmem:s16+$0xFFFFFF40]  }
0x3af: {  	[tilespmem:s16+$0xFFFFFE40] =	vst v2;
	v1 =	vmax.f32 v1, $0.0e+00;
	v2 =	vld [tilespmem:s16+$0xFFFFFFC0]  }
0x3b0: {  	[tilespmem:s16+$0xFFFFFEC0] =	vst v1;
	v1 =	vld [tilespmem:s16+$0x40]  }
0x3b1: {  	v9 =	vld [tilespmem:s16+$0xC0]  }
0x3b2: {  	v10 =	vld [tilespmem:s16+$0x140]  }
0x3b3: {  	v11 =	vld [tilespmem:s9+$0xFFFFFE50];
	v6 =	vadd.f32 v6, v7  }
0x3b4: {  	v7 =	vld [tilespmem:s9+$0xFFFFFED0];
	v2 =	vadd.f32 v4, v2  }
0x3b5: {  	v4 =	vld [tilespmem:s16+$0xFFFFFE50];
	v6 =	vmax.f32 v6, $0.0e+00;
	v1 =	vadd.f32 v3, v1  }
0x3b6: {  	v3 =	vld [tilespmem:s16+$0xFFFFFED0];
	[tilespmem:s16+$0xFFFFFF40] =	vst v6;
	v2 =	vmax.f32 v2, $0.0e+00;
	v6 =	vadd.f32 v8, v9  }
0x3b7: {  	v8 =	vld [tilespmem:s9+$0xFFFFFF50];
	[tilespmem:s16+$0xFFFFFFC0] =	vst v2;
	v1 =	vmax.f32 v1, $0.0e+00;
	v2 =	vadd.f32 v5, v10  }
0x3b8: {  	v5 =	vld [tilespmem:s9+$0xFFFFFFD0];
	[tilespmem:s16+$0x40] =	vst v1;
	v1 =	vmax.f32 v6, $0.0e+00  }
0x3b9: {  	v6 =	vld [tilespmem:s9+$0x50];
	[tilespmem:s16+$0xC0] =	vst v1;
	v1 =	vmax.f32 v2, $0.0e+00  }
0x3ba: {  	v2 =	vadd.f32 v11, v4;
	v4 =	vld [tilespmem:s9+$0xD0];
	[tilespmem:s16+$0x140] =	vst v1  }
0x3bb: {  	v1 =	vadd.f32 v7, v3;
	v3 =	vld [tilespmem:s9+$0x150]  }
0x3bc: {  	v2 =	vmax.f32 v2, $0.0e+00;
	v7 =	vld [tilespmem:s16+$0xFFFFFF50]  }
0x3bd: {  	[tilespmem:s16+$0xFFFFFE50] =	vst v2;
	v1 =	vmax.f32 v1, $0.0e+00;
	v2 =	vld [tilespmem:s16+$0xFFFFFFD0]  }
0x3be: {  	[tilespmem:s16+$0xFFFFFED0] =	vst v1;
	v1 =	vld [tilespmem:s16+$0x50]  }
0x3bf: {  	v9 =	vld [tilespmem:s16+$0xD0]  }
0x3c0: {  	v10 =	vld [tilespmem:s16+$0x150]  }
0x3c1: {  	v11 =	vld [tilespmem:s9+$0xFFFFFE60];
	v7 =	vadd.f32 v8, v7  }
0x3c2: {  	v8 =	vld [tilespmem:s9+$0xFFFFFEE0];
	v2 =	vadd.f32 v5, v2  }
0x3c3: {  	v5 =	vld [tilespmem:s16+$0xFFFFFE60];
	v7 =	vmax.f32 v7, $0.0e+00;
	v1 =	vadd.f32 v6, v1  }
0x3c4: {  	v6 =	vld [tilespmem:s16+$0xFFFFFEE0];
	[tilespmem:s16+$0xFFFFFF50] =	vst v7;
	v2 =	vmax.f32 v2, $0.0e+00;
	v4 =	vadd.f32 v4, v9  }
0x3c5: {  	v7 =	vld [tilespmem:s9+$0xFFFFFF60];
	[tilespmem:s16+$0xFFFFFFD0] =	vst v2;
	v1 =	vmax.f32 v1, $0.0e+00;
	v2 =	vadd.f32 v3, v10  }
0x3c6: {  	v3 =	vld [tilespmem:s9+$0xFFFFFFE0];
	[tilespmem:s16+$0x50] =	vst v1;
	v1 =	vmax.f32 v4, $0.0e+00  }
0x3c7: {  	v4 =	vld [tilespmem:s9+$0x60];
	[tilespmem:s16+$0xD0] =	vst v1;
	v1 =	vmax.f32 v2, $0.0e+00  }
0x3c8: {  	v2 =	vadd.f32 v11, v5;
	v5 =	vld [tilespmem:s9+$0xE0];
	[tilespmem:s16+$0x150] =	vst v1  }
0x3c9: {  	v1 =	vadd.f32 v8, v6;
	v6 =	vld [tilespmem:s9+$0x160]  }
0x3ca: {  	v2 =	vmax.f32 v2, $0.0e+00;
	v8 =	vld [tilespmem:s16+$0xFFFFFF60]  }
0x3cb: {  	[tilespmem:s16+$0xFFFFFE60] =	vst v2;
	v1 =	vmax.f32 v1, $0.0e+00;
	v2 =	vld [tilespmem:s16+$0xFFFFFFE0]  }
0x3cc: {  	[tilespmem:s16+$0xFFFFFEE0] =	vst v1;
	v1 =	vld [tilespmem:s16+$0x60]  }
0x3cd: {  	v9 =	vld [tilespmem:s16+$0xE0]  }
0x3ce: {  	v10 =	vld [tilespmem:s16+$0x160]  }
0x3cf: {  	v11 =	vld [tilespmem:s9+$0xFFFFFE70];
	v7 =	vadd.f32 v7, v8  }
0x3d0: {  	v8 =	vld [tilespmem:s9+$0xFFFFFEF0];
	v2 =	vadd.f32 v3, v2  }
0x3d1: {  	v12 =	vld [tilespmem:s16+$0xFFFFFE70];
	v3 =	vmax.f32 v7, $0.0e+00;
	v1 =	vadd.f32 v4, v1  }
0x3d2: {  	v7 =	vld [tilespmem:s16+$0xFFFFFEF0];
	[tilespmem:s16+$0xFFFFFF60] =	vst v3;
	v2 =	vmax.f32 v2, $0.0e+00;
	v5 =	vadd.f32 v5, v9  }
0x3d3: {  	v3 =	vld [tilespmem:s9+$0xFFFFFF70];
	[tilespmem:s16+$0xFFFFFFE0] =	vst v2;
	v1 =	vmax.f32 v1, $0.0e+00;
	v2 =	vadd.f32 v6, v10  }
0x3d4: {  	v4 =	vld [tilespmem:s9+$0xFFFFFFF0];
	[tilespmem:s16+$0x60] =	vst v1;
	v1 =	vmax.f32 v5, $0.0e+00  }
0x3d5: {  	v5 =	vld [tilespmem:s9+$0x70];
	[tilespmem:s16+$0xE0] =	vst v1;
	v1 =	vmax.f32 v2, $0.0e+00  }
0x3d6: {  	v2 =	vadd.f32 v11, v12;
	v6 =	vld [tilespmem:s9+$0xF0];
	[tilespmem:s16+$0x160] =	vst v1  }
0x3d7: {  	v7 =	vadd.f32 v8, v7;
	v1 =	vld [tilespmem:s9+$0x170]  }
.Ltmp3:
0x3d8: {  	v2 =	vmax.f32 v2, $0.0e+00;
	v8 =	vld [tilespmem:s16+$0xFFFFFF70];
	(pc) =	sbr.rel @p1 .LBB2_9-.Ltmp3, $4  }
0x3d9: {  	[tilespmem:s16+$0xFFFFFE70] =	vst v2;
	v2 =	vmax.f32 v7, $0.0e+00;
	v10 =	vld [tilespmem:s16+$0xFFFFFFF0]  }
0x3da: {  	[tilespmem:s16+$0xFFFFFEF0] =	vst v2;
	v9 =	vld [tilespmem:s16+$0x70]  }
0x3db: {  	v7 =	vld [tilespmem:s16+$0xF0]  }
0x3dc: {  	s16 =	sadd.s32 $0x400, s16;
	v2 =	vld [tilespmem:s19+$0x170]  }
0x3dd: {  	v3 =	vadd.f32 v3, v8  }
0x3de: {  	v4 =	vadd.f32 v4, v10  }
0x3df: {  	v3 =	vmax.f32 v3, $0.0e+00;
	v5 =	vadd.f32 v5, v9  }
0x3e0: {  	[tilespmem:s19+$0xFFFFFF70] =	vst v3;
	v3 =	vmax.f32 v4, $0.0e+00;
	v4 =	vadd.f32 v6, v7  }
0x3e1: {  	[tilespmem:s19+$0xFFFFFFF0] =	vst v3;
	v3 =	vmax.f32 v5, $0.0e+00;
	v1 =	vadd.f32 v1, v2  }
0x3e2: {  	[tilespmem:s19+$0x70] =	vst v3;
	v2 =	vmax.f32 v4, $0.0e+00  }
0x3e3: {  	[tilespmem:s19+$0xF0] =	vst v2;
	v1 =	vmax.f32 v1, $0.0e+00  }
0x3e4: {  	s9 =	simm.s32 $0x13B00;
	[tilespmem:s19+$0x170] =	vst v1  }
0x3e5: {  	[spmem:s1] =	stream.indirect.scatter.add.f32 [tilespmem:s29], [sflag:$0x9], $0x80, s9, s12, $0xb8;
	[tilespmem:$0x1DC80] =	vst v63  }
0x3e6: {  	_ =	swait.ge [sflag:s22], $0x2800  }
0x3e7: {  	[sflag:s22] =	ssyncset.done $0x0  }
0x3e8: {  	[sflag:s22] =	ssyncadd.s32 $0xFFFFD800  }
0x3e9: {  	_ =	swait.ge [sflag:s23], $0x2800  }
0x3ea: {  	[sflag:s23] =	ssyncset.done $0x0  }
0x3eb: {  	s19 =	simm.s32 $0x16680;
	[sflag:s23] =	ssyncadd.s32 $0xFFFFD800  }
0x3ec: {  	s9 =	simm.s32 $0x1B680;
	v1 =	vld [tilespmem:s19+$0x180]  }
0x3ed: {  	v2 =	vld [tilespmem:s9+$0x180]  }
0x3ee: {  	v3 =	vld [tilespmem:s19+$0xFFFFFE80]  }
0x3ef: {  	v5 =	vld [tilespmem:s9+$0xFFFFFE80]  }
0x3f0: {  	v6 =	vld [tilespmem:s19+$0xFFFFFF00]  }
0x3f1: {  	v7 =	vld [tilespmem:s9+$0xFFFFFF00]  }
0x3f2: {  	v8 =	vld [tilespmem:s19+$0xFFFFFF80]  }
0x3f3: {  	v9 =	vld [tilespmem:s9+$0xFFFFFF80]  }
0x3f4: {  	v10 =	vld [tilespmem:s9+$0x0]  }
0x3f5: {  	v11 =	vld [tilespmem:s19+$0x80]  }
0x3f6: {  	v44 =	vld [tilespmem:s19+$0xFFFFFE90]  }
0x3f7: {  	v13 =	vld [tilespmem:s19+$0xFFFFFF10]  }
0x3f8: {  	v14 =	vld [tilespmem:s19+$0x90]  }
0x3f9: {  	v45 =	vld [tilespmem:s19+$0x110]  }
0x3fa: {  	v46 =	vld [tilespmem:s19+$0xFFFFFF20]  }
0x3fb: {  	v47 =	vld [tilespmem:s19+$0xFFFFFFA0]  }
0x3fc: {  	v48 =	vld [tilespmem:s19+$0xA0]  }
0x3fd: {  	v49 =	vld [tilespmem:s19+$0xFFFFFF30];
	v1 =	vadd.f32 v2, v1  }
0x3fe: {  	v50 =	vld [tilespmem:s19+$0xFFFFFFB0]  }
0x3ff: {  	v51 =	vld [tilespmem:s19+$0x30];
	v1 =	vmax.f32 v1, $0.0e+00  }
0x400: {  	[tilespmem:s19+$0x180] =	vst v1;
	v1 =	vld [tilespmem:s19+$0x190]  }
0x401: {  	v4 =	vld [tilespmem:s9+$0x190]  }
0x402: {  	v52 =	vld [tilespmem:s19+$0xFFFFFE40]  }
0x403: {  	v54 =	vld [tilespmem:s19+$0xFFFFFFC0]  }
0x404: {  	v55 =	vld [tilespmem:s19+$0xC0]  }
0x405: {  	v56 =	vld [tilespmem:s19+$0xFFFFFE50]  }
0x406: {  	v57 =	vld [tilespmem:s19+$0xFFFFFFD0];
	v1 =	vadd.f32 v4, v1  }
0x407: {  	v58 =	vld [tilespmem:s19+$0xD0]  }
0x408: {  	v2 =	vld [tilespmem:s9+$0xFFFFFE00];
	v1 =	vmax.f32 v1, $0.0e+00  }
0x409: {  	[tilespmem:s19+$0x190] =	vst v1;
	v1 =	vld [tilespmem:s19+$0x1A0]  }
0x40a: {  	v12 =	vld [tilespmem:s9+$0x1A0]  }
0x40b: {  	v3 =	vadd.f32 v5, v3;
	v5 =	vld [tilespmem:s9+$0x80]  }
0x40c: {  	v8 =	vadd.f32 v9, v8;
	v9 =	vld [tilespmem:s19+$0xFFFFFE00]  }
0x40d: {  	v6 =	vadd.f32 v7, v6;
	v7 =	vld [tilespmem:s19+$0x100]  }
0x40e: {  	v3 =	vmax.f32 v3, $0.0e+00;
	v4 =	vld [tilespmem:s19+$0x0]  }
0x40f: {  	[tilespmem:s19+$0xFFFFFE80] =	vst v3;
	v3 =	vmax.f32 v6, $0.0e+00;
	v6 =	vld [tilespmem:s9+$0x100];
	v1 =	vadd.f32 v12, v1  }
0x410: {  	[tilespmem:s19+$0xFFFFFF00] =	vst v3;
	v3 =	vmax.f32 v8, $0.0e+00;
	v8 =	vld [tilespmem:s9+$0xFFFFFE90];
	v5 =	vadd.f32 v5, v11  }
0x411: {  	v2 =	vadd.f32 v2, v9;
	v11 =	vld [tilespmem:s19+$0xFFFFFE10];
	v1 =	vmax.f32 v1, $0.0e+00  }
0x412: {  	[tilespmem:s19+$0x1A0] =	vst v1;
	v1 =	vmax.f32 v5, $0.0e+00;
	v5 =	vld [tilespmem:s19+$0x1B0]  }
0x413: {  	v4 =	vadd.f32 v10, v4;
	[tilespmem:s19+$0x80] =	vst v1;
	v1 =	vmax.f32 v2, $0.0e+00;
	v2 =	vld [tilespmem:s9+$0x1B0]  }
0x414: {  	[tilespmem:s19+$0xFFFFFF80] =	vst v3;
	v6 =	vadd.f32 v6, v7;
	v7 =	vld [tilespmem:s19+$0x10]  }
0x415: {  	v3 =	vmax.f32 v4, $0.0e+00;
	v4 =	vld [tilespmem:s9+$0xFFFFFF10];
	[tilespmem:s19+$0xFFFFFE00] =	vst v1  }
0x416: {  	v1 =	vld [tilespmem:s9+$0xFFFFFE10]  }
0x417: {  	[tilespmem:s19+$0x0] =	vst v3;
	v3 =	vld [tilespmem:s9+$0xFFFFFF90]  }
0x418: {  	v9 =	vld [tilespmem:s9+$0x10];
	v2 =	vadd.f32 v2, v5  }
0x419: {  	v5 =	vld [tilespmem:s19+$0xFFFFFF90]  }
0x41a: {  	v10 =	vld [tilespmem:s9+$0x90];
	v2 =	vmax.f32 v2, $0.0e+00  }
0x41b: {  	v1 =	vadd.f32 v1, v11;
	[tilespmem:s19+$0x1B0] =	vst v2;
	v2 =	vmax.f32 v6, $0.0e+00;
	v6 =	vld [tilespmem:s19+$0x1C0]  }
0x41c: {  	[tilespmem:s19+$0x100] =	vst v2;
	v2 =	vadd.f32 v8, v44;
	v8 =	vld [tilespmem:s9+$0x1C0]  }
0x41d: {  	v4 =	vadd.f32 v4, v13;
	v1 =	vmax.f32 v1, $0.0e+00;
	v11 =	vld [tilespmem:s9+$0x110]  }
0x41e: {  	v59 =	vld [tilespmem:s19+$0xFFFFFE60];
	[tilespmem:s19+$0xFFFFFE10] =	vst v1;
	v1 =	vmax.f32 v2, $0.0e+00;
	v2 =	vadd.f32 v3, v5  }
0x41f: {  	v60 =	vld [tilespmem:s19+$0xFFFFFFE0];
	[tilespmem:s19+$0xFFFFFE90] =	vst v1;
	v1 =	vmax.f32 v4, $0.0e+00;
	v4 =	vadd.f32 v9, v7  }
0x420: {  	v61 =	vld [tilespmem:s19+$0xE0];
	[tilespmem:s19+$0xFFFFFF10] =	vst v1;
	v1 =	vmax.f32 v2, $0.0e+00;
	v2 =	vadd.f32 v10, v14  }
0x421: {  	v3 =	vld [tilespmem:s9+$0xFFFFFE20];
	[tilespmem:s19+$0xFFFFFF90] =	vst v1;
	v1 =	vmax.f32 v4, $0.0e+00;
	v4 =	vadd.f32 v8, v6  }
0x422: {  	v5 =	vld [tilespmem:s9+$0xFFFFFEA0];
	[tilespmem:s19+$0x10] =	vst v1;
	v1 =	vmax.f32 v2, $0.0e+00;
	v2 =	vadd.f32 v11, v45  }
0x423: {  	v10 =	vld [tilespmem:s19+$0xFFFFFE20];
	[tilespmem:s19+$0x90] =	vst v1;
	v1 =	vmax.f32 v4, $0.0e+00  }
0x424: {  	[tilespmem:s19+$0x1C0] =	vst v1;
	v1 =	vmax.f32 v2, $0.0e+00;
	v2 =	vld [tilespmem:s19+$0x1D0]  }
0x425: {  	[tilespmem:s19+$0x110] =	vst v1;
	v1 =	vld [tilespmem:s9+$0x1D0]  }
0x426: {  	v7 =	vld [tilespmem:s9+$0xFFFFFF20]  }
0x427: {  	v6 =	vld [tilespmem:s9+$0xFFFFFFA0]  }
0x428: {  	v11 =	vld [tilespmem:s19+$0xFFFFFEA0]  }
0x429: {  	v8 =	vld [tilespmem:s9+$0x20];
	v3 =	vadd.f32 v3, v10  }
0x42a: {  	v4 =	vld [tilespmem:s9+$0xA0];
	v1 =	vadd.f32 v1, v2  }
0x42b: {  	v10 =	vld [tilespmem:s19+$0x120];
	v3 =	vmax.f32 v3, $0.0e+00  }
0x42c: {  	[tilespmem:s19+$0xFFFFFE20] =	vst v3;
	v2 =	vld [tilespmem:s19+$0x20];
	v1 =	vmax.f32 v1, $0.0e+00  }
0x42d: {  	v9 =	vld [tilespmem:s9+$0x120];
	[tilespmem:s19+$0x1D0] =	vst v1;
	v1 =	vadd.f32 v5, v11  }
0x42e: {  	v7 =	vadd.f32 v7, v46;
	v3 =	vadd.f32 v6, v47;
	v6 =	vld [tilespmem:s9+$0xFFFFFE30]  }
0x42f: {  	v5 =	vld [tilespmem:s19+$0x1E0];
	v1 =	vmax.f32 v1, $0.0e+00  }
0x430: {  	v11 =	vld [tilespmem:s9+$0x1E0];
	[tilespmem:s19+$0xFFFFFEA0] =	vst v1;
	v1 =	vmax.f32 v7, $0.0e+00  }
0x431: {  	v2 =	vadd.f32 v8, v2;
	v7 =	vld [tilespmem:s9+$0xFFFFFEB0];
	[tilespmem:s19+$0xFFFFFF20] =	vst v1  }
0x432: {  	v1 =	vmax.f32 v3, $0.0e+00;
	v3 =	vadd.f32 v4, v48;
	v4 =	vld [tilespmem:s9+$0xFFFFFF30]  }
0x433: {  	[tilespmem:s19+$0xFFFFFFA0] =	vst v1;
	v1 =	vmax.f32 v2, $0.0e+00;
	v2 =	vadd.f32 v9, v10;
	v10 =	vld [tilespmem:s19+$0xFFFFFE30]  }
0x434: {  	v8 =	vld [tilespmem:s9+$0xFFFFFFB0]  }
0x435: {  	[tilespmem:s19+$0x20] =	vst v1;
	v1 =	vmax.f32 v3, $0.0e+00;
	v3 =	vadd.f32 v11, v5;
	v11 =	vld [tilespmem:s19+$0xFFFFFEB0]  }
0x436: {  	v5 =	vld [tilespmem:s9+$0x30];
	[tilespmem:s19+$0xA0] =	vst v1;
	v1 =	vmax.f32 v2, $0.0e+00  }
0x437: {  	v9 =	vld [tilespmem:s9+$0xB0];
	[tilespmem:s19+$0x120] =	vst v1  }
0x438: {  	v1 =	vmax.f32 v3, $0.0e+00;
	v3 =	vld [tilespmem:s9+$0x130]  }
0x439: {  	[tilespmem:s19+$0x1E0] =	vst v1;
	v1 =	vld [tilespmem:s19+$0x1F0]  }
0x43a: {  	v2 =	vld [tilespmem:s9+$0x1F0];
	v6 =	vadd.f32 v6, v10  }
0x43b: {  	v10 =	vld [tilespmem:s19+$0xB0];
	v7 =	vadd.f32 v7, v11  }
0x43c: {  	v4 =	vadd.f32 v4, v49;
	v11 =	vld [tilespmem:s19+$0x130];
	v6 =	vmax.f32 v6, $0.0e+00  }
0x43d: {  	[tilespmem:s19+$0xFFFFFE30] =	vst v6;
	v6 =	vmax.f32 v7, $0.0e+00;
	v7 =	vld [tilespmem:s19+$0xFFFFFEC0]  }
0x43e: {  	v8 =	vadd.f32 v8, v50;
	v4 =	vmax.f32 v4, $0.0e+00;
	v53 =	vld [tilespmem:s9+$0xFFFFFE40];
	[tilespmem:s19+$0xFFFFFEB0] =	vst v6  }
0x43f: {  	v5 =	vadd.f32 v5, v51;
	[tilespmem:s19+$0xFFFFFF30] =	vst v4;
	v6 =	vld [tilespmem:s9+$0xFFFFFEC0]  }
0x440: {  	v4 =	vmax.f32 v8, $0.0e+00;
	v8 =	vadd.f32 v9, v10;
	v9 =	vld [tilespmem:s9+$0xFFFFFF40]  }
0x441: {  	[tilespmem:s19+$0xFFFFFFB0] =	vst v4;
	v4 =	vmax.f32 v5, $0.0e+00;
	v10 =	vld [tilespmem:s19+$0xFFFFFF40]  }
0x442: {  	v5 =	vld [tilespmem:s9+$0xFFFFFFC0];
	[tilespmem:s19+$0x30] =	vst v4;
	v3 =	vadd.f32 v3, v11;
	v4 =	vmax.f32 v8, $0.0e+00  }
0x443: {  	v8 =	vld [tilespmem:s9+$0x40];
	[tilespmem:s19+$0xB0] =	vst v4  }
0x444: {  	v3 =	vmax.f32 v3, $0.0e+00;
	v4 =	vld [tilespmem:s9+$0xC0];
	v11 =	vadd.f32 v53, v52  }
0x445: {  	[tilespmem:s19+$0x130] =	vst v3;
	v6 =	vadd.f32 v6, v7;
	v7 =	vld [tilespmem:s19+$0x40]  }
0x446: {  	v3 =	vld [tilespmem:s9+$0x140];
	v9 =	vadd.f32 v9, v10;
	v11 =	vmax.f32 v11, $0.0e+00  }
0x447: {  	[tilespmem:s19+$0xFFFFFE40] =	vst v11;
	v6 =	vmax.f32 v6, $0.0e+00;
	v11 =	vld [tilespmem:s19+$0x140]  }
0x448: {  	v5 =	vadd.f32 v5, v54;
	v9 =	vmax.f32 v9, $0.0e+00;
	[tilespmem:s19+$0xFFFFFEC0] =	vst v6;
	v6 =	vld [tilespmem:s9+$0xFFFFFE50]  }
0x449: {  	[tilespmem:s19+$0xFFFFFF40] =	vst v9;
	v10 =	vld [tilespmem:s9+$0xFFFFFED0]  }
0x44a: {  	v5 =	vmax.f32 v5, $0.0e+00;
	v4 =	vadd.f32 v4, v55;
	v9 =	vld [tilespmem:s9+$0xFFFFFF50];
	v7 =	vadd.f32 v8, v7  }
0x44b: {  	[tilespmem:s19+$0xFFFFFFC0] =	vst v5;
	v8 =	vld [tilespmem:s19+$0xFFFFFED0]  }
0x44c: {  	v4 =	vmax.f32 v4, $0.0e+00;
	v5 =	vmax.f32 v7, $0.0e+00;
	v7 =	vld [tilespmem:s9+$0xFFFFFFD0]  }
0x44d: {  	v3 =	vadd.f32 v3, v11;
	[tilespmem:s19+$0xC0] =	vst v4;
	v11 =	vld [tilespmem:s19+$0xFFFFFF50]  }
0x44e: {  	[tilespmem:s19+$0x40] =	vst v5;
	v4 =	vld [tilespmem:s9+$0xD0]  }
0x44f: {  	v6 =	vadd.f32 v6, v56;
	v5 =	vld [tilespmem:s9+$0x50];
	v3 =	vmax.f32 v3, $0.0e+00  }
0x450: {  	[tilespmem:s19+$0x140] =	vst v3;
	v8 =	vadd.f32 v10, v8;
	v10 =	vld [tilespmem:s19+$0x50]  }
0x451: {  	v6 =	vmax.f32 v6, $0.0e+00;
	v3 =	vld [tilespmem:s9+$0x150]  }
0x452: {  	[tilespmem:s19+$0xFFFFFE50] =	vst v6;
	v6 =	vmax.f32 v8, $0.0e+00;
	v8 =	vld [tilespmem:s19+$0x150];
	v9 =	vadd.f32 v9, v11  }
0x453: {  	v7 =	vadd.f32 v7, v57;
	[tilespmem:s19+$0xFFFFFED0] =	vst v6;
	v6 =	vld [tilespmem:s9+$0xFFFFFE60]  }
0x454: {  	v4 =	vadd.f32 v4, v58;
	v11 =	vld [tilespmem:s9+$0xFFFFFEE0];
	v9 =	vmax.f32 v9, $0.0e+00  }
0x455: {  	v7 =	vmax.f32 v7, $0.0e+00;
	v5 =	vadd.f32 v5, v10;
	v10 =	vld [tilespmem:s19+$0xFFFFFEE0];
	[tilespmem:s19+$0xFFFFFF50] =	vst v9  }
0x456: {  	[tilespmem:s19+$0xFFFFFFD0] =	vst v7;
	v4 =	vmax.f32 v4, $0.0e+00;
	v9 =	vld [tilespmem:s9+$0xFFFFFF60]  }
0x457: {  	v7 =	vld [tilespmem:s9+$0xFFFFFFE0];
	[tilespmem:s19+$0xD0] =	vst v4;
	v5 =	vmax.f32 v5, $0.0e+00;
	v3 =	vadd.f32 v3, v8  }
0x458: {  	v4 =	vld [tilespmem:s9+$0xE0];
	[tilespmem:s19+$0x50] =	vst v5  }
0x459: {  	v5 =	vld [tilespmem:s9+$0x60];
	v3 =	vmax.f32 v3, $0.0e+00  }
0x45a: {  	v6 =	vadd.f32 v6, v59;
	[tilespmem:s19+$0x150] =	vst v3;
	v3 =	vld [tilespmem:s19+$0xFFFFFF60]  }
0x45b: {  	v10 =	vadd.f32 v11, v10;
	v11 =	vld [tilespmem:s19+$0x60]  }
0x45c: {  	v6 =	vmax.f32 v6, $0.0e+00;
	v8 =	vld [tilespmem:s9+$0x160]  }
0x45d: {  	[tilespmem:s19+$0xFFFFFE60] =	vst v6;
	v6 =	vmax.f32 v10, $0.0e+00;
	v10 =	vld [tilespmem:s19+$0x160]  }
0x45e: {  	v62 =	vld [tilespmem:s9+$0xFFFFFE70];
	[tilespmem:s19+$0xFFFFFEE0] =	vst v6;
	v6 =	vadd.f32 v7, v60  }
0x45f: {  	v7 =	vld [tilespmem:s19+$0xFFFFFE70]  }
0x460: {  	v3 =	vadd.f32 v9, v3;
	v9 =	vld [tilespmem:s9+$0xFFFFFEF0];
	v6 =	vmax.f32 v6, $0.0e+00  }
0x461: {  	v5 =	vadd.f32 v5, v11;
	v11 =	vld [tilespmem:s19+$0xFFFFFEF0];
	[tilespmem:s19+$0xFFFFFFE0] =	vst v6  }
0x462: {  	v63 =	vadd.f32 v4, v61;
	v3 =	vmax.f32 v3, $0.0e+00;
	v4 =	vld [tilespmem:s9+$0xFFFFFFF0]  }
0x463: {  	v5 =	vmax.f32 v5, $0.0e+00;
	v6 =	vadd.f32 v8, v10;
	v10 =	vld [tilespmem:s19+$0xFFFFFFF0];
	[tilespmem:s19+$0xFFFFFF60] =	vst v3  }
0x464: {  	v8 =	vmax.f32 v63, $0.0e+00;
	[tilespmem:s19+$0x60] =	vst v5;
	v3 =	vld [tilespmem:s9+$0xFFFFFF70]  }
0x465: {  	[tilespmem:s19+$0xE0] =	vst v8;
	v5 =	vld [tilespmem:s9+$0x70]  }
0x466: {  	v2 =	vadd.f32 v2, v1;
	v8 =	vmax.f32 v6, $0.0e+00;
	v6 =	vld [tilespmem:s9+$0xF0]  }
0x467: {  	v7 =	vadd.f32 v62, v7;
	[tilespmem:s19+$0x160] =	vst v8;
	v8 =	vld [tilespmem:s19+$0xFFFFFF70]  }
0x468: {  	v2 =	vmax.f32 v2, $0.0e+00;
	v11 =	vadd.f32 v9, v11;
	v9 =	vld [tilespmem:s19+$0x70]  }
0x469: {  	[tilespmem:s19+$0x1F0] =	vst v2;
	v2 =	vmax.f32 v7, $0.0e+00;
	v7 =	vld [tilespmem:s19+$0xF0]  }
0x46a: {  	v1 =	vld [tilespmem:s9+$0x170];
	[tilespmem:s19+$0xFFFFFE70] =	vst v2;
	v2 =	vmax.f32 v11, $0.0e+00  }
0x46b: {  	s11 =	simm.s32 $0x0;
	s16 =	simm.s32 $0x16A80;
	[tilespmem:s19+$0xFFFFFEF0] =	vst v2;
	v2 =	vld [tilespmem:s19+$0x170]  }
.LBB2_11:
0x46c: {  	v11 =	vld [tilespmem:s16+$0x180];
	v3 =	vadd.f32 v3, v8;
	s9 =	sadd.s32 $0x400, s9  }
0x46d: {  	s11 =	sadd.s32 $0x8, s11;
	v8 =	vld [tilespmem:s9+$0x180];
	v4 =	vadd.f32 v4, v10  }
0x46e: {  	p1 =	slt.u32 s11, $0x48;
	v10 =	vld [tilespmem:s9+$0xFFFFFE00];
	v3 =	vmax.f32 v3, $0.0e+00;
	v5 =	vadd.f32 v5, v9  }
0x46f: {  	v9 =	vld [tilespmem:s16+$0xFFFFFE80];
	[tilespmem:s19+$0xFFFFFF70] =	vst v3;
	v3 =	vmax.f32 v4, $0.0e+00;
	v4 =	vadd.f32 v6, v7  }
0x470: {  	v6 =	vld [tilespmem:s9+$0xFFFFFE80];
	[tilespmem:s19+$0xFFFFFFF0] =	vst v3;
	v3 =	vmax.f32 v5, $0.0e+00;
	v1 =	vadd.f32 v1, v2  }
0x471: {  	v2 =	vld [tilespmem:s16+$0xFFFFFF00];
	[tilespmem:s19+$0x70] =	vst v3;
	v3 =	vmax.f32 v4, $0.0e+00  }
0x472: {  	v4 =	vld [tilespmem:s9+$0xFFFFFF00];
	v5 =	vadd.f32 v8, v11;
	[tilespmem:s19+$0xF0] =	vst v3;
	v1 =	vmax.f32 v1, $0.0e+00  }
0x473: {  	v3 =	vld [tilespmem:s16+$0xFFFFFF80];
	[tilespmem:s19+$0x170] =	vst v1;
	s19 =	smov.u32 s16  }
0x474: {  	v1 =	vld [tilespmem:s9+$0xFFFFFF80];
	v5 =	vmax.f32 v5, $0.0e+00  }
0x475: {  	v6 =	vadd.f32 v6, v9;
	[tilespmem:s16+$0x180] =	vst v5;
	v5 =	vld [tilespmem:s16+$0x190]  }
0x476: {  	v7 =	vld [tilespmem:s9+$0x190]  }
0x477: {  	v6 =	vmax.f32 v6, $0.0e+00;
	v2 =	vadd.f32 v4, v2;
	v4 =	vld [tilespmem:s16+$0x0]  }
0x478: {  	[tilespmem:s16+$0xFFFFFE80] =	vst v6;
	v6 =	vld [tilespmem:s9+$0x0]  }
0x479: {  	v2 =	vmax.f32 v2, $0.0e+00;
	v1 =	vadd.f32 v1, v3;
	v3 =	vld [tilespmem:s16+$0x80]  }
0x47a: {  	[tilespmem:s16+$0xFFFFFF00] =	vst v2;
	v2 =	vld [tilespmem:s9+$0x80]  }
0x47b: {  	v1 =	vmax.f32 v1, $0.0e+00;
	v8 =	vld [tilespmem:s16+$0x100];
	v5 =	vadd.f32 v7, v5  }
0x47c: {  	[tilespmem:s16+$0xFFFFFF80] =	vst v1;
	v1 =	vld [tilespmem:s9+$0x100]  }
0x47d: {  	v7 =	vld [tilespmem:s16+$0xFFFFFE00];
	v4 =	vadd.f32 v6, v4;
	v5 =	vmax.f32 v5, $0.0e+00  }
0x47e: {  	[tilespmem:s16+$0x190] =	vst v5;
	v5 =	vld [tilespmem:s16+$0x1A0]  }
0x47f: {  	v4 =	vmax.f32 v4, $0.0e+00;
	v2 =	vadd.f32 v2, v3;
	v3 =	vld [tilespmem:s9+$0x1A0]  }
0x480: {  	v6 =	vld [tilespmem:s9+$0xFFFFFE90];
	[tilespmem:s16+$0x0] =	vst v4  }
0x481: {  	v4 =	vld [tilespmem:s9+$0xFFFFFF10];
	v2 =	vmax.f32 v2, $0.0e+00;
	v1 =	vadd.f32 v1, v8  }
0x482: {  	v7 =	vadd.f32 v10, v7;
	v8 =	vld [tilespmem:s9+$0xFFFFFF90];
	[tilespmem:s16+$0x80] =	vst v2  }
0x483: {  	v2 =	vld [tilespmem:s9+$0x10];
	v1 =	vmax.f32 v1, $0.0e+00  }
0x484: {  	v7 =	vmax.f32 v7, $0.0e+00;
	v9 =	vld [tilespmem:s9+$0x90];
	[tilespmem:s16+$0x100] =	vst v1;
	v1 =	vadd.f32 v3, v5  }
0x485: {  	[tilespmem:s16+$0xFFFFFE00] =	vst v7;
	v3 =	vld [tilespmem:s9+$0x110]  }
0x486: {  	v5 =	vld [tilespmem:s9+$0xFFFFFE10];
	v1 =	vmax.f32 v1, $0.0e+00  }
0x487: {  	[tilespmem:s16+$0x1A0] =	vst v1;
	v1 =	vld [tilespmem:s16+$0x1B0]  }
0x488: {  	v7 =	vld [tilespmem:s9+$0x1B0]  }
0x489: {  	v10 =	vld [tilespmem:s16+$0xFFFFFE10]  }
0x48a: {  	v11 =	vld [tilespmem:s16+$0xFFFFFE90]  }
0x48b: {  	v12 =	vld [tilespmem:s16+$0xFFFFFF10]  }
0x48c: {  	v13 =	vld [tilespmem:s16+$0xFFFFFF90]  }
0x48d: {  	v14 =	vld [tilespmem:s16+$0x10];
	v1 =	vadd.f32 v7, v1  }
0x48e: {  	v5 =	vadd.f32 v5, v10;
	v7 =	vld [tilespmem:s16+$0x90]  }
0x48f: {  	v6 =	vadd.f32 v6, v11;
	v10 =	vld [tilespmem:s16+$0x110];
	v1 =	vmax.f32 v1, $0.0e+00  }
0x490: {  	v5 =	vmax.f32 v5, $0.0e+00;
	v4 =	vadd.f32 v4, v12;
	[tilespmem:s16+$0x1B0] =	vst v1;
	v1 =	vld [tilespmem:s16+$0x1C0]  }
0x491: {  	[tilespmem:s16+$0xFFFFFE10] =	vst v5;
	v5 =	vmax.f32 v6, $0.0e+00;
	v6 =	vadd.f32 v8, v13;
	v8 =	vld [tilespmem:s9+$0x1C0]  }
0x492: {  	v11 =	vld [tilespmem:s9+$0xFFFFFE20];
	[tilespmem:s16+$0xFFFFFE90] =	vst v5;
	v4 =	vmax.f32 v4, $0.0e+00;
	v2 =	vadd.f32 v2, v14  }
0x493: {  	v5 =	vld [tilespmem:s9+$0xFFFFFEA0];
	[tilespmem:s16+$0xFFFFFF10] =	vst v4;
	v4 =	vmax.f32 v6, $0.0e+00;
	v6 =	vadd.f32 v9, v7  }
0x494: {  	v7 =	vld [tilespmem:s9+$0xFFFFFF20];
	[tilespmem:s16+$0xFFFFFF90] =	vst v4;
	v2 =	vmax.f32 v2, $0.0e+00;
	v3 =	vadd.f32 v3, v10  }
0x495: {  	v4 =	vld [tilespmem:s9+$0xFFFFFFA0];
	[tilespmem:s16+$0x10] =	vst v2;
	v2 =	vmax.f32 v6, $0.0e+00  }
0x496: {  	v6 =	vld [tilespmem:s9+$0x20];
	[tilespmem:s16+$0x90] =	vst v2;
	v2 =	vmax.f32 v3, $0.0e+00;
	v1 =	vadd.f32 v8, v1  }
0x497: {  	v3 =	vld [tilespmem:s9+$0xA0];
	[tilespmem:s16+$0x110] =	vst v2  }
0x498: {  	v2 =	vld [tilespmem:s9+$0x120];
	v1 =	vmax.f32 v1, $0.0e+00  }
0x499: {  	[tilespmem:s16+$0x1C0] =	vst v1;
	v1 =	vld [tilespmem:s16+$0x1D0]  }
0x49a: {  	v8 =	vld [tilespmem:s9+$0x1D0]  }
0x49b: {  	v9 =	vld [tilespmem:s16+$0xFFFFFE20]  }
0x49c: {  	v10 =	vld [tilespmem:s16+$0xFFFFFEA0]  }
0x49d: {  	v12 =	vld [tilespmem:s16+$0xFFFFFF20]  }
0x49e: {  	v13 =	vld [tilespmem:s16+$0xFFFFFFA0]  }
0x49f: {  	v14 =	vld [tilespmem:s16+$0x20];
	v1 =	vadd.f32 v8, v1  }
0x4a0: {  	v8 =	vadd.f32 v11, v9;
	v9 =	vld [tilespmem:s16+$0xA0]  }
0x4a1: {  	v5 =	vadd.f32 v5, v10;
	v10 =	vld [tilespmem:s16+$0x120];
	v1 =	vmax.f32 v1, $0.0e+00  }
0x4a2: {  	v8 =	vmax.f32 v8, $0.0e+00;
	v7 =	vadd.f32 v7, v12;
	[tilespmem:s16+$0x1D0] =	vst v1;
	v1 =	vld [tilespmem:s16+$0x1E0]  }
0x4a3: {  	[tilespmem:s16+$0xFFFFFE20] =	vst v8;
	v5 =	vmax.f32 v5, $0.0e+00;
	v4 =	vadd.f32 v4, v13;
	v8 =	vld [tilespmem:s9+$0x1E0]  }
0x4a4: {  	v11 =	vld [tilespmem:s9+$0xFFFFFE30];
	[tilespmem:s16+$0xFFFFFEA0] =	vst v5;
	v5 =	vmax.f32 v7, $0.0e+00;
	v6 =	vadd.f32 v6, v14  }
0x4a5: {  	v7 =	vld [tilespmem:s9+$0xFFFFFEB0];
	[tilespmem:s16+$0xFFFFFF20] =	vst v5;
	v4 =	vmax.f32 v4, $0.0e+00;
	v3 =	vadd.f32 v3, v9  }
0x4a6: {  	v5 =	vld [tilespmem:s9+$0xFFFFFF30];
	[tilespmem:s16+$0xFFFFFFA0] =	vst v4;
	v4 =	vmax.f32 v6, $0.0e+00;
	v2 =	vadd.f32 v2, v10  }
0x4a7: {  	v6 =	vld [tilespmem:s9+$0xFFFFFFB0];
	[tilespmem:s16+$0x20] =	vst v4;
	v3 =	vmax.f32 v3, $0.0e+00  }
0x4a8: {  	v4 =	vld [tilespmem:s9+$0x30];
	[tilespmem:s16+$0xA0] =	vst v3;
	v2 =	vmax.f32 v2, $0.0e+00;
	v1 =	vadd.f32 v8, v1  }
0x4a9: {  	v3 =	vld [tilespmem:s9+$0xB0];
	[tilespmem:s16+$0x120] =	vst v2  }
0x4aa: {  	v2 =	vld [tilespmem:s9+$0x130];
	v1 =	vmax.f32 v1, $0.0e+00  }
0x4ab: {  	[tilespmem:s16+$0x1E0] =	vst v1;
	v1 =	vld [tilespmem:s16+$0x1F0]  }
0x4ac: {  	v8 =	vld [tilespmem:s9+$0x1F0]  }
0x4ad: {  	v9 =	vld [tilespmem:s16+$0xFFFFFE30]  }
0x4ae: {  	v10 =	vld [tilespmem:s16+$0xFFFFFEB0]  }
0x4af: {  	v12 =	vld [tilespmem:s16+$0xFFFFFF30]  }
0x4b0: {  	v13 =	vld [tilespmem:s16+$0xFFFFFFB0]  }
0x4b1: {  	v14 =	vld [tilespmem:s16+$0x30];
	v1 =	vadd.f32 v8, v1  }
0x4b2: {  	v8 =	vadd.f32 v11, v9;
	v9 =	vld [tilespmem:s16+$0xB0]  }
0x4b3: {  	v7 =	vadd.f32 v7, v10;
	v10 =	vld [tilespmem:s16+$0x130];
	v1 =	vmax.f32 v1, $0.0e+00  }
0x4b4: {  	v8 =	vmax.f32 v8, $0.0e+00;
	v11 =	vld [tilespmem:s16+$0xFFFFFE40];
	v5 =	vadd.f32 v5, v12;
	[tilespmem:s16+$0x1F0] =	vst v1  }
0x4b5: {  	[tilespmem:s16+$0xFFFFFE30] =	vst v8;
	v1 =	vmax.f32 v7, $0.0e+00;
	v7 =	vld [tilespmem:s16+$0xFFFFFEC0];
	v6 =	vadd.f32 v6, v13  }
0x4b6: {  	v8 =	vld [tilespmem:s9+$0xFFFFFE40];
	[tilespmem:s16+$0xFFFFFEB0] =	vst v1;
	v1 =	vmax.f32 v5, $0.0e+00;
	v4 =	vadd.f32 v4, v14  }
0x4b7: {  	v5 =	vld [tilespmem:s9+$0xFFFFFEC0];
	[tilespmem:s16+$0xFFFFFF30] =	vst v1;
	v1 =	vmax.f32 v6, $0.0e+00;
	v3 =	vadd.f32 v3, v9  }
0x4b8: {  	v6 =	vld [tilespmem:s9+$0xFFFFFF40];
	[tilespmem:s16+$0xFFFFFFB0] =	vst v1;
	v1 =	vmax.f32 v4, $0.0e+00;
	v2 =	vadd.f32 v2, v10  }
0x4b9: {  	v4 =	vld [tilespmem:s9+$0xFFFFFFC0];
	[tilespmem:s16+$0x30] =	vst v1;
	v1 =	vmax.f32 v3, $0.0e+00  }
0x4ba: {  	v3 =	vld [tilespmem:s9+$0x40];
	[tilespmem:s16+$0xB0] =	vst v1;
	v1 =	vmax.f32 v2, $0.0e+00  }
0x4bb: {  	v2 =	vadd.f32 v8, v11;
	v8 =	vld [tilespmem:s9+$0xC0];
	[tilespmem:s16+$0x130] =	vst v1  }
0x4bc: {  	v1 =	vadd.f32 v5, v7;
	v5 =	vld [tilespmem:s9+$0x140]  }
0x4bd: {  	v2 =	vmax.f32 v2, $0.0e+00;
	v7 =	vld [tilespmem:s16+$0xFFFFFF40]  }
0x4be: {  	[tilespmem:s16+$0xFFFFFE40] =	vst v2;
	v1 =	vmax.f32 v1, $0.0e+00;
	v2 =	vld [tilespmem:s16+$0xFFFFFFC0]  }
0x4bf: {  	[tilespmem:s16+$0xFFFFFEC0] =	vst v1;
	v1 =	vld [tilespmem:s16+$0x40]  }
0x4c0: {  	v9 =	vld [tilespmem:s16+$0xC0]  }
0x4c1: {  	v10 =	vld [tilespmem:s16+$0x140]  }
0x4c2: {  	v11 =	vld [tilespmem:s9+$0xFFFFFE50];
	v6 =	vadd.f32 v6, v7  }
0x4c3: {  	v7 =	vld [tilespmem:s9+$0xFFFFFED0];
	v2 =	vadd.f32 v4, v2  }
0x4c4: {  	v4 =	vld [tilespmem:s16+$0xFFFFFE50];
	v6 =	vmax.f32 v6, $0.0e+00;
	v1 =	vadd.f32 v3, v1  }
0x4c5: {  	v3 =	vld [tilespmem:s16+$0xFFFFFED0];
	[tilespmem:s16+$0xFFFFFF40] =	vst v6;
	v2 =	vmax.f32 v2, $0.0e+00;
	v6 =	vadd.f32 v8, v9  }
0x4c6: {  	v8 =	vld [tilespmem:s9+$0xFFFFFF50];
	[tilespmem:s16+$0xFFFFFFC0] =	vst v2;
	v1 =	vmax.f32 v1, $0.0e+00;
	v2 =	vadd.f32 v5, v10  }
0x4c7: {  	v5 =	vld [tilespmem:s9+$0xFFFFFFD0];
	[tilespmem:s16+$0x40] =	vst v1;
	v1 =	vmax.f32 v6, $0.0e+00  }
0x4c8: {  	v6 =	vld [tilespmem:s9+$0x50];
	[tilespmem:s16+$0xC0] =	vst v1;
	v1 =	vmax.f32 v2, $0.0e+00  }
0x4c9: {  	v2 =	vadd.f32 v11, v4;
	v4 =	vld [tilespmem:s9+$0xD0];
	[tilespmem:s16+$0x140] =	vst v1  }
0x4ca: {  	v1 =	vadd.f32 v7, v3;
	v3 =	vld [tilespmem:s9+$0x150]  }
0x4cb: {  	v2 =	vmax.f32 v2, $0.0e+00;
	v7 =	vld [tilespmem:s16+$0xFFFFFF50]  }
0x4cc: {  	[tilespmem:s16+$0xFFFFFE50] =	vst v2;
	v1 =	vmax.f32 v1, $0.0e+00;
	v2 =	vld [tilespmem:s16+$0xFFFFFFD0]  }
0x4cd: {  	[tilespmem:s16+$0xFFFFFED0] =	vst v1;
	v1 =	vld [tilespmem:s16+$0x50]  }
0x4ce: {  	v9 =	vld [tilespmem:s16+$0xD0]  }
0x4cf: {  	v10 =	vld [tilespmem:s16+$0x150]  }
0x4d0: {  	v11 =	vld [tilespmem:s9+$0xFFFFFE60];
	v7 =	vadd.f32 v8, v7  }
0x4d1: {  	v8 =	vld [tilespmem:s9+$0xFFFFFEE0];
	v2 =	vadd.f32 v5, v2  }
0x4d2: {  	v5 =	vld [tilespmem:s16+$0xFFFFFE60];
	v7 =	vmax.f32 v7, $0.0e+00;
	v1 =	vadd.f32 v6, v1  }
0x4d3: {  	v6 =	vld [tilespmem:s16+$0xFFFFFEE0];
	[tilespmem:s16+$0xFFFFFF50] =	vst v7;
	v2 =	vmax.f32 v2, $0.0e+00;
	v4 =	vadd.f32 v4, v9  }
0x4d4: {  	v7 =	vld [tilespmem:s9+$0xFFFFFF60];
	[tilespmem:s16+$0xFFFFFFD0] =	vst v2;
	v1 =	vmax.f32 v1, $0.0e+00;
	v2 =	vadd.f32 v3, v10  }
0x4d5: {  	v3 =	vld [tilespmem:s9+$0xFFFFFFE0];
	[tilespmem:s16+$0x50] =	vst v1;
	v1 =	vmax.f32 v4, $0.0e+00  }
0x4d6: {  	v4 =	vld [tilespmem:s9+$0x60];
	[tilespmem:s16+$0xD0] =	vst v1;
	v1 =	vmax.f32 v2, $0.0e+00  }
0x4d7: {  	v2 =	vadd.f32 v11, v5;
	v5 =	vld [tilespmem:s9+$0xE0];
	[tilespmem:s16+$0x150] =	vst v1  }
0x4d8: {  	v1 =	vadd.f32 v8, v6;
	v6 =	vld [tilespmem:s9+$0x160]  }
0x4d9: {  	v2 =	vmax.f32 v2, $0.0e+00;
	v8 =	vld [tilespmem:s16+$0xFFFFFF60]  }
0x4da: {  	[tilespmem:s16+$0xFFFFFE60] =	vst v2;
	v1 =	vmax.f32 v1, $0.0e+00;
	v2 =	vld [tilespmem:s16+$0xFFFFFFE0]  }
0x4db: {  	[tilespmem:s16+$0xFFFFFEE0] =	vst v1;
	v1 =	vld [tilespmem:s16+$0x60]  }
0x4dc: {  	v9 =	vld [tilespmem:s16+$0xE0]  }
0x4dd: {  	v10 =	vld [tilespmem:s16+$0x160]  }
0x4de: {  	v11 =	vld [tilespmem:s9+$0xFFFFFE70];
	v7 =	vadd.f32 v7, v8  }
0x4df: {  	v8 =	vld [tilespmem:s9+$0xFFFFFEF0];
	v2 =	vadd.f32 v3, v2  }
0x4e0: {  	v12 =	vld [tilespmem:s16+$0xFFFFFE70];
	v3 =	vmax.f32 v7, $0.0e+00;
	v1 =	vadd.f32 v4, v1  }
0x4e1: {  	v7 =	vld [tilespmem:s16+$0xFFFFFEF0];
	[tilespmem:s16+$0xFFFFFF60] =	vst v3;
	v2 =	vmax.f32 v2, $0.0e+00;
	v5 =	vadd.f32 v5, v9  }
0x4e2: {  	v3 =	vld [tilespmem:s9+$0xFFFFFF70];
	[tilespmem:s16+$0xFFFFFFE0] =	vst v2;
	v1 =	vmax.f32 v1, $0.0e+00;
	v2 =	vadd.f32 v6, v10  }
0x4e3: {  	v4 =	vld [tilespmem:s9+$0xFFFFFFF0];
	[tilespmem:s16+$0x60] =	vst v1;
	v1 =	vmax.f32 v5, $0.0e+00  }
0x4e4: {  	v5 =	vld [tilespmem:s9+$0x70];
	[tilespmem:s16+$0xE0] =	vst v1;
	v1 =	vmax.f32 v2, $0.0e+00  }
0x4e5: {  	v2 =	vadd.f32 v11, v12;
	v6 =	vld [tilespmem:s9+$0xF0];
	[tilespmem:s16+$0x160] =	vst v1  }
0x4e6: {  	v7 =	vadd.f32 v8, v7;
	v1 =	vld [tilespmem:s9+$0x170]  }
.Ltmp4:
0x4e7: {  	v2 =	vmax.f32 v2, $0.0e+00;
	v8 =	vld [tilespmem:s16+$0xFFFFFF70];
	(pc) =	sbr.rel @p1 .LBB2_11-.Ltmp4, $4  }
0x4e8: {  	[tilespmem:s16+$0xFFFFFE70] =	vst v2;
	v2 =	vmax.f32 v7, $0.0e+00;
	v10 =	vld [tilespmem:s16+$0xFFFFFFF0]  }
0x4e9: {  	[tilespmem:s16+$0xFFFFFEF0] =	vst v2;
	v9 =	vld [tilespmem:s16+$0x70]  }
0x4ea: {  	v7 =	vld [tilespmem:s16+$0xF0]  }
0x4eb: {  	s16 =	sadd.s32 $0x400, s16;
	v2 =	vld [tilespmem:s19+$0x170]  }
0x4ec: {  	v3 =	vadd.f32 v3, v8  }
0x4ed: {  	v4 =	vadd.f32 v4, v10  }
0x4ee: {  	v3 =	vmax.f32 v3, $0.0e+00;
	v5 =	vadd.f32 v5, v9  }
0x4ef: {  	[tilespmem:s19+$0xFFFFFF70] =	vst v3;
	v3 =	vmax.f32 v4, $0.0e+00;
	v63 =	vadd.f32 v6, v7  }
0x4f0: {  	[tilespmem:s19+$0xFFFFFFF0] =	vst v3;
	v3 =	vmax.f32 v5, $0.0e+00;
	v1 =	vadd.f32 v1, v2  }
0x4f1: {  	[tilespmem:s19+$0x70] =	vst v3;
	v2 =	vmax.f32 v63, $0.0e+00  }
0x4f2: {  	[tilespmem:s19+$0xF0] =	vst v2;
	v1 =	vmax.f32 v1, $0.0e+00  }
0x4f3: {  	s9 =	simm.s32 $0x13C00;
	s24 =	sadd.s32 $0x1, s24;
	[tilespmem:s19+$0x170] =	vst v1  }
0x4f4: {  	[spmem:s1] =	stream.indirect.scatter.add.f32 [tilespmem:s15], [sflag:$0xA], $0x80, s9, s12, $0xb8;
	[tilespmem:$0x1DC80] =	vst v63  }
0x4f5: {  	p1 =	sne.s32 s24, $0x1F;
	_ =	swait.ge [sflag:s25], $0x2800  }
.Ltmp5:
0x4f6: {  	[sflag:s25] =	ssyncset.done $0x0;
	(pc) =	sbr.rel @p1 .LBB2_4-.Ltmp5, $4  }
0x4f7: {  	[sflag:s25] =	ssyncadd.s32 $0xFFFFD800  }
0x4f8: {  	_ =	swait.ge [sflag:s7], $0x2800  }
0x4f9: {  	[sflag:s7] =	ssyncset.done $0x0  }
0x4fa: {  	[sflag:s7] =	ssyncadd.s32 $0xFFFFD800  }
0x4fb: {  	_ =	swait.ge [sflag:s3], $0x100  }
0x4fc: {  	[sflag:s3] =	ssyncset.done $0x0  }
0x4fd: {  	[sflag:s3] =	ssyncadd.s32 $0xFFFFFF00  }
0x4fe: {  	_ =	swait.ge [sflag:s8], $0x100  }
0x4ff: {  	[sflag:s8] =	ssyncset.done $0x0  }
0x500: {  	[sflag:s8] =	ssyncadd.s32 $0xFFFFFF00  }
0x501: {  	[tilespmem:s29], [sflag:$0x5] =	stream.indirect.gather [hbm4b:s4+s12], $0x80, s31, s12, $0xb8;
	[tilespmem:$0x1DC80] =	vst v63  }
0x502: {  	s9 =	rddreg [dreg:$0xe]  }
0x503: {  	[tilespmem:s14], [sflag:$0x7] =	stream.linear.gather [hbm4b:s9+s2], $0x2800, $0x38;
	[tilespmem:$0x1DC80] =	vst v63  }
0x504: {  	_ =	swait.ge [sflag:s18], $0x2800  }
0x505: {  	[sflag:s18] =	ssyncset.done $0x0  }
0x506: {  	[sflag:s18] =	ssyncadd.s32 $0xFFFFD800  }
0x507: {  	_ =	swait.ge [sflag:s20], $0x2800  }
0x508: {  	[sflag:s20] =	ssyncset.done $0x0  }
0x509: {  	s19 =	simm.s32 $0x13E80;
	[sflag:s20] =	ssyncadd.s32 $0xFFFFD800  }
0x50a: {  	s9 =	simm.s32 $0x18E80;
	v1 =	vld [tilespmem:s19+$0x180]  }
0x50b: {  	v2 =	vld [tilespmem:s9+$0x180]  }
0x50c: {  	v3 =	vld [tilespmem:s19+$0xFFFFFE80]  }
0x50d: {  	v5 =	vld [tilespmem:s9+$0xFFFFFE80]  }
0x50e: {  	v6 =	vld [tilespmem:s19+$0xFFFFFF00]  }
0x50f: {  	v7 =	vld [tilespmem:s9+$0xFFFFFF00]  }
0x510: {  	v8 =	vld [tilespmem:s19+$0xFFFFFF80]  }
0x511: {  	v9 =	vld [tilespmem:s9+$0xFFFFFF80]  }
0x512: {  	v10 =	vld [tilespmem:s9+$0x0]  }
0x513: {  	v11 =	vld [tilespmem:s19+$0x80]  }
0x514: {  	v44 =	vld [tilespmem:s19+$0xFFFFFE90]  }
0x515: {  	v13 =	vld [tilespmem:s19+$0xFFFFFF10]  }
0x516: {  	v14 =	vld [tilespmem:s19+$0x90]  }
0x517: {  	v45 =	vld [tilespmem:s19+$0x110]  }
0x518: {  	v46 =	vld [tilespmem:s19+$0xFFFFFF20]  }
0x519: {  	v47 =	vld [tilespmem:s19+$0xFFFFFFA0]  }
0x51a: {  	v48 =	vld [tilespmem:s19+$0xA0]  }
0x51b: {  	v49 =	vld [tilespmem:s19+$0xFFFFFF30];
	v1 =	vadd.f32 v2, v1  }
0x51c: {  	v50 =	vld [tilespmem:s19+$0xFFFFFFB0]  }
0x51d: {  	v51 =	vld [tilespmem:s19+$0x30];
	v1 =	vmax.f32 v1, $0.0e+00  }
0x51e: {  	[tilespmem:s19+$0x180] =	vst v1;
	v1 =	vld [tilespmem:s19+$0x190]  }
0x51f: {  	v4 =	vld [tilespmem:s9+$0x190]  }
0x520: {  	v52 =	vld [tilespmem:s19+$0xFFFFFE40]  }
0x521: {  	v54 =	vld [tilespmem:s19+$0xFFFFFFC0]  }
0x522: {  	v55 =	vld [tilespmem:s19+$0xC0]  }
0x523: {  	v56 =	vld [tilespmem:s19+$0xFFFFFE50]  }
0x524: {  	v57 =	vld [tilespmem:s19+$0xFFFFFFD0];
	v1 =	vadd.f32 v4, v1  }
0x525: {  	v58 =	vld [tilespmem:s19+$0xD0]  }
0x526: {  	v2 =	vld [tilespmem:s9+$0xFFFFFE00];
	v1 =	vmax.f32 v1, $0.0e+00  }
0x527: {  	[tilespmem:s19+$0x190] =	vst v1;
	v1 =	vld [tilespmem:s19+$0x1A0]  }
0x528: {  	v12 =	vld [tilespmem:s9+$0x1A0]  }
0x529: {  	v3 =	vadd.f32 v5, v3;
	v5 =	vld [tilespmem:s9+$0x80]  }
0x52a: {  	v8 =	vadd.f32 v9, v8;
	v9 =	vld [tilespmem:s19+$0xFFFFFE00]  }
0x52b: {  	v6 =	vadd.f32 v7, v6;
	v7 =	vld [tilespmem:s19+$0x100]  }
0x52c: {  	v3 =	vmax.f32 v3, $0.0e+00;
	v4 =	vld [tilespmem:s19+$0x0]  }
0x52d: {  	[tilespmem:s19+$0xFFFFFE80] =	vst v3;
	v3 =	vmax.f32 v6, $0.0e+00;
	v6 =	vld [tilespmem:s9+$0x100];
	v1 =	vadd.f32 v12, v1  }
0x52e: {  	[tilespmem:s19+$0xFFFFFF00] =	vst v3;
	v3 =	vmax.f32 v8, $0.0e+00;
	v8 =	vld [tilespmem:s9+$0xFFFFFE90];
	v5 =	vadd.f32 v5, v11  }
0x52f: {  	v2 =	vadd.f32 v2, v9;
	v11 =	vld [tilespmem:s19+$0xFFFFFE10];
	v1 =	vmax.f32 v1, $0.0e+00  }
0x530: {  	[tilespmem:s19+$0x1A0] =	vst v1;
	v1 =	vmax.f32 v5, $0.0e+00;
	v5 =	vld [tilespmem:s19+$0x1B0]  }
0x531: {  	v4 =	vadd.f32 v10, v4;
	[tilespmem:s19+$0x80] =	vst v1;
	v1 =	vmax.f32 v2, $0.0e+00;
	v2 =	vld [tilespmem:s9+$0x1B0]  }
0x532: {  	[tilespmem:s19+$0xFFFFFF80] =	vst v3;
	v6 =	vadd.f32 v6, v7;
	v7 =	vld [tilespmem:s19+$0x10]  }
0x533: {  	v3 =	vmax.f32 v4, $0.0e+00;
	v4 =	vld [tilespmem:s9+$0xFFFFFF10];
	[tilespmem:s19+$0xFFFFFE00] =	vst v1  }
0x534: {  	v1 =	vld [tilespmem:s9+$0xFFFFFE10]  }
0x535: {  	[tilespmem:s19+$0x0] =	vst v3;
	v3 =	vld [tilespmem:s9+$0xFFFFFF90]  }
0x536: {  	v9 =	vld [tilespmem:s9+$0x10];
	v2 =	vadd.f32 v2, v5  }
0x537: {  	v5 =	vld [tilespmem:s19+$0xFFFFFF90]  }
0x538: {  	v10 =	vld [tilespmem:s9+$0x90];
	v2 =	vmax.f32 v2, $0.0e+00  }
0x539: {  	v1 =	vadd.f32 v1, v11;
	[tilespmem:s19+$0x1B0] =	vst v2;
	v2 =	vmax.f32 v6, $0.0e+00;
	v6 =	vld [tilespmem:s19+$0x1C0]  }
0x53a: {  	[tilespmem:s19+$0x100] =	vst v2;
	v2 =	vadd.f32 v8, v44;
	v8 =	vld [tilespmem:s9+$0x1C0]  }
0x53b: {  	v4 =	vadd.f32 v4, v13;
	v1 =	vmax.f32 v1, $0.0e+00;
	v11 =	vld [tilespmem:s9+$0x110]  }
0x53c: {  	v59 =	vld [tilespmem:s19+$0xFFFFFE60];
	[tilespmem:s19+$0xFFFFFE10] =	vst v1;
	v1 =	vmax.f32 v2, $0.0e+00;
	v2 =	vadd.f32 v3, v5  }
0x53d: {  	v60 =	vld [tilespmem:s19+$0xFFFFFFE0];
	[tilespmem:s19+$0xFFFFFE90] =	vst v1;
	v1 =	vmax.f32 v4, $0.0e+00;
	v4 =	vadd.f32 v9, v7  }
0x53e: {  	v61 =	vld [tilespmem:s19+$0xE0];
	[tilespmem:s19+$0xFFFFFF10] =	vst v1;
	v1 =	vmax.f32 v2, $0.0e+00;
	v2 =	vadd.f32 v10, v14  }
0x53f: {  	v3 =	vld [tilespmem:s9+$0xFFFFFE20];
	[tilespmem:s19+$0xFFFFFF90] =	vst v1;
	v1 =	vmax.f32 v4, $0.0e+00;
	v4 =	vadd.f32 v8, v6  }
0x540: {  	v5 =	vld [tilespmem:s9+$0xFFFFFEA0];
	[tilespmem:s19+$0x10] =	vst v1;
	v1 =	vmax.f32 v2, $0.0e+00;
	v2 =	vadd.f32 v11, v45  }
0x541: {  	v10 =	vld [tilespmem:s19+$0xFFFFFE20];
	[tilespmem:s19+$0x90] =	vst v1;
	v1 =	vmax.f32 v4, $0.0e+00  }
0x542: {  	[tilespmem:s19+$0x1C0] =	vst v1;
	v1 =	vmax.f32 v2, $0.0e+00;
	v2 =	vld [tilespmem:s19+$0x1D0]  }
0x543: {  	[tilespmem:s19+$0x110] =	vst v1;
	v1 =	vld [tilespmem:s9+$0x1D0]  }
0x544: {  	v7 =	vld [tilespmem:s9+$0xFFFFFF20]  }
0x545: {  	v6 =	vld [tilespmem:s9+$0xFFFFFFA0]  }
0x546: {  	v11 =	vld [tilespmem:s19+$0xFFFFFEA0]  }
0x547: {  	v8 =	vld [tilespmem:s9+$0x20];
	v3 =	vadd.f32 v3, v10  }
0x548: {  	v4 =	vld [tilespmem:s9+$0xA0];
	v1 =	vadd.f32 v1, v2  }
0x549: {  	v10 =	vld [tilespmem:s19+$0x120];
	v3 =	vmax.f32 v3, $0.0e+00  }
0x54a: {  	[tilespmem:s19+$0xFFFFFE20] =	vst v3;
	v2 =	vld [tilespmem:s19+$0x20];
	v1 =	vmax.f32 v1, $0.0e+00  }
0x54b: {  	v9 =	vld [tilespmem:s9+$0x120];
	[tilespmem:s19+$0x1D0] =	vst v1;
	v1 =	vadd.f32 v5, v11  }
0x54c: {  	v7 =	vadd.f32 v7, v46;
	v3 =	vadd.f32 v6, v47;
	v6 =	vld [tilespmem:s9+$0xFFFFFE30]  }
0x54d: {  	v5 =	vld [tilespmem:s19+$0x1E0];
	v1 =	vmax.f32 v1, $0.0e+00  }
0x54e: {  	v11 =	vld [tilespmem:s9+$0x1E0];
	[tilespmem:s19+$0xFFFFFEA0] =	vst v1;
	v1 =	vmax.f32 v7, $0.0e+00  }
0x54f: {  	v2 =	vadd.f32 v8, v2;
	v7 =	vld [tilespmem:s9+$0xFFFFFEB0];
	[tilespmem:s19+$0xFFFFFF20] =	vst v1  }
0x550: {  	v1 =	vmax.f32 v3, $0.0e+00;
	v3 =	vadd.f32 v4, v48;
	v4 =	vld [tilespmem:s9+$0xFFFFFF30]  }
0x551: {  	[tilespmem:s19+$0xFFFFFFA0] =	vst v1;
	v1 =	vmax.f32 v2, $0.0e+00;
	v2 =	vadd.f32 v9, v10;
	v10 =	vld [tilespmem:s19+$0xFFFFFE30]  }
0x552: {  	v8 =	vld [tilespmem:s9+$0xFFFFFFB0]  }
0x553: {  	[tilespmem:s19+$0x20] =	vst v1;
	v1 =	vmax.f32 v3, $0.0e+00;
	v3 =	vadd.f32 v11, v5;
	v11 =	vld [tilespmem:s19+$0xFFFFFEB0]  }
0x554: {  	v5 =	vld [tilespmem:s9+$0x30];
	[tilespmem:s19+$0xA0] =	vst v1;
	v1 =	vmax.f32 v2, $0.0e+00  }
0x555: {  	v9 =	vld [tilespmem:s9+$0xB0];
	[tilespmem:s19+$0x120] =	vst v1  }
0x556: {  	v1 =	vmax.f32 v3, $0.0e+00;
	v3 =	vld [tilespmem:s9+$0x130]  }
0x557: {  	[tilespmem:s19+$0x1E0] =	vst v1;
	v1 =	vld [tilespmem:s19+$0x1F0]  }
0x558: {  	v2 =	vld [tilespmem:s9+$0x1F0];
	v6 =	vadd.f32 v6, v10  }
0x559: {  	v10 =	vld [tilespmem:s19+$0xB0];
	v7 =	vadd.f32 v7, v11  }
0x55a: {  	v4 =	vadd.f32 v4, v49;
	v11 =	vld [tilespmem:s19+$0x130];
	v6 =	vmax.f32 v6, $0.0e+00  }
0x55b: {  	[tilespmem:s19+$0xFFFFFE30] =	vst v6;
	v6 =	vmax.f32 v7, $0.0e+00;
	v7 =	vld [tilespmem:s19+$0xFFFFFEC0]  }
0x55c: {  	v8 =	vadd.f32 v8, v50;
	v4 =	vmax.f32 v4, $0.0e+00;
	v53 =	vld [tilespmem:s9+$0xFFFFFE40];
	[tilespmem:s19+$0xFFFFFEB0] =	vst v6  }
0x55d: {  	v5 =	vadd.f32 v5, v51;
	[tilespmem:s19+$0xFFFFFF30] =	vst v4;
	v6 =	vld [tilespmem:s9+$0xFFFFFEC0]  }
0x55e: {  	v4 =	vmax.f32 v8, $0.0e+00;
	v8 =	vadd.f32 v9, v10;
	v9 =	vld [tilespmem:s9+$0xFFFFFF40]  }
0x55f: {  	[tilespmem:s19+$0xFFFFFFB0] =	vst v4;
	v4 =	vmax.f32 v5, $0.0e+00;
	v10 =	vld [tilespmem:s19+$0xFFFFFF40]  }
0x560: {  	v5 =	vld [tilespmem:s9+$0xFFFFFFC0];
	[tilespmem:s19+$0x30] =	vst v4;
	v3 =	vadd.f32 v3, v11;
	v4 =	vmax.f32 v8, $0.0e+00  }
0x561: {  	v8 =	vld [tilespmem:s9+$0x40];
	[tilespmem:s19+$0xB0] =	vst v4  }
0x562: {  	v3 =	vmax.f32 v3, $0.0e+00;
	v4 =	vld [tilespmem:s9+$0xC0];
	v11 =	vadd.f32 v53, v52  }
0x563: {  	[tilespmem:s19+$0x130] =	vst v3;
	v6 =	vadd.f32 v6, v7;
	v7 =	vld [tilespmem:s19+$0x40]  }
0x564: {  	v3 =	vld [tilespmem:s9+$0x140];
	v9 =	vadd.f32 v9, v10;
	v11 =	vmax.f32 v11, $0.0e+00  }
0x565: {  	[tilespmem:s19+$0xFFFFFE40] =	vst v11;
	v6 =	vmax.f32 v6, $0.0e+00;
	v11 =	vld [tilespmem:s19+$0x140]  }
0x566: {  	v5 =	vadd.f32 v5, v54;
	v9 =	vmax.f32 v9, $0.0e+00;
	[tilespmem:s19+$0xFFFFFEC0] =	vst v6;
	v6 =	vld [tilespmem:s9+$0xFFFFFE50]  }
0x567: {  	[tilespmem:s19+$0xFFFFFF40] =	vst v9;
	v10 =	vld [tilespmem:s9+$0xFFFFFED0]  }
0x568: {  	v5 =	vmax.f32 v5, $0.0e+00;
	v4 =	vadd.f32 v4, v55;
	v9 =	vld [tilespmem:s9+$0xFFFFFF50];
	v7 =	vadd.f32 v8, v7  }
0x569: {  	[tilespmem:s19+$0xFFFFFFC0] =	vst v5;
	v8 =	vld [tilespmem:s19+$0xFFFFFED0]  }
0x56a: {  	v4 =	vmax.f32 v4, $0.0e+00;
	v5 =	vmax.f32 v7, $0.0e+00;
	v7 =	vld [tilespmem:s9+$0xFFFFFFD0]  }
0x56b: {  	v3 =	vadd.f32 v3, v11;
	[tilespmem:s19+$0xC0] =	vst v4;
	v11 =	vld [tilespmem:s19+$0xFFFFFF50]  }
0x56c: {  	[tilespmem:s19+$0x40] =	vst v5;
	v4 =	vld [tilespmem:s9+$0xD0]  }
0x56d: {  	v6 =	vadd.f32 v6, v56;
	v5 =	vld [tilespmem:s9+$0x50];
	v3 =	vmax.f32 v3, $0.0e+00  }
0x56e: {  	[tilespmem:s19+$0x140] =	vst v3;
	v8 =	vadd.f32 v10, v8;
	v10 =	vld [tilespmem:s19+$0x50]  }
0x56f: {  	v6 =	vmax.f32 v6, $0.0e+00;
	v3 =	vld [tilespmem:s9+$0x150]  }
0x570: {  	[tilespmem:s19+$0xFFFFFE50] =	vst v6;
	v6 =	vmax.f32 v8, $0.0e+00;
	v8 =	vld [tilespmem:s19+$0x150];
	v9 =	vadd.f32 v9, v11  }
0x571: {  	v7 =	vadd.f32 v7, v57;
	[tilespmem:s19+$0xFFFFFED0] =	vst v6;
	v6 =	vld [tilespmem:s9+$0xFFFFFE60]  }
0x572: {  	v4 =	vadd.f32 v4, v58;
	v11 =	vld [tilespmem:s9+$0xFFFFFEE0];
	v9 =	vmax.f32 v9, $0.0e+00  }
0x573: {  	v7 =	vmax.f32 v7, $0.0e+00;
	v5 =	vadd.f32 v5, v10;
	v10 =	vld [tilespmem:s19+$0xFFFFFEE0];
	[tilespmem:s19+$0xFFFFFF50] =	vst v9  }
0x574: {  	[tilespmem:s19+$0xFFFFFFD0] =	vst v7;
	v4 =	vmax.f32 v4, $0.0e+00;
	v9 =	vld [tilespmem:s9+$0xFFFFFF60]  }
0x575: {  	v7 =	vld [tilespmem:s9+$0xFFFFFFE0];
	[tilespmem:s19+$0xD0] =	vst v4;
	v5 =	vmax.f32 v5, $0.0e+00;
	v3 =	vadd.f32 v3, v8  }
0x576: {  	v4 =	vld [tilespmem:s9+$0xE0];
	[tilespmem:s19+$0x50] =	vst v5  }
0x577: {  	v5 =	vld [tilespmem:s9+$0x60];
	v3 =	vmax.f32 v3, $0.0e+00  }
0x578: {  	v6 =	vadd.f32 v6, v59;
	[tilespmem:s19+$0x150] =	vst v3;
	v3 =	vld [tilespmem:s19+$0xFFFFFF60]  }
0x579: {  	v10 =	vadd.f32 v11, v10;
	v11 =	vld [tilespmem:s19+$0x60]  }
0x57a: {  	v6 =	vmax.f32 v6, $0.0e+00;
	v8 =	vld [tilespmem:s9+$0x160]  }
0x57b: {  	[tilespmem:s19+$0xFFFFFE60] =	vst v6;
	v6 =	vmax.f32 v10, $0.0e+00;
	v10 =	vld [tilespmem:s19+$0x160]  }
0x57c: {  	v62 =	vld [tilespmem:s9+$0xFFFFFE70];
	[tilespmem:s19+$0xFFFFFEE0] =	vst v6;
	v6 =	vadd.f32 v7, v60  }
0x57d: {  	v7 =	vld [tilespmem:s19+$0xFFFFFE70]  }
0x57e: {  	v3 =	vadd.f32 v9, v3;
	v9 =	vld [tilespmem:s9+$0xFFFFFEF0];
	v6 =	vmax.f32 v6, $0.0e+00  }
0x57f: {  	v5 =	vadd.f32 v5, v11;
	v11 =	vld [tilespmem:s19+$0xFFFFFEF0];
	[tilespmem:s19+$0xFFFFFFE0] =	vst v6  }
0x580: {  	v63 =	vadd.f32 v4, v61;
	v3 =	vmax.f32 v3, $0.0e+00;
	v4 =	vld [tilespmem:s9+$0xFFFFFFF0]  }
0x581: {  	v5 =	vmax.f32 v5, $0.0e+00;
	v6 =	vadd.f32 v8, v10;
	v10 =	vld [tilespmem:s19+$0xFFFFFFF0];
	[tilespmem:s19+$0xFFFFFF60] =	vst v3  }
0x582: {  	v8 =	vmax.f32 v63, $0.0e+00;
	[tilespmem:s19+$0x60] =	vst v5;
	v3 =	vld [tilespmem:s9+$0xFFFFFF70]  }
0x583: {  	[tilespmem:s19+$0xE0] =	vst v8;
	v5 =	vld [tilespmem:s9+$0x70]  }
0x584: {  	v2 =	vadd.f32 v2, v1;
	v8 =	vmax.f32 v6, $0.0e+00;
	v6 =	vld [tilespmem:s9+$0xF0]  }
0x585: {  	v7 =	vadd.f32 v62, v7;
	[tilespmem:s19+$0x160] =	vst v8;
	v8 =	vld [tilespmem:s19+$0xFFFFFF70]  }
0x586: {  	v2 =	vmax.f32 v2, $0.0e+00;
	v11 =	vadd.f32 v9, v11;
	v9 =	vld [tilespmem:s19+$0x70]  }
0x587: {  	[tilespmem:s19+$0x1F0] =	vst v2;
	v2 =	vmax.f32 v7, $0.0e+00;
	v7 =	vld [tilespmem:s19+$0xF0]  }
0x588: {  	v1 =	vld [tilespmem:s9+$0x170];
	[tilespmem:s19+$0xFFFFFE70] =	vst v2;
	v2 =	vmax.f32 v11, $0.0e+00  }
0x589: {  	s11 =	simm.s32 $0x0;
	s16 =	simm.s32 $0x14280;
	[tilespmem:s19+$0xFFFFFEF0] =	vst v2;
	v2 =	vld [tilespmem:s19+$0x170]  }
.LBB2_14:
0x58a: {  	v11 =	vld [tilespmem:s16+$0x180];
	v3 =	vadd.f32 v3, v8;
	s9 =	sadd.s32 $0x400, s9  }
0x58b: {  	s11 =	sadd.s32 $0x8, s11;
	v8 =	vld [tilespmem:s9+$0x180];
	v4 =	vadd.f32 v4, v10  }
0x58c: {  	p1 =	slt.u32 s11, $0x48;
	v10 =	vld [tilespmem:s9+$0xFFFFFE00];
	v3 =	vmax.f32 v3, $0.0e+00;
	v5 =	vadd.f32 v5, v9  }
0x58d: {  	v9 =	vld [tilespmem:s16+$0xFFFFFE80];
	[tilespmem:s19+$0xFFFFFF70] =	vst v3;
	v3 =	vmax.f32 v4, $0.0e+00;
	v4 =	vadd.f32 v6, v7  }
0x58e: {  	v6 =	vld [tilespmem:s9+$0xFFFFFE80];
	[tilespmem:s19+$0xFFFFFFF0] =	vst v3;
	v3 =	vmax.f32 v5, $0.0e+00;
	v1 =	vadd.f32 v1, v2  }
0x58f: {  	v2 =	vld [tilespmem:s16+$0xFFFFFF00];
	[tilespmem:s19+$0x70] =	vst v3;
	v3 =	vmax.f32 v4, $0.0e+00  }
0x590: {  	v4 =	vld [tilespmem:s9+$0xFFFFFF00];
	v5 =	vadd.f32 v8, v11;
	[tilespmem:s19+$0xF0] =	vst v3;
	v1 =	vmax.f32 v1, $0.0e+00  }
0x591: {  	v3 =	vld [tilespmem:s16+$0xFFFFFF80];
	[tilespmem:s19+$0x170] =	vst v1;
	s19 =	smov.u32 s16  }
0x592: {  	v1 =	vld [tilespmem:s9+$0xFFFFFF80];
	v5 =	vmax.f32 v5, $0.0e+00  }
0x593: {  	v6 =	vadd.f32 v6, v9;
	[tilespmem:s16+$0x180] =	vst v5;
	v5 =	vld [tilespmem:s16+$0x190]  }
0x594: {  	v7 =	vld [tilespmem:s9+$0x190]  }
0x595: {  	v6 =	vmax.f32 v6, $0.0e+00;
	v2 =	vadd.f32 v4, v2;
	v4 =	vld [tilespmem:s16+$0x0]  }
0x596: {  	[tilespmem:s16+$0xFFFFFE80] =	vst v6;
	v6 =	vld [tilespmem:s9+$0x0]  }
0x597: {  	v2 =	vmax.f32 v2, $0.0e+00;
	v1 =	vadd.f32 v1, v3;
	v3 =	vld [tilespmem:s16+$0x80]  }
0x598: {  	[tilespmem:s16+$0xFFFFFF00] =	vst v2;
	v2 =	vld [tilespmem:s9+$0x80]  }
0x599: {  	v1 =	vmax.f32 v1, $0.0e+00;
	v8 =	vld [tilespmem:s16+$0x100];
	v5 =	vadd.f32 v7, v5  }
0x59a: {  	[tilespmem:s16+$0xFFFFFF80] =	vst v1;
	v1 =	vld [tilespmem:s9+$0x100]  }
0x59b: {  	v7 =	vld [tilespmem:s16+$0xFFFFFE00];
	v4 =	vadd.f32 v6, v4;
	v5 =	vmax.f32 v5, $0.0e+00  }
0x59c: {  	[tilespmem:s16+$0x190] =	vst v5;
	v5 =	vld [tilespmem:s16+$0x1A0]  }
0x59d: {  	v4 =	vmax.f32 v4, $0.0e+00;
	v2 =	vadd.f32 v2, v3;
	v3 =	vld [tilespmem:s9+$0x1A0]  }
0x59e: {  	v6 =	vld [tilespmem:s9+$0xFFFFFE90];
	[tilespmem:s16+$0x0] =	vst v4  }
0x59f: {  	v4 =	vld [tilespmem:s9+$0xFFFFFF10];
	v2 =	vmax.f32 v2, $0.0e+00;
	v1 =	vadd.f32 v1, v8  }
0x5a0: {  	v7 =	vadd.f32 v10, v7;
	v8 =	vld [tilespmem:s9+$0xFFFFFF90];
	[tilespmem:s16+$0x80] =	vst v2  }
0x5a1: {  	v2 =	vld [tilespmem:s9+$0x10];
	v1 =	vmax.f32 v1, $0.0e+00  }
0x5a2: {  	v7 =	vmax.f32 v7, $0.0e+00;
	v9 =	vld [tilespmem:s9+$0x90];
	[tilespmem:s16+$0x100] =	vst v1;
	v1 =	vadd.f32 v3, v5  }
0x5a3: {  	[tilespmem:s16+$0xFFFFFE00] =	vst v7;
	v3 =	vld [tilespmem:s9+$0x110]  }
0x5a4: {  	v5 =	vld [tilespmem:s9+$0xFFFFFE10];
	v1 =	vmax.f32 v1, $0.0e+00  }
0x5a5: {  	[tilespmem:s16+$0x1A0] =	vst v1;
	v1 =	vld [tilespmem:s16+$0x1B0]  }
0x5a6: {  	v7 =	vld [tilespmem:s9+$0x1B0]  }
0x5a7: {  	v10 =	vld [tilespmem:s16+$0xFFFFFE10]  }
0x5a8: {  	v11 =	vld [tilespmem:s16+$0xFFFFFE90]  }
0x5a9: {  	v12 =	vld [tilespmem:s16+$0xFFFFFF10]  }
0x5aa: {  	v13 =	vld [tilespmem:s16+$0xFFFFFF90]  }
0x5ab: {  	v14 =	vld [tilespmem:s16+$0x10];
	v1 =	vadd.f32 v7, v1  }
0x5ac: {  	v5 =	vadd.f32 v5, v10;
	v7 =	vld [tilespmem:s16+$0x90]  }
0x5ad: {  	v6 =	vadd.f32 v6, v11;
	v10 =	vld [tilespmem:s16+$0x110];
	v1 =	vmax.f32 v1, $0.0e+00  }
0x5ae: {  	v5 =	vmax.f32 v5, $0.0e+00;
	v4 =	vadd.f32 v4, v12;
	[tilespmem:s16+$0x1B0] =	vst v1;
	v1 =	vld [tilespmem:s16+$0x1C0]  }
0x5af: {  	[tilespmem:s16+$0xFFFFFE10] =	vst v5;
	v5 =	vmax.f32 v6, $0.0e+00;
	v6 =	vadd.f32 v8, v13;
	v8 =	vld [tilespmem:s9+$0x1C0]  }
0x5b0: {  	v11 =	vld [tilespmem:s9+$0xFFFFFE20];
	[tilespmem:s16+$0xFFFFFE90] =	vst v5;
	v4 =	vmax.f32 v4, $0.0e+00;
	v2 =	vadd.f32 v2, v14  }
0x5b1: {  	v5 =	vld [tilespmem:s9+$0xFFFFFEA0];
	[tilespmem:s16+$0xFFFFFF10] =	vst v4;
	v4 =	vmax.f32 v6, $0.0e+00;
	v6 =	vadd.f32 v9, v7  }
0x5b2: {  	v7 =	vld [tilespmem:s9+$0xFFFFFF20];
	[tilespmem:s16+$0xFFFFFF90] =	vst v4;
	v2 =	vmax.f32 v2, $0.0e+00;
	v3 =	vadd.f32 v3, v10  }
0x5b3: {  	v4 =	vld [tilespmem:s9+$0xFFFFFFA0];
	[tilespmem:s16+$0x10] =	vst v2;
	v2 =	vmax.f32 v6, $0.0e+00  }
0x5b4: {  	v6 =	vld [tilespmem:s9+$0x20];
	[tilespmem:s16+$0x90] =	vst v2;
	v2 =	vmax.f32 v3, $0.0e+00;
	v1 =	vadd.f32 v8, v1  }
0x5b5: {  	v3 =	vld [tilespmem:s9+$0xA0];
	[tilespmem:s16+$0x110] =	vst v2  }
0x5b6: {  	v2 =	vld [tilespmem:s9+$0x120];
	v1 =	vmax.f32 v1, $0.0e+00  }
0x5b7: {  	[tilespmem:s16+$0x1C0] =	vst v1;
	v1 =	vld [tilespmem:s16+$0x1D0]  }
0x5b8: {  	v8 =	vld [tilespmem:s9+$0x1D0]  }
0x5b9: {  	v9 =	vld [tilespmem:s16+$0xFFFFFE20]  }
0x5ba: {  	v10 =	vld [tilespmem:s16+$0xFFFFFEA0]  }
0x5bb: {  	v12 =	vld [tilespmem:s16+$0xFFFFFF20]  }
0x5bc: {  	v13 =	vld [tilespmem:s16+$0xFFFFFFA0]  }
0x5bd: {  	v14 =	vld [tilespmem:s16+$0x20];
	v1 =	vadd.f32 v8, v1  }
0x5be: {  	v8 =	vadd.f32 v11, v9;
	v9 =	vld [tilespmem:s16+$0xA0]  }
0x5bf: {  	v5 =	vadd.f32 v5, v10;
	v10 =	vld [tilespmem:s16+$0x120];
	v1 =	vmax.f32 v1, $0.0e+00  }
0x5c0: {  	v8 =	vmax.f32 v8, $0.0e+00;
	v7 =	vadd.f32 v7, v12;
	[tilespmem:s16+$0x1D0] =	vst v1;
	v1 =	vld [tilespmem:s16+$0x1E0]  }
0x5c1: {  	[tilespmem:s16+$0xFFFFFE20] =	vst v8;
	v5 =	vmax.f32 v5, $0.0e+00;
	v4 =	vadd.f32 v4, v13;
	v8 =	vld [tilespmem:s9+$0x1E0]  }
0x5c2: {  	v11 =	vld [tilespmem:s9+$0xFFFFFE30];
	[tilespmem:s16+$0xFFFFFEA0] =	vst v5;
	v5 =	vmax.f32 v7, $0.0e+00;
	v6 =	vadd.f32 v6, v14  }
0x5c3: {  	v7 =	vld [tilespmem:s9+$0xFFFFFEB0];
	[tilespmem:s16+$0xFFFFFF20] =	vst v5;
	v4 =	vmax.f32 v4, $0.0e+00;
	v3 =	vadd.f32 v3, v9  }
0x5c4: {  	v5 =	vld [tilespmem:s9+$0xFFFFFF30];
	[tilespmem:s16+$0xFFFFFFA0] =	vst v4;
	v4 =	vmax.f32 v6, $0.0e+00;
	v2 =	vadd.f32 v2, v10  }
0x5c5: {  	v6 =	vld [tilespmem:s9+$0xFFFFFFB0];
	[tilespmem:s16+$0x20] =	vst v4;
	v3 =	vmax.f32 v3, $0.0e+00  }
0x5c6: {  	v4 =	vld [tilespmem:s9+$0x30];
	[tilespmem:s16+$0xA0] =	vst v3;
	v2 =	vmax.f32 v2, $0.0e+00;
	v1 =	vadd.f32 v8, v1  }
0x5c7: {  	v3 =	vld [tilespmem:s9+$0xB0];
	[tilespmem:s16+$0x120] =	vst v2  }
0x5c8: {  	v2 =	vld [tilespmem:s9+$0x130];
	v1 =	vmax.f32 v1, $0.0e+00  }
0x5c9: {  	[tilespmem:s16+$0x1E0] =	vst v1;
	v1 =	vld [tilespmem:s16+$0x1F0]  }
0x5ca: {  	v8 =	vld [tilespmem:s9+$0x1F0]  }
0x5cb: {  	v9 =	vld [tilespmem:s16+$0xFFFFFE30]  }
0x5cc: {  	v10 =	vld [tilespmem:s16+$0xFFFFFEB0]  }
0x5cd: {  	v12 =	vld [tilespmem:s16+$0xFFFFFF30]  }
0x5ce: {  	v13 =	vld [tilespmem:s16+$0xFFFFFFB0]  }
0x5cf: {  	v14 =	vld [tilespmem:s16+$0x30];
	v1 =	vadd.f32 v8, v1  }
0x5d0: {  	v8 =	vadd.f32 v11, v9;
	v9 =	vld [tilespmem:s16+$0xB0]  }
0x5d1: {  	v7 =	vadd.f32 v7, v10;
	v10 =	vld [tilespmem:s16+$0x130];
	v1 =	vmax.f32 v1, $0.0e+00  }
0x5d2: {  	v8 =	vmax.f32 v8, $0.0e+00;
	v11 =	vld [tilespmem:s16+$0xFFFFFE40];
	v5 =	vadd.f32 v5, v12;
	[tilespmem:s16+$0x1F0] =	vst v1  }
0x5d3: {  	[tilespmem:s16+$0xFFFFFE30] =	vst v8;
	v1 =	vmax.f32 v7, $0.0e+00;
	v7 =	vld [tilespmem:s16+$0xFFFFFEC0];
	v6 =	vadd.f32 v6, v13  }
0x5d4: {  	v8 =	vld [tilespmem:s9+$0xFFFFFE40];
	[tilespmem:s16+$0xFFFFFEB0] =	vst v1;
	v1 =	vmax.f32 v5, $0.0e+00;
	v4 =	vadd.f32 v4, v14  }
0x5d5: {  	v5 =	vld [tilespmem:s9+$0xFFFFFEC0];
	[tilespmem:s16+$0xFFFFFF30] =	vst v1;
	v1 =	vmax.f32 v6, $0.0e+00;
	v3 =	vadd.f32 v3, v9  }
0x5d6: {  	v6 =	vld [tilespmem:s9+$0xFFFFFF40];
	[tilespmem:s16+$0xFFFFFFB0] =	vst v1;
	v1 =	vmax.f32 v4, $0.0e+00;
	v2 =	vadd.f32 v2, v10  }
0x5d7: {  	v4 =	vld [tilespmem:s9+$0xFFFFFFC0];
	[tilespmem:s16+$0x30] =	vst v1;
	v1 =	vmax.f32 v3, $0.0e+00  }
0x5d8: {  	v3 =	vld [tilespmem:s9+$0x40];
	[tilespmem:s16+$0xB0] =	vst v1;
	v1 =	vmax.f32 v2, $0.0e+00  }
0x5d9: {  	v2 =	vadd.f32 v8, v11;
	v8 =	vld [tilespmem:s9+$0xC0];
	[tilespmem:s16+$0x130] =	vst v1  }
0x5da: {  	v1 =	vadd.f32 v5, v7;
	v5 =	vld [tilespmem:s9+$0x140]  }
0x5db: {  	v2 =	vmax.f32 v2, $0.0e+00;
	v7 =	vld [tilespmem:s16+$0xFFFFFF40]  }
0x5dc: {  	[tilespmem:s16+$0xFFFFFE40] =	vst v2;
	v1 =	vmax.f32 v1, $0.0e+00;
	v2 =	vld [tilespmem:s16+$0xFFFFFFC0]  }
0x5dd: {  	[tilespmem:s16+$0xFFFFFEC0] =	vst v1;
	v1 =	vld [tilespmem:s16+$0x40]  }
0x5de: {  	v9 =	vld [tilespmem:s16+$0xC0]  }
0x5df: {  	v10 =	vld [tilespmem:s16+$0x140]  }
0x5e0: {  	v11 =	vld [tilespmem:s9+$0xFFFFFE50];
	v6 =	vadd.f32 v6, v7  }
0x5e1: {  	v7 =	vld [tilespmem:s9+$0xFFFFFED0];
	v2 =	vadd.f32 v4, v2  }
0x5e2: {  	v4 =	vld [tilespmem:s16+$0xFFFFFE50];
	v6 =	vmax.f32 v6, $0.0e+00;
	v1 =	vadd.f32 v3, v1  }
0x5e3: {  	v3 =	vld [tilespmem:s16+$0xFFFFFED0];
	[tilespmem:s16+$0xFFFFFF40] =	vst v6;
	v2 =	vmax.f32 v2, $0.0e+00;
	v6 =	vadd.f32 v8, v9  }
0x5e4: {  	v8 =	vld [tilespmem:s9+$0xFFFFFF50];
	[tilespmem:s16+$0xFFFFFFC0] =	vst v2;
	v1 =	vmax.f32 v1, $0.0e+00;
	v2 =	vadd.f32 v5, v10  }
0x5e5: {  	v5 =	vld [tilespmem:s9+$0xFFFFFFD0];
	[tilespmem:s16+$0x40] =	vst v1;
	v1 =	vmax.f32 v6, $0.0e+00  }
0x5e6: {  	v6 =	vld [tilespmem:s9+$0x50];
	[tilespmem:s16+$0xC0] =	vst v1;
	v1 =	vmax.f32 v2, $0.0e+00  }
0x5e7: {  	v2 =	vadd.f32 v11, v4;
	v4 =	vld [tilespmem:s9+$0xD0];
	[tilespmem:s16+$0x140] =	vst v1  }
0x5e8: {  	v1 =	vadd.f32 v7, v3;
	v3 =	vld [tilespmem:s9+$0x150]  }
0x5e9: {  	v2 =	vmax.f32 v2, $0.0e+00;
	v7 =	vld [tilespmem:s16+$0xFFFFFF50]  }
0x5ea: {  	[tilespmem:s16+$0xFFFFFE50] =	vst v2;
	v1 =	vmax.f32 v1, $0.0e+00;
	v2 =	vld [tilespmem:s16+$0xFFFFFFD0]  }
0x5eb: {  	[tilespmem:s16+$0xFFFFFED0] =	vst v1;
	v1 =	vld [tilespmem:s16+$0x50]  }
0x5ec: {  	v9 =	vld [tilespmem:s16+$0xD0]  }
0x5ed: {  	v10 =	vld [tilespmem:s16+$0x150]  }
0x5ee: {  	v11 =	vld [tilespmem:s9+$0xFFFFFE60];
	v7 =	vadd.f32 v8, v7  }
0x5ef: {  	v8 =	vld [tilespmem:s9+$0xFFFFFEE0];
	v2 =	vadd.f32 v5, v2  }
0x5f0: {  	v5 =	vld [tilespmem:s16+$0xFFFFFE60];
	v7 =	vmax.f32 v7, $0.0e+00;
	v1 =	vadd.f32 v6, v1  }
0x5f1: {  	v6 =	vld [tilespmem:s16+$0xFFFFFEE0];
	[tilespmem:s16+$0xFFFFFF50] =	vst v7;
	v2 =	vmax.f32 v2, $0.0e+00;
	v4 =	vadd.f32 v4, v9  }
0x5f2: {  	v7 =	vld [tilespmem:s9+$0xFFFFFF60];
	[tilespmem:s16+$0xFFFFFFD0] =	vst v2;
	v1 =	vmax.f32 v1, $0.0e+00;
	v2 =	vadd.f32 v3, v10  }
0x5f3: {  	v3 =	vld [tilespmem:s9+$0xFFFFFFE0];
	[tilespmem:s16+$0x50] =	vst v1;
	v1 =	vmax.f32 v4, $0.0e+00  }
0x5f4: {  	v4 =	vld [tilespmem:s9+$0x60];
	[tilespmem:s16+$0xD0] =	vst v1;
	v1 =	vmax.f32 v2, $0.0e+00  }
0x5f5: {  	v2 =	vadd.f32 v11, v5;
	v5 =	vld [tilespmem:s9+$0xE0];
	[tilespmem:s16+$0x150] =	vst v1  }
0x5f6: {  	v1 =	vadd.f32 v8, v6;
	v6 =	vld [tilespmem:s9+$0x160]  }
0x5f7: {  	v2 =	vmax.f32 v2, $0.0e+00;
	v8 =	vld [tilespmem:s16+$0xFFFFFF60]  }
0x5f8: {  	[tilespmem:s16+$0xFFFFFE60] =	vst v2;
	v1 =	vmax.f32 v1, $0.0e+00;
	v2 =	vld [tilespmem:s16+$0xFFFFFFE0]  }
0x5f9: {  	[tilespmem:s16+$0xFFFFFEE0] =	vst v1;
	v1 =	vld [tilespmem:s16+$0x60]  }
0x5fa: {  	v9 =	vld [tilespmem:s16+$0xE0]  }
0x5fb: {  	v10 =	vld [tilespmem:s16+$0x160]  }
0x5fc: {  	v11 =	vld [tilespmem:s9+$0xFFFFFE70];
	v7 =	vadd.f32 v7, v8  }
0x5fd: {  	v8 =	vld [tilespmem:s9+$0xFFFFFEF0];
	v2 =	vadd.f32 v3, v2  }
0x5fe: {  	v12 =	vld [tilespmem:s16+$0xFFFFFE70];
	v3 =	vmax.f32 v7, $0.0e+00;
	v1 =	vadd.f32 v4, v1  }
0x5ff: {  	v7 =	vld [tilespmem:s16+$0xFFFFFEF0];
	[tilespmem:s16+$0xFFFFFF60] =	vst v3;
	v2 =	vmax.f32 v2, $0.0e+00;
	v5 =	vadd.f32 v5, v9  }
0x600: {  	v3 =	vld [tilespmem:s9+$0xFFFFFF70];
	[tilespmem:s16+$0xFFFFFFE0] =	vst v2;
	v1 =	vmax.f32 v1, $0.0e+00;
	v2 =	vadd.f32 v6, v10  }
0x601: {  	v4 =	vld [tilespmem:s9+$0xFFFFFFF0];
	[tilespmem:s16+$0x60] =	vst v1;
	v1 =	vmax.f32 v5, $0.0e+00  }
0x602: {  	v5 =	vld [tilespmem:s9+$0x70];
	[tilespmem:s16+$0xE0] =	vst v1;
	v1 =	vmax.f32 v2, $0.0e+00  }
0x603: {  	v2 =	vadd.f32 v11, v12;
	v6 =	vld [tilespmem:s9+$0xF0];
	[tilespmem:s16+$0x160] =	vst v1  }
0x604: {  	v7 =	vadd.f32 v8, v7;
	v1 =	vld [tilespmem:s9+$0x170]  }
.Ltmp6:
0x605: {  	v2 =	vmax.f32 v2, $0.0e+00;
	v8 =	vld [tilespmem:s16+$0xFFFFFF70];
	(pc) =	sbr.rel @p1 .LBB2_14-.Ltmp6, $4  }
0x606: {  	[tilespmem:s16+$0xFFFFFE70] =	vst v2;
	v2 =	vmax.f32 v7, $0.0e+00;
	v10 =	vld [tilespmem:s16+$0xFFFFFFF0]  }
0x607: {  	[tilespmem:s16+$0xFFFFFEF0] =	vst v2;
	v9 =	vld [tilespmem:s16+$0x70]  }
0x608: {  	v7 =	vld [tilespmem:s16+$0xF0]  }
0x609: {  	s16 =	sadd.s32 $0x400, s16;
	v2 =	vld [tilespmem:s19+$0x170]  }
0x60a: {  	v3 =	vadd.f32 v3, v8  }
0x60b: {  	v4 =	vadd.f32 v4, v10  }
0x60c: {  	v3 =	vmax.f32 v3, $0.0e+00;
	v5 =	vadd.f32 v5, v9  }
0x60d: {  	[tilespmem:s19+$0xFFFFFF70] =	vst v3;
	v3 =	vmax.f32 v4, $0.0e+00;
	v63 =	vadd.f32 v6, v7  }
0x60e: {  	[tilespmem:s19+$0xFFFFFFF0] =	vst v3;
	v3 =	vmax.f32 v5, $0.0e+00;
	v1 =	vadd.f32 v1, v2  }
0x60f: {  	[tilespmem:s19+$0x70] =	vst v3;
	v2 =	vmax.f32 v63, $0.0e+00  }
0x610: {  	[tilespmem:s19+$0xF0] =	vst v2;
	v1 =	vmax.f32 v1, $0.0e+00  }
0x611: {  	s9 =	simm.s32 $0x13900;
	[tilespmem:s19+$0x170] =	vst v1;
	s19 =	simm.s32 $0xB  }
0x612: {  	[spmem:s1] =	stream.indirect.scatter.add.f32 [tilespmem:s29], [sflag:$0xB], $0x80, s9, s12, $0xb8;
	[tilespmem:$0x1DC80] =	vst v63  }
0x613: {  	_ =	swait.ge [sflag:s19], $0x2800  }
0x614: {  	[sflag:s19] =	ssyncset.done $0x0  }
0x615: {  	[sflag:s19] =	ssyncadd.s32 $0xFFFFD800  }
0x616: {  	[bflag:$0x0] =	sbarrier.arrive $0xFFFF  }
0x617: {  	s11 =	rddreg [dreg:$0x10]  }
0x618: {  	s9 =	simm.s32 @p0 $0x1FCB;
	s16 =	rddreg [dreg:$0x12]  }
0x619: {  	[hbm:s11], [sflag:s9] =	dma.local @p0 [spmem:s16], $0x2080  }
0x61a: {  	s9 =	simm.s32 @p0 $0xB  }
0x61b: {  	s11 =	stileid.u32;
	_ =	swait.ge @p0 [sflag:s9], $0x2080  }
0x61c: {  	s11 =	sshll.u32 @!p0 s11, $0x6;
	[sflag:s9] =	ssyncset.done @p0 $0x0;
	s16 =	rddreg [dreg:$0x13]  }
0x61d: {  	[sflag:s9] =	ssyncadd.s32 @p0 $0xFFFFDF80;
	s9 =	sor.u32 @!p0 $0x1C0B, s11;
	s11 =	rddreg [dreg:$0xf]  }
0x61e: {  	[hbm:s11], [sflag:s9] =	dma.local @!p0 [spmem:s16], $0x2780  }
0x61f: {  	s9 =	simm.s32 @!p0 $0xB  }
0x620: {  	_ =	swait.ge @!p0 [sflag:s9], $0x2780  }
0x621: {  	s24 =	rddreg [dreg:$0x16]  }
0x622: {  	s26 =	rddreg [dreg:$0x11];
	s16 =	sadd.s32 $0x1, s24  }
0x623: {  	p1 =	sne.s32 s16, s26  }
.Ltmp7:
0x624: {  	_ = 	snop;
	(pc) =	sbr.rel @p1 .LBB2_1-.Ltmp7, $3  }
0x625: {  	_ =	sdelay $0x1  }
0x626: {  	[sflag:s9] =	ssyncset.done @!p0 $0x0  }
0x627: {  	[sflag:s9] =	ssyncadd.s32 @!p0 $0xFFFFD880  }
0x628: {  	_ =	sfence.sel $0x180000  }
0x629: {  	[bflag:$0x0] =	sbarrier.arrive $0xFFFF  }
0x62a: {  	_ =	strace $0x90000047  }
0x62b: {  	s0 =	stileid.u32;
	[bflag:$0x2] =	sbarrier.arrive $0xFFFF  }
0x62c: {  	p0 =	sne.s32 s0, $0x0;
	s0 =	rddreg [dreg:$0x2]  }
0x62d: {  	s0 =	sadd.s32 @!p0 $0x100000, s0  }
0x62e: {  	[sflag:s0] =	ssyncadd.tile.s32 @!p0 $0x1;
	_ =	shalt  }
.Lfunc_end2:
_tile_overlayer_lowered:
.L_overlay_start_2:
0x62f: {  	(tag) =	ssettag $0x2  }
0x630: {  	s0 =	rddreg [dreg:$0x0];
	s2 =	stileid.u32  }
0x631: {  	s1 =	rddreg [dreg:$0x1];
	p0 =	sne.s32 s2, $0x0  }
0x632: {  	s3 =	rddreg [dreg:$0x2];
	[bflag:$0x3] =	sbarrier.arrive $0xFFFF;
	s2 =	simm.s32 @!p0 $0x1C0B  }
0x633: {  	[timem:s3], [sflag:s2] =	dma.local @!p0 [hbm:s0], s1  }
0x634: {  	s0 =	simm.s32 @!p0 $0xB  }
0x635: {  	_ =	swait.ge @!p0 [sflag:s0], s1  }
0x636: {  	s1 =	ssub.s32 @!p0 $0x0, s1;
	[sflag:s0] =	ssyncset.done @!p0 $0x0  }
0x637: {  	[sflag:s0] =	ssyncadd.s32 @!p0 s1  }
0x638: {  	[bflag:$0x3] =	sbarrier.arrive $0xFFFF  }
0x639: {  	_ =	shalt  }

</sc_bundles>
